<compile_context>
chip_gen: v7x
topology: tpu7x:2x2x1
jax: 0.10.2.dev20260603
libtpu: 0.0.44.dev20260713+nightly
codegen_flags: <defaults>
</compile_context>

<pallas_src>
import jax
import jax.numpy as jnp
from jax import lax
from jax.experimental import pallas as pl
from jax.experimental.pallas import tpu as pltpu
from jax.experimental.pallas import tpu_sc as plsc

N = 10000
FEAT = 128
HID = 64

NPAD = 10112
ROWS_PER_TILE = NPAD // 16
NT = 16
CHUNK = 128
BCH = 8

_MESH = plsc.VectorSubcoreMesh(
    core_axis_name="c", subcore_axis_name="s", num_cores=1, num_subcores=16
)


_SC_SCRATCH = [
    pltpu.VMEM((2, BCH, CHUNK), jnp.int32),
    pltpu.VMEM((2, BCH, CHUNK), jnp.int32),
    pltpu.VMEM((CHUNK, FEAT), jnp.float32),
    pltpu.VMEM((CHUNK, FEAT), jnp.float32),
    pltpu.VMEM_SHARED((NPAD, FEAT), jnp.float32),
    pltpu.SemaphoreType.DMA,
    pltpu.SemaphoreType.DMA,
    pltpu.SemaphoreType.DMA,
    pltpu.SemaphoreType.DMA,
    pltpu.SemaphoreType.DMA,
    pltpu.SemaphoreType.DMA,
]


def _agg_kernel(nbatch):

    def body(h_hbm, src_hbm, dst_hbm, z_hbm, out_hbm,
             idx_s, idx_d, rows_a, rows_b, acc_sh,
             gs0, gs1, ss0, ss1, is0, is1):
        s = lax.axis_index("s")
        pltpu.sync_copy(
            z_hbm.at[pl.ds(s * ROWS_PER_TILE, ROWS_PER_TILE)],
            acc_sh.at[pl.ds(s * ROWS_PER_TILE, ROWS_PER_TILE)],
        )
        pltpu.sync_copy(src_hbm.at[s, 0], idx_s.at[0])
        pltpu.sync_copy(dst_hbm.at[s, 0], idx_d.at[0])
        plsc.subcore_barrier()

        bufs = (rows_a, rows_b)
        gsems = (gs0, gs1)
        ssems = (ss0, ss1)
        isems = (is0, is1)

        def outer(b, carry):
            p = lax.rem(b, 2)
            q = lax.rem(b + 1, 2)

            @pl.when(b + 1 < nbatch)
            def _():
                pltpu.async_copy(src_hbm.at[s, b + 1], idx_s.at[q], isems[0])
                pltpu.async_copy(dst_hbm.at[s, b + 1], idx_d.at[q], isems[1])

            @pl.when(b > 0)
            def _():
                pltpu.make_async_copy(src_hbm.at[s, b], idx_s.at[p], isems[0]).wait()
                pltpu.make_async_copy(dst_hbm.at[s, b], idx_d.at[p], isems[1]).wait()

            sc_desc = [None, None]
            g_desc = [None, None]
            g_desc[0] = pltpu.async_copy(
                h_hbm.at[idx_s.at[p, 0]], bufs[0], gsems[0]
            )
            for j in range(BCH):
                cur = j % 2
                nxt = (j + 1) % 2
                if j + 1 < BCH:
                    if sc_desc[nxt] is not None:
                        sc_desc[nxt].wait()
                        sc_desc[nxt] = None
                    g_desc[nxt] = pltpu.async_copy(
                        h_hbm.at[idx_s.at[p, j + 1]], bufs[nxt], gsems[nxt]
                    )
                g_desc[cur].wait()
                sc_desc[cur] = pltpu.async_copy(
                    bufs[cur], acc_sh.at[idx_d.at[p, j]], ssems[cur], add=True
                )
            for d in sc_desc:
                if d is not None:
                    d.wait()
            return carry

        lax.fori_loop(0, nbatch, outer, 0)
        plsc.subcore_barrier()
        pltpu.sync_copy(
            acc_sh.at[pl.ds(s * ROWS_PER_TILE, ROWS_PER_TILE)],
            out_hbm.at[pl.ds(s * ROWS_PER_TILE, ROWS_PER_TILE)],
        )

    return pl.kernel(
        body,
        out_type=jax.ShapeDtypeStruct((NPAD, FEAT), jnp.float32),
        mesh=_MESH,
        scratch_types=list(_SC_SCRATCH),
    )


def _deg_kernel(nbatch):

    def body(dst_hbm, z_hbm, out_hbm,
             idx_s, idx_d, rows_a, rows_b, acc_sh,
             gs0, gs1, ss0, ss1, is0, is1):
        s = lax.axis_index("s")
        ones16 = jnp.ones((16,), jnp.float32)

        def fill(i, carry):
            for k in range(FEAT // 16):
                rows_a[i, pl.ds(k * 16, 16)] = ones16
            return carry

        lax.fori_loop(0, CHUNK, fill, 0)
        pltpu.sync_copy(
            z_hbm.at[pl.ds(s * ROWS_PER_TILE, ROWS_PER_TILE)],
            acc_sh.at[pl.ds(s * ROWS_PER_TILE, ROWS_PER_TILE)],
        )
        pltpu.sync_copy(dst_hbm.at[s, 0], idx_d.at[0])
        plsc.subcore_barrier()

        ssems = (ss0, ss1)
        isems = (is0, is1)

        def outer(b, carry):
            p = lax.rem(b, 2)
            q = lax.rem(b + 1, 2)

            @pl.when(b + 1 < nbatch)
            def _():
                pltpu.async_copy(dst_hbm.at[s, b + 1], idx_d.at[q], isems[1])

            @pl.when(b > 0)
            def _():
                pltpu.make_async_copy(dst_hbm.at[s, b], idx_d.at[p], isems[1]).wait()

            sc_desc = [None, None]
            for j in range(BCH):
                cur = j % 2
                if sc_desc[cur] is not None:
                    sc_desc[cur].wait()
                sc_desc[cur] = pltpu.async_copy(
                    rows_a, acc_sh.at[idx_d.at[p, j]], ssems[cur], add=True
                )
            for d in sc_desc:
                if d is not None:
                    d.wait()
            return carry

        lax.fori_loop(0, nbatch, outer, 0)
        plsc.subcore_barrier()
        pltpu.sync_copy(
            acc_sh.at[pl.ds(s * ROWS_PER_TILE, ROWS_PER_TILE)],
            out_hbm.at[pl.ds(s * ROWS_PER_TILE, ROWS_PER_TILE)],
        )

    return pl.kernel(
        body,
        out_type=jax.ShapeDtypeStruct((NPAD, FEAT), jnp.float32),
        mesh=_MESH,
        scratch_types=list(_SC_SCRATCH),
    )


_BR = 1264


def _dinv_block(deg_ref):
    return lax.rsqrt(jnp.maximum(deg_ref[:, :1], 1.0))


def _first_mm(x, w1, deg):

    def body(x_ref, w_ref, deg_ref, o_ref):
        dinv = _dinv_block(deg_ref)
        t = jnp.dot(x_ref[...], w_ref[...], preferred_element_type=jnp.float32)
        o_ref[...] = jnp.concatenate(
            [t * dinv, jnp.zeros((_BR, FEAT - HID), jnp.float32)], axis=1
        )

    return pl.pallas_call(
        body,
        grid=(NPAD // _BR,),
        in_specs=[
            pl.BlockSpec((_BR, FEAT), lambda i: (i, 0)),
            pl.BlockSpec((FEAT, HID), lambda i: (0, 0)),
            pl.BlockSpec((_BR, FEAT), lambda i: (i, 0)),
        ],
        out_specs=pl.BlockSpec((_BR, FEAT), lambda i: (i, 0)),
        out_shape=jax.ShapeDtypeStruct((NPAD, FEAT), jnp.float32),
    )(x, w1, deg)


def _mid_layer(agg, deg, b2d, wn):

    fo = wn.shape[1]

    def body(p_ref, deg_ref, b_ref, w_ref, o_ref):
        dinv = _dinv_block(deg_ref)
        u = jax.nn.relu(p_ref[:, :HID] * dinv + b_ref[0:1, :])
        t = jnp.dot(u, w_ref[...], preferred_element_type=jnp.float32) * dinv
        if fo == FEAT:
            o_ref[...] = t
        else:
            o_ref[...] = jnp.concatenate(
                [t, jnp.zeros((_BR, FEAT - fo), jnp.float32)], axis=1
            )

    return pl.pallas_call(
        body,
        grid=(NPAD // _BR,),
        in_specs=[
            pl.BlockSpec((_BR, FEAT), lambda i: (i, 0)),
            pl.BlockSpec((_BR, FEAT), lambda i: (i, 0)),
            pl.BlockSpec((8, HID), lambda i: (0, 0)),
            pl.BlockSpec((HID, fo), lambda i: (0, 0)),
        ],
        out_specs=pl.BlockSpec((_BR, FEAT), lambda i: (i, 0)),
        out_shape=jax.ShapeDtypeStruct((NPAD, FEAT), jnp.float32),
    )(agg, deg, b2d, wn)


def _hidden_layer(agg, deg, b2d, wa, ws):

    def body(p_ref, deg_ref, b_ref, wa_ref, ws_ref, o_ref):
        dinv = _dinv_block(deg_ref)
        u = jax.nn.relu(p_ref[:, :HID] * dinv + b_ref[0:1, :])
        ta = jnp.dot(u, wa_ref[...], preferred_element_type=jnp.float32)
        ts = jnp.dot(u, ws_ref[...], preferred_element_type=jnp.float32)
        o_ref[...] = jnp.concatenate([ta, ts], axis=1) * dinv

    return pl.pallas_call(
        body,
        grid=(NPAD // _BR,),
        in_specs=[
            pl.BlockSpec((_BR, FEAT), lambda i: (i, 0)),
            pl.BlockSpec((_BR, FEAT), lambda i: (i, 0)),
            pl.BlockSpec((8, HID), lambda i: (0, 0)),
            pl.BlockSpec((HID, HID), lambda i: (0, 0)),
            pl.BlockSpec((HID, HID), lambda i: (0, 0)),
        ],
        out_specs=pl.BlockSpec((_BR, FEAT), lambda i: (i, 0)),
        out_shape=jax.ShapeDtypeStruct((NPAD, FEAT), jnp.float32),
    )(agg, deg, b2d, wa, ws)


def _final_act(agg, deg, b2d, lo, width):

    def body(p_ref, deg_ref, b_ref, o_ref):
        dinv = _dinv_block(deg_ref)
        o_ref[...] = jax.nn.relu(
            p_ref[:, lo:lo + width] * dinv + b_ref[0:1, :]
        )

    return pl.pallas_call(
        body,
        grid=(NPAD // _BR,),
        in_specs=[
            pl.BlockSpec((_BR, FEAT), lambda i: (i, 0)),
            pl.BlockSpec((_BR, FEAT), lambda i: (i, 0)),
            pl.BlockSpec((8, width), lambda i: (0, 0)),
        ],
        out_specs=pl.BlockSpec((_BR, width), lambda i: (i, 0)),
        out_shape=jax.ShapeDtypeStruct((NPAD, width), jnp.float32),
    )(agg, deg, b2d)


_BS = 1024


def _struct_mm(s):

    def body(a_ref, b_ref, o_ref):
        o_ref[...] = lax.dot_general(
            a_ref[...], b_ref[...], (((1,), (1,)), ((), ())),
            preferred_element_type=jnp.float32,
        )

    nb = pl.cdiv(N, _BS)
    return pl.pallas_call(
        body,
        grid=(nb, nb),
        in_specs=[
            pl.BlockSpec((_BS, HID), lambda i, j: (i, 0)),
            pl.BlockSpec((_BS, HID), lambda i, j: (j, 0)),
        ],
        out_specs=pl.BlockSpec((_BS, _BS), lambda i, j: (i, j)),
        out_shape=jax.ShapeDtypeStruct((N, N), jnp.float32),
    )(s, s)


def kernel(x, edge_index, W1e, b1e, W2e, b2e, W1a, b1a, W2a, b2a, W1s, b1s):
    e = edge_index.shape[1]
    ea = e + N
    unit = NT * BCH * CHUNK
    ep = ((ea + unit - 1) // unit) * unit
    nbatch = ep // unit

    loop = jnp.arange(N, dtype=jnp.int32)
    src = jnp.concatenate([edge_index[0].astype(jnp.int32), loop])
    dst = jnp.concatenate([edge_index[1].astype(jnp.int32), loop])
    trash = N + (jnp.arange(ep, dtype=jnp.int32) % (NPAD - N))
    src_p = trash.at[:ea].set(src).reshape(NT, nbatch, BCH, CHUNK)
    dst_p = trash.at[:ea].set(dst).reshape(NT, nbatch, BCH, CHUNK)

    x_pad = jnp.zeros((NPAD, FEAT), jnp.float32).at[:N].set(x)
    b1e2 = jnp.broadcast_to(b1e, (8, HID))
    b2e2 = jnp.broadcast_to(b2e, (8, HID))
    b1a2 = jnp.broadcast_to(b1a, (8, HID))
    b2a2 = jnp.broadcast_to(b2a, (8, FEAT))
    b1s2 = jnp.broadcast_to(b1s, (8, HID))

    z128 = jnp.zeros((NPAD, FEAT), jnp.float32)
    agg0 = _agg_kernel(nbatch)
    agg = lambda h, sp, dp: agg0(h, sp, dp, z128)
    deg = _deg_kernel(nbatch)(dst_p, z128)

    t1 = _first_mm(x_pad, W1e, deg)
    p1 = agg(t1, src_p, dst_p)
    t2 = _mid_layer(p1, deg, b1e2, W2e)
    p2 = agg(t2, src_p, dst_p)
    t35 = _hidden_layer(p2, deg, b2e2, W1a, W1s)
    p35 = agg(t35, src_p, dst_p)
    t4 = _mid_layer(p35, deg, b1a2, W2a)
    p4 = agg(t4, src_p, dst_p)
    x_hat = _final_act(p4, deg, b2a2, 0, FEAT)
    s = _final_act(p35, deg, b1s2, HID, HID)

    struct = _struct_mm(s)
    return (struct, x_hat[:N])

# --- scband reference (transcript-rebuilt; emitter-appended) ---
"""Pipeline reference for scband-dominant-base-49993419325451 (READ-ONLY COPY).

The authoritative reference and input builder live on the scoring server;
editing this copy changes nothing except your own understanding.
"""

import jax, jax.numpy as jnp
import numpy as np

N = 10000
E = 320000
FEAT = 128
HID = 64


def gcn_conv(x, src, dst, dinv, W, b):
    # PyG GCNConv: x @ W, symmetric-normalized scatter-add aggregation, bias after aggregation
    norm = dinv[src] * dinv[dst]
    h = x @ W
    msg = h[src] * norm[:, None]
    out = jnp.zeros((x.shape[0], W.shape[1]), dtype=x.dtype).at[dst].add(msg)
    return out + b


def setup_inputs(seed: int = 0) -> dict:
    key = jax.random.key(seed)
    ks = jax.random.split(key, 12)
    x = jax.random.normal(ks[0], (N, FEAT), dtype=jnp.float32)
    edge_index = jax.random.randint(ks[1], (2, E), 0, N, dtype=jnp.int64)
    def lin(k, fi, fo):
        scale = 1.0 / np.sqrt(fi)
        return jax.random.uniform(k, (fi, fo), jnp.float32, -scale, scale)
    return {
        "x": x,
        "edge_index": edge_index,
        # shared encoder
        "W1e": lin(ks[2], FEAT, HID), "b1e": jnp.zeros((HID,), jnp.float32),
        "W2e": lin(ks[3], HID, HID), "b2e": jnp.zeros((HID,), jnp.float32),
        # attribute decoder
        "W1a": lin(ks[4], HID, HID), "b1a": jnp.zeros((HID,), jnp.float32),
        "W2a": lin(ks[5], HID, FEAT), "b2a": jnp.zeros((FEAT,), jnp.float32),
        # structure decoder
        "W1s": lin(ks[6], HID, HID), "b1s": jnp.zeros((HID,), jnp.float32),
    }


def reference(x, edge_index, W1e, b1e, W2e, b2e, W1a, b1a, W2a, b2a, W1s, b1s):
    n = x.shape[0]
    loop = jnp.arange(n, dtype=edge_index.dtype)
    src = jnp.concatenate([edge_index[0], loop])
    dst = jnp.concatenate([edge_index[1], loop])
    deg = jnp.zeros((n,), x.dtype).at[dst].add(jnp.ones((src.shape[0],), x.dtype))
    dinv = 1.0 / jnp.sqrt(deg)
    # shared encoder (dropout=0 / eval mode)
    h = jax.nn.relu(gcn_conv(x, src, dst, dinv, W1e, b1e))
    h = jax.nn.relu(gcn_conv(h, src, dst, dinv, W2e, b2e))
    # attribute decoder
    a = jax.nn.relu(gcn_conv(h, src, dst, dinv, W1a, b1a))
    x_hat = jax.nn.relu(gcn_conv(a, src, dst, dinv, W2a, b2a))
    # structure decoder
    s = jax.nn.relu(gcn_conv(h, src, dst, dinv, W1s, b1s))
    struct_reconstructed = s @ s.T
    return (struct_reconstructed, x_hat)

if __name__ == "__main__":
    import jax
    _d = setup_inputs()
    print(jax.jit(kernel)(*tuple(_d.values())))

</pallas_src>

<mosaic_0001>
#map = affine_map<(d0, d1) -> (0, 0)>
#map1 = affine_map<(d0, d1) -> (0, 0, 0, 0)>
module attributes {stable_mosaic.version = 14 : i64} {
  func.func @body(%arg0: i32, %arg1: i32, %arg2: memref<10112x128xf32, #tpu.memory_space<hbm>>, %arg3: memref<16x21x8x128xi32, #tpu.memory_space<hbm>>, %arg4: memref<16x21x8x128xi32, #tpu.memory_space<hbm>>, %arg5: memref<10112x128xf32, #tpu.memory_space<hbm>>, %arg6: memref<10112x128xf32, #tpu.memory_space<hbm>>, %arg7: memref<2x8x128xi32, #tpu.memory_space<vmem>>, %arg8: memref<2x8x128xi32, #tpu.memory_space<vmem>>, %arg9: memref<128x128xf32, #tpu.memory_space<vmem>>, %arg10: memref<128x128xf32, #tpu.memory_space<vmem>>, %arg11: memref<10112x128xf32, #tpu.memory_space<vmem_shared>>, %arg12: memref<!tpu.dma_semaphore, #tpu.memory_space<semaphore_mem>>, %arg13: memref<!tpu.dma_semaphore, #tpu.memory_space<semaphore_mem>>, %arg14: memref<!tpu.dma_semaphore, #tpu.memory_space<semaphore_mem>>, %arg15: memref<!tpu.dma_semaphore, #tpu.memory_space<semaphore_mem>>, %arg16: memref<!tpu.dma_semaphore, #tpu.memory_space<semaphore_mem>>, %arg17: memref<!tpu.dma_semaphore, #tpu.memory_space<semaphore_mem>>) attributes {dimension_semantics = [#tpu.dimension_semantics<core_parallel>, #tpu.dimension_semantics<subcore_parallel>], iteration_bounds = array<i64: 1, 16>, scalar_prefetch = 0 : i64, scratch_operands = 11 : i64, tpu.core_type = #tpu.core_type<sc_vector_subcore>, window_params = [{transform_indices = #map}, {transform_indices = #map1}, {transform_indices = #map1}, {transform_indices = #map}, {transform_indices = #map}]} {
    %mul3A = arith.constant 632 : i32
    %mul3A_0 = arith.muli %arg1, %mul3A : i32
    %mul3A_1 = arith.constant 632 : i32
    %mul3A_2 = arith.muli %arg1, %mul3A_1 : i32
    "tpu.region"() ({
      %run_scoped3A_16 = tpu.sem_alloc : memref<!tpu.dma_semaphore, #tpu.memory_space<semaphore_mem>>
      %dma_start3A = arith.constant 0 : i32
      %dma_start3A_17 = tpu.memref_slice %arg11[%mul3A_2, %dma_start3A] : memref<10112x128xf32, #tpu.memory_space<vmem_shared>> -> memref<632x128xf32, #tpu.memory_space<vmem_shared>>
      %dma_start3A_18 = arith.constant 0 : i32
      %dma_start3A_19 = tpu.memref_slice %arg5[%mul3A_0, %dma_start3A_18] : memref<10112x128xf32, #tpu.memory_space<hbm>> -> memref<632x128xf32, #tpu.memory_space<hbm>>
      tpu.enqueue_dma source(%dma_start3A_19 : memref<632x128xf32, #tpu.memory_space<hbm>>) target(%dma_start3A_17 : memref<632x128xf32, #tpu.memory_space<vmem_shared>>) target_semaphore(%run_scoped3A_16 : memref<!tpu.dma_semaphore, #tpu.memory_space<semaphore_mem>>)
      %dma_wait3A = arith.constant 0 : i32
      %dma_wait3A_20 = tpu.memref_slice %arg11[%mul3A_2, %dma_wait3A] : memref<10112x128xf32, #tpu.memory_space<vmem_shared>> -> memref<632x128xf32, #tpu.memory_space<vmem_shared>>
      %dma_wait3A_21 = arith.constant 0 : i32
      %dma_wait3A_22 = tpu.memref_slice %arg5[%mul3A_0, %dma_wait3A_21] : memref<10112x128xf32, #tpu.memory_space<hbm>> -> memref<632x128xf32, #tpu.memory_space<hbm>>
      tpu.wait_dma2 semaphore(%run_scoped3A_16 : memref<!tpu.dma_semaphore, #tpu.memory_space<semaphore_mem>>) src(%dma_wait3A_22 : memref<632x128xf32, #tpu.memory_space<hbm>>) dst(%dma_wait3A_20 : memref<632x128xf32, #tpu.memory_space<vmem_shared>>)
      tpu.yield
    }) : () -> ()
    %run_scoped3A = arith.constant 0 : i32
    %run_scoped3A_3 = arith.constant 0 : i32
    "tpu.region"() ({
      %run_scoped3A_16 = tpu.sem_alloc : memref<!tpu.dma_semaphore, #tpu.memory_space<semaphore_mem>>
      %dma_start3A = arith.constant 0 : i32
      %dma_start3A_17 = arith.constant 0 : i32
      %dma_start3A_18 = tpu.memref_slice %arg7[%run_scoped3A_3, %dma_start3A, %dma_start3A_17] : memref<2x8x128xi32, #tpu.memory_space<vmem>> -> memref<1x8x128xi32, #tpu.memory_space<vmem>>
      %dma_start3A_19 = tpu.memref_squeeze %dma_start3A_18 : memref<1x8x128xi32, #tpu.memory_space<vmem>> -> memref<8x128xi32, #tpu.memory_space<vmem>>
      %dma_start3A_20 = arith.constant 0 : i32
      %dma_start3A_21 = arith.constant 0 : i32
      %dma_start3A_22 = tpu.memref_slice %arg3[%arg1, %run_scoped3A, %dma_start3A_20, %dma_start3A_21] : memref<16x21x8x128xi32, #tpu.memory_space<hbm>> -> memref<1x1x8x128xi32, #tpu.memory_space<hbm>>
      %dma_start3A_23 = tpu.memref_squeeze %dma_start3A_22 : memref<1x1x8x128xi32, #tpu.memory_space<hbm>> -> memref<8x128xi32, #tpu.memory_space<hbm>>
      %dma_start3A_24 = arith.constant 0 : i32
      %dma_start3A_25 = arith.constant 0 : i32
      %dma_start3A_26 = tpu.memref_slice %arg7[%run_scoped3A_3, %dma_start3A_24, %dma_start3A_25] : memref<2x8x128xi32, #tpu.memory_space<vmem>> -> memref<1x8x128xi32, #tpu.memory_space<vmem>>
      %dma_start3A_27 = tpu.memref_squeeze %dma_start3A_26 : memref<1x8x128xi32, #tpu.memory_space<vmem>> -> memref<8x128xi32, #tpu.memory_space<vmem>>
      %dma_start3A_28 = arith.constant 0 : i32
      %dma_start3A_29 = arith.constant 0 : i32
      %dma_start3A_30 = tpu.memref_slice %arg3[%arg1, %run_scoped3A, %dma_start3A_28, %dma_start3A_29] : memref<16x21x8x128xi32, #tpu.memory_space<hbm>> -> memref<1x1x8x128xi32, #tpu.memory_space<hbm>>
      %dma_start3A_31 = tpu.memref_squeeze %dma_start3A_30 : memref<1x1x8x128xi32, #tpu.memory_space<hbm>> -> memref<8x128xi32, #tpu.memory_space<hbm>>
      tpu.enqueue_dma source(%dma_start3A_31 : memref<8x128xi32, #tpu.memory_space<hbm>>) target(%dma_start3A_27 : memref<8x128xi32, #tpu.memory_space<vmem>>) target_semaphore(%run_scoped3A_16 : memref<!tpu.dma_semaphore, #tpu.memory_space<semaphore_mem>>)
      %dma_wait3A = arith.constant 0 : i32
      %dma_wait3A_32 = arith.constant 0 : i32
      %dma_wait3A_33 = tpu.memref_slice %arg7[%run_scoped3A_3, %dma_wait3A, %dma_wait3A_32] : memref<2x8x128xi32, #tpu.memory_space<vmem>> -> memref<1x8x128xi32, #tpu.memory_space<vmem>>
      %dma_wait3A_34 = tpu.memref_squeeze %dma_wait3A_33 : memref<1x8x128xi32, #tpu.memory_space<vmem>> -> memref<8x128xi32, #tpu.memory_space<vmem>>
      %dma_wait3A_35 = arith.constant 0 : i32
      %dma_wait3A_36 = arith.constant 0 : i32
      %dma_wait3A_37 = tpu.memref_slice %arg3[%arg1, %run_scoped3A, %dma_wait3A_35, %dma_wait3A_36] : memref<16x21x8x128xi32, #tpu.memory_space<hbm>> -> memref<1x1x8x128xi32, #tpu.memory_space<hbm>>
      %dma_wait3A_38 = tpu.memref_squeeze %dma_wait3A_37 : memref<1x1x8x128xi32, #tpu.memory_space<hbm>> -> memref<8x128xi32, #tpu.memory_space<hbm>>
      %dma_wait3A_39 = arith.constant 0 : i32
      %dma_wait3A_40 = arith.constant 0 : i32
      %dma_wait3A_41 = tpu.memref_slice %arg7[%run_scoped3A_3, %dma_wait3A_39, %dma_wait3A_40] : memref<2x8x128xi32, #tpu.memory_space<vmem>> -> memref<1x8x128xi32, #tpu.memory_space<vmem>>
      %dma_wait3A_42 = tpu.memref_squeeze %dma_wait3A_41 : memref<1x8x128xi32, #tpu.memory_space<vmem>> -> memref<8x128xi32, #tpu.memory_space<vmem>>
      %dma_wait3A_43 = arith.constant 0 : i32
      %dma_wait3A_44 = arith.constant 0 : i32
      %dma_wait3A_45 = tpu.memref_slice %arg3[%arg1, %run_scoped3A, %dma_wait3A_43, %dma_wait3A_44] : memref<16x21x8x128xi32, #tpu.memory_space<hbm>> -> memref<1x1x8x128xi32, #tpu.memory_space<hbm>>
      %dma_wait3A_46 = tpu.memref_squeeze %dma_wait3A_45 : memref<1x1x8x128xi32, #tpu.memory_space<hbm>> -> memref<8x128xi32, #tpu.memory_space<hbm>>
      tpu.wait_dma2 semaphore(%run_scoped3A_16 : memref<!tpu.dma_semaphore, #tpu.memory_space<semaphore_mem>>) src(%dma_wait3A_46 : memref<8x128xi32, #tpu.memory_space<hbm>>) dst(%dma_wait3A_42 : memref<8x128xi32, #tpu.memory_space<vmem>>)
      tpu.yield
    }) : () -> ()
    %run_scoped3A_4 = arith.constant 0 : i32
    %run_scoped3A_5 = arith.constant 0 : i32
    "tpu.region"() ({
      %run_scoped3A_16 = tpu.sem_alloc : memref<!tpu.dma_semaphore, #tpu.memory_space<semaphore_mem>>
      %dma_start3A = arith.constant 0 : i32
      %dma_start3A_17 = arith.constant 0 : i32
      %dma_start3A_18 = tpu.memref_slice %arg8[%run_scoped3A_5, %dma_start3A, %dma_start3A_17] : memref<2x8x128xi32, #tpu.memory_space<vmem>> -> memref<1x8x128xi32, #tpu.memory_space<vmem>>
      %dma_start3A_19 = tpu.memref_squeeze %dma_start3A_18 : memref<1x8x128xi32, #tpu.memory_space<vmem>> -> memref<8x128xi32, #tpu.memory_space<vmem>>
      %dma_start3A_20 = arith.constant 0 : i32
      %dma_start3A_21 = arith.constant 0 : i32
      %dma_start3A_22 = tpu.memref_slice %arg4[%arg1, %run_scoped3A_4, %dma_start3A_20, %dma_start3A_21] : memref<16x21x8x128xi32, #tpu.memory_space<hbm>> -> memref<1x1x8x128xi32, #tpu.memory_space<hbm>>
      %dma_start3A_23 = tpu.memref_squeeze %dma_start3A_22 : memref<1x1x8x128xi32, #tpu.memory_space<hbm>> -> memref<8x128xi32, #tpu.memory_space<hbm>>
      %dma_start3A_24 = arith.constant 0 : i32
      %dma_start3A_25 = arith.constant 0 : i32
      %dma_start3A_26 = tpu.memref_slice %arg8[%run_scoped3A_5, %dma_start3A_24, %dma_start3A_25] : memref<2x8x128xi32, #tpu.memory_space<vmem>> -> memref<1x8x128xi32, #tpu.memory_space<vmem>>
      %dma_start3A_27 = tpu.memref_squeeze %dma_start3A_26 : memref<1x8x128xi32, #tpu.memory_space<vmem>> -> memref<8x128xi32, #tpu.memory_space<vmem>>
      %dma_start3A_28 = arith.constant 0 : i32
      %dma_start3A_29 = arith.constant 0 : i32
      %dma_start3A_30 = tpu.memref_slice %arg4[%arg1, %run_scoped3A_4, %dma_start3A_28, %dma_start3A_29] : memref<16x21x8x128xi32, #tpu.memory_space<hbm>> -> memref<1x1x8x128xi32, #tpu.memory_space<hbm>>
      %dma_start3A_31 = tpu.memref_squeeze %dma_start3A_30 : memref<1x1x8x128xi32, #tpu.memory_space<hbm>> -> memref<8x128xi32, #tpu.memory_space<hbm>>
      tpu.enqueue_dma source(%dma_start3A_31 : memref<8x128xi32, #tpu.memory_space<hbm>>) target(%dma_start3A_27 : memref<8x128xi32, #tpu.memory_space<vmem>>) target_semaphore(%run_scoped3A_16 : memref<!tpu.dma_semaphore, #tpu.memory_space<semaphore_mem>>)
      %dma_wait3A = arith.constant 0 : i32
      %dma_wait3A_32 = arith.constant 0 : i32
      %dma_wait3A_33 = tpu.memref_slice %arg8[%run_scoped3A_5, %dma_wait3A, %dma_wait3A_32] : memref<2x8x128xi32, #tpu.memory_space<vmem>> -> memref<1x8x128xi32, #tpu.memory_space<vmem>>
      %dma_wait3A_34 = tpu.memref_squeeze %dma_wait3A_33 : memref<1x8x128xi32, #tpu.memory_space<vmem>> -> memref<8x128xi32, #tpu.memory_space<vmem>>
      %dma_wait3A_35 = arith.constant 0 : i32
      %dma_wait3A_36 = arith.constant 0 : i32
      %dma_wait3A_37 = tpu.memref_slice %arg4[%arg1, %run_scoped3A_4, %dma_wait3A_35, %dma_wait3A_36] : memref<16x21x8x128xi32, #tpu.memory_space<hbm>> -> memref<1x1x8x128xi32, #tpu.memory_space<hbm>>
      %dma_wait3A_38 = tpu.memref_squeeze %dma_wait3A_37 : memref<1x1x8x128xi32, #tpu.memory_space<hbm>> -> memref<8x128xi32, #tpu.memory_space<hbm>>
      %dma_wait3A_39 = arith.constant 0 : i32
      %dma_wait3A_40 = arith.constant 0 : i32
      %dma_wait3A_41 = tpu.memref_slice %arg8[%run_scoped3A_5, %dma_wait3A_39, %dma_wait3A_40] : memref<2x8x128xi32, #tpu.memory_space<vmem>> -> memref<1x8x128xi32, #tpu.memory_space<vmem>>
      %dma_wait3A_42 = tpu.memref_squeeze %dma_wait3A_41 : memref<1x8x128xi32, #tpu.memory_space<vmem>> -> memref<8x128xi32, #tpu.memory_space<vmem>>
      %dma_wait3A_43 = arith.constant 0 : i32
      %dma_wait3A_44 = arith.constant 0 : i32
      %dma_wait3A_45 = tpu.memref_slice %arg4[%arg1, %run_scoped3A_4, %dma_wait3A_43, %dma_wait3A_44] : memref<16x21x8x128xi32, #tpu.memory_space<hbm>> -> memref<1x1x8x128xi32, #tpu.memory_space<hbm>>
      %dma_wait3A_46 = tpu.memref_squeeze %dma_wait3A_45 : memref<1x1x8x128xi32, #tpu.memory_space<hbm>> -> memref<8x128xi32, #tpu.memory_space<hbm>>
      tpu.wait_dma2 semaphore(%run_scoped3A_16 : memref<!tpu.dma_semaphore, #tpu.memory_space<semaphore_mem>>) src(%dma_wait3A_46 : memref<8x128xi32, #tpu.memory_space<hbm>>) dst(%dma_wait3A_42 : memref<8x128xi32, #tpu.memory_space<vmem>>)
      tpu.yield
    }) : () -> ()
    %barrier3A = arith.constant 0 : index
    tpu.barrier barrier_id(%barrier3A)
    %scan3A = arith.constant 0 : i32
    %scan3A_6 = arith.constant 0 : i32
    %scan3A_7 = arith.constant 21 : i32
    %scan3A_8 = arith.addi %scan3A_6, %scan3A_7 : i32
    %scan3A_9 = arith.constant 1 : i32
    scf.for %scan3A_16 = %scan3A_6 to %scan3A_8 step %scan3A_9  : i32 {
      %rem3A = arith.constant 2 : i32
      %rem3A_17 = arith.remsi %scan3A_16, %rem3A : i32
      %add3A = arith.constant 1 : i32
      %add3A_18 = arith.addi %scan3A_16, %add3A : i32
      %rem3A_19 = arith.constant 2 : i32
      %rem3A_20 = arith.remsi %add3A_18, %rem3A_19 : i32
      %add3A_21 = arith.constant 1 : i32
      %add3A_22 = arith.addi %scan3A_16, %add3A_21 : i32
      %lt3A = arith.constant 21 : i32
      %lt3A_23 = arith.cmpi slt, %add3A_22, %lt3A : i32
      %convert_element_type3A = arith.extui %lt3A_23 : i1 to i32
      %cond3A = arith.constant 0 : i32
      %cond3A_24 = arith.cmpi ne, %convert_element_type3A, %cond3A : i32
      scf.if %cond3A_24 {
        %add3A_251 = arith.constant 1 : i32
        %add3A_252 = arith.addi %scan3A_16, %add3A_251 : i32
        %dma_start3A_253 = arith.constant 0 : i32
        %dma_start3A_254 = arith.constant 0 : i32
        %dma_start3A_255 = tpu.memref_slice %arg7[%rem3A_20, %dma_start3A_253, %dma_start3A_254] : memref<2x8x128xi32, #tpu.memory_space<vmem>> -> memref<1x8x128xi32, #tpu.memory_space<vmem>>
        %dma_start3A_256 = tpu.memref_squeeze %dma_start3A_255 : memref<1x8x128xi32, #tpu.memory_space<vmem>> -> memref<8x128xi32, #tpu.memory_space<vmem>>
        %dma_start3A_257 = arith.constant 0 : i32
        %dma_start3A_258 = arith.constant 0 : i32
        %dma_start3A_259 = tpu.memref_slice %arg3[%arg1, %add3A_252, %dma_start3A_257, %dma_start3A_258] : memref<16x21x8x128xi32, #tpu.memory_space<hbm>> -> memref<1x1x8x128xi32, #tpu.memory_space<hbm>>
        %dma_start3A_260 = tpu.memref_squeeze %dma_start3A_259 : memref<1x1x8x128xi32, #tpu.memory_space<hbm>> -> memref<8x128xi32, #tpu.memory_space<hbm>>
        %dma_start3A_261 = arith.constant 0 : i32
        %dma_start3A_262 = arith.constant 0 : i32
        %dma_start3A_263 = tpu.memref_slice %arg7[%rem3A_20, %dma_start3A_261, %dma_start3A_262] : memref<2x8x128xi32, #tpu.memory_space<vmem>> -> memref<1x8x128xi32, #tpu.memory_space<vmem>>
        %dma_start3A_264 = tpu.memref_squeeze %dma_start3A_263 : memref<1x8x128xi32, #tpu.memory_space<vmem>> -> memref<8x128xi32, #tpu.memory_space<vmem>>
        %dma_start3A_265 = arith.constant 0 : i32
        %dma_start3A_266 = arith.constant 0 : i32
        %dma_start3A_267 = tpu.memref_slice %arg3[%arg1, %add3A_252, %dma_start3A_265, %dma_start3A_266] : memref<16x21x8x128xi32, #tpu.memory_space<hbm>> -> memref<1x1x8x128xi32, #tpu.memory_space<hbm>>
        %dma_start3A_268 = tpu.memref_squeeze %dma_start3A_267 : memref<1x1x8x128xi32, #tpu.memory_space<hbm>> -> memref<8x128xi32, #tpu.memory_space<hbm>>
        tpu.enqueue_dma source(%dma_start3A_268 : memref<8x128xi32, #tpu.memory_space<hbm>>) target(%dma_start3A_264 : memref<8x128xi32, #tpu.memory_space<vmem>>) target_semaphore(%arg16 : memref<!tpu.dma_semaphore, #tpu.memory_space<semaphore_mem>>)
        %add3A_269 = arith.constant 1 : i32
        %add3A_270 = arith.addi %scan3A_16, %add3A_269 : i32
        %dma_start3A_271 = arith.constant 0 : i32
        %dma_start3A_272 = arith.constant 0 : i32
        %dma_start3A_273 = tpu.memref_slice %arg8[%rem3A_20, %dma_start3A_271, %dma_start3A_272] : memref<2x8x128xi32, #tpu.memory_space<vmem>> -> memref<1x8x128xi32, #tpu.memory_space<vmem>>
        %dma_start3A_274 = tpu.memref_squeeze %dma_start3A_273 : memref<1x8x128xi32, #tpu.memory_space<vmem>> -> memref<8x128xi32, #tpu.memory_space<vmem>>
        %dma_start3A_275 = arith.constant 0 : i32
        %dma_start3A_276 = arith.constant 0 : i32
        %dma_start3A_277 = tpu.memref_slice %arg4[%arg1, %add3A_270, %dma_start3A_275, %dma_start3A_276] : memref<16x21x8x128xi32, #tpu.memory_space<hbm>> -> memref<1x1x8x128xi32, #tpu.memory_space<hbm>>
        %dma_start3A_278 = tpu.memref_squeeze %dma_start3A_277 : memref<1x1x8x128xi32, #tpu.memory_space<hbm>> -> memref<8x128xi32, #tpu.memory_space<hbm>>
        %dma_start3A_279 = arith.constant 0 : i32
        %dma_start3A_280 = arith.constant 0 : i32
        %dma_start3A_281 = tpu.memref_slice %arg8[%rem3A_20, %dma_start3A_279, %dma_start3A_280] : memref<2x8x128xi32, #tpu.memory_space<vmem>> -> memref<1x8x128xi32, #tpu.memory_space<vmem>>
        %dma_start3A_282 = tpu.memref_squeeze %dma_start3A_281 : memref<1x8x128xi32, #tpu.memory_space<vmem>> -> memref<8x128xi32, #tpu.memory_space<vmem>>
        %dma_start3A_283 = arith.constant 0 : i32
        %dma_start3A_284 = arith.constant 0 : i32
        %dma_start3A_285 = tpu.memref_slice %arg4[%arg1, %add3A_270, %dma_start3A_283, %dma_start3A_284] : memref<16x21x8x128xi32, #tpu.memory_space<hbm>> -> memref<1x1x8x128xi32, #tpu.memory_space<hbm>>
        %dma_start3A_286 = tpu.memref_squeeze %dma_start3A_285 : memref<1x1x8x128xi32, #tpu.memory_space<hbm>> -> memref<8x128xi32, #tpu.memory_space<hbm>>
        tpu.enqueue_dma source(%dma_start3A_286 : memref<8x128xi32, #tpu.memory_space<hbm>>) target(%dma_start3A_282 : memref<8x128xi32, #tpu.memory_space<vmem>>) target_semaphore(%arg17 : memref<!tpu.dma_semaphore, #tpu.memory_space<semaphore_mem>>)
      } else {
      }
      %gt3A = arith.constant 0 : i32
      %gt3A_25 = arith.cmpi sgt, %scan3A_16, %gt3A : i32
      %convert_element_type3A_26 = arith.extui %gt3A_25 : i1 to i32
      %cond3A_27 = arith.constant 0 : i32
      %cond3A_28 = arith.cmpi ne, %convert_element_type3A_26, %cond3A_27 : i32
      scf.if %cond3A_28 {
        %dma_wait3A_251 = arith.constant 0 : i32
        %dma_wait3A_252 = arith.constant 0 : i32
        %dma_wait3A_253 = tpu.memref_slice %arg7[%rem3A_17, %dma_wait3A_251, %dma_wait3A_252] : memref<2x8x128xi32, #tpu.memory_space<vmem>> -> memref<1x8x128xi32, #tpu.memory_space<vmem>>
        %dma_wait3A_254 = tpu.memref_squeeze %dma_wait3A_253 : memref<1x8x128xi32, #tpu.memory_space<vmem>> -> memref<8x128xi32, #tpu.memory_space<vmem>>
        %dma_wait3A_255 = arith.constant 0 : i32
        %dma_wait3A_256 = arith.constant 0 : i32
        %dma_wait3A_257 = tpu.memref_slice %arg3[%arg1, %scan3A_16, %dma_wait3A_255, %dma_wait3A_256] : memref<16x21x8x128xi32, #tpu.memory_space<hbm>> -> memref<1x1x8x128xi32, #tpu.memory_space<hbm>>
        %dma_wait3A_258 = tpu.memref_squeeze %dma_wait3A_257 : memref<1x1x8x128xi32, #tpu.memory_space<hbm>> -> memref<8x128xi32, #tpu.memory_space<hbm>>
        %dma_wait3A_259 = arith.constant 0 : i32
        %dma_wait3A_260 = arith.constant 0 : i32
        %dma_wait3A_261 = tpu.memref_slice %arg7[%rem3A_17, %dma_wait3A_259, %dma_wait3A_260] : memref<2x8x128xi32, #tpu.memory_space<vmem>> -> memref<1x8x128xi32, #tpu.memory_space<vmem>>
        %dma_wait3A_262 = tpu.memref_squeeze %dma_wait3A_261 : memref<1x8x128xi32, #tpu.memory_space<vmem>> -> memref<8x128xi32, #tpu.memory_space<vmem>>
        %dma_wait3A_263 = arith.constant 0 : i32
        %dma_wait3A_264 = arith.constant 0 : i32
        %dma_wait3A_265 = tpu.memref_slice %arg3[%arg1, %scan3A_16, %dma_wait3A_263, %dma_wait3A_264] : memref<16x21x8x128xi32, #tpu.memory_space<hbm>> -> memref<1x1x8x128xi32, #tpu.memory_space<hbm>>
        %dma_wait3A_266 = tpu.memref_squeeze %dma_wait3A_265 : memref<1x1x8x128xi32, #tpu.memory_space<hbm>> -> memref<8x128xi32, #tpu.memory_space<hbm>>
        tpu.wait_dma2 semaphore(%arg16 : memref<!tpu.dma_semaphore, #tpu.memory_space<semaphore_mem>>) src(%dma_wait3A_266 : memref<8x128xi32, #tpu.memory_space<hbm>>) dst(%dma_wait3A_262 : memref<8x128xi32, #tpu.memory_space<vmem>>)
        %dma_wait3A_267 = arith.constant 0 : i32
        %dma_wait3A_268 = arith.constant 0 : i32
        %dma_wait3A_269 = tpu.memref_slice %arg8[%rem3A_17, %dma_wait3A_267, %dma_wait3A_268] : memref<2x8x128xi32, #tpu.memory_space<vmem>> -> memref<1x8x128xi32, #tpu.memory_space<vmem>>
        %dma_wait3A_270 = tpu.memref_squeeze %dma_wait3A_269 : memref<1x8x128xi32, #tpu.memory_space<vmem>> -> memref<8x128xi32, #tpu.memory_space<vmem>>
        %dma_wait3A_271 = arith.constant 0 : i32
        %dma_wait3A_272 = arith.constant 0 : i32
        %dma_wait3A_273 = tpu.memref_slice %arg4[%arg1, %scan3A_16, %dma_wait3A_271, %dma_wait3A_272] : memref<16x21x8x128xi32, #tpu.memory_space<hbm>> -> memref<1x1x8x128xi32, #tpu.memory_space<hbm>>
        %dma_wait3A_274 = tpu.memref_squeeze %dma_wait3A_273 : memref<1x1x8x128xi32, #tpu.memory_space<hbm>> -> memref<8x128xi32, #tpu.memory_space<hbm>>
        %dma_wait3A_275 = arith.constant 0 : i32
        %dma_wait3A_276 = arith.constant 0 : i32
        %dma_wait3A_277 = tpu.memref_slice %arg8[%rem3A_17, %dma_wait3A_275, %dma_wait3A_276] : memref<2x8x128xi32, #tpu.memory_space<vmem>> -> memref<1x8x128xi32, #tpu.memory_space<vmem>>
        %dma_wait3A_278 = tpu.memref_squeeze %dma_wait3A_277 : memref<1x8x128xi32, #tpu.memory_space<vmem>> -> memref<8x128xi32, #tpu.memory_space<vmem>>
        %dma_wait3A_279 = arith.constant 0 : i32
        %dma_wait3A_280 = arith.constant 0 : i32
        %dma_wait3A_281 = tpu.memref_slice %arg4[%arg1, %scan3A_16, %dma_wait3A_279, %dma_wait3A_280] : memref<16x21x8x128xi32, #tpu.memory_space<hbm>> -> memref<1x1x8x128xi32, #tpu.memory_space<hbm>>
        %dma_wait3A_282 = tpu.memref_squeeze %dma_wait3A_281 : memref<1x1x8x128xi32, #tpu.memory_space<hbm>> -> memref<8x128xi32, #tpu.memory_space<hbm>>
        tpu.wait_dma2 semaphore(%arg17 : memref<!tpu.dma_semaphore, #tpu.memory_space<semaphore_mem>>) src(%dma_wait3A_282 : memref<8x128xi32, #tpu.memory_space<hbm>>) dst(%dma_wait3A_278 : memref<8x128xi32, #tpu.memory_space<vmem>>)
      } else {
      }
      %dma_start3A = arith.constant 0 : i32
      %dma_start3A_29 = arith.constant 0 : i32
      %dma_start3A_30 = tpu.memref_slice %arg7[%rem3A_17, %dma_start3A, %dma_start3A_29] : memref<2x8x128xi32, #tpu.memory_space<vmem>> -> memref<1x1x128xi32, #tpu.memory_space<vmem>>
      %dma_start3A_31 = tpu.memref_squeeze %dma_start3A_30 : memref<1x1x128xi32, #tpu.memory_space<vmem>> -> memref<128xi32, #tpu.memory_space<vmem>>
      %dma_start3A_32 = arith.constant 0 : i32
      %dma_start3A_33 = arith.constant 0 : i32
      %dma_start3A_34 = tpu.memref_slice %arg2[%dma_start3A_32, %dma_start3A_33] : memref<10112x128xf32, #tpu.memory_space<hbm>> -> memref<10112x128xf32, #tpu.memory_space<hbm>>
      tpu.enqueue_indirect_dma source(%dma_start3A_34 : memref<10112x128xf32, #tpu.memory_space<hbm>>) target(%arg9 : memref<128x128xf32, #tpu.memory_space<vmem>>) offsets(%dma_start3A_31 : memref<128xi32, #tpu.memory_space<vmem>>) semaphore(%arg12 : memref<!tpu.dma_semaphore, #tpu.memory_space<semaphore_mem>>)
      %dma_start3A_35 = arith.constant 1 : i32
      %dma_start3A_36 = arith.constant 0 : i32
      %dma_start3A_37 = tpu.memref_slice %arg7[%rem3A_17, %dma_start3A_35, %dma_start3A_36] : memref<2x8x128xi32, #tpu.memory_space<vmem>> -> memref<1x1x128xi32, #tpu.memory_space<vmem>>
      %dma_start3A_38 = tpu.memref_squeeze %dma_start3A_37 : memref<1x1x128xi32, #tpu.memory_space<vmem>> -> memref<128xi32, #tpu.memory_space<vmem>>
      %dma_start3A_39 = arith.constant 0 : i32
      %dma_start3A_40 = arith.constant 0 : i32
      %dma_start3A_41 = tpu.memref_slice %arg2[%dma_start3A_39, %dma_start3A_40] : memref<10112x128xf32, #tpu.memory_space<hbm>> -> memref<10112x128xf32, #tpu.memory_space<hbm>>
      tpu.enqueue_indirect_dma source(%dma_start3A_41 : memref<10112x128xf32, #tpu.memory_space<hbm>>) target(%arg10 : memref<128x128xf32, #tpu.memory_space<vmem>>) offsets(%dma_start3A_38 : memref<128xi32, #tpu.memory_space<vmem>>) semaphore(%arg13 : memref<!tpu.dma_semaphore, #tpu.memory_space<semaphore_mem>>)
      %dma_wait3A = arith.constant 0 : i32
      %dma_wait3A_42 = arith.constant 0 : i32
      %dma_wait3A_43 = tpu.memref_slice %arg7[%rem3A_17, %dma_wait3A, %dma_wait3A_42] : memref<2x8x128xi32, #tpu.memory_space<vmem>> -> memref<1x1x128xi32, #tpu.memory_space<vmem>>
      %dma_wait3A_44 = tpu.memref_squeeze %dma_wait3A_43 : memref<1x1x128xi32, #tpu.memory_space<vmem>> -> memref<128xi32, #tpu.memory_space<vmem>>
      %dma_wait3A_45 = arith.constant 0 : i32
      %dma_wait3A_46 = arith.constant 0 : i32
      %dma_wait3A_47 = tpu.memref_slice %arg2[%dma_wait3A_45, %dma_wait3A_46] : memref<10112x128xf32, #tpu.memory_space<hbm>> -> memref<10112x128xf32, #tpu.memory_space<hbm>>
      tpu.wait_indirect_dma semaphore(%arg12 : memref<!tpu.dma_semaphore, #tpu.memory_space<semaphore_mem>>) src(%dma_wait3A_47 : memref<10112x128xf32, #tpu.memory_space<hbm>>) dst(%arg9 : memref<128x128xf32, #tpu.memory_space<vmem>>)
      %dma_start3A_48 = arith.constant 0 : i32
      %dma_start3A_49 = arith.constant 0 : i32
      %dma_start3A_50 = tpu.memref_slice %arg8[%rem3A_17, %dma_start3A_48, %dma_start3A_49] : memref<2x8x128xi32, #tpu.memory_space<vmem>> -> memref<1x1x128xi32, #tpu.memory_space<vmem>>
      %dma_start3A_51 = tpu.memref_squeeze %dma_start3A_50 : memref<1x1x128xi32, #tpu.memory_space<vmem>> -> memref<128xi32, #tpu.memory_space<vmem>>
      %dma_start3A_52 = arith.constant 0 : i32
      %dma_start3A_53 = arith.constant 0 : i32
      %dma_start3A_54 = tpu.memref_slice %arg11[%dma_start3A_52, %dma_start3A_53] : memref<10112x128xf32, #tpu.memory_space<vmem_shared>> -> memref<10112x128xf32, #tpu.memory_space<vmem_shared>>
      tpu.enqueue_indirect_dma source(%arg9 : memref<128x128xf32, #tpu.memory_space<vmem>>) target(%dma_start3A_54 : memref<10112x128xf32, #tpu.memory_space<vmem_shared>>) offsets(%dma_start3A_51 : memref<128xi32, #tpu.memory_space<vmem>>) semaphore(%arg14 : memref<!tpu.dma_semaphore, #tpu.memory_space<semaphore_mem>>) {add = true}
      %dma_wait3A_55 = arith.constant 0 : i32
      %dma_wait3A_56 = arith.constant 0 : i32
      %dma_wait3A_57 = tpu.memref_slice %arg8[%rem3A_17, %dma_wait3A_55, %dma_wait3A_56] : memref<2x8x128xi32, #tpu.memory_space<vmem>> -> memref<1x1x128xi32, #tpu.memory_space<vmem>>
      %dma_wait3A_58 = tpu.memref_squeeze %dma_wait3A_57 : memref<1x1x128xi32, #tpu.memory_space<vmem>> -> memref<128xi32, #tpu.memory_space<vmem>>
      %dma_wait3A_59 = arith.constant 0 : i32
      %dma_wait3A_60 = arith.constant 0 : i32
      %dma_wait3A_61 = tpu.memref_slice %arg11[%dma_wait3A_59, %dma_wait3A_60] : memref<10112x128xf32, #tpu.memory_space<vmem_shared>> -> memref<10112x128xf32, #tpu.memory_space<vmem_shared>>
      tpu.wait_indirect_dma semaphore(%arg14 : memref<!tpu.dma_semaphore, #tpu.memory_space<semaphore_mem>>) src(%arg9 : memref<128x128xf32, #tpu.memory_space<vmem>>) dst(%dma_wait3A_61 : memref<10112x128xf32, #tpu.memory_space<vmem_shared>>)
      %dma_start3A_62 = arith.constant 2 : i32
      %dma_start3A_63 = arith.constant 0 : i32
      %dma_start3A_64 = tpu.memref_slice %arg7[%rem3A_17, %dma_start3A_62, %dma_start3A_63] : memref<2x8x128xi32, #tpu.memory_space<vmem>> -> memref<1x1x128xi32, #tpu.memory_space<vmem>>
      %dma_start3A_65 = tpu.memref_squeeze %dma_start3A_64 : memref<1x1x128xi32, #tpu.memory_space<vmem>> -> memref<128xi32, #tpu.memory_space<vmem>>
      %dma_start3A_66 = arith.constant 0 : i32
      %dma_start3A_67 = arith.constant 0 : i32
      %dma_start3A_68 = tpu.memref_slice %arg2[%dma_start3A_66, %dma_start3A_67] : memref<10112x128xf32, #tpu.memory_space<hbm>> -> memref<10112x128xf32, #tpu.memory_space<hbm>>
      tpu.enqueue_indirect_dma source(%dma_start3A_68 : memref<10112x128xf32, #tpu.memory_space<hbm>>) target(%arg9 : memref<128x128xf32, #tpu.memory_space<vmem>>) offsets(%dma_start3A_65 : memref<128xi32, #tpu.memory_space<vmem>>) semaphore(%arg12 : memref<!tpu.dma_semaphore, #tpu.memory_space<semaphore_mem>>)
      %dma_wait3A_69 = arith.constant 1 : i32
      %dma_wait3A_70 = arith.constant 0 : i32
      %dma_wait3A_71 = tpu.memref_slice %arg7[%rem3A_17, %dma_wait3A_69, %dma_wait3A_70] : memref<2x8x128xi32, #tpu.memory_space<vmem>> -> memref<1x1x128xi32, #tpu.memory_space<vmem>>
      %dma_wait3A_72 = tpu.memref_squeeze %dma_wait3A_71 : memref<1x1x128xi32, #tpu.memory_space<vmem>> -> memref<128xi32, #tpu.memory_space<vmem>>
      %dma_wait3A_73 = arith.constant 0 : i32
      %dma_wait3A_74 = arith.constant 0 : i32
      %dma_wait3A_75 = tpu.memref_slice %arg2[%dma_wait3A_73, %dma_wait3A_74] : memref<10112x128xf32, #tpu.memory_space<hbm>> -> memref<10112x128xf32, #tpu.memory_space<hbm>>
      tpu.wait_indirect_dma semaphore(%arg13 : memref<!tpu.dma_semaphore, #tpu.memory_space<semaphore_mem>>) src(%dma_wait3A_75 : memref<10112x128xf32, #tpu.memory_space<hbm>>) dst(%arg10 : memref<128x128xf32, #tpu.memory_space<vmem>>)
      %dma_start3A_76 = arith.constant 1 : i32
      %dma_start3A_77 = arith.constant 0 : i32
      %dma_start3A_78 = tpu.memref_slice %arg8[%rem3A_17, %dma_start3A_76, %dma_start3A_77] : memref<2x8x128xi32, #tpu.memory_space<vmem>> -> memref<1x1x128xi32, #tpu.memory_space<vmem>>
      %dma_start3A_79 = tpu.memref_squeeze %dma_start3A_78 : memref<1x1x128xi32, #tpu.memory_space<vmem>> -> memref<128xi32, #tpu.memory_space<vmem>>
      %dma_start3A_80 = arith.constant 0 : i32
      %dma_start3A_81 = arith.constant 0 : i32
      %dma_start3A_82 = tpu.memref_slice %arg11[%dma_start3A_80, %dma_start3A_81] : memref<10112x128xf32, #tpu.memory_space<vmem_shared>> -> memref<10112x128xf32, #tpu.memory_space<vmem_shared>>
      tpu.enqueue_indirect_dma source(%arg10 : memref<128x128xf32, #tpu.memory_space<vmem>>) target(%dma_start3A_82 : memref<10112x128xf32, #tpu.memory_space<vmem_shared>>) offsets(%dma_start3A_79 : memref<128xi32, #tpu.memory_space<vmem>>) semaphore(%arg15 : memref<!tpu.dma_semaphore, #tpu.memory_space<semaphore_mem>>) {add = true}
      %dma_wait3A_83 = arith.constant 1 : i32
      %dma_wait3A_84 = arith.constant 0 : i32
      %dma_wait3A_85 = tpu.memref_slice %arg8[%rem3A_17, %dma_wait3A_83, %dma_wait3A_84] : memref<2x8x128xi32, #tpu.memory_space<vmem>> -> memref<1x1x128xi32, #tpu.memory_space<vmem>>
      %dma_wait3A_86 = tpu.memref_squeeze %dma_wait3A_85 : memref<1x1x128xi32, #tpu.memory_space<vmem>> -> memref<128xi32, #tpu.memory_space<vmem>>
      %dma_wait3A_87 = arith.constant 0 : i32
      %dma_wait3A_88 = arith.constant 0 : i32
      %dma_wait3A_89 = tpu.memref_slice %arg11[%dma_wait3A_87, %dma_wait3A_88] : memref<10112x128xf32, #tpu.memory_space<vmem_shared>> -> memref<10112x128xf32, #tpu.memory_space<vmem_shared>>
      tpu.wait_indirect_dma semaphore(%arg15 : memref<!tpu.dma_semaphore, #tpu.memory_space<semaphore_mem>>) src(%arg10 : memref<128x128xf32, #tpu.memory_space<vmem>>) dst(%dma_wait3A_89 : memref<10112x128xf32, #tpu.memory_space<vmem_shared>>)
      %dma_start3A_90 = arith.constant 3 : i32
      %dma_start3A_91 = arith.constant 0 : i32
      %dma_start3A_92 = tpu.memref_slice %arg7[%rem3A_17, %dma_start3A_90, %dma_start3A_91] : memref<2x8x128xi32, #tpu.memory_space<vmem>> -> memref<1x1x128xi32, #tpu.memory_space<vmem>>
      %dma_start3A_93 = tpu.memref_squeeze %dma_start3A_92 : memref<1x1x128xi32, #tpu.memory_space<vmem>> -> memref<128xi32, #tpu.memory_space<vmem>>
      %dma_start3A_94 = arith.constant 0 : i32
      %dma_start3A_95 = arith.constant 0 : i32
      %dma_start3A_96 = tpu.memref_slice %arg2[%dma_start3A_94, %dma_start3A_95] : memref<10112x128xf32, #tpu.memory_space<hbm>> -> memref<10112x128xf32, #tpu.memory_space<hbm>>
      tpu.enqueue_indirect_dma source(%dma_start3A_96 : memref<10112x128xf32, #tpu.memory_space<hbm>>) target(%arg10 : memref<128x128xf32, #tpu.memory_space<vmem>>) offsets(%dma_start3A_93 : memref<128xi32, #tpu.memory_space<vmem>>) semaphore(%arg13 : memref<!tpu.dma_semaphore, #tpu.memory_space<semaphore_mem>>)
      %dma_wait3A_97 = arith.constant 2 : i32
      %dma_wait3A_98 = arith.constant 0 : i32
      %dma_wait3A_99 = tpu.memref_slice %arg7[%rem3A_17, %dma_wait3A_97, %dma_wait3A_98] : memref<2x8x128xi32, #tpu.memory_space<vmem>> -> memref<1x1x128xi32, #tpu.memory_space<vmem>>
      %dma_wait3A_100 = tpu.memref_squeeze %dma_wait3A_99 : memref<1x1x128xi32, #tpu.memory_space<vmem>> -> memref<128xi32, #tpu.memory_space<vmem>>
      %dma_wait3A_101 = arith.constant 0 : i32
      %dma_wait3A_102 = arith.constant 0 : i32
      %dma_wait3A_103 = tpu.memref_slice %arg2[%dma_wait3A_101, %dma_wait3A_102] : memref<10112x128xf32, #tpu.memory_space<hbm>> -> memref<10112x128xf32, #tpu.memory_space<hbm>>
      tpu.wait_indirect_dma semaphore(%arg12 : memref<!tpu.dma_semaphore, #tpu.memory_space<semaphore_mem>>) src(%dma_wait3A_103 : memref<10112x128xf32, #tpu.memory_space<hbm>>) dst(%arg9 : memref<128x128xf32, #tpu.memory_space<vmem>>)
      %dma_start3A_104 = arith.constant 2 : i32
      %dma_start3A_105 = arith.constant 0 : i32
      %dma_start3A_106 = tpu.memref_slice %arg8[%rem3A_17, %dma_start3A_104, %dma_start3A_105] : memref<2x8x128xi32, #tpu.memory_space<vmem>> -> memref<1x1x128xi32, #tpu.memory_space<vmem>>
      %dma_start3A_107 = tpu.memref_squeeze %dma_start3A_106 : memref<1x1x128xi32, #tpu.memory_space<vmem>> -> memref<128xi32, #tpu.memory_space<vmem>>
      %dma_start3A_108 = arith.constant 0 : i32
      %dma_start3A_109 = arith.constant 0 : i32
      %dma_start3A_110 = tpu.memref_slice %arg11[%dma_start3A_108, %dma_start3A_109] : memref<10112x128xf32, #tpu.memory_space<vmem_shared>> -> memref<10112x128xf32, #tpu.memory_space<vmem_shared>>
      tpu.enqueue_indirect_dma source(%arg9 : memref<128x128xf32, #tpu.memory_space<vmem>>) target(%dma_start3A_110 : memref<10112x128xf32, #tpu.memory_space<vmem_shared>>) offsets(%dma_start3A_107 : memref<128xi32, #tpu.memory_space<vmem>>) semaphore(%arg14 : memref<!tpu.dma_semaphore, #tpu.memory_space<semaphore_mem>>) {add = true}
      %dma_wait3A_111 = arith.constant 2 : i32
      %dma_wait3A_112 = arith.constant 0 : i32
      %dma_wait3A_113 = tpu.memref_slice %arg8[%rem3A_17, %dma_wait3A_111, %dma_wait3A_112] : memref<2x8x128xi32, #tpu.memory_space<vmem>> -> memref<1x1x128xi32, #tpu.memory_space<vmem>>
      %dma_wait3A_114 = tpu.memref_squeeze %dma_wait3A_113 : memref<1x1x128xi32, #tpu.memory_space<vmem>> -> memref<128xi32, #tpu.memory_space<vmem>>
      %dma_wait3A_115 = arith.constant 0 : i32
      %dma_wait3A_116 = arith.constant 0 : i32
      %dma_wait3A_117 = tpu.memref_slice %arg11[%dma_wait3A_115, %dma_wait3A_116] : memref<10112x128xf32, #tpu.memory_space<vmem_shared>> -> memref<10112x128xf32, #tpu.memory_space<vmem_shared>>
      tpu.wait_indirect_dma semaphore(%arg14 : memref<!tpu.dma_semaphore, #tpu.memory_space<semaphore_mem>>) src(%arg9 : memref<128x128xf32, #tpu.memory_space<vmem>>) dst(%dma_wait3A_117 : memref<10112x128xf32, #tpu.memory_space<vmem_shared>>)
      %dma_start3A_118 = arith.constant 4 : i32
      %dma_start3A_119 = arith.constant 0 : i32
      %dma_start3A_120 = tpu.memref_slice %arg7[%rem3A_17, %dma_start3A_118, %dma_start3A_119] : memref<2x8x128xi32, #tpu.memory_space<vmem>> -> memref<1x1x128xi32, #tpu.memory_space<vmem>>
      %dma_start3A_121 = tpu.memref_squeeze %dma_start3A_120 : memref<1x1x128xi32, #tpu.memory_space<vmem>> -> memref<128xi32, #tpu.memory_space<vmem>>
      %dma_start3A_122 = arith.constant 0 : i32
      %dma_start3A_123 = arith.constant 0 : i32
      %dma_start3A_124 = tpu.memref_slice %arg2[%dma_start3A_122, %dma_start3A_123] : memref<10112x128xf32, #tpu.memory_space<hbm>> -> memref<10112x128xf32, #tpu.memory_space<hbm>>
      tpu.enqueue_indirect_dma source(%dma_start3A_124 : memref<10112x128xf32, #tpu.memory_space<hbm>>) target(%arg9 : memref<128x128xf32, #tpu.memory_space<vmem>>) offsets(%dma_start3A_121 : memref<128xi32, #tpu.memory_space<vmem>>) semaphore(%arg12 : memref<!tpu.dma_semaphore, #tpu.memory_space<semaphore_mem>>)
      %dma_wait3A_125 = arith.constant 3 : i32
      %dma_wait3A_126 = arith.constant 0 : i32
      %dma_wait3A_127 = tpu.memref_slice %arg7[%rem3A_17, %dma_wait3A_125, %dma_wait3A_126] : memref<2x8x128xi32, #tpu.memory_space<vmem>> -> memref<1x1x128xi32, #tpu.memory_space<vmem>>
      %dma_wait3A_128 = tpu.memref_squeeze %dma_wait3A_127 : memref<1x1x128xi32, #tpu.memory_space<vmem>> -> memref<128xi32, #tpu.memory_space<vmem>>
      %dma_wait3A_129 = arith.constant 0 : i32
      %dma_wait3A_130 = arith.constant 0 : i32
      %dma_wait3A_131 = tpu.memref_slice %arg2[%dma_wait3A_129, %dma_wait3A_130] : memref<10112x128xf32, #tpu.memory_space<hbm>> -> memref<10112x128xf32, #tpu.memory_space<hbm>>
      tpu.wait_indirect_dma semaphore(%arg13 : memref<!tpu.dma_semaphore, #tpu.memory_space<semaphore_mem>>) src(%dma_wait3A_131 : memref<10112x128xf32, #tpu.memory_space<hbm>>) dst(%arg10 : memref<128x128xf32, #tpu.memory_space<vmem>>)
      %dma_start3A_132 = arith.constant 3 : i32
      %dma_start3A_133 = arith.constant 0 : i32
      %dma_start3A_134 = tpu.memref_slice %arg8[%rem3A_17, %dma_start3A_132, %dma_start3A_133] : memref<2x8x128xi32, #tpu.memory_space<vmem>> -> memref<1x1x128xi32, #tpu.memory_space<vmem>>
      %dma_start3A_135 = tpu.memref_squeeze %dma_start3A_134 : memref<1x1x128xi32, #tpu.memory_space<vmem>> -> memref<128xi32, #tpu.memory_space<vmem>>
      %dma_start3A_136 = arith.constant 0 : i32
      %dma_start3A_137 = arith.constant 0 : i32
      %dma_start3A_138 = tpu.memref_slice %arg11[%dma_start3A_136, %dma_start3A_137] : memref<10112x128xf32, #tpu.memory_space<vmem_shared>> -> memref<10112x128xf32, #tpu.memory_space<vmem_shared>>
      tpu.enqueue_indirect_dma source(%arg10 : memref<128x128xf32, #tpu.memory_space<vmem>>) target(%dma_start3A_138 : memref<10112x128xf32, #tpu.memory_space<vmem_shared>>) offsets(%dma_start3A_135 : memref<128xi32, #tpu.memory_space<vmem>>) semaphore(%arg15 : memref<!tpu.dma_semaphore, #tpu.memory_space<semaphore_mem>>) {add = true}
      %dma_wait3A_139 = arith.constant 3 : i32
      %dma_wait3A_140 = arith.constant 0 : i32
      %dma_wait3A_141 = tpu.memref_slice %arg8[%rem3A_17, %dma_wait3A_139, %dma_wait3A_140] : memref<2x8x128xi32, #tpu.memory_space<vmem>> -> memref<1x1x128xi32, #tpu.memory_space<vmem>>
      %dma_wait3A_142 = tpu.memref_squeeze %dma_wait3A_141 : memref<1x1x128xi32, #tpu.memory_space<vmem>> -> memref<128xi32, #tpu.memory_space<vmem>>
      %dma_wait3A_143 = arith.constant 0 : i32
      %dma_wait3A_144 = arith.constant 0 : i32
      %dma_wait3A_145 = tpu.memref_slice %arg11[%dma_wait3A_143, %dma_wait3A_144] : memref<10112x128xf32, #tpu.memory_space<vmem_shared>> -> memref<10112x128xf32, #tpu.memory_space<vmem_shared>>
      tpu.wait_indirect_dma semaphore(%arg15 : memref<!tpu.dma_semaphore, #tpu.memory_space<semaphore_mem>>) src(%arg10 : memref<128x128xf32, #tpu.memory_space<vmem>>) dst(%dma_wait3A_145 : memref<10112x128xf32, #tpu.memory_space<vmem_shared>>)
      %dma_start3A_146 = arith.constant 5 : i32
      %dma_start3A_147 = arith.constant 0 : i32
      %dma_start3A_148 = tpu.memref_slice %arg7[%rem3A_17, %dma_start3A_146, %dma_start3A_147] : memref<2x8x128xi32, #tpu.memory_space<vmem>> -> memref<1x1x128xi32, #tpu.memory_space<vmem>>
      %dma_start3A_149 = tpu.memref_squeeze %dma_start3A_148 : memref<1x1x128xi32, #tpu.memory_space<vmem>> -> memref<128xi32, #tpu.memory_space<vmem>>
      %dma_start3A_150 = arith.constant 0 : i32
      %dma_start3A_151 = arith.constant 0 : i32
      %dma_start3A_152 = tpu.memref_slice %arg2[%dma_start3A_150, %dma_start3A_151] : memref<10112x128xf32, #tpu.memory_space<hbm>> -> memref<10112x128xf32, #tpu.memory_space<hbm>>
      tpu.enqueue_indirect_dma source(%dma_start3A_152 : memref<10112x128xf32, #tpu.memory_space<hbm>>) target(%arg10 : memref<128x128xf32, #tpu.memory_space<vmem>>) offsets(%dma_start3A_149 : memref<128xi32, #tpu.memory_space<vmem>>) semaphore(%arg13 : memref<!tpu.dma_semaphore, #tpu.memory_space<semaphore_mem>>)
      %dma_wait3A_153 = arith.constant 4 : i32
      %dma_wait3A_154 = arith.constant 0 : i32
      %dma_wait3A_155 = tpu.memref_slice %arg7[%rem3A_17, %dma_wait3A_153, %dma_wait3A_154] : memref<2x8x128xi32, #tpu.memory_space<vmem>> -> memref<1x1x128xi32, #tpu.memory_space<vmem>>
      %dma_wait3A_156 = tpu.memref_squeeze %dma_wait3A_155 : memref<1x1x128xi32, #tpu.memory_space<vmem>> -> memref<128xi32, #tpu.memory_space<vmem>>
      %dma_wait3A_157 = arith.constant 0 : i32
      %dma_wait3A_158 = arith.constant 0 : i32
      %dma_wait3A_159 = tpu.memref_slice %arg2[%dma_wait3A_157, %dma_wait3A_158] : memref<10112x128xf32, #tpu.memory_space<hbm>> -> memref<10112x128xf32, #tpu.memory_space<hbm>>
      tpu.wait_indirect_dma semaphore(%arg12 : memref<!tpu.dma_semaphore, #tpu.memory_space<semaphore_mem>>) src(%dma_wait3A_159 : memref<10112x128xf32, #tpu.memory_space<hbm>>) dst(%arg9 : memref<128x128xf32, #tpu.memory_space<vmem>>)
      %dma_start3A_160 = arith.constant 4 : i32
      %dma_start3A_161 = arith.constant 0 : i32
      %dma_start3A_162 = tpu.memref_slice %arg8[%rem3A_17, %dma_start3A_160, %dma_start3A_161] : memref<2x8x128xi32, #tpu.memory_space<vmem>> -> memref<1x1x128xi32, #tpu.memory_space<vmem>>
      %dma_start3A_163 = tpu.memref_squeeze %dma_start3A_162 : memref<1x1x128xi32, #tpu.memory_space<vmem>> -> memref<128xi32, #tpu.memory_space<vmem>>
      %dma_start3A_164 = arith.constant 0 : i32
      %dma_start3A_165 = arith.constant 0 : i32
      %dma_start3A_166 = tpu.memref_slice %arg11[%dma_start3A_164, %dma_start3A_165] : memref<10112x128xf32, #tpu.memory_space<vmem_shared>> -> memref<10112x128xf32, #tpu.memory_space<vmem_shared>>
      tpu.enqueue_indirect_dma source(%arg9 : memref<128x128xf32, #tpu.memory_space<vmem>>) target(%dma_start3A_166 : memref<10112x128xf32, #tpu.memory_space<vmem_shared>>) offsets(%dma_start3A_163 : memref<128xi32, #tpu.memory_space<vmem>>) semaphore(%arg14 : memref<!tpu.dma_semaphore, #tpu.memory_space<semaphore_mem>>) {add = true}
      %dma_wait3A_167 = arith.constant 4 : i32
      %dma_wait3A_168 = arith.constant 0 : i32
      %dma_wait3A_169 = tpu.memref_slice %arg8[%rem3A_17, %dma_wait3A_167, %dma_wait3A_168] : memref<2x8x128xi32, #tpu.memory_space<vmem>> -> memref<1x1x128xi32, #tpu.memory_space<vmem>>
      %dma_wait3A_170 = tpu.memref_squeeze %dma_wait3A_169 : memref<1x1x128xi32, #tpu.memory_space<vmem>> -> memref<128xi32, #tpu.memory_space<vmem>>
      %dma_wait3A_171 = arith.constant 0 : i32
      %dma_wait3A_172 = arith.constant 0 : i32
      %dma_wait3A_173 = tpu.memref_slice %arg11[%dma_wait3A_171, %dma_wait3A_172] : memref<10112x128xf32, #tpu.memory_space<vmem_shared>> -> memref<10112x128xf32, #tpu.memory_space<vmem_shared>>
      tpu.wait_indirect_dma semaphore(%arg14 : memref<!tpu.dma_semaphore, #tpu.memory_space<semaphore_mem>>) src(%arg9 : memref<128x128xf32, #tpu.memory_space<vmem>>) dst(%dma_wait3A_173 : memref<10112x128xf32, #tpu.memory_space<vmem_shared>>)
      %dma_start3A_174 = arith.constant 6 : i32
      %dma_start3A_175 = arith.constant 0 : i32
      %dma_start3A_176 = tpu.memref_slice %arg7[%rem3A_17, %dma_start3A_174, %dma_start3A_175] : memref<2x8x128xi32, #tpu.memory_space<vmem>> -> memref<1x1x128xi32, #tpu.memory_space<vmem>>
      %dma_start3A_177 = tpu.memref_squeeze %dma_start3A_176 : memref<1x1x128xi32, #tpu.memory_space<vmem>> -> memref<128xi32, #tpu.memory_space<vmem>>
      %dma_start3A_178 = arith.constant 0 : i32
      %dma_start3A_179 = arith.constant 0 : i32
      %dma_start3A_180 = tpu.memref_slice %arg2[%dma_start3A_178, %dma_start3A_179] : memref<10112x128xf32, #tpu.memory_space<hbm>> -> memref<10112x128xf32, #tpu.memory_space<hbm>>
      tpu.enqueue_indirect_dma source(%dma_start3A_180 : memref<10112x128xf32, #tpu.memory_space<hbm>>) target(%arg9 : memref<128x128xf32, #tpu.memory_space<vmem>>) offsets(%dma_start3A_177 : memref<128xi32, #tpu.memory_space<vmem>>) semaphore(%arg12 : memref<!tpu.dma_semaphore, #tpu.memory_space<semaphore_mem>>)
      %dma_wait3A_181 = arith.constant 5 : i32
      %dma_wait3A_182 = arith.constant 0 : i32
      %dma_wait3A_183 = tpu.memref_slice %arg7[%rem3A_17, %dma_wait3A_181, %dma_wait3A_182] : memref<2x8x128xi32, #tpu.memory_space<vmem>> -> memref<1x1x128xi32, #tpu.memory_space<vmem>>
      %dma_wait3A_184 = tpu.memref_squeeze %dma_wait3A_183 : memref<1x1x128xi32, #tpu.memory_space<vmem>> -> memref<128xi32, #tpu.memory_space<vmem>>
      %dma_wait3A_185 = arith.constant 0 : i32
      %dma_wait3A_186 = arith.constant 0 : i32
      %dma_wait3A_187 = tpu.memref_slice %arg2[%dma_wait3A_185, %dma_wait3A_186] : memref<10112x128xf32, #tpu.memory_space<hbm>> -> memref<10112x128xf32, #tpu.memory_space<hbm>>
      tpu.wait_indirect_dma semaphore(%arg13 : memref<!tpu.dma_semaphore, #tpu.memory_space<semaphore_mem>>) src(%dma_wait3A_187 : memref<10112x128xf32, #tpu.memory_space<hbm>>) dst(%arg10 : memref<128x128xf32, #tpu.memory_space<vmem>>)
      %dma_start3A_188 = arith.constant 5 : i32
      %dma_start3A_189 = arith.constant 0 : i32
      %dma_start3A_190 = tpu.memref_slice %arg8[%rem3A_17, %dma_start3A_188, %dma_start3A_189] : memref<2x8x128xi32, #tpu.memory_space<vmem>> -> memref<1x1x128xi32, #tpu.memory_space<vmem>>
      %dma_start3A_191 = tpu.memref_squeeze %dma_start3A_190 : memref<1x1x128xi32, #tpu.memory_space<vmem>> -> memref<128xi32, #tpu.memory_space<vmem>>
      %dma_start3A_192 = arith.constant 0 : i32
      %dma_start3A_193 = arith.constant 0 : i32
      %dma_start3A_194 = tpu.memref_slice %arg11[%dma_start3A_192, %dma_start3A_193] : memref<10112x128xf32, #tpu.memory_space<vmem_shared>> -> memref<10112x128xf32, #tpu.memory_space<vmem_shared>>
      tpu.enqueue_indirect_dma source(%arg10 : memref<128x128xf32, #tpu.memory_space<vmem>>) target(%dma_start3A_194 : memref<10112x128xf32, #tpu.memory_space<vmem_shared>>) offsets(%dma_start3A_191 : memref<128xi32, #tpu.memory_space<vmem>>) semaphore(%arg15 : memref<!tpu.dma_semaphore, #tpu.memory_space<semaphore_mem>>) {add = true}
      %dma_wait3A_195 = arith.constant 5 : i32
      %dma_wait3A_196 = arith.constant 0 : i32
      %dma_wait3A_197 = tpu.memref_slice %arg8[%rem3A_17, %dma_wait3A_195, %dma_wait3A_196] : memref<2x8x128xi32, #tpu.memory_space<vmem>> -> memref<1x1x128xi32, #tpu.memory_space<vmem>>
      %dma_wait3A_198 = tpu.memref_squeeze %dma_wait3A_197 : memref<1x1x128xi32, #tpu.memory_space<vmem>> -> memref<128xi32, #tpu.memory_space<vmem>>
      %dma_wait3A_199 = arith.constant 0 : i32
      %dma_wait3A_200 = arith.constant 0 : i32
      %dma_wait3A_201 = tpu.memref_slice %arg11[%dma_wait3A_199, %dma_wait3A_200] : memref<10112x128xf32, #tpu.memory_space<vmem_shared>> -> memref<10112x128xf32, #tpu.memory_space<vmem_shared>>
      tpu.wait_indirect_dma semaphore(%arg15 : memref<!tpu.dma_semaphore, #tpu.memory_space<semaphore_mem>>) src(%arg10 : memref<128x128xf32, #tpu.memory_space<vmem>>) dst(%dma_wait3A_201 : memref<10112x128xf32, #tpu.memory_space<vmem_shared>>)
      %dma_start3A_202 = arith.constant 7 : i32
      %dma_start3A_203 = arith.constant 0 : i32
      %dma_start3A_204 = tpu.memref_slice %arg7[%rem3A_17, %dma_start3A_202, %dma_start3A_203] : memref<2x8x128xi32, #tpu.memory_space<vmem>> -> memref<1x1x128xi32, #tpu.memory_space<vmem>>
      %dma_start3A_205 = tpu.memref_squeeze %dma_start3A_204 : memref<1x1x128xi32, #tpu.memory_space<vmem>> -> memref<128xi32, #tpu.memory_space<vmem>>
      %dma_start3A_206 = arith.constant 0 : i32
      %dma_start3A_207 = arith.constant 0 : i32
      %dma_start3A_208 = tpu.memref_slice %arg2[%dma_start3A_206, %dma_start3A_207] : memref<10112x128xf32, #tpu.memory_space<hbm>> -> memref<10112x128xf32, #tpu.memory_space<hbm>>
      tpu.enqueue_indirect_dma source(%dma_start3A_208 : memref<10112x128xf32, #tpu.memory_space<hbm>>) target(%arg10 : memref<128x128xf32, #tpu.memory_space<vmem>>) offsets(%dma_start3A_205 : memref<128xi32, #tpu.memory_space<vmem>>) semaphore(%arg13 : memref<!tpu.dma_semaphore, #tpu.memory_space<semaphore_mem>>)
      %dma_wait3A_209 = arith.constant 6 : i32
      %dma_wait3A_210 = arith.constant 0 : i32
      %dma_wait3A_211 = tpu.memref_slice %arg7[%rem3A_17, %dma_wait3A_209, %dma_wait3A_210] : memref<2x8x128xi32, #tpu.memory_space<vmem>> -> memref<1x1x128xi32, #tpu.memory_space<vmem>>
      %dma_wait3A_212 = tpu.memref_squeeze %dma_wait3A_211 : memref<1x1x128xi32, #tpu.memory_space<vmem>> -> memref<128xi32, #tpu.memory_space<vmem>>
      %dma_wait3A_213 = arith.constant 0 : i32
      %dma_wait3A_214 = arith.constant 0 : i32
      %dma_wait3A_215 = tpu.memref_slice %arg2[%dma_wait3A_213, %dma_wait3A_214] : memref<10112x128xf32, #tpu.memory_space<hbm>> -> memref<10112x128xf32, #tpu.memory_space<hbm>>
      tpu.wait_indirect_dma semaphore(%arg12 : memref<!tpu.dma_semaphore, #tpu.memory_space<semaphore_mem>>) src(%dma_wait3A_215 : memref<10112x128xf32, #tpu.memory_space<hbm>>) dst(%arg9 : memref<128x128xf32, #tpu.memory_space<vmem>>)
      %dma_start3A_216 = arith.constant 6 : i32
      %dma_start3A_217 = arith.constant 0 : i32
      %dma_start3A_218 = tpu.memref_slice %arg8[%rem3A_17, %dma_start3A_216, %dma_start3A_217] : memref<2x8x128xi32, #tpu.memory_space<vmem>> -> memref<1x1x128xi32, #tpu.memory_space<vmem>>
      %dma_start3A_219 = tpu.memref_squeeze %dma_start3A_218 : memref<1x1x128xi32, #tpu.memory_space<vmem>> -> memref<128xi32, #tpu.memory_space<vmem>>
      %dma_start3A_220 = arith.constant 0 : i32
      %dma_start3A_221 = arith.constant 0 : i32
      %dma_start3A_222 = tpu.memref_slice %arg11[%dma_start3A_220, %dma_start3A_221] : memref<10112x128xf32, #tpu.memory_space<vmem_shared>> -> memref<10112x128xf32, #tpu.memory_space<vmem_shared>>
      tpu.enqueue_indirect_dma source(%arg9 : memref<128x128xf32, #tpu.memory_space<vmem>>) target(%dma_start3A_222 : memref<10112x128xf32, #tpu.memory_space<vmem_shared>>) offsets(%dma_start3A_219 : memref<128xi32, #tpu.memory_space<vmem>>) semaphore(%arg14 : memref<!tpu.dma_semaphore, #tpu.memory_space<semaphore_mem>>) {add = true}
      %dma_wait3A_223 = arith.constant 7 : i32
      %dma_wait3A_224 = arith.constant 0 : i32
      %dma_wait3A_225 = tpu.memref_slice %arg7[%rem3A_17, %dma_wait3A_223, %dma_wait3A_224] : memref<2x8x128xi32, #tpu.memory_space<vmem>> -> memref<1x1x128xi32, #tpu.memory_space<vmem>>
      %dma_wait3A_226 = tpu.memref_squeeze %dma_wait3A_225 : memref<1x1x128xi32, #tpu.memory_space<vmem>> -> memref<128xi32, #tpu.memory_space<vmem>>
      %dma_wait3A_227 = arith.constant 0 : i32
      %dma_wait3A_228 = arith.constant 0 : i32
      %dma_wait3A_229 = tpu.memref_slice %arg2[%dma_wait3A_227, %dma_wait3A_228] : memref<10112x128xf32, #tpu.memory_space<hbm>> -> memref<10112x128xf32, #tpu.memory_space<hbm>>
      tpu.wait_indirect_dma semaphore(%arg13 : memref<!tpu.dma_semaphore, #tpu.memory_space<semaphore_mem>>) src(%dma_wait3A_229 : memref<10112x128xf32, #tpu.memory_space<hbm>>) dst(%arg10 : memref<128x128xf32, #tpu.memory_space<vmem>>)
      %dma_start3A_230 = arith.constant 7 : i32
      %dma_start3A_231 = arith.constant 0 : i32
      %dma_start3A_232 = tpu.memref_slice %arg8[%rem3A_17, %dma_start3A_230, %dma_start3A_231] : memref<2x8x128xi32, #tpu.memory_space<vmem>> -> memref<1x1x128xi32, #tpu.memory_space<vmem>>
      %dma_start3A_233 = tpu.memref_squeeze %dma_start3A_232 : memref<1x1x128xi32, #tpu.memory_space<vmem>> -> memref<128xi32, #tpu.memory_space<vmem>>
      %dma_start3A_234 = arith.constant 0 : i32
      %dma_start3A_235 = arith.constant 0 : i32
      %dma_start3A_236 = tpu.memref_slice %arg11[%dma_start3A_234, %dma_start3A_235] : memref<10112x128xf32, #tpu.memory_space<vmem_shared>> -> memref<10112x128xf32, #tpu.memory_space<vmem_shared>>
      tpu.enqueue_indirect_dma source(%arg10 : memref<128x128xf32, #tpu.memory_space<vmem>>) target(%dma_start3A_236 : memref<10112x128xf32, #tpu.memory_space<vmem_shared>>) offsets(%dma_start3A_233 : memref<128xi32, #tpu.memory_space<vmem>>) semaphore(%arg15 : memref<!tpu.dma_semaphore, #tpu.memory_space<semaphore_mem>>) {add = true}
      %dma_wait3A_237 = arith.constant 6 : i32
      %dma_wait3A_238 = arith.constant 0 : i32
      %dma_wait3A_239 = tpu.memref_slice %arg8[%rem3A_17, %dma_wait3A_237, %dma_wait3A_238] : memref<2x8x128xi32, #tpu.memory_space<vmem>> -> memref<1x1x128xi32, #tpu.memory_space<vmem>>
      %dma_wait3A_240 = tpu.memref_squeeze %dma_wait3A_239 : memref<1x1x128xi32, #tpu.memory_space<vmem>> -> memref<128xi32, #tpu.memory_space<vmem>>
      %dma_wait3A_241 = arith.constant 0 : i32
      %dma_wait3A_242 = arith.constant 0 : i32
      %dma_wait3A_243 = tpu.memref_slice %arg11[%dma_wait3A_241, %dma_wait3A_242] : memref<10112x128xf32, #tpu.memory_space<vmem_shared>> -> memref<10112x128xf32, #tpu.memory_space<vmem_shared>>
      tpu.wait_indirect_dma semaphore(%arg14 : memref<!tpu.dma_semaphore, #tpu.memory_space<semaphore_mem>>) src(%arg9 : memref<128x128xf32, #tpu.memory_space<vmem>>) dst(%dma_wait3A_243 : memref<10112x128xf32, #tpu.memory_space<vmem_shared>>)
      %dma_wait3A_244 = arith.constant 7 : i32
      %dma_wait3A_245 = arith.constant 0 : i32
      %dma_wait3A_246 = tpu.memref_slice %arg8[%rem3A_17, %dma_wait3A_244, %dma_wait3A_245] : memref<2x8x128xi32, #tpu.memory_space<vmem>> -> memref<1x1x128xi32, #tpu.memory_space<vmem>>
      %dma_wait3A_247 = tpu.memref_squeeze %dma_wait3A_246 : memref<1x1x128xi32, #tpu.memory_space<vmem>> -> memref<128xi32, #tpu.memory_space<vmem>>
      %dma_wait3A_248 = arith.constant 0 : i32
      %dma_wait3A_249 = arith.constant 0 : i32
      %dma_wait3A_250 = tpu.memref_slice %arg11[%dma_wait3A_248, %dma_wait3A_249] : memref<10112x128xf32, #tpu.memory_space<vmem_shared>> -> memref<10112x128xf32, #tpu.memory_space<vmem_shared>>
      tpu.wait_indirect_dma semaphore(%arg15 : memref<!tpu.dma_semaphore, #tpu.memory_space<semaphore_mem>>) src(%arg10 : memref<128x128xf32, #tpu.memory_space<vmem>>) dst(%dma_wait3A_250 : memref<10112x128xf32, #tpu.memory_space<vmem_shared>>)
    }
    %scan3A_10 = arith.constant 21 : i32
    %barrier3A_11 = arith.constant 0 : index
    tpu.barrier barrier_id(%barrier3A_11)
    %mul3A_12 = arith.constant 632 : i32
    %mul3A_13 = arith.muli %arg1, %mul3A_12 : i32
    %mul3A_14 = arith.constant 632 : i32
    %mul3A_15 = arith.muli %arg1, %mul3A_14 : i32
    "tpu.region"() ({
      %run_scoped3A_16 = tpu.sem_alloc : memref<!tpu.dma_semaphore, #tpu.memory_space<semaphore_mem>>
      %dma_start3A = arith.constant 0 : i32
      %dma_start3A_17 = tpu.memref_slice %arg6[%mul3A_15, %dma_start3A] : memref<10112x128xf32, #tpu.memory_space<hbm>> -> memref<632x128xf32, #tpu.memory_space<hbm>>
      %dma_start3A_18 = arith.constant 0 : i32
      %dma_start3A_19 = tpu.memref_slice %arg11[%mul3A_13, %dma_start3A_18] : memref<10112x128xf32, #tpu.memory_space<vmem_shared>> -> memref<632x128xf32, #tpu.memory_space<vmem_shared>>
      tpu.enqueue_dma source(%dma_start3A_19 : memref<632x128xf32, #tpu.memory_space<vmem_shared>>) target(%dma_start3A_17 : memref<632x128xf32, #tpu.memory_space<hbm>>) target_semaphore(%run_scoped3A_16 : memref<!tpu.dma_semaphore, #tpu.memory_space<semaphore_mem>>)
      %dma_wait3A = arith.constant 0 : i32
      %dma_wait3A_20 = tpu.memref_slice %arg6[%mul3A_15, %dma_wait3A] : memref<10112x128xf32, #tpu.memory_space<hbm>> -> memref<632x128xf32, #tpu.memory_space<hbm>>
      %dma_wait3A_21 = arith.constant 0 : i32
      %dma_wait3A_22 = tpu.memref_slice %arg11[%mul3A_13, %dma_wait3A_21] : memref<10112x128xf32, #tpu.memory_space<vmem_shared>> -> memref<632x128xf32, #tpu.memory_space<vmem_shared>>
      tpu.wait_dma2 semaphore(%run_scoped3A_16 : memref<!tpu.dma_semaphore, #tpu.memory_space<semaphore_mem>>) src(%dma_wait3A_22 : memref<632x128xf32, #tpu.memory_space<vmem_shared>>) dst(%dma_wait3A_20 : memref<632x128xf32, #tpu.memory_space<hbm>>)
      tpu.yield
    }) : () -> ()
    return
  }
}

#map = affine_map<(d0, d1) -> (0, 0, 0, 0)>
#map1 = affine_map<(d0, d1) -> (0, 0)>
module attributes {stable_mosaic.version = 14 : i64} {
  func.func @body(%arg0: i32, %arg1: i32, %arg2: memref<16x21x8x128xi32, #tpu.memory_space<hbm>>, %arg3: memref<10112x128xf32, #tpu.memory_space<hbm>>, %arg4: memref<10112x128xf32, #tpu.memory_space<hbm>>, %arg5: memref<2x8x128xi32, #tpu.memory_space<vmem>>, %arg6: memref<2x8x128xi32, #tpu.memory_space<vmem>>, %arg7: memref<128x128xf32, #tpu.memory_space<vmem>>, %arg8: memref<128x128xf32, #tpu.memory_space<vmem>>, %arg9: memref<10112x128xf32, #tpu.memory_space<vmem_shared>>, %arg10: memref<!tpu.dma_semaphore, #tpu.memory_space<semaphore_mem>>, %arg11: memref<!tpu.dma_semaphore, #tpu.memory_space<semaphore_mem>>, %arg12: memref<!tpu.dma_semaphore, #tpu.memory_space<semaphore_mem>>, %arg13: memref<!tpu.dma_semaphore, #tpu.memory_space<semaphore_mem>>, %arg14: memref<!tpu.dma_semaphore, #tpu.memory_space<semaphore_mem>>, %arg15: memref<!tpu.dma_semaphore, #tpu.memory_space<semaphore_mem>>) attributes {dimension_semantics = [#tpu.dimension_semantics<core_parallel>, #tpu.dimension_semantics<subcore_parallel>], iteration_bounds = array<i64: 1, 16>, scalar_prefetch = 0 : i64, scratch_operands = 11 : i64, tpu.core_type = #tpu.core_type<sc_vector_subcore>, window_params = [{transform_indices = #map}, {transform_indices = #map1}, {transform_indices = #map1}]} {
    %broadcast_in_dim3A = arith.constant 1.000000e+00 : f32
    %broadcast_in_dim3A_0 = vector.broadcast %broadcast_in_dim3A : f32 to vector<16xf32>
    %scan3A = arith.constant 0 : i32
    %scan3A_1 = arith.constant 0 : i32
    %scan3A_2 = arith.constant 128 : i32
    %scan3A_3 = arith.addi %scan3A_1, %scan3A_2 : i32
    %scan3A_4 = arith.constant 1 : i32
    scf.for %scan3A_21 = %scan3A_1 to %scan3A_3 step %scan3A_4  : i32 {
      %swap3A = arith.index_cast %scan3A_21 : i32 to index
      %swap3A_22 = arith.constant 0 : index
      %swap3A_23 = tpu.vector_load %arg7[%swap3A, %swap3A_22] {strides = array<i32>} : memref<128x128xf32, #tpu.memory_space<vmem>>, vector<1x16xf32>,
      %swap3A_24 = vector.shape_cast %swap3A_23 : vector<1x16xf32> to vector<16xf32>
      %swap3A_25 = vector.shape_cast %broadcast_in_dim3A_0 : vector<16xf32> to vector<1x16xf32>
      tpu.vector_store %arg7[%swap3A, %swap3A_22], %swap3A_25 {strides = array<i32>} : memref<128x128xf32, #tpu.memory_space<vmem>>, vector<1x16xf32>,
      %swap3A_26 = arith.index_cast %scan3A_21 : i32 to index
      %swap3A_27 = arith.constant 16 : index
      %swap3A_28 = tpu.vector_load %arg7[%swap3A_26, %swap3A_27] {strides = array<i32>} : memref<128x128xf32, #tpu.memory_space<vmem>>, vector<1x16xf32>,
      %swap3A_29 = vector.shape_cast %swap3A_28 : vector<1x16xf32> to vector<16xf32>
      %swap3A_30 = vector.shape_cast %broadcast_in_dim3A_0 : vector<16xf32> to vector<1x16xf32>
      tpu.vector_store %arg7[%swap3A_26, %swap3A_27], %swap3A_30 {strides = array<i32>} : memref<128x128xf32, #tpu.memory_space<vmem>>, vector<1x16xf32>,
      %swap3A_31 = arith.index_cast %scan3A_21 : i32 to index
      %swap3A_32 = arith.constant 32 : index
      %swap3A_33 = tpu.vector_load %arg7[%swap3A_31, %swap3A_32] {strides = array<i32>} : memref<128x128xf32, #tpu.memory_space<vmem>>, vector<1x16xf32>,
      %swap3A_34 = vector.shape_cast %swap3A_33 : vector<1x16xf32> to vector<16xf32>
      %swap3A_35 = vector.shape_cast %broadcast_in_dim3A_0 : vector<16xf32> to vector<1x16xf32>
      tpu.vector_store %arg7[%swap3A_31, %swap3A_32], %swap3A_35 {strides = array<i32>} : memref<128x128xf32, #tpu.memory_space<vmem>>, vector<1x16xf32>,
      %swap3A_36 = arith.index_cast %scan3A_21 : i32 to index
      %swap3A_37 = arith.constant 48 : index
      %swap3A_38 = tpu.vector_load %arg7[%swap3A_36, %swap3A_37] {strides = array<i32>} : memref<128x128xf32, #tpu.memory_space<vmem>>, vector<1x16xf32>,
      %swap3A_39 = vector.shape_cast %swap3A_38 : vector<1x16xf32> to vector<16xf32>
      %swap3A_40 = vector.shape_cast %broadcast_in_dim3A_0 : vector<16xf32> to vector<1x16xf32>
      tpu.vector_store %arg7[%swap3A_36, %swap3A_37], %swap3A_40 {strides = array<i32>} : memref<128x128xf32, #tpu.memory_space<vmem>>, vector<1x16xf32>,
      %swap3A_41 = arith.index_cast %scan3A_21 : i32 to index
      %swap3A_42 = arith.constant 64 : index
      %swap3A_43 = tpu.vector_load %arg7[%swap3A_41, %swap3A_42] {strides = array<i32>} : memref<128x128xf32, #tpu.memory_space<vmem>>, vector<1x16xf32>,
      %swap3A_44 = vector.shape_cast %swap3A_43 : vector<1x16xf32> to vector<16xf32>
      %swap3A_45 = vector.shape_cast %broadcast_in_dim3A_0 : vector<16xf32> to vector<1x16xf32>
      tpu.vector_store %arg7[%swap3A_41, %swap3A_42], %swap3A_45 {strides = array<i32>} : memref<128x128xf32, #tpu.memory_space<vmem>>, vector<1x16xf32>,
      %swap3A_46 = arith.index_cast %scan3A_21 : i32 to index
      %swap3A_47 = arith.constant 80 : index
      %swap3A_48 = tpu.vector_load %arg7[%swap3A_46, %swap3A_47] {strides = array<i32>} : memref<128x128xf32, #tpu.memory_space<vmem>>, vector<1x16xf32>,
      %swap3A_49 = vector.shape_cast %swap3A_48 : vector<1x16xf32> to vector<16xf32>
      %swap3A_50 = vector.shape_cast %broadcast_in_dim3A_0 : vector<16xf32> to vector<1x16xf32>
      tpu.vector_store %arg7[%swap3A_46, %swap3A_47], %swap3A_50 {strides = array<i32>} : memref<128x128xf32, #tpu.memory_space<vmem>>, vector<1x16xf32>,
      %swap3A_51 = arith.index_cast %scan3A_21 : i32 to index
      %swap3A_52 = arith.constant 96 : index
      %swap3A_53 = tpu.vector_load %arg7[%swap3A_51, %swap3A_52] {strides = array<i32>} : memref<128x128xf32, #tpu.memory_space<vmem>>, vector<1x16xf32>,
      %swap3A_54 = vector.shape_cast %swap3A_53 : vector<1x16xf32> to vector<16xf32>
      %swap3A_55 = vector.shape_cast %broadcast_in_dim3A_0 : vector<16xf32> to vector<1x16xf32>
      tpu.vector_store %arg7[%swap3A_51, %swap3A_52], %swap3A_55 {strides = array<i32>} : memref<128x128xf32, #tpu.memory_space<vmem>>, vector<1x16xf32>,
      %swap3A_56 = arith.index_cast %scan3A_21 : i32 to index
      %swap3A_57 = arith.constant 112 : index
      %swap3A_58 = tpu.vector_load %arg7[%swap3A_56, %swap3A_57] {strides = array<i32>} : memref<128x128xf32, #tpu.memory_space<vmem>>, vector<1x16xf32>,
      %swap3A_59 = vector.shape_cast %swap3A_58 : vector<1x16xf32> to vector<16xf32>
      %swap3A_60 = vector.shape_cast %broadcast_in_dim3A_0 : vector<16xf32> to vector<1x16xf32>
      tpu.vector_store %arg7[%swap3A_56, %swap3A_57], %swap3A_60 {strides = array<i32>} : memref<128x128xf32, #tpu.memory_space<vmem>>, vector<1x16xf32>,
    }
    %scan3A_5 = arith.constant 128 : i32
    %mul3A = arith.constant 632 : i32
    %mul3A_6 = arith.muli %arg1, %mul3A : i32
    %mul3A_7 = arith.constant 632 : i32
    %mul3A_8 = arith.muli %arg1, %mul3A_7 : i32
    "tpu.region"() ({
      %run_scoped3A_21 = tpu.sem_alloc : memref<!tpu.dma_semaphore, #tpu.memory_space<semaphore_mem>>
      %dma_start3A = arith.constant 0 : i32
      %dma_start3A_22 = tpu.memref_slice %arg9[%mul3A_8, %dma_start3A] : memref<10112x128xf32, #tpu.memory_space<vmem_shared>> -> memref<632x128xf32, #tpu.memory_space<vmem_shared>>
      %dma_start3A_23 = arith.constant 0 : i32
      %dma_start3A_24 = tpu.memref_slice %arg3[%mul3A_6, %dma_start3A_23] : memref<10112x128xf32, #tpu.memory_space<hbm>> -> memref<632x128xf32, #tpu.memory_space<hbm>>
      tpu.enqueue_dma source(%dma_start3A_24 : memref<632x128xf32, #tpu.memory_space<hbm>>) target(%dma_start3A_22 : memref<632x128xf32, #tpu.memory_space<vmem_shared>>) target_semaphore(%run_scoped3A_21 : memref<!tpu.dma_semaphore, #tpu.memory_space<semaphore_mem>>)
      %dma_wait3A = arith.constant 0 : i32
      %dma_wait3A_25 = tpu.memref_slice %arg9[%mul3A_8, %dma_wait3A] : memref<10112x128xf32, #tpu.memory_space<vmem_shared>> -> memref<632x128xf32, #tpu.memory_space<vmem_shared>>
      %dma_wait3A_26 = arith.constant 0 : i32
      %dma_wait3A_27 = tpu.memref_slice %arg3[%mul3A_6, %dma_wait3A_26] : memref<10112x128xf32, #tpu.memory_space<hbm>> -> memref<632x128xf32, #tpu.memory_space<hbm>>
      tpu.wait_dma2 semaphore(%run_scoped3A_21 : memref<!tpu.dma_semaphore, #tpu.memory_space<semaphore_mem>>) src(%dma_wait3A_27 : memref<632x128xf32, #tpu.memory_space<hbm>>) dst(%dma_wait3A_25 : memref<632x128xf32, #tpu.memory_space<vmem_shared>>)
      tpu.yield
    }) : () -> ()
    %run_scoped3A = arith.constant 0 : i32
    %run_scoped3A_9 = arith.constant 0 : i32
    "tpu.region"() ({
      %run_scoped3A_21 = tpu.sem_alloc : memref<!tpu.dma_semaphore, #tpu.memory_space<semaphore_mem>>
      %dma_start3A = arith.constant 0 : i32
      %dma_start3A_22 = arith.constant 0 : i32
      %dma_start3A_23 = tpu.memref_slice %arg6[%run_scoped3A_9, %dma_start3A, %dma_start3A_22] : memref<2x8x128xi32, #tpu.memory_space<vmem>> -> memref<1x8x128xi32, #tpu.memory_space<vmem>>
      %dma_start3A_24 = tpu.memref_squeeze %dma_start3A_23 : memref<1x8x128xi32, #tpu.memory_space<vmem>> -> memref<8x128xi32, #tpu.memory_space<vmem>>
      %dma_start3A_25 = arith.constant 0 : i32
      %dma_start3A_26 = arith.constant 0 : i32
      %dma_start3A_27 = tpu.memref_slice %arg2[%arg1, %run_scoped3A, %dma_start3A_25, %dma_start3A_26] : memref<16x21x8x128xi32, #tpu.memory_space<hbm>> -> memref<1x1x8x128xi32, #tpu.memory_space<hbm>>
      %dma_start3A_28 = tpu.memref_squeeze %dma_start3A_27 : memref<1x1x8x128xi32, #tpu.memory_space<hbm>> -> memref<8x128xi32, #tpu.memory_space<hbm>>
      %dma_start3A_29 = arith.constant 0 : i32
      %dma_start3A_30 = arith.constant 0 : i32
      %dma_start3A_31 = tpu.memref_slice %arg6[%run_scoped3A_9, %dma_start3A_29, %dma_start3A_30] : memref<2x8x128xi32, #tpu.memory_space<vmem>> -> memref<1x8x128xi32, #tpu.memory_space<vmem>>
      %dma_start3A_32 = tpu.memref_squeeze %dma_start3A_31 : memref<1x8x128xi32, #tpu.memory_space<vmem>> -> memref<8x128xi32, #tpu.memory_space<vmem>>
      %dma_start3A_33 = arith.constant 0 : i32
      %dma_start3A_34 = arith.constant 0 : i32
      %dma_start3A_35 = tpu.memref_slice %arg2[%arg1, %run_scoped3A, %dma_start3A_33, %dma_start3A_34] : memref<16x21x8x128xi32, #tpu.memory_space<hbm>> -> memref<1x1x8x128xi32, #tpu.memory_space<hbm>>
      %dma_start3A_36 = tpu.memref_squeeze %dma_start3A_35 : memref<1x1x8x128xi32, #tpu.memory_space<hbm>> -> memref<8x128xi32, #tpu.memory_space<hbm>>
      tpu.enqueue_dma source(%dma_start3A_36 : memref<8x128xi32, #tpu.memory_space<hbm>>) target(%dma_start3A_32 : memref<8x128xi32, #tpu.memory_space<vmem>>) target_semaphore(%run_scoped3A_21 : memref<!tpu.dma_semaphore, #tpu.memory_space<semaphore_mem>>)
      %dma_wait3A = arith.constant 0 : i32
      %dma_wait3A_37 = arith.constant 0 : i32
      %dma_wait3A_38 = tpu.memref_slice %arg6[%run_scoped3A_9, %dma_wait3A, %dma_wait3A_37] : memref<2x8x128xi32, #tpu.memory_space<vmem>> -> memref<1x8x128xi32, #tpu.memory_space<vmem>>
      %dma_wait3A_39 = tpu.memref_squeeze %dma_wait3A_38 : memref<1x8x128xi32, #tpu.memory_space<vmem>> -> memref<8x128xi32, #tpu.memory_space<vmem>>
      %dma_wait3A_40 = arith.constant 0 : i32
      %dma_wait3A_41 = arith.constant 0 : i32
      %dma_wait3A_42 = tpu.memref_slice %arg2[%arg1, %run_scoped3A, %dma_wait3A_40, %dma_wait3A_41] : memref<16x21x8x128xi32, #tpu.memory_space<hbm>> -> memref<1x1x8x128xi32, #tpu.memory_space<hbm>>
      %dma_wait3A_43 = tpu.memref_squeeze %dma_wait3A_42 : memref<1x1x8x128xi32, #tpu.memory_space<hbm>> -> memref<8x128xi32, #tpu.memory_space<hbm>>
      %dma_wait3A_44 = arith.constant 0 : i32
      %dma_wait3A_45 = arith.constant 0 : i32
      %dma_wait3A_46 = tpu.memref_slice %arg6[%run_scoped3A_9, %dma_wait3A_44, %dma_wait3A_45] : memref<2x8x128xi32, #tpu.memory_space<vmem>> -> memref<1x8x128xi32, #tpu.memory_space<vmem>>
      %dma_wait3A_47 = tpu.memref_squeeze %dma_wait3A_46 : memref<1x8x128xi32, #tpu.memory_space<vmem>> -> memref<8x128xi32, #tpu.memory_space<vmem>>
      %dma_wait3A_48 = arith.constant 0 : i32
      %dma_wait3A_49 = arith.constant 0 : i32
      %dma_wait3A_50 = tpu.memref_slice %arg2[%arg1, %run_scoped3A, %dma_wait3A_48, %dma_wait3A_49] : memref<16x21x8x128xi32, #tpu.memory_space<hbm>> -> memref<1x1x8x128xi32, #tpu.memory_space<hbm>>
      %dma_wait3A_51 = tpu.memref_squeeze %dma_wait3A_50 : memref<1x1x8x128xi32, #tpu.memory_space<hbm>> -> memref<8x128xi32, #tpu.memory_space<hbm>>
      tpu.wait_dma2 semaphore(%run_scoped3A_21 : memref<!tpu.dma_semaphore, #tpu.memory_space<semaphore_mem>>) src(%dma_wait3A_51 : memref<8x128xi32, #tpu.memory_space<hbm>>) dst(%dma_wait3A_47 : memref<8x128xi32, #tpu.memory_space<vmem>>)
      tpu.yield
    }) : () -> ()
    %barrier3A = arith.constant 0 : index
    tpu.barrier barrier_id(%barrier3A)
    %scan3A_10 = arith.constant 0 : i32
    %scan3A_11 = arith.constant 0 : i32
    %scan3A_12 = arith.constant 21 : i32
    %scan3A_13 = arith.addi %scan3A_11, %scan3A_12 : i32
    %scan3A_14 = arith.constant 1 : i32
    scf.for %scan3A_21 = %scan3A_11 to %scan3A_13 step %scan3A_14  : i32 {
      %rem3A = arith.constant 2 : i32
      %rem3A_22 = arith.remsi %scan3A_21, %rem3A : i32
      %add3A = arith.constant 1 : i32
      %add3A_23 = arith.addi %scan3A_21, %add3A : i32
      %rem3A_24 = arith.constant 2 : i32
      %rem3A_25 = arith.remsi %add3A_23, %rem3A_24 : i32
      %add3A_26 = arith.constant 1 : i32
      %add3A_27 = arith.addi %scan3A_21, %add3A_26 : i32
      %lt3A = arith.constant 21 : i32
      %lt3A_28 = arith.cmpi slt, %add3A_27, %lt3A : i32
      %convert_element_type3A = arith.extui %lt3A_28 : i1 to i32
      %cond3A = arith.constant 0 : i32
      %cond3A_29 = arith.cmpi ne, %convert_element_type3A, %cond3A : i32
      scf.if %cond3A_29 {
        %add3A_144 = arith.constant 1 : i32
        %add3A_145 = arith.addi %scan3A_21, %add3A_144 : i32
        %dma_start3A_146 = arith.constant 0 : i32
        %dma_start3A_147 = arith.constant 0 : i32
        %dma_start3A_148 = tpu.memref_slice %arg6[%rem3A_25, %dma_start3A_146, %dma_start3A_147] : memref<2x8x128xi32, #tpu.memory_space<vmem>> -> memref<1x8x128xi32, #tpu.memory_space<vmem>>
        %dma_start3A_149 = tpu.memref_squeeze %dma_start3A_148 : memref<1x8x128xi32, #tpu.memory_space<vmem>> -> memref<8x128xi32, #tpu.memory_space<vmem>>
        %dma_start3A_150 = arith.constant 0 : i32
        %dma_start3A_151 = arith.constant 0 : i32
        %dma_start3A_152 = tpu.memref_slice %arg2[%arg1, %add3A_145, %dma_start3A_150, %dma_start3A_151] : memref<16x21x8x128xi32, #tpu.memory_space<hbm>> -> memref<1x1x8x128xi32, #tpu.memory_space<hbm>>
        %dma_start3A_153 = tpu.memref_squeeze %dma_start3A_152 : memref<1x1x8x128xi32, #tpu.memory_space<hbm>> -> memref<8x128xi32, #tpu.memory_space<hbm>>
        %dma_start3A_154 = arith.constant 0 : i32
        %dma_start3A_155 = arith.constant 0 : i32
        %dma_start3A_156 = tpu.memref_slice %arg6[%rem3A_25, %dma_start3A_154, %dma_start3A_155] : memref<2x8x128xi32, #tpu.memory_space<vmem>> -> memref<1x8x128xi32, #tpu.memory_space<vmem>>
        %dma_start3A_157 = tpu.memref_squeeze %dma_start3A_156 : memref<1x8x128xi32, #tpu.memory_space<vmem>> -> memref<8x128xi32, #tpu.memory_space<vmem>>
        %dma_start3A_158 = arith.constant 0 : i32
        %dma_start3A_159 = arith.constant 0 : i32
        %dma_start3A_160 = tpu.memref_slice %arg2[%arg1, %add3A_145, %dma_start3A_158, %dma_start3A_159] : memref<16x21x8x128xi32, #tpu.memory_space<hbm>> -> memref<1x1x8x128xi32, #tpu.memory_space<hbm>>
        %dma_start3A_161 = tpu.memref_squeeze %dma_start3A_160 : memref<1x1x8x128xi32, #tpu.memory_space<hbm>> -> memref<8x128xi32, #tpu.memory_space<hbm>>
        tpu.enqueue_dma source(%dma_start3A_161 : memref<8x128xi32, #tpu.memory_space<hbm>>) target(%dma_start3A_157 : memref<8x128xi32, #tpu.memory_space<vmem>>) target_semaphore(%arg15 : memref<!tpu.dma_semaphore, #tpu.memory_space<semaphore_mem>>)
      } else {
      }
      %gt3A = arith.constant 0 : i32
      %gt3A_30 = arith.cmpi sgt, %scan3A_21, %gt3A : i32
      %convert_element_type3A_31 = arith.extui %gt3A_30 : i1 to i32
      %cond3A_32 = arith.constant 0 : i32
      %cond3A_33 = arith.cmpi ne, %convert_element_type3A_31, %cond3A_32 : i32
      scf.if %cond3A_33 {
        %dma_wait3A_144 = arith.constant 0 : i32
        %dma_wait3A_145 = arith.constant 0 : i32
        %dma_wait3A_146 = tpu.memref_slice %arg6[%rem3A_22, %dma_wait3A_144, %dma_wait3A_145] : memref<2x8x128xi32, #tpu.memory_space<vmem>> -> memref<1x8x128xi32, #tpu.memory_space<vmem>>
        %dma_wait3A_147 = tpu.memref_squeeze %dma_wait3A_146 : memref<1x8x128xi32, #tpu.memory_space<vmem>> -> memref<8x128xi32, #tpu.memory_space<vmem>>
        %dma_wait3A_148 = arith.constant 0 : i32
        %dma_wait3A_149 = arith.constant 0 : i32
        %dma_wait3A_150 = tpu.memref_slice %arg2[%arg1, %scan3A_21, %dma_wait3A_148, %dma_wait3A_149] : memref<16x21x8x128xi32, #tpu.memory_space<hbm>> -> memref<1x1x8x128xi32, #tpu.memory_space<hbm>>
        %dma_wait3A_151 = tpu.memref_squeeze %dma_wait3A_150 : memref<1x1x8x128xi32, #tpu.memory_space<hbm>> -> memref<8x128xi32, #tpu.memory_space<hbm>>
        %dma_wait3A_152 = arith.constant 0 : i32
        %dma_wait3A_153 = arith.constant 0 : i32
        %dma_wait3A_154 = tpu.memref_slice %arg6[%rem3A_22, %dma_wait3A_152, %dma_wait3A_153] : memref<2x8x128xi32, #tpu.memory_space<vmem>> -> memref<1x8x128xi32, #tpu.memory_space<vmem>>
        %dma_wait3A_155 = tpu.memref_squeeze %dma_wait3A_154 : memref<1x8x128xi32, #tpu.memory_space<vmem>> -> memref<8x128xi32, #tpu.memory_space<vmem>>
        %dma_wait3A_156 = arith.constant 0 : i32
        %dma_wait3A_157 = arith.constant 0 : i32
        %dma_wait3A_158 = tpu.memref_slice %arg2[%arg1, %scan3A_21, %dma_wait3A_156, %dma_wait3A_157] : memref<16x21x8x128xi32, #tpu.memory_space<hbm>> -> memref<1x1x8x128xi32, #tpu.memory_space<hbm>>
        %dma_wait3A_159 = tpu.memref_squeeze %dma_wait3A_158 : memref<1x1x8x128xi32, #tpu.memory_space<hbm>> -> memref<8x128xi32, #tpu.memory_space<hbm>>
        tpu.wait_dma2 semaphore(%arg15 : memref<!tpu.dma_semaphore, #tpu.memory_space<semaphore_mem>>) src(%dma_wait3A_159 : memref<8x128xi32, #tpu.memory_space<hbm>>) dst(%dma_wait3A_155 : memref<8x128xi32, #tpu.memory_space<vmem>>)
      } else {
      }
      %dma_start3A = arith.constant 0 : i32
      %dma_start3A_34 = arith.constant 0 : i32
      %dma_start3A_35 = tpu.memref_slice %arg6[%rem3A_22, %dma_start3A, %dma_start3A_34] : memref<2x8x128xi32, #tpu.memory_space<vmem>> -> memref<1x1x128xi32, #tpu.memory_space<vmem>>
      %dma_start3A_36 = tpu.memref_squeeze %dma_start3A_35 : memref<1x1x128xi32, #tpu.memory_space<vmem>> -> memref<128xi32, #tpu.memory_space<vmem>>
      %dma_start3A_37 = arith.constant 0 : i32
      %dma_start3A_38 = arith.constant 0 : i32
      %dma_start3A_39 = tpu.memref_slice %arg9[%dma_start3A_37, %dma_start3A_38] : memref<10112x128xf32, #tpu.memory_space<vmem_shared>> -> memref<10112x128xf32, #tpu.memory_space<vmem_shared>>
      tpu.enqueue_indirect_dma source(%arg7 : memref<128x128xf32, #tpu.memory_space<vmem>>) target(%dma_start3A_39 : memref<10112x128xf32, #tpu.memory_space<vmem_shared>>) offsets(%dma_start3A_36 : memref<128xi32, #tpu.memory_space<vmem>>) semaphore(%arg12 : memref<!tpu.dma_semaphore, #tpu.memory_space<semaphore_mem>>) {add = true}
      %dma_start3A_40 = arith.constant 1 : i32
      %dma_start3A_41 = arith.constant 0 : i32
      %dma_start3A_42 = tpu.memref_slice %arg6[%rem3A_22, %dma_start3A_40, %dma_start3A_41] : memref<2x8x128xi32, #tpu.memory_space<vmem>> -> memref<1x1x128xi32, #tpu.memory_space<vmem>>
      %dma_start3A_43 = tpu.memref_squeeze %dma_start3A_42 : memref<1x1x128xi32, #tpu.memory_space<vmem>> -> memref<128xi32, #tpu.memory_space<vmem>>
      %dma_start3A_44 = arith.constant 0 : i32
      %dma_start3A_45 = arith.constant 0 : i32
      %dma_start3A_46 = tpu.memref_slice %arg9[%dma_start3A_44, %dma_start3A_45] : memref<10112x128xf32, #tpu.memory_space<vmem_shared>> -> memref<10112x128xf32, #tpu.memory_space<vmem_shared>>
      tpu.enqueue_indirect_dma source(%arg7 : memref<128x128xf32, #tpu.memory_space<vmem>>) target(%dma_start3A_46 : memref<10112x128xf32, #tpu.memory_space<vmem_shared>>) offsets(%dma_start3A_43 : memref<128xi32, #tpu.memory_space<vmem>>) semaphore(%arg13 : memref<!tpu.dma_semaphore, #tpu.memory_space<semaphore_mem>>) {add = true}
      %dma_wait3A = arith.constant 0 : i32
      %dma_wait3A_47 = arith.constant 0 : i32
      %dma_wait3A_48 = tpu.memref_slice %arg6[%rem3A_22, %dma_wait3A, %dma_wait3A_47] : memref<2x8x128xi32, #tpu.memory_space<vmem>> -> memref<1x1x128xi32, #tpu.memory_space<vmem>>
      %dma_wait3A_49 = tpu.memref_squeeze %dma_wait3A_48 : memref<1x1x128xi32, #tpu.memory_space<vmem>> -> memref<128xi32, #tpu.memory_space<vmem>>
      %dma_wait3A_50 = arith.constant 0 : i32
      %dma_wait3A_51 = arith.constant 0 : i32
      %dma_wait3A_52 = tpu.memref_slice %arg9[%dma_wait3A_50, %dma_wait3A_51] : memref<10112x128xf32, #tpu.memory_space<vmem_shared>> -> memref<10112x128xf32, #tpu.memory_space<vmem_shared>>
      tpu.wait_indirect_dma semaphore(%arg12 : memref<!tpu.dma_semaphore, #tpu.memory_space<semaphore_mem>>) src(%arg7 : memref<128x128xf32, #tpu.memory_space<vmem>>) dst(%dma_wait3A_52 : memref<10112x128xf32, #tpu.memory_space<vmem_shared>>)
      %dma_start3A_53 = arith.constant 2 : i32
      %dma_start3A_54 = arith.constant 0 : i32
      %dma_start3A_55 = tpu.memref_slice %arg6[%rem3A_22, %dma_start3A_53, %dma_start3A_54] : memref<2x8x128xi32, #tpu.memory_space<vmem>> -> memref<1x1x128xi32, #tpu.memory_space<vmem>>
      %dma_start3A_56 = tpu.memref_squeeze %dma_start3A_55 : memref<1x1x128xi32, #tpu.memory_space<vmem>> -> memref<128xi32, #tpu.memory_space<vmem>>
      %dma_start3A_57 = arith.constant 0 : i32
      %dma_start3A_58 = arith.constant 0 : i32
      %dma_start3A_59 = tpu.memref_slice %arg9[%dma_start3A_57, %dma_start3A_58] : memref<10112x128xf32, #tpu.memory_space<vmem_shared>> -> memref<10112x128xf32, #tpu.memory_space<vmem_shared>>
      tpu.enqueue_indirect_dma source(%arg7 : memref<128x128xf32, #tpu.memory_space<vmem>>) target(%dma_start3A_59 : memref<10112x128xf32, #tpu.memory_space<vmem_shared>>) offsets(%dma_start3A_56 : memref<128xi32, #tpu.memory_space<vmem>>) semaphore(%arg12 : memref<!tpu.dma_semaphore, #tpu.memory_space<semaphore_mem>>) {add = true}
      %dma_wait3A_60 = arith.constant 1 : i32
      %dma_wait3A_61 = arith.constant 0 : i32
      %dma_wait3A_62 = tpu.memref_slice %arg6[%rem3A_22, %dma_wait3A_60, %dma_wait3A_61] : memref<2x8x128xi32, #tpu.memory_space<vmem>> -> memref<1x1x128xi32, #tpu.memory_space<vmem>>
      %dma_wait3A_63 = tpu.memref_squeeze %dma_wait3A_62 : memref<1x1x128xi32, #tpu.memory_space<vmem>> -> memref<128xi32, #tpu.memory_space<vmem>>
      %dma_wait3A_64 = arith.constant 0 : i32
      %dma_wait3A_65 = arith.constant 0 : i32
      %dma_wait3A_66 = tpu.memref_slice %arg9[%dma_wait3A_64, %dma_wait3A_65] : memref<10112x128xf32, #tpu.memory_space<vmem_shared>> -> memref<10112x128xf32, #tpu.memory_space<vmem_shared>>
      tpu.wait_indirect_dma semaphore(%arg13 : memref<!tpu.dma_semaphore, #tpu.memory_space<semaphore_mem>>) src(%arg7 : memref<128x128xf32, #tpu.memory_space<vmem>>) dst(%dma_wait3A_66 : memref<10112x128xf32, #tpu.memory_space<vmem_shared>>)
      %dma_start3A_67 = arith.constant 3 : i32
      %dma_start3A_68 = arith.constant 0 : i32
      %dma_start3A_69 = tpu.memref_slice %arg6[%rem3A_22, %dma_start3A_67, %dma_start3A_68] : memref<2x8x128xi32, #tpu.memory_space<vmem>> -> memref<1x1x128xi32, #tpu.memory_space<vmem>>
      %dma_start3A_70 = tpu.memref_squeeze %dma_start3A_69 : memref<1x1x128xi32, #tpu.memory_space<vmem>> -> memref<128xi32, #tpu.memory_space<vmem>>
      %dma_start3A_71 = arith.constant 0 : i32
      %dma_start3A_72 = arith.constant 0 : i32
      %dma_start3A_73 = tpu.memref_slice %arg9[%dma_start3A_71, %dma_start3A_72] : memref<10112x128xf32, #tpu.memory_space<vmem_shared>> -> memref<10112x128xf32, #tpu.memory_space<vmem_shared>>
      tpu.enqueue_indirect_dma source(%arg7 : memref<128x128xf32, #tpu.memory_space<vmem>>) target(%dma_start3A_73 : memref<10112x128xf32, #tpu.memory_space<vmem_shared>>) offsets(%dma_start3A_70 : memref<128xi32, #tpu.memory_space<vmem>>) semaphore(%arg13 : memref<!tpu.dma_semaphore, #tpu.memory_space<semaphore_mem>>) {add = true}
      %dma_wait3A_74 = arith.constant 2 : i32
      %dma_wait3A_75 = arith.constant 0 : i32
      %dma_wait3A_76 = tpu.memref_slice %arg6[%rem3A_22, %dma_wait3A_74, %dma_wait3A_75] : memref<2x8x128xi32, #tpu.memory_space<vmem>> -> memref<1x1x128xi32, #tpu.memory_space<vmem>>
      %dma_wait3A_77 = tpu.memref_squeeze %dma_wait3A_76 : memref<1x1x128xi32, #tpu.memory_space<vmem>> -> memref<128xi32, #tpu.memory_space<vmem>>
      %dma_wait3A_78 = arith.constant 0 : i32
      %dma_wait3A_79 = arith.constant 0 : i32
      %dma_wait3A_80 = tpu.memref_slice %arg9[%dma_wait3A_78, %dma_wait3A_79] : memref<10112x128xf32, #tpu.memory_space<vmem_shared>> -> memref<10112x128xf32, #tpu.memory_space<vmem_shared>>
      tpu.wait_indirect_dma semaphore(%arg12 : memref<!tpu.dma_semaphore, #tpu.memory_space<semaphore_mem>>) src(%arg7 : memref<128x128xf32, #tpu.memory_space<vmem>>) dst(%dma_wait3A_80 : memref<10112x128xf32, #tpu.memory_space<vmem_shared>>)
      %dma_start3A_81 = arith.constant 4 : i32
      %dma_start3A_82 = arith.constant 0 : i32
      %dma_start3A_83 = tpu.memref_slice %arg6[%rem3A_22, %dma_start3A_81, %dma_start3A_82] : memref<2x8x128xi32, #tpu.memory_space<vmem>> -> memref<1x1x128xi32, #tpu.memory_space<vmem>>
      %dma_start3A_84 = tpu.memref_squeeze %dma_start3A_83 : memref<1x1x128xi32, #tpu.memory_space<vmem>> -> memref<128xi32, #tpu.memory_space<vmem>>
      %dma_start3A_85 = arith.constant 0 : i32
      %dma_start3A_86 = arith.constant 0 : i32
      %dma_start3A_87 = tpu.memref_slice %arg9[%dma_start3A_85, %dma_start3A_86] : memref<10112x128xf32, #tpu.memory_space<vmem_shared>> -> memref<10112x128xf32, #tpu.memory_space<vmem_shared>>
      tpu.enqueue_indirect_dma source(%arg7 : memref<128x128xf32, #tpu.memory_space<vmem>>) target(%dma_start3A_87 : memref<10112x128xf32, #tpu.memory_space<vmem_shared>>) offsets(%dma_start3A_84 : memref<128xi32, #tpu.memory_space<vmem>>) semaphore(%arg12 : memref<!tpu.dma_semaphore, #tpu.memory_space<semaphore_mem>>) {add = true}
      %dma_wait3A_88 = arith.constant 3 : i32
      %dma_wait3A_89 = arith.constant 0 : i32
      %dma_wait3A_90 = tpu.memref_slice %arg6[%rem3A_22, %dma_wait3A_88, %dma_wait3A_89] : memref<2x8x128xi32, #tpu.memory_space<vmem>> -> memref<1x1x128xi32, #tpu.memory_space<vmem>>
      %dma_wait3A_91 = tpu.memref_squeeze %dma_wait3A_90 : memref<1x1x128xi32, #tpu.memory_space<vmem>> -> memref<128xi32, #tpu.memory_space<vmem>>
      %dma_wait3A_92 = arith.constant 0 : i32
      %dma_wait3A_93 = arith.constant 0 : i32
      %dma_wait3A_94 = tpu.memref_slice %arg9[%dma_wait3A_92, %dma_wait3A_93] : memref<10112x128xf32, #tpu.memory_space<vmem_shared>> -> memref<10112x128xf32, #tpu.memory_space<vmem_shared>>
      tpu.wait_indirect_dma semaphore(%arg13 : memref<!tpu.dma_semaphore, #tpu.memory_space<semaphore_mem>>) src(%arg7 : memref<128x128xf32, #tpu.memory_space<vmem>>) dst(%dma_wait3A_94 : memref<10112x128xf32, #tpu.memory_space<vmem_shared>>)
      %dma_start3A_95 = arith.constant 5 : i32
      %dma_start3A_96 = arith.constant 0 : i32
      %dma_start3A_97 = tpu.memref_slice %arg6[%rem3A_22, %dma_start3A_95, %dma_start3A_96] : memref<2x8x128xi32, #tpu.memory_space<vmem>> -> memref<1x1x128xi32, #tpu.memory_space<vmem>>
      %dma_start3A_98 = tpu.memref_squeeze %dma_start3A_97 : memref<1x1x128xi32, #tpu.memory_space<vmem>> -> memref<128xi32, #tpu.memory_space<vmem>>
      %dma_start3A_99 = arith.constant 0 : i32
      %dma_start3A_100 = arith.constant 0 : i32
      %dma_start3A_101 = tpu.memref_slice %arg9[%dma_start3A_99, %dma_start3A_100] : memref<10112x128xf32, #tpu.memory_space<vmem_shared>> -> memref<10112x128xf32, #tpu.memory_space<vmem_shared>>
      tpu.enqueue_indirect_dma source(%arg7 : memref<128x128xf32, #tpu.memory_space<vmem>>) target(%dma_start3A_101 : memref<10112x128xf32, #tpu.memory_space<vmem_shared>>) offsets(%dma_start3A_98 : memref<128xi32, #tpu.memory_space<vmem>>) semaphore(%arg13 : memref<!tpu.dma_semaphore, #tpu.memory_space<semaphore_mem>>) {add = true}
      %dma_wait3A_102 = arith.constant 4 : i32
      %dma_wait3A_103 = arith.constant 0 : i32
      %dma_wait3A_104 = tpu.memref_slice %arg6[%rem3A_22, %dma_wait3A_102, %dma_wait3A_103] : memref<2x8x128xi32, #tpu.memory_space<vmem>> -> memref<1x1x128xi32, #tpu.memory_space<vmem>>
      %dma_wait3A_105 = tpu.memref_squeeze %dma_wait3A_104 : memref<1x1x128xi32, #tpu.memory_space<vmem>> -> memref<128xi32, #tpu.memory_space<vmem>>
      %dma_wait3A_106 = arith.constant 0 : i32
      %dma_wait3A_107 = arith.constant 0 : i32
      %dma_wait3A_108 = tpu.memref_slice %arg9[%dma_wait3A_106, %dma_wait3A_107] : memref<10112x128xf32, #tpu.memory_space<vmem_shared>> -> memref<10112x128xf32, #tpu.memory_space<vmem_shared>>
      tpu.wait_indirect_dma semaphore(%arg12 : memref<!tpu.dma_semaphore, #tpu.memory_space<semaphore_mem>>) src(%arg7 : memref<128x128xf32, #tpu.memory_space<vmem>>) dst(%dma_wait3A_108 : memref<10112x128xf32, #tpu.memory_space<vmem_shared>>)
      %dma_start3A_109 = arith.constant 6 : i32
      %dma_start3A_110 = arith.constant 0 : i32
      %dma_start3A_111 = tpu.memref_slice %arg6[%rem3A_22, %dma_start3A_109, %dma_start3A_110] : memref<2x8x128xi32, #tpu.memory_space<vmem>> -> memref<1x1x128xi32, #tpu.memory_space<vmem>>
      %dma_start3A_112 = tpu.memref_squeeze %dma_start3A_111 : memref<1x1x128xi32, #tpu.memory_space<vmem>> -> memref<128xi32, #tpu.memory_space<vmem>>
      %dma_start3A_113 = arith.constant 0 : i32
      %dma_start3A_114 = arith.constant 0 : i32
      %dma_start3A_115 = tpu.memref_slice %arg9[%dma_start3A_113, %dma_start3A_114] : memref<10112x128xf32, #tpu.memory_space<vmem_shared>> -> memref<10112x128xf32, #tpu.memory_space<vmem_shared>>
      tpu.enqueue_indirect_dma source(%arg7 : memref<128x128xf32, #tpu.memory_space<vmem>>) target(%dma_start3A_115 : memref<10112x128xf32, #tpu.memory_space<vmem_shared>>) offsets(%dma_start3A_112 : memref<128xi32, #tpu.memory_space<vmem>>) semaphore(%arg12 : memref<!tpu.dma_semaphore, #tpu.memory_space<semaphore_mem>>) {add = true}
      %dma_wait3A_116 = arith.constant 5 : i32
      %dma_wait3A_117 = arith.constant 0 : i32
      %dma_wait3A_118 = tpu.memref_slice %arg6[%rem3A_22, %dma_wait3A_116, %dma_wait3A_117] : memref<2x8x128xi32, #tpu.memory_space<vmem>> -> memref<1x1x128xi32, #tpu.memory_space<vmem>>
      %dma_wait3A_119 = tpu.memref_squeeze %dma_wait3A_118 : memref<1x1x128xi32, #tpu.memory_space<vmem>> -> memref<128xi32, #tpu.memory_space<vmem>>
      %dma_wait3A_120 = arith.constant 0 : i32
      %dma_wait3A_121 = arith.constant 0 : i32
      %dma_wait3A_122 = tpu.memref_slice %arg9[%dma_wait3A_120, %dma_wait3A_121] : memref<10112x128xf32, #tpu.memory_space<vmem_shared>> -> memref<10112x128xf32, #tpu.memory_space<vmem_shared>>
      tpu.wait_indirect_dma semaphore(%arg13 : memref<!tpu.dma_semaphore, #tpu.memory_space<semaphore_mem>>) src(%arg7 : memref<128x128xf32, #tpu.memory_space<vmem>>) dst(%dma_wait3A_122 : memref<10112x128xf32, #tpu.memory_space<vmem_shared>>)
      %dma_start3A_123 = arith.constant 7 : i32
      %dma_start3A_124 = arith.constant 0 : i32
      %dma_start3A_125 = tpu.memref_slice %arg6[%rem3A_22, %dma_start3A_123, %dma_start3A_124] : memref<2x8x128xi32, #tpu.memory_space<vmem>> -> memref<1x1x128xi32, #tpu.memory_space<vmem>>
      %dma_start3A_126 = tpu.memref_squeeze %dma_start3A_125 : memref<1x1x128xi32, #tpu.memory_space<vmem>> -> memref<128xi32, #tpu.memory_space<vmem>>
      %dma_start3A_127 = arith.constant 0 : i32
      %dma_start3A_128 = arith.constant 0 : i32
      %dma_start3A_129 = tpu.memref_slice %arg9[%dma_start3A_127, %dma_start3A_128] : memref<10112x128xf32, #tpu.memory_space<vmem_shared>> -> memref<10112x128xf32, #tpu.memory_space<vmem_shared>>
      tpu.enqueue_indirect_dma source(%arg7 : memref<128x128xf32, #tpu.memory_space<vmem>>) target(%dma_start3A_129 : memref<10112x128xf32, #tpu.memory_space<vmem_shared>>) offsets(%dma_start3A_126 : memref<128xi32, #tpu.memory_space<vmem>>) semaphore(%arg13 : memref<!tpu.dma_semaphore, #tpu.memory_space<semaphore_mem>>) {add = true}
      %dma_wait3A_130 = arith.constant 6 : i32
      %dma_wait3A_131 = arith.constant 0 : i32
      %dma_wait3A_132 = tpu.memref_slice %arg6[%rem3A_22, %dma_wait3A_130, %dma_wait3A_131] : memref<2x8x128xi32, #tpu.memory_space<vmem>> -> memref<1x1x128xi32, #tpu.memory_space<vmem>>
      %dma_wait3A_133 = tpu.memref_squeeze %dma_wait3A_132 : memref<1x1x128xi32, #tpu.memory_space<vmem>> -> memref<128xi32, #tpu.memory_space<vmem>>
      %dma_wait3A_134 = arith.constant 0 : i32
      %dma_wait3A_135 = arith.constant 0 : i32
      %dma_wait3A_136 = tpu.memref_slice %arg9[%dma_wait3A_134, %dma_wait3A_135] : memref<10112x128xf32, #tpu.memory_space<vmem_shared>> -> memref<10112x128xf32, #tpu.memory_space<vmem_shared>>
      tpu.wait_indirect_dma semaphore(%arg12 : memref<!tpu.dma_semaphore, #tpu.memory_space<semaphore_mem>>) src(%arg7 : memref<128x128xf32, #tpu.memory_space<vmem>>) dst(%dma_wait3A_136 : memref<10112x128xf32, #tpu.memory_space<vmem_shared>>)
      %dma_wait3A_137 = arith.constant 7 : i32
      %dma_wait3A_138 = arith.constant 0 : i32
      %dma_wait3A_139 = tpu.memref_slice %arg6[%rem3A_22, %dma_wait3A_137, %dma_wait3A_138] : memref<2x8x128xi32, #tpu.memory_space<vmem>> -> memref<1x1x128xi32, #tpu.memory_space<vmem>>
      %dma_wait3A_140 = tpu.memref_squeeze %dma_wait3A_139 : memref<1x1x128xi32, #tpu.memory_space<vmem>> -> memref<128xi32, #tpu.memory_space<vmem>>
      %dma_wait3A_141 = arith.constant 0 : i32
      %dma_wait3A_142 = arith.constant 0 : i32
      %dma_wait3A_143 = tpu.memref_slice %arg9[%dma_wait3A_141, %dma_wait3A_142] : memref<10112x128xf32, #tpu.memory_space<vmem_shared>> -> memref<10112x128xf32, #tpu.memory_space<vmem_shared>>
      tpu.wait_indirect_dma semaphore(%arg13 : memref<!tpu.dma_semaphore, #tpu.memory_space<semaphore_mem>>) src(%arg7 : memref<128x128xf32, #tpu.memory_space<vmem>>) dst(%dma_wait3A_143 : memref<10112x128xf32, #tpu.memory_space<vmem_shared>>)
    }
    %scan3A_15 = arith.constant 21 : i32
    %barrier3A_16 = arith.constant 0 : index
    tpu.barrier barrier_id(%barrier3A_16)
    %mul3A_17 = arith.constant 632 : i32
    %mul3A_18 = arith.muli %arg1, %mul3A_17 : i32
    %mul3A_19 = arith.constant 632 : i32
    %mul3A_20 = arith.muli %arg1, %mul3A_19 : i32
    "tpu.region"() ({
      %run_scoped3A_21 = tpu.sem_alloc : memref<!tpu.dma_semaphore, #tpu.memory_space<semaphore_mem>>
      %dma_start3A = arith.constant 0 : i32
      %dma_start3A_22 = tpu.memref_slice %arg4[%mul3A_20, %dma_start3A] : memref<10112x128xf32, #tpu.memory_space<hbm>> -> memref<632x128xf32, #tpu.memory_space<hbm>>
      %dma_start3A_23 = arith.constant 0 : i32
      %dma_start3A_24 = tpu.memref_slice %arg9[%mul3A_18, %dma_start3A_23] : memref<10112x128xf32, #tpu.memory_space<vmem_shared>> -> memref<632x128xf32, #tpu.memory_space<vmem_shared>>
      tpu.enqueue_dma source(%dma_start3A_24 : memref<632x128xf32, #tpu.memory_space<vmem_shared>>) target(%dma_start3A_22 : memref<632x128xf32, #tpu.memory_space<hbm>>) target_semaphore(%run_scoped3A_21 : memref<!tpu.dma_semaphore, #tpu.memory_space<semaphore_mem>>)
      %dma_wait3A = arith.constant 0 : i32
      %dma_wait3A_25 = tpu.memref_slice %arg4[%mul3A_20, %dma_wait3A] : memref<10112x128xf32, #tpu.memory_space<hbm>> -> memref<632x128xf32, #tpu.memory_space<hbm>>
      %dma_wait3A_26 = arith.constant 0 : i32
      %dma_wait3A_27 = tpu.memref_slice %arg9[%mul3A_18, %dma_wait3A_26] : memref<10112x128xf32, #tpu.memory_space<vmem_shared>> -> memref<632x128xf32, #tpu.memory_space<vmem_shared>>
      tpu.wait_dma2 semaphore(%run_scoped3A_21 : memref<!tpu.dma_semaphore, #tpu.memory_space<semaphore_mem>>) src(%dma_wait3A_27 : memref<632x128xf32, #tpu.memory_space<vmem_shared>>) dst(%dma_wait3A_25 : memref<632x128xf32, #tpu.memory_space<hbm>>)
      tpu.yield
    }) : () -> ()
    return
  }
}

#map = affine_map<(d0, d1) -> (0, 0)>
#map1 = affine_map<(d0, d1) -> (0, 0, 0, 0)>
module attributes {stable_mosaic.version = 14 : i64} {
  func.func @body(%arg0: i32, %arg1: i32, %arg2: memref<10112x128xf32, #tpu.memory_space<hbm>>, %arg3: memref<16x21x8x128xi32, #tpu.memory_space<hbm>>, %arg4: memref<16x21x8x128xi32, #tpu.memory_space<hbm>>, %arg5: memref<10112x128xf32, #tpu.memory_space<hbm>>, %arg6: memref<10112x128xf32, #tpu.memory_space<hbm>>, %arg7: memref<2x8x128xi32, #tpu.memory_space<vmem>>, %arg8: memref<2x8x128xi32, #tpu.memory_space<vmem>>, %arg9: memref<128x128xf32, #tpu.memory_space<vmem>>, %arg10: memref<128x128xf32, #tpu.memory_space<vmem>>, %arg11: memref<10112x128xf32, #tpu.memory_space<vmem_shared>>, %arg12: memref<!tpu.dma_semaphore, #tpu.memory_space<semaphore_mem>>, %arg13: memref<!tpu.dma_semaphore, #tpu.memory_space<semaphore_mem>>, %arg14: memref<!tpu.dma_semaphore, #tpu.memory_space<semaphore_mem>>, %arg15: memref<!tpu.dma_semaphore, #tpu.memory_space<semaphore_mem>>, %arg16: memref<!tpu.dma_semaphore, #tpu.memory_space<semaphore_mem>>, %arg17: memref<!tpu.dma_semaphore, #tpu.memory_space<semaphore_mem>>) attributes {dimension_semantics = [#tpu.dimension_semantics<core_parallel>, #tpu.dimension_semantics<subcore_parallel>], iteration_bounds = array<i64: 1, 16>, scalar_prefetch = 0 : i64, scratch_operands = 11 : i64, tpu.core_type = #tpu.core_type<sc_vector_subcore>, window_params = [{transform_indices = #map}, {transform_indices = #map1}, {transform_indices = #map1}, {transform_indices = #map}, {transform_indices = #map}]} {
    %mul3A = arith.constant 632 : i32
    %mul3A_0 = arith.muli %arg1, %mul3A : i32
    %mul3A_1 = arith.constant 632 : i32
    %mul3A_2 = arith.muli %arg1, %mul3A_1 : i32
    "tpu.region"() ({
      %run_scoped3A_16 = tpu.sem_alloc : memref<!tpu.dma_semaphore, #tpu.memory_space<semaphore_mem>>
      %dma_start3A = arith.constant 0 : i32
      %dma_start3A_17 = tpu.memref_slice %arg11[%mul3A_2, %dma_start3A] : memref<10112x128xf32, #tpu.memory_space<vmem_shared>> -> memref<632x128xf32, #tpu.memory_space<vmem_shared>>
      %dma_start3A_18 = arith.constant 0 : i32
      %dma_start3A_19 = tpu.memref_slice %arg5[%mul3A_0, %dma_start3A_18] : memref<10112x128xf32, #tpu.memory_space<hbm>> -> memref<632x128xf32, #tpu.memory_space<hbm>>
      tpu.enqueue_dma source(%dma_start3A_19 : memref<632x128xf32, #tpu.memory_space<hbm>>) target(%dma_start3A_17 : memref<632x128xf32, #tpu.memory_space<vmem_shared>>) target_semaphore(%run_scoped3A_16 : memref<!tpu.dma_semaphore, #tpu.memory_space<semaphore_mem>>)
      %dma_wait3A = arith.constant 0 : i32
      %dma_wait3A_20 = tpu.memref_slice %arg11[%mul3A_2, %dma_wait3A] : memref<10112x128xf32, #tpu.memory_space<vmem_shared>> -> memref<632x128xf32, #tpu.memory_space<vmem_shared>>
      %dma_wait3A_21 = arith.constant 0 : i32
      %dma_wait3A_22 = tpu.memref_slice %arg5[%mul3A_0, %dma_wait3A_21] : memref<10112x128xf32, #tpu.memory_space<hbm>> -> memref<632x128xf32, #tpu.memory_space<hbm>>
      tpu.wait_dma2 semaphore(%run_scoped3A_16 : memref<!tpu.dma_semaphore, #tpu.memory_space<semaphore_mem>>) src(%dma_wait3A_22 : memref<632x128xf32, #tpu.memory_space<hbm>>) dst(%dma_wait3A_20 : memref<632x128xf32, #tpu.memory_space<vmem_shared>>)
      tpu.yield
    }) : () -> ()
    %run_scoped3A = arith.constant 0 : i32
    %run_scoped3A_3 = arith.constant 0 : i32
    "tpu.region"() ({
      %run_scoped3A_16 = tpu.sem_alloc : memref<!tpu.dma_semaphore, #tpu.memory_space<semaphore_mem>>
      %dma_start3A = arith.constant 0 : i32
      %dma_start3A_17 = arith.constant 0 : i32
      %dma_start3A_18 = tpu.memref_slice %arg7[%run_scoped3A_3, %dma_start3A, %dma_start3A_17] : memref<2x8x128xi32, #tpu.memory_space<vmem>> -> memref<1x8x128xi32, #tpu.memory_space<vmem>>
      %dma_start3A_19 = tpu.memref_squeeze %dma_start3A_18 : memref<1x8x128xi32, #tpu.memory_space<vmem>> -> memref<8x128xi32, #tpu.memory_space<vmem>>
      %dma_start3A_20 = arith.constant 0 : i32
      %dma_start3A_21 = arith.constant 0 : i32
      %dma_start3A_22 = tpu.memref_slice %arg3[%arg1, %run_scoped3A, %dma_start3A_20, %dma_start3A_21] : memref<16x21x8x128xi32, #tpu.memory_space<hbm>> -> memref<1x1x8x128xi32, #tpu.memory_space<hbm>>
      %dma_start3A_23 = tpu.memref_squeeze %dma_start3A_22 : memref<1x1x8x128xi32, #tpu.memory_space<hbm>> -> memref<8x128xi32, #tpu.memory_space<hbm>>
      %dma_start3A_24 = arith.constant 0 : i32
      %dma_start3A_25 = arith.constant 0 : i32
      %dma_start3A_26 = tpu.memref_slice %arg7[%run_scoped3A_3, %dma_start3A_24, %dma_start3A_25] : memref<2x8x128xi32, #tpu.memory_space<vmem>> -> memref<1x8x128xi32, #tpu.memory_space<vmem>>
      %dma_start3A_27 = tpu.memref_squeeze %dma_start3A_26 : memref<1x8x128xi32, #tpu.memory_space<vmem>> -> memref<8x128xi32, #tpu.memory_space<vmem>>
      %dma_start3A_28 = arith.constant 0 : i32
      %dma_start3A_29 = arith.constant 0 : i32
      %dma_start3A_30 = tpu.memref_slice %arg3[%arg1, %run_scoped3A, %dma_start3A_28, %dma_start3A_29] : memref<16x21x8x128xi32, #tpu.memory_space<hbm>> -> memref<1x1x8x128xi32, #tpu.memory_space<hbm>>
      %dma_start3A_31 = tpu.memref_squeeze %dma_start3A_30 : memref<1x1x8x128xi32, #tpu.memory_space<hbm>> -> memref<8x128xi32, #tpu.memory_space<hbm>>
      tpu.enqueue_dma source(%dma_start3A_31 : memref<8x128xi32, #tpu.memory_space<hbm>>) target(%dma_start3A_27 : memref<8x128xi32, #tpu.memory_space<vmem>>) target_semaphore(%run_scoped3A_16 : memref<!tpu.dma_semaphore, #tpu.memory_space<semaphore_mem>>)
      %dma_wait3A = arith.constant 0 : i32
      %dma_wait3A_32 = arith.constant 0 : i32
      %dma_wait3A_33 = tpu.memref_slice %arg7[%run_scoped3A_3, %dma_wait3A, %dma_wait3A_32] : memref<2x8x128xi32, #tpu.memory_space<vmem>> -> memref<1x8x128xi32, #tpu.memory_space<vmem>>
      %dma_wait3A_34 = tpu.memref_squeeze %dma_wait3A_33 : memref<1x8x128xi32, #tpu.memory_space<vmem>> -> memref<8x128xi32, #tpu.memory_space<vmem>>
      %dma_wait3A_35 = arith.constant 0 : i32
      %dma_wait3A_36 = arith.constant 0 : i32
      %dma_wait3A_37 = tpu.memref_slice %arg3[%arg1, %run_scoped3A, %dma_wait3A_35, %dma_wait3A_36] : memref<16x21x8x128xi32, #tpu.memory_space<hbm>> -> memref<1x1x8x128xi32, #tpu.memory_space<hbm>>
      %dma_wait3A_38 = tpu.memref_squeeze %dma_wait3A_37 : memref<1x1x8x128xi32, #tpu.memory_space<hbm>> -> memref<8x128xi32, #tpu.memory_space<hbm>>
      %dma_wait3A_39 = arith.constant 0 : i32
      %dma_wait3A_40 = arith.constant 0 : i32
      %dma_wait3A_41 = tpu.memref_slice %arg7[%run_scoped3A_3, %dma_wait3A_39, %dma_wait3A_40] : memref<2x8x128xi32, #tpu.memory_space<vmem>> -> memref<1x8x128xi32, #tpu.memory_space<vmem>>
      %dma_wait3A_42 = tpu.memref_squeeze %dma_wait3A_41 : memref<1x8x128xi32, #tpu.memory_space<vmem>> -> memref<8x128xi32, #tpu.memory_space<vmem>>
      %dma_wait3A_43 = arith.constant 0 : i32
      %dma_wait3A_44 = arith.constant 0 : i32
      %dma_wait3A_45 = tpu.memref_slice %arg3[%arg1, %run_scoped3A, %dma_wait3A_43, %dma_wait3A_44] : memref<16x21x8x128xi32, #tpu.memory_space<hbm>> -> memref<1x1x8x128xi32, #tpu.memory_space<hbm>>
      %dma_wait3A_46 = tpu.memref_squeeze %dma_wait3A_45 : memref<1x1x8x128xi32, #tpu.memory_space<hbm>> -> memref<8x128xi32, #tpu.memory_space<hbm>>
      tpu.wait_dma2 semaphore(%run_scoped3A_16 : memref<!tpu.dma_semaphore, #tpu.memory_space<semaphore_mem>>) src(%dma_wait3A_46 : memref<8x128xi32, #tpu.memory_space<hbm>>) dst(%dma_wait3A_42 : memref<8x128xi32, #tpu.memory_space<vmem>>)
      tpu.yield
    }) : () -> ()
    %run_scoped3A_4 = arith.constant 0 : i32
    %run_scoped3A_5 = arith.constant 0 : i32
    "tpu.region"() ({
      %run_scoped3A_16 = tpu.sem_alloc : memref<!tpu.dma_semaphore, #tpu.memory_space<semaphore_mem>>
      %dma_start3A = arith.constant 0 : i32
      %dma_start3A_17 = arith.constant 0 : i32
      %dma_start3A_18 = tpu.memref_slice %arg8[%run_scoped3A_5, %dma_start3A, %dma_start3A_17] : memref<2x8x128xi32, #tpu.memory_space<vmem>> -> memref<1x8x128xi32, #tpu.memory_space<vmem>>
      %dma_start3A_19 = tpu.memref_squeeze %dma_start3A_18 : memref<1x8x128xi32, #tpu.memory_space<vmem>> -> memref<8x128xi32, #tpu.memory_space<vmem>>
      %dma_start3A_20 = arith.constant 0 : i32
      %dma_start3A_21 = arith.constant 0 : i32
      %dma_start3A_22 = tpu.memref_slice %arg4[%arg1, %run_scoped3A_4, %dma_start3A_20, %dma_start3A_21] : memref<16x21x8x128xi32, #tpu.memory_space<hbm>> -> memref<1x1x8x128xi32, #tpu.memory_space<hbm>>
      %dma_start3A_23 = tpu.memref_squeeze %dma_start3A_22 : memref<1x1x8x128xi32, #tpu.memory_space<hbm>> -> memref<8x128xi32, #tpu.memory_space<hbm>>
      %dma_start3A_24 = arith.constant 0 : i32
      %dma_start3A_25 = arith.constant 0 : i32
      %dma_start3A_26 = tpu.memref_slice %arg8[%run_scoped3A_5, %dma_start3A_24, %dma_start3A_25] : memref<2x8x128xi32, #tpu.memory_space<vmem>> -> memref<1x8x128xi32, #tpu.memory_space<vmem>>
      %dma_start3A_27 = tpu.memref_squeeze %dma_start3A_26 : memref<1x8x128xi32, #tpu.memory_space<vmem>> -> memref<8x128xi32, #tpu.memory_space<vmem>>
      %dma_start3A_28 = arith.constant 0 : i32
      %dma_start3A_29 = arith.constant 0 : i32
      %dma_start3A_30 = tpu.memref_slice %arg4[%arg1, %run_scoped3A_4, %dma_start3A_28, %dma_start3A_29] : memref<16x21x8x128xi32, #tpu.memory_space<hbm>> -> memref<1x1x8x128xi32, #tpu.memory_space<hbm>>
      %dma_start3A_31 = tpu.memref_squeeze %dma_start3A_30 : memref<1x1x8x128xi32, #tpu.memory_space<hbm>> -> memref<8x128xi32, #tpu.memory_space<hbm>>
      tpu.enqueue_dma source(%dma_start3A_31 : memref<8x128xi32, #tpu.memory_space<hbm>>) target(%dma_start3A_27 : memref<8x128xi32, #tpu.memory_space<vmem>>) target_semaphore(%run_scoped3A_16 : memref<!tpu.dma_semaphore, #tpu.memory_space<semaphore_mem>>)
      %dma_wait3A = arith.constant 0 : i32
      %dma_wait3A_32 = arith.constant 0 : i32
      %dma_wait3A_33 = tpu.memref_slice %arg8[%run_scoped3A_5, %dma_wait3A, %dma_wait3A_32] : memref<2x8x128xi32, #tpu.memory_space<vmem>> -> memref<1x8x128xi32, #tpu.memory_space<vmem>>
      %dma_wait3A_34 = tpu.memref_squeeze %dma_wait3A_33 : memref<1x8x128xi32, #tpu.memory_space<vmem>> -> memref<8x128xi32, #tpu.memory_space<vmem>>
      %dma_wait3A_35 = arith.constant 0 : i32
      %dma_wait3A_36 = arith.constant 0 : i32
      %dma_wait3A_37 = tpu.memref_slice %arg4[%arg1, %run_scoped3A_4, %dma_wait3A_35, %dma_wait3A_36] : memref<16x21x8x128xi32, #tpu.memory_space<hbm>> -> memref<1x1x8x128xi32, #tpu.memory_space<hbm>>
      %dma_wait3A_38 = tpu.memref_squeeze %dma_wait3A_37 : memref<1x1x8x128xi32, #tpu.memory_space<hbm>> -> memref<8x128xi32, #tpu.memory_space<hbm>>
      %dma_wait3A_39 = arith.constant 0 : i32
      %dma_wait3A_40 = arith.constant 0 : i32
      %dma_wait3A_41 = tpu.memref_slice %arg8[%run_scoped3A_5, %dma_wait3A_39, %dma_wait3A_40] : memref<2x8x128xi32, #tpu.memory_space<vmem>> -> memref<1x8x128xi32, #tpu.memory_space<vmem>>
      %dma_wait3A_42 = tpu.memref_squeeze %dma_wait3A_41 : memref<1x8x128xi32, #tpu.memory_space<vmem>> -> memref<8x128xi32, #tpu.memory_space<vmem>>
      %dma_wait3A_43 = arith.constant 0 : i32
      %dma_wait3A_44 = arith.constant 0 : i32
      %dma_wait3A_45 = tpu.memref_slice %arg4[%arg1, %run_scoped3A_4, %dma_wait3A_43, %dma_wait3A_44] : memref<16x21x8x128xi32, #tpu.memory_space<hbm>> -> memref<1x1x8x128xi32, #tpu.memory_space<hbm>>
      %dma_wait3A_46 = tpu.memref_squeeze %dma_wait3A_45 : memref<1x1x8x128xi32, #tpu.memory_space<hbm>> -> memref<8x128xi32, #tpu.memory_space<hbm>>
      tpu.wait_dma2 semaphore(%run_scoped3A_16 : memref<!tpu.dma_semaphore, #tpu.memory_space<semaphore_mem>>) src(%dma_wait3A_46 : memref<8x128xi32, #tpu.memory_space<hbm>>) dst(%dma_wait3A_42 : memref<8x128xi32, #tpu.memory_space<vmem>>)
      tpu.yield
    }) : () -> ()
    %barrier3A = arith.constant 0 : index
    tpu.barrier barrier_id(%barrier3A)
    %scan3A = arith.constant 0 : i32
    %scan3A_6 = arith.constant 0 : i32
    %scan3A_7 = arith.constant 21 : i32
    %scan3A_8 = arith.addi %scan3A_6, %scan3A_7 : i32
    %scan3A_9 = arith.constant 1 : i32
    scf.for %scan3A_16 = %scan3A_6 to %scan3A_8 step %scan3A_9  : i32 {
      %rem3A = arith.constant 2 : i32
      %rem3A_17 = arith.remsi %scan3A_16, %rem3A : i32
      %add3A = arith.constant 1 : i32
      %add3A_18 = arith.addi %scan3A_16, %add3A : i32
      %rem3A_19 = arith.constant 2 : i32
      %rem3A_20 = arith.remsi %add3A_18, %rem3A_19 : i32
      %add3A_21 = arith.constant 1 : i32
      %add3A_22 = arith.addi %scan3A_16, %add3A_21 : i32
      %lt3A = arith.constant 21 : i32
      %lt3A_23 = arith.cmpi slt, %add3A_22, %lt3A : i32
      %convert_element_type3A = arith.extui %lt3A_23 : i1 to i32
      %cond3A = arith.constant 0 : i32
      %cond3A_24 = arith.cmpi ne, %convert_element_type3A, %cond3A : i32
      scf.if %cond3A_24 {
        %add3A_251 = arith.constant 1 : i32
        %add3A_252 = arith.addi %scan3A_16, %add3A_251 : i32
        %dma_start3A_253 = arith.constant 0 : i32
        %dma_start3A_254 = arith.constant 0 : i32
        %dma_start3A_255 = tpu.memref_slice %arg7[%rem3A_20, %dma_start3A_253, %dma_start3A_254] : memref<2x8x128xi32, #tpu.memory_space<vmem>> -> memref<1x8x128xi32, #tpu.memory_space<vmem>>
        %dma_start3A_256 = tpu.memref_squeeze %dma_start3A_255 : memref<1x8x128xi32, #tpu.memory_space<vmem>> -> memref<8x128xi32, #tpu.memory_space<vmem>>
        %dma_start3A_257 = arith.constant 0 : i32
        %dma_start3A_258 = arith.constant 0 : i32
        %dma_start3A_259 = tpu.memref_slice %arg3[%arg1, %add3A_252, %dma_start3A_257, %dma_start3A_258] : memref<16x21x8x128xi32, #tpu.memory_space<hbm>> -> memref<1x1x8x128xi32, #tpu.memory_space<hbm>>
        %dma_start3A_260 = tpu.memref_squeeze %dma_start3A_259 : memref<1x1x8x128xi32, #tpu.memory_space<hbm>> -> memref<8x128xi32, #tpu.memory_space<hbm>>
        %dma_start3A_261 = arith.constant 0 : i32
        %dma_start3A_262 = arith.constant 0 : i32
        %dma_start3A_263 = tpu.memref_slice %arg7[%rem3A_20, %dma_start3A_261, %dma_start3A_262] : memref<2x8x128xi32, #tpu.memory_space<vmem>> -> memref<1x8x128xi32, #tpu.memory_space<vmem>>
        %dma_start3A_264 = tpu.memref_squeeze %dma_start3A_263 : memref<1x8x128xi32, #tpu.memory_space<vmem>> -> memref<8x128xi32, #tpu.memory_space<vmem>>
        %dma_start3A_265 = arith.constant 0 : i32
        %dma_start3A_266 = arith.constant 0 : i32
        %dma_start3A_267 = tpu.memref_slice %arg3[%arg1, %add3A_252, %dma_start3A_265, %dma_start3A_266] : memref<16x21x8x128xi32, #tpu.memory_space<hbm>> -> memref<1x1x8x128xi32, #tpu.memory_space<hbm>>
        %dma_start3A_268 = tpu.memref_squeeze %dma_start3A_267 : memref<1x1x8x128xi32, #tpu.memory_space<hbm>> -> memref<8x128xi32, #tpu.memory_space<hbm>>
        tpu.enqueue_dma source(%dma_start3A_268 : memref<8x128xi32, #tpu.memory_space<hbm>>) target(%dma_start3A_264 : memref<8x128xi32, #tpu.memory_space<vmem>>) target_semaphore(%arg16 : memref<!tpu.dma_semaphore, #tpu.memory_space<semaphore_mem>>)
        %add3A_269 = arith.constant 1 : i32
        %add3A_270 = arith.addi %scan3A_16, %add3A_269 : i32
        %dma_start3A_271 = arith.constant 0 : i32
        %dma_start3A_272 = arith.constant 0 : i32
        %dma_start3A_273 = tpu.memref_slice %arg8[%rem3A_20, %dma_start3A_271, %dma_start3A_272] : memref<2x8x128xi32, #tpu.memory_space<vmem>> -> memref<1x8x128xi32, #tpu.memory_space<vmem>>
        %dma_start3A_274 = tpu.memref_squeeze %dma_start3A_273 : memref<1x8x128xi32, #tpu.memory_space<vmem>> -> memref<8x128xi32, #tpu.memory_space<vmem>>
        %dma_start3A_275 = arith.constant 0 : i32
        %dma_start3A_276 = arith.constant 0 : i32
        %dma_start3A_277 = tpu.memref_slice %arg4[%arg1, %add3A_270, %dma_start3A_275, %dma_start3A_276] : memref<16x21x8x128xi32, #tpu.memory_space<hbm>> -> memref<1x1x8x128xi32, #tpu.memory_space<hbm>>
        %dma_start3A_278 = tpu.memref_squeeze %dma_start3A_277 : memref<1x1x8x128xi32, #tpu.memory_space<hbm>> -> memref<8x128xi32, #tpu.memory_space<hbm>>
        %dma_start3A_279 = arith.constant 0 : i32
        %dma_start3A_280 = arith.constant 0 : i32
        %dma_start3A_281 = tpu.memref_slice %arg8[%rem3A_20, %dma_start3A_279, %dma_start3A_280] : memref<2x8x128xi32, #tpu.memory_space<vmem>> -> memref<1x8x128xi32, #tpu.memory_space<vmem>>
        %dma_start3A_282 = tpu.memref_squeeze %dma_start3A_281 : memref<1x8x128xi32, #tpu.memory_space<vmem>> -> memref<8x128xi32, #tpu.memory_space<vmem>>
        %dma_start3A_283 = arith.constant 0 : i32
        %dma_start3A_284 = arith.constant 0 : i32
        %dma_start3A_285 = tpu.memref_slice %arg4[%arg1, %add3A_270, %dma_start3A_283, %dma_start3A_284] : memref<16x21x8x128xi32, #tpu.memory_space<hbm>> -> memref<1x1x8x128xi32, #tpu.memory_space<hbm>>
        %dma_start3A_286 = tpu.memref_squeeze %dma_start3A_285 : memref<1x1x8x128xi32, #tpu.memory_space<hbm>> -> memref<8x128xi32, #tpu.memory_space<hbm>>
        tpu.enqueue_dma source(%dma_start3A_286 : memref<8x128xi32, #tpu.memory_space<hbm>>) target(%dma_start3A_282 : memref<8x128xi32, #tpu.memory_space<vmem>>) target_semaphore(%arg17 : memref<!tpu.dma_semaphore, #tpu.memory_space<semaphore_mem>>)
      } else {
      }
      %gt3A = arith.constant 0 : i32
      %gt3A_25 = arith.cmpi sgt, %scan3A_16, %gt3A : i32
      %convert_element_type3A_26 = arith.extui %gt3A_25 : i1 to i32
      %cond3A_27 = arith.constant 0 : i32
      %cond3A_28 = arith.cmpi ne, %convert_element_type3A_26, %cond3A_27 : i32
      scf.if %cond3A_28 {
        %dma_wait3A_251 = arith.constant 0 : i32
        %dma_wait3A_252 = arith.constant 0 : i32
        %dma_wait3A_253 = tpu.memref_slice %arg7[%rem3A_17, %dma_wait3A_251, %dma_wait3A_252] : memref<2x8x128xi32, #tpu.memory_space<vmem>> -> memref<1x8x128xi32, #tpu.memory_space<vmem>>
        %dma_wait3A_254 = tpu.memref_squeeze %dma_wait3A_253 : memref<1x8x128xi32, #tpu.memory_space<vmem>> -> memref<8x128xi32, #tpu.memory_space<vmem>>
        %dma_wait3A_255 = arith.constant 0 : i32
        %dma_wait3A_256 = arith.constant 0 : i32
        %dma_wait3A_257 = tpu.memref_slice %arg3[%arg1, %scan3A_16, %dma_wait3A_255, %dma_wait3A_256] : memref<16x21x8x128xi32, #tpu.memory_space<hbm>> -> memref<1x1x8x128xi32, #tpu.memory_space<hbm>>
        %dma_wait3A_258 = tpu.memref_squeeze %dma_wait3A_257 : memref<1x1x8x128xi32, #tpu.memory_space<hbm>> -> memref<8x128xi32, #tpu.memory_space<hbm>>
        %dma_wait3A_259 = arith.constant 0 : i32
        %dma_wait3A_260 = arith.constant 0 : i32
        %dma_wait3A_261 = tpu.memref_slice %arg7[%rem3A_17, %dma_wait3A_259, %dma_wait3A_260] : memref<2x8x128xi32, #tpu.memory_space<vmem>> -> memref<1x8x128xi32, #tpu.memory_space<vmem>>
        %dma_wait3A_262 = tpu.memref_squeeze %dma_wait3A_261 : memref<1x8x128xi32, #tpu.memory_space<vmem>> -> memref<8x128xi32, #tpu.memory_space<vmem>>
        %dma_wait3A_263 = arith.constant 0 : i32
        %dma_wait3A_264 = arith.constant 0 : i32
        %dma_wait3A_265 = tpu.memref_slice %arg3[%arg1, %scan3A_16, %dma_wait3A_263, %dma_wait3A_264] : memref<16x21x8x128xi32, #tpu.memory_space<hbm>> -> memref<1x1x8x128xi32, #tpu.memory_space<hbm>>
        %dma_wait3A_266 = tpu.memref_squeeze %dma_wait3A_265 : memref<1x1x8x128xi32, #tpu.memory_space<hbm>> -> memref<8x128xi32, #tpu.memory_space<hbm>>
        tpu.wait_dma2 semaphore(%arg16 : memref<!tpu.dma_semaphore, #tpu.memory_space<semaphore_mem>>) src(%dma_wait3A_266 : memref<8x128xi32, #tpu.memory_space<hbm>>) dst(%dma_wait3A_262 : memref<8x128xi32, #tpu.memory_space<vmem>>)
        %dma_wait3A_267 = arith.constant 0 : i32
        %dma_wait3A_268 = arith.constant 0 : i32
        %dma_wait3A_269 = tpu.memref_slice %arg8[%rem3A_17, %dma_wait3A_267, %dma_wait3A_268] : memref<2x8x128xi32, #tpu.memory_space<vmem>> -> memref<1x8x128xi32, #tpu.memory_space<vmem>>
        %dma_wait3A_270 = tpu.memref_squeeze %dma_wait3A_269 : memref<1x8x128xi32, #tpu.memory_space<vmem>> -> memref<8x128xi32, #tpu.memory_space<vmem>>
        %dma_wait3A_271 = arith.constant 0 : i32
        %dma_wait3A_272 = arith.constant 0 : i32
        %dma_wait3A_273 = tpu.memref_slice %arg4[%arg1, %scan3A_16, %dma_wait3A_271, %dma_wait3A_272] : memref<16x21x8x128xi32, #tpu.memory_space<hbm>> -> memref<1x1x8x128xi32, #tpu.memory_space<hbm>>
        %dma_wait3A_274 = tpu.memref_squeeze %dma_wait3A_273 : memref<1x1x8x128xi32, #tpu.memory_space<hbm>> -> memref<8x128xi32, #tpu.memory_space<hbm>>
        %dma_wait3A_275 = arith.constant 0 : i32
        %dma_wait3A_276 = arith.constant 0 : i32
        %dma_wait3A_277 = tpu.memref_slice %arg8[%rem3A_17, %dma_wait3A_275, %dma_wait3A_276] : memref<2x8x128xi32, #tpu.memory_space<vmem>> -> memref<1x8x128xi32, #tpu.memory_space<vmem>>
        %dma_wait3A_278 = tpu.memref_squeeze %dma_wait3A_277 : memref<1x8x128xi32, #tpu.memory_space<vmem>> -> memref<8x128xi32, #tpu.memory_space<vmem>>
        %dma_wait3A_279 = arith.constant 0 : i32
        %dma_wait3A_280 = arith.constant 0 : i32
        %dma_wait3A_281 = tpu.memref_slice %arg4[%arg1, %scan3A_16, %dma_wait3A_279, %dma_wait3A_280] : memref<16x21x8x128xi32, #tpu.memory_space<hbm>> -> memref<1x1x8x128xi32, #tpu.memory_space<hbm>>
        %dma_wait3A_282 = tpu.memref_squeeze %dma_wait3A_281 : memref<1x1x8x128xi32, #tpu.memory_space<hbm>> -> memref<8x128xi32, #tpu.memory_space<hbm>>
        tpu.wait_dma2 semaphore(%arg17 : memref<!tpu.dma_semaphore, #tpu.memory_space<semaphore_mem>>) src(%dma_wait3A_282 : memref<8x128xi32, #tpu.memory_space<hbm>>) dst(%dma_wait3A_278 : memref<8x128xi32, #tpu.memory_space<vmem>>)
      } else {
      }
      %dma_start3A = arith.constant 0 : i32
      %dma_start3A_29 = arith.constant 0 : i32
      %dma_start3A_30 = tpu.memref_slice %arg7[%rem3A_17, %dma_start3A, %dma_start3A_29] : memref<2x8x128xi32, #tpu.memory_space<vmem>> -> memref<1x1x128xi32, #tpu.memory_space<vmem>>
      %dma_start3A_31 = tpu.memref_squeeze %dma_start3A_30 : memref<1x1x128xi32, #tpu.memory_space<vmem>> -> memref<128xi32, #tpu.memory_space<vmem>>
      %dma_start3A_32 = arith.constant 0 : i32
      %dma_start3A_33 = arith.constant 0 : i32
      %dma_start3A_34 = tpu.memref_slice %arg2[%dma_start3A_32, %dma_start3A_33] : memref<10112x128xf32, #tpu.memory_space<hbm>> -> memref<10112x128xf32, #tpu.memory_space<hbm>>
      tpu.enqueue_indirect_dma source(%dma_start3A_34 : memref<10112x128xf32, #tpu.memory_space<hbm>>) target(%arg9 : memref<128x128xf32, #tpu.memory_space<vmem>>) offsets(%dma_start3A_31 : memref<128xi32, #tpu.memory_space<vmem>>) semaphore(%arg12 : memref<!tpu.dma_semaphore, #tpu.memory_space<semaphore_mem>>)
      %dma_start3A_35 = arith.constant 1 : i32
      %dma_start3A_36 = arith.constant 0 : i32
      %dma_start3A_37 = tpu.memref_slice %arg7[%rem3A_17, %dma_start3A_35, %dma_start3A_36] : memref<2x8x128xi32, #tpu.memory_space<vmem>> -> memref<1x1x128xi32, #tpu.memory_space<vmem>>
      %dma_start3A_38 = tpu.memref_squeeze %dma_start3A_37 : memref<1x1x128xi32, #tpu.memory_space<vmem>> -> memref<128xi32, #tpu.memory_space<vmem>>
      %dma_start3A_39 = arith.constant 0 : i32
      %dma_start3A_40 = arith.constant 0 : i32
      %dma_start3A_41 = tpu.memref_slice %arg2[%dma_start3A_39, %dma_start3A_40] : memref<10112x128xf32, #tpu.memory_space<hbm>> -> memref<10112x128xf32, #tpu.memory_space<hbm>>
      tpu.enqueue_indirect_dma source(%dma_start3A_41 : memref<10112x128xf32, #tpu.memory_space<hbm>>) target(%arg10 : memref<128x128xf32, #tpu.memory_space<vmem>>) offsets(%dma_start3A_38 : memref<128xi32, #tpu.memory_space<vmem>>) semaphore(%arg13 : memref<!tpu.dma_semaphore, #tpu.memory_space<semaphore_mem>>)
      %dma_wait3A = arith.constant 0 : i32
      %dma_wait3A_42 = arith.constant 0 : i32
      %dma_wait3A_43 = tpu.memref_slice %arg7[%rem3A_17, %dma_wait3A, %dma_wait3A_42] : memref<2x8x128xi32, #tpu.memory_space<vmem>> -> memref<1x1x128xi32, #tpu.memory_space<vmem>>
      %dma_wait3A_44 = tpu.memref_squeeze %dma_wait3A_43 : memref<1x1x128xi32, #tpu.memory_space<vmem>> -> memref<128xi32, #tpu.memory_space<vmem>>
      %dma_wait3A_45 = arith.constant 0 : i32
      %dma_wait3A_46 = arith.constant 0 : i32
      %dma_wait3A_47 = tpu.memref_slice %arg2[%dma_wait3A_45, %dma_wait3A_46] : memref<10112x128xf32, #tpu.memory_space<hbm>> -> memref<10112x128xf32, #tpu.memory_space<hbm>>
      tpu.wait_indirect_dma semaphore(%arg12 : memref<!tpu.dma_semaphore, #tpu.memory_space<semaphore_mem>>) src(%dma_wait3A_47 : memref<10112x128xf32, #tpu.memory_space<hbm>>) dst(%arg9 : memref<128x128xf32, #tpu.memory_space<vmem>>)
      %dma_start3A_48 = arith.constant 0 : i32
      %dma_start3A_49 = arith.constant 0 : i32
      %dma_start3A_50 = tpu.memref_slice %arg8[%rem3A_17, %dma_start3A_48, %dma_start3A_49] : memref<2x8x128xi32, #tpu.memory_space<vmem>> -> memref<1x1x128xi32, #tpu.memory_space<vmem>>
      %dma_start3A_51 = tpu.memref_squeeze %dma_start3A_50 : memref<1x1x128xi32, #tpu.memory_space<vmem>> -> memref<128xi32, #tpu.memory_space<vmem>>
      %dma_start3A_52 = arith.constant 0 : i32
      %dma_start3A_53 = arith.constant 0 : i32
      %dma_start3A_54 = tpu.memref_slice %arg11[%dma_start3A_52, %dma_start3A_53] : memref<10112x128xf32, #tpu.memory_space<vmem_shared>> -> memref<10112x128xf32, #tpu.memory_space<vmem_shared>>
      tpu.enqueue_indirect_dma source(%arg9 : memref<128x128xf32, #tpu.memory_space<vmem>>) target(%dma_start3A_54 : memref<10112x128xf32, #tpu.memory_space<vmem_shared>>) offsets(%dma_start3A_51 : memref<128xi32, #tpu.memory_space<vmem>>) semaphore(%arg14 : memref<!tpu.dma_semaphore, #tpu.memory_space<semaphore_mem>>) {add = true}
      %dma_wait3A_55 = arith.constant 0 : i32
      %dma_wait3A_56 = arith.constant 0 : i32
      %dma_wait3A_57 = tpu.memref_slice %arg8[%rem3A_17, %dma_wait3A_55, %dma_wait3A_56] : memref<2x8x128xi32, #tpu.memory_space<vmem>> -> memref<1x1x128xi32, #tpu.memory_space<vmem>>
      %dma_wait3A_58 = tpu.memref_squeeze %dma_wait3A_57 : memref<1x1x128xi32, #tpu.memory_space<vmem>> -> memref<128xi32, #tpu.memory_space<vmem>>
      %dma_wait3A_59 = arith.constant 0 : i32
      %dma_wait3A_60 = arith.constant 0 : i32
      %dma_wait3A_61 = tpu.memref_slice %arg11[%dma_wait3A_59, %dma_wait3A_60] : memref<10112x128xf32, #tpu.memory_space<vmem_shared>> -> memref<10112x128xf32, #tpu.memory_space<vmem_shared>>
      tpu.wait_indirect_dma semaphore(%arg14 : memref<!tpu.dma_semaphore, #tpu.memory_space<semaphore_mem>>) src(%arg9 : memref<128x128xf32, #tpu.memory_space<vmem>>) dst(%dma_wait3A_61 : memref<10112x128xf32, #tpu.memory_space<vmem_shared>>)
      %dma_start3A_62 = arith.constant 2 : i32
      %dma_start3A_63 = arith.constant 0 : i32
      %dma_start3A_64 = tpu.memref_slice %arg7[%rem3A_17, %dma_start3A_62, %dma_start3A_63] : memref<2x8x128xi32, #tpu.memory_space<vmem>> -> memref<1x1x128xi32, #tpu.memory_space<vmem>>
      %dma_start3A_65 = tpu.memref_squeeze %dma_start3A_64 : memref<1x1x128xi32, #tpu.memory_space<vmem>> -> memref<128xi32, #tpu.memory_space<vmem>>
      %dma_start3A_66 = arith.constant 0 : i32
      %dma_start3A_67 = arith.constant 0 : i32
      %dma_start3A_68 = tpu.memref_slice %arg2[%dma_start3A_66, %dma_start3A_67] : memref<10112x128xf32, #tpu.memory_space<hbm>> -> memref<10112x128xf32, #tpu.memory_space<hbm>>
      tpu.enqueue_indirect_dma source(%dma_start3A_68 : memref<10112x128xf32, #tpu.memory_space<hbm>>) target(%arg9 : memref<128x128xf32, #tpu.memory_space<vmem>>) offsets(%dma_start3A_65 : memref<128xi32, #tpu.memory_space<vmem>>) semaphore(%arg12 : memref<!tpu.dma_semaphore, #tpu.memory_space<semaphore_mem>>)
      %dma_wait3A_69 = arith.constant 1 : i32
      %dma_wait3A_70 = arith.constant 0 : i32
      %dma_wait3A_71 = tpu.memref_slice %arg7[%rem3A_17, %dma_wait3A_69, %dma_wait3A_70] : memref<2x8x128xi32, #tpu.memory_space<vmem>> -> memref<1x1x128xi32, #tpu.memory_space<vmem>>
      %dma_wait3A_72 = tpu.memref_squeeze %dma_wait3A_71 : memref<1x1x128xi32, #tpu.memory_space<vmem>> -> memref<128xi32, #tpu.memory_space<vmem>>
      %dma_wait3A_73 = arith.constant 0 : i32
      %dma_wait3A_74 = arith.constant 0 : i32
      %dma_wait3A_75 = tpu.memref_slice %arg2[%dma_wait3A_73, %dma_wait3A_74] : memref<10112x128xf32, #tpu.memory_space<hbm>> -> memref<10112x128xf32, #tpu.memory_space<hbm>>
      tpu.wait_indirect_dma semaphore(%arg13 : memref<!tpu.dma_semaphore, #tpu.memory_space<semaphore_mem>>) src(%dma_wait3A_75 : memref<10112x128xf32, #tpu.memory_space<hbm>>) dst(%arg10 : memref<128x128xf32, #tpu.memory_space<vmem>>)
      %dma_start3A_76 = arith.constant 1 : i32
      %dma_start3A_77 = arith.constant 0 : i32
      %dma_start3A_78 = tpu.memref_slice %arg8[%rem3A_17, %dma_start3A_76, %dma_start3A_77] : memref<2x8x128xi32, #tpu.memory_space<vmem>> -> memref<1x1x128xi32, #tpu.memory_space<vmem>>
      %dma_start3A_79 = tpu.memref_squeeze %dma_start3A_78 : memref<1x1x128xi32, #tpu.memory_space<vmem>> -> memref<128xi32, #tpu.memory_space<vmem>>
      %dma_start3A_80 = arith.constant 0 : i32
      %dma_start3A_81 = arith.constant 0 : i32
      %dma_start3A_82 = tpu.memref_slice %arg11[%dma_start3A_80, %dma_start3A_81] : memref<10112x128xf32, #tpu.memory_space<vmem_shared>> -> memref<10112x128xf32, #tpu.memory_space<vmem_shared>>
      tpu.enqueue_indirect_dma source(%arg10 : memref<128x128xf32, #tpu.memory_space<vmem>>) target(%dma_start3A_82 : memref<10112x128xf32, #tpu.memory_space<vmem_shared>>) offsets(%dma_start3A_79 : memref<128xi32, #tpu.memory_space<vmem>>) semaphore(%arg15 : memref<!tpu.dma_semaphore, #tpu.memory_space<semaphore_mem>>) {add = true}
      %dma_wait3A_83 = arith.constant 1 : i32
      %dma_wait3A_84 = arith.constant 0 : i32
      %dma_wait3A_85 = tpu.memref_slice %arg8[%rem3A_17, %dma_wait3A_83, %dma_wait3A_84] : memref<2x8x128xi32, #tpu.memory_space<vmem>> -> memref<1x1x128xi32, #tpu.memory_space<vmem>>
      %dma_wait3A_86 = tpu.memref_squeeze %dma_wait3A_85 : memref<1x1x128xi32, #tpu.memory_space<vmem>> -> memref<128xi32, #tpu.memory_space<vmem>>
      %dma_wait3A_87 = arith.constant 0 : i32
      %dma_wait3A_88 = arith.constant 0 : i32
      %dma_wait3A_89 = tpu.memref_slice %arg11[%dma_wait3A_87, %dma_wait3A_88] : memref<10112x128xf32, #tpu.memory_space<vmem_shared>> -> memref<10112x128xf32, #tpu.memory_space<vmem_shared>>
      tpu.wait_indirect_dma semaphore(%arg15 : memref<!tpu.dma_semaphore, #tpu.memory_space<semaphore_mem>>) src(%arg10 : memref<128x128xf32, #tpu.memory_space<vmem>>) dst(%dma_wait3A_89 : memref<10112x128xf32, #tpu.memory_space<vmem_shared>>)
      %dma_start3A_90 = arith.constant 3 : i32
      %dma_start3A_91 = arith.constant 0 : i32
      %dma_start3A_92 = tpu.memref_slice %arg7[%rem3A_17, %dma_start3A_90, %dma_start3A_91] : memref<2x8x128xi32, #tpu.memory_space<vmem>> -> memref<1x1x128xi32, #tpu.memory_space<vmem>>
      %dma_start3A_93 = tpu.memref_squeeze %dma_start3A_92 : memref<1x1x128xi32, #tpu.memory_space<vmem>> -> memref<128xi32, #tpu.memory_space<vmem>>
      %dma_start3A_94 = arith.constant 0 : i32
      %dma_start3A_95 = arith.constant 0 : i32
      %dma_start3A_96 = tpu.memref_slice %arg2[%dma_start3A_94, %dma_start3A_95] : memref<10112x128xf32, #tpu.memory_space<hbm>> -> memref<10112x128xf32, #tpu.memory_space<hbm>>
      tpu.enqueue_indirect_dma source(%dma_start3A_96 : memref<10112x128xf32, #tpu.memory_space<hbm>>) target(%arg10 : memref<128x128xf32, #tpu.memory_space<vmem>>) offsets(%dma_start3A_93 : memref<128xi32, #tpu.memory_space<vmem>>) semaphore(%arg13 : memref<!tpu.dma_semaphore, #tpu.memory_space<semaphore_mem>>)
      %dma_wait3A_97 = arith.constant 2 : i32
      %dma_wait3A_98 = arith.constant 0 : i32
      %dma_wait3A_99 = tpu.memref_slice %arg7[%rem3A_17, %dma_wait3A_97, %dma_wait3A_98] : memref<2x8x128xi32, #tpu.memory_space<vmem>> -> memref<1x1x128xi32, #tpu.memory_space<vmem>>
      %dma_wait3A_100 = tpu.memref_squeeze %dma_wait3A_99 : memref<1x1x128xi32, #tpu.memory_space<vmem>> -> memref<128xi32, #tpu.memory_space<vmem>>
      %dma_wait3A_101 = arith.constant 0 : i32
      %dma_wait3A_102 = arith.constant 0 : i32
      %dma_wait3A_103 = tpu.memref_slice %arg2[%dma_wait3A_101, %dma_wait3A_102] : memref<10112x128xf32, #tpu.memory_space<hbm>> -> memref<10112x128xf32, #tpu.memory_space<hbm>>
      tpu.wait_indirect_dma semaphore(%arg12 : memref<!tpu.dma_semaphore, #tpu.memory_space<semaphore_mem>>) src(%dma_wait3A_103 : memref<10112x128xf32, #tpu.memory_space<hbm>>) dst(%arg9 : memref<128x128xf32, #tpu.memory_space<vmem>>)
      %dma_start3A_104 = arith.constant 2 : i32
      %dma_start3A_105 = arith.constant 0 : i32
      %dma_start3A_106 = tpu.memref_slice %arg8[%rem3A_17, %dma_start3A_104, %dma_start3A_105] : memref<2x8x128xi32, #tpu.memory_space<vmem>> -> memref<1x1x128xi32, #tpu.memory_space<vmem>>
      %dma_start3A_107 = tpu.memref_squeeze %dma_start3A_106 : memref<1x1x128xi32, #tpu.memory_space<vmem>> -> memref<128xi32, #tpu.memory_space<vmem>>
      %dma_start3A_108 = arith.constant 0 : i32
      %dma_start3A_109 = arith.constant 0 : i32
      %dma_start3A_110 = tpu.memref_slice %arg11[%dma_start3A_108, %dma_start3A_109] : memref<10112x128xf32, #tpu.memory_space<vmem_shared>> -> memref<10112x128xf32, #tpu.memory_space<vmem_shared>>
      tpu.enqueue_indirect_dma source(%arg9 : memref<128x128xf32, #tpu.memory_space<vmem>>) target(%dma_start3A_110 : memref<10112x128xf32, #tpu.memory_space<vmem_shared>>) offsets(%dma_start3A_107 : memref<128xi32, #tpu.memory_space<vmem>>) semaphore(%arg14 : memref<!tpu.dma_semaphore, #tpu.memory_space<semaphore_mem>>) {add = true}
      %dma_wait3A_111 = arith.constant 2 : i32
      %dma_wait3A_112 = arith.constant 0 : i32
      %dma_wait3A_113 = tpu.memref_slice %arg8[%rem3A_17, %dma_wait3A_111, %dma_wait3A_112] : memref<2x8x128xi32, #tpu.memory_space<vmem>> -> memref<1x1x128xi32, #tpu.memory_space<vmem>>
      %dma_wait3A_114 = tpu.memref_squeeze %dma_wait3A_113 : memref<1x1x128xi32, #tpu.memory_space<vmem>> -> memref<128xi32, #tpu.memory_space<vmem>>
      %dma_wait3A_115 = arith.constant 0 : i32
      %dma_wait3A_116 = arith.constant 0 : i32
      %dma_wait3A_117 = tpu.memref_slice %arg11[%dma_wait3A_115, %dma_wait3A_116] : memref<10112x128xf32, #tpu.memory_space<vmem_shared>> -> memref<10112x128xf32, #tpu.memory_space<vmem_shared>>
      tpu.wait_indirect_dma semaphore(%arg14 : memref<!tpu.dma_semaphore, #tpu.memory_space<semaphore_mem>>) src(%arg9 : memref<128x128xf32, #tpu.memory_space<vmem>>) dst(%dma_wait3A_117 : memref<10112x128xf32, #tpu.memory_space<vmem_shared>>)
      %dma_start3A_118 = arith.constant 4 : i32
      %dma_start3A_119 = arith.constant 0 : i32
      %dma_start3A_120 = tpu.memref_slice %arg7[%rem3A_17, %dma_start3A_118, %dma_start3A_119] : memref<2x8x128xi32, #tpu.memory_space<vmem>> -> memref<1x1x128xi32, #tpu.memory_space<vmem>>
      %dma_start3A_121 = tpu.memref_squeeze %dma_start3A_120 : memref<1x1x128xi32, #tpu.memory_space<vmem>> -> memref<128xi32, #tpu.memory_space<vmem>>
      %dma_start3A_122 = arith.constant 0 : i32
      %dma_start3A_123 = arith.constant 0 : i32
      %dma_start3A_124 = tpu.memref_slice %arg2[%dma_start3A_122, %dma_start3A_123] : memref<10112x128xf32, #tpu.memory_space<hbm>> -> memref<10112x128xf32, #tpu.memory_space<hbm>>
      tpu.enqueue_indirect_dma source(%dma_start3A_124 : memref<10112x128xf32, #tpu.memory_space<hbm>>) target(%arg9 : memref<128x128xf32, #tpu.memory_space<vmem>>) offsets(%dma_start3A_121 : memref<128xi32, #tpu.memory_space<vmem>>) semaphore(%arg12 : memref<!tpu.dma_semaphore, #tpu.memory_space<semaphore_mem>>)
      %dma_wait3A_125 = arith.constant 3 : i32
      %dma_wait3A_126 = arith.constant 0 : i32
      %dma_wait3A_127 = tpu.memref_slice %arg7[%rem3A_17, %dma_wait3A_125, %dma_wait3A_126] : memref<2x8x128xi32, #tpu.memory_space<vmem>> -> memref<1x1x128xi32, #tpu.memory_space<vmem>>
      %dma_wait3A_128 = tpu.memref_squeeze %dma_wait3A_127 : memref<1x1x128xi32, #tpu.memory_space<vmem>> -> memref<128xi32, #tpu.memory_space<vmem>>
      %dma_wait3A_129 = arith.constant 0 : i32
      %dma_wait3A_130 = arith.constant 0 : i32
      %dma_wait3A_131 = tpu.memref_slice %arg2[%dma_wait3A_129, %dma_wait3A_130] : memref<10112x128xf32, #tpu.memory_space<hbm>> -> memref<10112x128xf32, #tpu.memory_space<hbm>>
      tpu.wait_indirect_dma semaphore(%arg13 : memref<!tpu.dma_semaphore, #tpu.memory_space<semaphore_mem>>) src(%dma_wait3A_131 : memref<10112x128xf32, #tpu.memory_space<hbm>>) dst(%arg10 : memref<128x128xf32, #tpu.memory_space<vmem>>)
      %dma_start3A_132 = arith.constant 3 : i32
      %dma_start3A_133 = arith.constant 0 : i32
      %dma_start3A_134 = tpu.memref_slice %arg8[%rem3A_17, %dma_start3A_132, %dma_start3A_133] : memref<2x8x128xi32, #tpu.memory_space<vmem>> -> memref<1x1x128xi32, #tpu.memory_space<vmem>>
      %dma_start3A_135 = tpu.memref_squeeze %dma_start3A_134 : memref<1x1x128xi32, #tpu.memory_space<vmem>> -> memref<128xi32, #tpu.memory_space<vmem>>
      %dma_start3A_136 = arith.constant 0 : i32
      %dma_start3A_137 = arith.constant 0 : i32
      %dma_start3A_138 = tpu.memref_slice %arg11[%dma_start3A_136, %dma_start3A_137] : memref<10112x128xf32, #tpu.memory_space<vmem_shared>> -> memref<10112x128xf32, #tpu.memory_space<vmem_shared>>
      tpu.enqueue_indirect_dma source(%arg10 : memref<128x128xf32, #tpu.memory_space<vmem>>) target(%dma_start3A_138 : memref<10112x128xf32, #tpu.memory_space<vmem_shared>>) offsets(%dma_start3A_135 : memref<128xi32, #tpu.memory_space<vmem>>) semaphore(%arg15 : memref<!tpu.dma_semaphore, #tpu.memory_space<semaphore_mem>>) {add = true}
      %dma_wait3A_139 = arith.constant 3 : i32
      %dma_wait3A_140 = arith.constant 0 : i32
      %dma_wait3A_141 = tpu.memref_slice %arg8[%rem3A_17, %dma_wait3A_139, %dma_wait3A_140] : memref<2x8x128xi32, #tpu.memory_space<vmem>> -> memref<1x1x128xi32, #tpu.memory_space<vmem>>
      %dma_wait3A_142 = tpu.memref_squeeze %dma_wait3A_141 : memref<1x1x128xi32, #tpu.memory_space<vmem>> -> memref<128xi32, #tpu.memory_space<vmem>>
      %dma_wait3A_143 = arith.constant 0 : i32
      %dma_wait3A_144 = arith.constant 0 : i32
      %dma_wait3A_145 = tpu.memref_slice %arg11[%dma_wait3A_143, %dma_wait3A_144] : memref<10112x128xf32, #tpu.memory_space<vmem_shared>> -> memref<10112x128xf32, #tpu.memory_space<vmem_shared>>
      tpu.wait_indirect_dma semaphore(%arg15 : memref<!tpu.dma_semaphore, #tpu.memory_space<semaphore_mem>>) src(%arg10 : memref<128x128xf32, #tpu.memory_space<vmem>>) dst(%dma_wait3A_145 : memref<10112x128xf32, #tpu.memory_space<vmem_shared>>)
      %dma_start3A_146 = arith.constant 5 : i32
      %dma_start3A_147 = arith.constant 0 : i32
      %dma_start3A_148 = tpu.memref_slice %arg7[%rem3A_17, %dma_start3A_146, %dma_start3A_147] : memref<2x8x128xi32, #tpu.memory_space<vmem>> -> memref<1x1x128xi32, #tpu.memory_space<vmem>>
      %dma_start3A_149 = tpu.memref_squeeze %dma_start3A_148 : memref<1x1x128xi32, #tpu.memory_space<vmem>> -> memref<128xi32, #tpu.memory_space<vmem>>
      %dma_start3A_150 = arith.constant 0 : i32
      %dma_start3A_151 = arith.constant 0 : i32
      %dma_start3A_152 = tpu.memref_slice %arg2[%dma_start3A_150, %dma_start3A_151] : memref<10112x128xf32, #tpu.memory_space<hbm>> -> memref<10112x128xf32, #tpu.memory_space<hbm>>
      tpu.enqueue_indirect_dma source(%dma_start3A_152 : memref<10112x128xf32, #tpu.memory_space<hbm>>) target(%arg10 : memref<128x128xf32, #tpu.memory_space<vmem>>) offsets(%dma_start3A_149 : memref<128xi32, #tpu.memory_space<vmem>>) semaphore(%arg13 : memref<!tpu.dma_semaphore, #tpu.memory_space<semaphore_mem>>)
      %dma_wait3A_153 = arith.constant 4 : i32
      %dma_wait3A_154 = arith.constant 0 : i32
      %dma_wait3A_155 = tpu.memref_slice %arg7[%rem3A_17, %dma_wait3A_153, %dma_wait3A_154] : memref<2x8x128xi32, #tpu.memory_space<vmem>> -> memref<1x1x128xi32, #tpu.memory_space<vmem>>
      %dma_wait3A_156 = tpu.memref_squeeze %dma_wait3A_155 : memref<1x1x128xi32, #tpu.memory_space<vmem>> -> memref<128xi32, #tpu.memory_space<vmem>>
      %dma_wait3A_157 = arith.constant 0 : i32
      %dma_wait3A_158 = arith.constant 0 : i32
      %dma_wait3A_159 = tpu.memref_slice %arg2[%dma_wait3A_157, %dma_wait3A_158] : memref<10112x128xf32, #tpu.memory_space<hbm>> -> memref<10112x128xf32, #tpu.memory_space<hbm>>
      tpu.wait_indirect_dma semaphore(%arg12 : memref<!tpu.dma_semaphore, #tpu.memory_space<semaphore_mem>>) src(%dma_wait3A_159 : memref<10112x128xf32, #tpu.memory_space<hbm>>) dst(%arg9 : memref<128x128xf32, #tpu.memory_space<vmem>>)
      %dma_start3A_160 = arith.constant 4 : i32
      %dma_start3A_161 = arith.constant 0 : i32
      %dma_start3A_162 = tpu.memref_slice %arg8[%rem3A_17, %dma_start3A_160, %dma_start3A_161] : memref<2x8x128xi32, #tpu.memory_space<vmem>> -> memref<1x1x128xi32, #tpu.memory_space<vmem>>
      %dma_start3A_163 = tpu.memref_squeeze %dma_start3A_162 : memref<1x1x128xi32, #tpu.memory_space<vmem>> -> memref<128xi32, #tpu.memory_space<vmem>>
      %dma_start3A_164 = arith.constant 0 : i32
      %dma_start3A_165 = arith.constant 0 : i32
      %dma_start3A_166 = tpu.memref_slice %arg11[%dma_start3A_164, %dma_start3A_165] : memref<10112x128xf32, #tpu.memory_space<vmem_shared>> -> memref<10112x128xf32, #tpu.memory_space<vmem_shared>>
      tpu.enqueue_indirect_dma source(%arg9 : memref<128x128xf32, #tpu.memory_space<vmem>>) target(%dma_start3A_166 : memref<10112x128xf32, #tpu.memory_space<vmem_shared>>) offsets(%dma_start3A_163 : memref<128xi32, #tpu.memory_space<vmem>>) semaphore(%arg14 : memref<!tpu.dma_semaphore, #tpu.memory_space<semaphore_mem>>) {add = true}
      %dma_wait3A_167 = arith.constant 4 : i32
      %dma_wait3A_168 = arith.constant 0 : i32
      %dma_wait3A_169 = tpu.memref_slice %arg8[%rem3A_17, %dma_wait3A_167, %dma_wait3A_168] : memref<2x8x128xi32, #tpu.memory_space<vmem>> -> memref<1x1x128xi32, #tpu.memory_space<vmem>>
      %dma_wait3A_170 = tpu.memref_squeeze %dma_wait3A_169 : memref<1x1x128xi32, #tpu.memory_space<vmem>> -> memref<128xi32, #tpu.memory_space<vmem>>
      %dma_wait3A_171 = arith.constant 0 : i32
      %dma_wait3A_172 = arith.constant 0 : i32
      %dma_wait3A_173 = tpu.memref_slice %arg11[%dma_wait3A_171, %dma_wait3A_172] : memref<10112x128xf32, #tpu.memory_space<vmem_shared>> -> memref<10112x128xf32, #tpu.memory_space<vmem_shared>>
      tpu.wait_indirect_dma semaphore(%arg14 : memref<!tpu.dma_semaphore, #tpu.memory_space<semaphore_mem>>) src(%arg9 : memref<128x128xf32, #tpu.memory_space<vmem>>) dst(%dma_wait3A_173 : memref<10112x128xf32, #tpu.memory_space<vmem_shared>>)
      %dma_start3A_174 = arith.constant 6 : i32
      %dma_start3A_175 = arith.constant 0 : i32
      %dma_start3A_176 = tpu.memref_slice %arg7[%rem3A_17, %dma_start3A_174, %dma_start3A_175] : memref<2x8x128xi32, #tpu.memory_space<vmem>> -> memref<1x1x128xi32, #tpu.memory_space<vmem>>
      %dma_start3A_177 = tpu.memref_squeeze %dma_start3A_176 : memref<1x1x128xi32, #tpu.memory_space<vmem>> -> memref<128xi32, #tpu.memory_space<vmem>>
      %dma_start3A_178 = arith.constant 0 : i32
      %dma_start3A_179 = arith.constant 0 : i32
      %dma_start3A_180 = tpu.memref_slice %arg2[%dma_start3A_178, %dma_start3A_179] : memref<10112x128xf32, #tpu.memory_space<hbm>> -> memref<10112x128xf32, #tpu.memory_space<hbm>>
      tpu.enqueue_indirect_dma source(%dma_start3A_180 : memref<10112x128xf32, #tpu.memory_space<hbm>>) target(%arg9 : memref<128x128xf32, #tpu.memory_space<vmem>>) offsets(%dma_start3A_177 : memref<128xi32, #tpu.memory_space<vmem>>) semaphore(%arg12 : memref<!tpu.dma_semaphore, #tpu.memory_space<semaphore_mem>>)
      %dma_wait3A_181 = arith.constant 5 : i32
      %dma_wait3A_182 = arith.constant 0 : i32
      %dma_wait3A_183 = tpu.memref_slice %arg7[%rem3A_17, %dma_wait3A_181, %dma_wait3A_182] : memref<2x8x128xi32, #tpu.memory_space<vmem>> -> memref<1x1x128xi32, #tpu.memory_space<vmem>>
      %dma_wait3A_184 = tpu.memref_squeeze %dma_wait3A_183 : memref<1x1x128xi32, #tpu.memory_space<vmem>> -> memref<128xi32, #tpu.memory_space<vmem>>
      %dma_wait3A_185 = arith.constant 0 : i32
      %dma_wait3A_186 = arith.constant 0 : i32
      %dma_wait3A_187 = tpu.memref_slice %arg2[%dma_wait3A_185, %dma_wait3A_186] : memref<10112x128xf32, #tpu.memory_space<hbm>> -> memref<10112x128xf32, #tpu.memory_space<hbm>>
      tpu.wait_indirect_dma semaphore(%arg13 : memref<!tpu.dma_semaphore, #tpu.memory_space<semaphore_mem>>) src(%dma_wait3A_187 : memref<10112x128xf32, #tpu.memory_space<hbm>>) dst(%arg10 : memref<128x128xf32, #tpu.memory_space<vmem>>)
      %dma_start3A_188 = arith.constant 5 : i32
      %dma_start3A_189 = arith.constant 0 : i32
      %dma_start3A_190 = tpu.memref_slice %arg8[%rem3A_17, %dma_start3A_188, %dma_start3A_189] : memref<2x8x128xi32, #tpu.memory_space<vmem>> -> memref<1x1x128xi32, #tpu.memory_space<vmem>>
      %dma_start3A_191 = tpu.memref_squeeze %dma_start3A_190 : memref<1x1x128xi32, #tpu.memory_space<vmem>> -> memref<128xi32, #tpu.memory_space<vmem>>
      %dma_start3A_192 = arith.constant 0 : i32
      %dma_start3A_193 = arith.constant 0 : i32
      %dma_start3A_194 = tpu.memref_slice %arg11[%dma_start3A_192, %dma_start3A_193] : memref<10112x128xf32, #tpu.memory_space<vmem_shared>> -> memref<10112x128xf32, #tpu.memory_space<vmem_shared>>
      tpu.enqueue_indirect_dma source(%arg10 : memref<128x128xf32, #tpu.memory_space<vmem>>) target(%dma_start3A_194 : memref<10112x128xf32, #tpu.memory_space<vmem_shared>>) offsets(%dma_start3A_191 : memref<128xi32, #tpu.memory_space<vmem>>) semaphore(%arg15 : memref<!tpu.dma_semaphore, #tpu.memory_space<semaphore_mem>>) {add = true}
      %dma_wait3A_195 = arith.constant 5 : i32
      %dma_wait3A_196 = arith.constant 0 : i32
      %dma_wait3A_197 = tpu.memref_slice %arg8[%rem3A_17, %dma_wait3A_195, %dma_wait3A_196] : memref<2x8x128xi32, #tpu.memory_space<vmem>> -> memref<1x1x128xi32, #tpu.memory_space<vmem>>
      %dma_wait3A_198 = tpu.memref_squeeze %dma_wait3A_197 : memref<1x1x128xi32, #tpu.memory_space<vmem>> -> memref<128xi32, #tpu.memory_space<vmem>>
      %dma_wait3A_199 = arith.constant 0 : i32
      %dma_wait3A_200 = arith.constant 0 : i32
      %dma_wait3A_201 = tpu.memref_slice %arg11[%dma_wait3A_199, %dma_wait3A_200] : memref<10112x128xf32, #tpu.memory_space<vmem_shared>> -> memref<10112x128xf32, #tpu.memory_space<vmem_shared>>
      tpu.wait_indirect_dma semaphore(%arg15 : memref<!tpu.dma_semaphore, #tpu.memory_space<semaphore_mem>>) src(%arg10 : memref<128x128xf32, #tpu.memory_space<vmem>>) dst(%dma_wait3A_201 : memref<10112x128xf32, #tpu.memory_space<vmem_shared>>)
      %dma_start3A_202 = arith.constant 7 : i32
      %dma_start3A_203 = arith.constant 0 : i32
      %dma_start3A_204 = tpu.memref_slice %arg7[%rem3A_17, %dma_start3A_202, %dma_start3A_203] : memref<2x8x128xi32, #tpu.memory_space<vmem>> -> memref<1x1x128xi32, #tpu.memory_space<vmem>>
      %dma_start3A_205 = tpu.memref_squeeze %dma_start3A_204 : memref<1x1x128xi32, #tpu.memory_space<vmem>> -> memref<128xi32, #tpu.memory_space<vmem>>
      %dma_start3A_206 = arith.constant 0 : i32
      %dma_start3A_207 = arith.constant 0 : i32
      %dma_start3A_208 = tpu.memref_slice %arg2[%dma_start3A_206, %dma_start3A_207] : memref<10112x128xf32, #tpu.memory_space<hbm>> -> memref<10112x128xf32, #tpu.memory_space<hbm>>
      tpu.enqueue_indirect_dma source(%dma_start3A_208 : memref<10112x128xf32, #tpu.memory_space<hbm>>) target(%arg10 : memref<128x128xf32, #tpu.memory_space<vmem>>) offsets(%dma_start3A_205 : memref<128xi32, #tpu.memory_space<vmem>>) semaphore(%arg13 : memref<!tpu.dma_semaphore, #tpu.memory_space<semaphore_mem>>)
      %dma_wait3A_209 = arith.constant 6 : i32
      %dma_wait3A_210 = arith.constant 0 : i32
      %dma_wait3A_211 = tpu.memref_slice %arg7[%rem3A_17, %dma_wait3A_209, %dma_wait3A_210] : memref<2x8x128xi32, #tpu.memory_space<vmem>> -> memref<1x1x128xi32, #tpu.memory_space<vmem>>
      %dma_wait3A_212 = tpu.memref_squeeze %dma_wait3A_211 : memref<1x1x128xi32, #tpu.memory_space<vmem>> -> memref<128xi32, #tpu.memory_space<vmem>>
      %dma_wait3A_213 = arith.constant 0 : i32
      %dma_wait3A_214 = arith.constant 0 : i32
      %dma_wait3A_215 = tpu.memref_slice %arg2[%dma_wait3A_213, %dma_wait3A_214] : memref<10112x128xf32, #tpu.memory_space<hbm>> -> memref<10112x128xf32, #tpu.memory_space<hbm>>
      tpu.wait_indirect_dma semaphore(%arg12 : memref<!tpu.dma_semaphore, #tpu.memory_space<semaphore_mem>>) src(%dma_wait3A_215 : memref<10112x128xf32, #tpu.memory_space<hbm>>) dst(%arg9 : memref<128x128xf32, #tpu.memory_space<vmem>>)
      %dma_start3A_216 = arith.constant 6 : i32
      %dma_start3A_217 = arith.constant 0 : i32
      %dma_start3A_218 = tpu.memref_slice %arg8[%rem3A_17, %dma_start3A_216, %dma_start3A_217] : memref<2x8x128xi32, #tpu.memory_space<vmem>> -> memref<1x1x128xi32, #tpu.memory_space<vmem>>
      %dma_start3A_219 = tpu.memref_squeeze %dma_start3A_218 : memref<1x1x128xi32, #tpu.memory_space<vmem>> -> memref<128xi32, #tpu.memory_space<vmem>>
      %dma_start3A_220 = arith.constant 0 : i32
      %dma_start3A_221 = arith.constant 0 : i32
      %dma_start3A_222 = tpu.memref_slice %arg11[%dma_start3A_220, %dma_start3A_221] : memref<10112x128xf32, #tpu.memory_space<vmem_shared>> -> memref<10112x128xf32, #tpu.memory_space<vmem_shared>>
      tpu.enqueue_indirect_dma source(%arg9 : memref<128x128xf32, #tpu.memory_space<vmem>>) target(%dma_start3A_222 : memref<10112x128xf32, #tpu.memory_space<vmem_shared>>) offsets(%dma_start3A_219 : memref<128xi32, #tpu.memory_space<vmem>>) semaphore(%arg14 : memref<!tpu.dma_semaphore, #tpu.memory_space<semaphore_mem>>) {add = true}
      %dma_wait3A_223 = arith.constant 7 : i32
      %dma_wait3A_224 = arith.constant 0 : i32
      %dma_wait3A_225 = tpu.memref_slice %arg7[%rem3A_17, %dma_wait3A_223, %dma_wait3A_224] : memref<2x8x128xi32, #tpu.memory_space<vmem>> -> memref<1x1x128xi32, #tpu.memory_space<vmem>>
      %dma_wait3A_226 = tpu.memref_squeeze %dma_wait3A_225 : memref<1x1x128xi32, #tpu.memory_space<vmem>> -> memref<128xi32, #tpu.memory_space<vmem>>
      %dma_wait3A_227 = arith.constant 0 : i32
      %dma_wait3A_228 = arith.constant 0 : i32
      %dma_wait3A_229 = tpu.memref_slice %arg2[%dma_wait3A_227, %dma_wait3A_228] : memref<10112x128xf32, #tpu.memory_space<hbm>> -> memref<10112x128xf32, #tpu.memory_space<hbm>>
      tpu.wait_indirect_dma semaphore(%arg13 : memref<!tpu.dma_semaphore, #tpu.memory_space<semaphore_mem>>) src(%dma_wait3A_229 : memref<10112x128xf32, #tpu.memory_space<hbm>>) dst(%arg10 : memref<128x128xf32, #tpu.memory_space<vmem>>)
      %dma_start3A_230 = arith.constant 7 : i32
      %dma_start3A_231 = arith.constant 0 : i32
      %dma_start3A_232 = tpu.memref_slice %arg8[%rem3A_17, %dma_start3A_230, %dma_start3A_231] : memref<2x8x128xi32, #tpu.memory_space<vmem>> -> memref<1x1x128xi32, #tpu.memory_space<vmem>>
      %dma_start3A_233 = tpu.memref_squeeze %dma_start3A_232 : memref<1x1x128xi32, #tpu.memory_space<vmem>> -> memref<128xi32, #tpu.memory_space<vmem>>
      %dma_start3A_234 = arith.constant 0 : i32
      %dma_start3A_235 = arith.constant 0 : i32
      %dma_start3A_236 = tpu.memref_slice %arg11[%dma_start3A_234, %dma_start3A_235] : memref<10112x128xf32, #tpu.memory_space<vmem_shared>> -> memref<10112x128xf32, #tpu.memory_space<vmem_shared>>
      tpu.enqueue_indirect_dma source(%arg10 : memref<128x128xf32, #tpu.memory_space<vmem>>) target(%dma_start3A_236 : memref<10112x128xf32, #tpu.memory_space<vmem_shared>>) offsets(%dma_start3A_233 : memref<128xi32, #tpu.memory_space<vmem>>) semaphore(%arg15 : memref<!tpu.dma_semaphore, #tpu.memory_space<semaphore_mem>>) {add = true}
      %dma_wait3A_237 = arith.constant 6 : i32
      %dma_wait3A_238 = arith.constant 0 : i32
      %dma_wait3A_239 = tpu.memref_slice %arg8[%rem3A_17, %dma_wait3A_237, %dma_wait3A_238] : memref<2x8x128xi32, #tpu.memory_space<vmem>> -> memref<1x1x128xi32, #tpu.memory_space<vmem>>
      %dma_wait3A_240 = tpu.memref_squeeze %dma_wait3A_239 : memref<1x1x128xi32, #tpu.memory_space<vmem>> -> memref<128xi32, #tpu.memory_space<vmem>>
      %dma_wait3A_241 = arith.constant 0 : i32
      %dma_wait3A_242 = arith.constant 0 : i32
      %dma_wait3A_243 = tpu.memref_slice %arg11[%dma_wait3A_241, %dma_wait3A_242] : memref<10112x128xf32, #tpu.memory_space<vmem_shared>> -> memref<10112x128xf32, #tpu.memory_space<vmem_shared>>
      tpu.wait_indirect_dma semaphore(%arg14 : memref<!tpu.dma_semaphore, #tpu.memory_space<semaphore_mem>>) src(%arg9 : memref<128x128xf32, #tpu.memory_space<vmem>>) dst(%dma_wait3A_243 : memref<10112x128xf32, #tpu.memory_space<vmem_shared>>)
      %dma_wait3A_244 = arith.constant 7 : i32
      %dma_wait3A_245 = arith.constant 0 : i32
      %dma_wait3A_246 = tpu.memref_slice %arg8[%rem3A_17, %dma_wait3A_244, %dma_wait3A_245] : memref<2x8x128xi32, #tpu.memory_space<vmem>> -> memref<1x1x128xi32, #tpu.memory_space<vmem>>
      %dma_wait3A_247 = tpu.memref_squeeze %dma_wait3A_246 : memref<1x1x128xi32, #tpu.memory_space<vmem>> -> memref<128xi32, #tpu.memory_space<vmem>>
      %dma_wait3A_248 = arith.constant 0 : i32
      %dma_wait3A_249 = arith.constant 0 : i32
      %dma_wait3A_250 = tpu.memref_slice %arg11[%dma_wait3A_248, %dma_wait3A_249] : memref<10112x128xf32, #tpu.memory_space<vmem_shared>> -> memref<10112x128xf32, #tpu.memory_space<vmem_shared>>
      tpu.wait_indirect_dma semaphore(%arg15 : memref<!tpu.dma_semaphore, #tpu.memory_space<semaphore_mem>>) src(%arg10 : memref<128x128xf32, #tpu.memory_space<vmem>>) dst(%dma_wait3A_250 : memref<10112x128xf32, #tpu.memory_space<vmem_shared>>)
    }
    %scan3A_10 = arith.constant 21 : i32
    %barrier3A_11 = arith.constant 0 : index
    tpu.barrier barrier_id(%barrier3A_11)
    %mul3A_12 = arith.constant 632 : i32
    %mul3A_13 = arith.muli %arg1, %mul3A_12 : i32
    %mul3A_14 = arith.constant 632 : i32
    %mul3A_15 = arith.muli %arg1, %mul3A_14 : i32
    "tpu.region"() ({
      %run_scoped3A_16 = tpu.sem_alloc : memref<!tpu.dma_semaphore, #tpu.memory_space<semaphore_mem>>
      %dma_start3A = arith.constant 0 : i32
      %dma_start3A_17 = tpu.memref_slice %arg6[%mul3A_15, %dma_start3A] : memref<10112x128xf32, #tpu.memory_space<hbm>> -> memref<632x128xf32, #tpu.memory_space<hbm>>
      %dma_start3A_18 = arith.constant 0 : i32
      %dma_start3A_19 = tpu.memref_slice %arg11[%mul3A_13, %dma_start3A_18] : memref<10112x128xf32, #tpu.memory_space<vmem_shared>> -> memref<632x128xf32, #tpu.memory_space<vmem_shared>>
      tpu.enqueue_dma source(%dma_start3A_19 : memref<632x128xf32, #tpu.memory_space<vmem_shared>>) target(%dma_start3A_17 : memref<632x128xf32, #tpu.memory_space<hbm>>) target_semaphore(%run_scoped3A_16 : memref<!tpu.dma_semaphore, #tpu.memory_space<semaphore_mem>>)
      %dma_wait3A = arith.constant 0 : i32
      %dma_wait3A_20 = tpu.memref_slice %arg6[%mul3A_15, %dma_wait3A] : memref<10112x128xf32, #tpu.memory_space<hbm>> -> memref<632x128xf32, #tpu.memory_space<hbm>>
      %dma_wait3A_21 = arith.constant 0 : i32
      %dma_wait3A_22 = tpu.memref_slice %arg11[%mul3A_13, %dma_wait3A_21] : memref<10112x128xf32, #tpu.memory_space<vmem_shared>> -> memref<632x128xf32, #tpu.memory_space<vmem_shared>>
      tpu.wait_dma2 semaphore(%run_scoped3A_16 : memref<!tpu.dma_semaphore, #tpu.memory_space<semaphore_mem>>) src(%dma_wait3A_22 : memref<632x128xf32, #tpu.memory_space<vmem_shared>>) dst(%dma_wait3A_20 : memref<632x128xf32, #tpu.memory_space<hbm>>)
      tpu.yield
    }) : () -> ()
    return
  }
}

#map = affine_map<(d0, d1) -> (0, 0)>
#map1 = affine_map<(d0, d1) -> (0, 0, 0, 0)>
module attributes {stable_mosaic.version = 14 : i64} {
  func.func @body(%arg0: i32, %arg1: i32, %arg2: memref<10112x128xf32, #tpu.memory_space<hbm>>, %arg3: memref<16x21x8x128xi32, #tpu.memory_space<hbm>>, %arg4: memref<16x21x8x128xi32, #tpu.memory_space<hbm>>, %arg5: memref<10112x128xf32, #tpu.memory_space<hbm>>, %arg6: memref<10112x128xf32, #tpu.memory_space<hbm>>, %arg7: memref<2x8x128xi32, #tpu.memory_space<vmem>>, %arg8: memref<2x8x128xi32, #tpu.memory_space<vmem>>, %arg9: memref<128x128xf32, #tpu.memory_space<vmem>>, %arg10: memref<128x128xf32, #tpu.memory_space<vmem>>, %arg11: memref<10112x128xf32, #tpu.memory_space<vmem_shared>>, %arg12: memref<!tpu.dma_semaphore, #tpu.memory_space<semaphore_mem>>, %arg13: memref<!tpu.dma_semaphore, #tpu.memory_space<semaphore_mem>>, %arg14: memref<!tpu.dma_semaphore, #tpu.memory_space<semaphore_mem>>, %arg15: memref<!tpu.dma_semaphore, #tpu.memory_space<semaphore_mem>>, %arg16: memref<!tpu.dma_semaphore, #tpu.memory_space<semaphore_mem>>, %arg17: memref<!tpu.dma_semaphore, #tpu.memory_space<semaphore_mem>>) attributes {dimension_semantics = [#tpu.dimension_semantics<core_parallel>, #tpu.dimension_semantics<subcore_parallel>], iteration_bounds = array<i64: 1, 16>, scalar_prefetch = 0 : i64, scratch_operands = 11 : i64, tpu.core_type = #tpu.core_type<sc_vector_subcore>, window_params = [{transform_indices = #map}, {transform_indices = #map1}, {transform_indices = #map1}, {transform_indices = #map}, {transform_indices = #map}]} {
    %mul3A = arith.constant 632 : i32
    %mul3A_0 = arith.muli %arg1, %mul3A : i32
    %mul3A_1 = arith.constant 632 : i32
    %mul3A_2 = arith.muli %arg1, %mul3A_1 : i32
    "tpu.region"() ({
      %run_scoped3A_16 = tpu.sem_alloc : memref<!tpu.dma_semaphore, #tpu.memory_space<semaphore_mem>>
      %dma_start3A = arith.constant 0 : i32
      %dma_start3A_17 = tpu.memref_slice %arg11[%mul3A_2, %dma_start3A] : memref<10112x128xf32, #tpu.memory_space<vmem_shared>> -> memref<632x128xf32, #tpu.memory_space<vmem_shared>>
      %dma_start3A_18 = arith.constant 0 : i32
      %dma_start3A_19 = tpu.memref_slice %arg5[%mul3A_0, %dma_start3A_18] : memref<10112x128xf32, #tpu.memory_space<hbm>> -> memref<632x128xf32, #tpu.memory_space<hbm>>
      tpu.enqueue_dma source(%dma_start3A_19 : memref<632x128xf32, #tpu.memory_space<hbm>>) target(%dma_start3A_17 : memref<632x128xf32, #tpu.memory_space<vmem_shared>>) target_semaphore(%run_scoped3A_16 : memref<!tpu.dma_semaphore, #tpu.memory_space<semaphore_mem>>)
      %dma_wait3A = arith.constant 0 : i32
      %dma_wait3A_20 = tpu.memref_slice %arg11[%mul3A_2, %dma_wait3A] : memref<10112x128xf32, #tpu.memory_space<vmem_shared>> -> memref<632x128xf32, #tpu.memory_space<vmem_shared>>
      %dma_wait3A_21 = arith.constant 0 : i32
      %dma_wait3A_22 = tpu.memref_slice %arg5[%mul3A_0, %dma_wait3A_21] : memref<10112x128xf32, #tpu.memory_space<hbm>> -> memref<632x128xf32, #tpu.memory_space<hbm>>
      tpu.wait_dma2 semaphore(%run_scoped3A_16 : memref<!tpu.dma_semaphore, #tpu.memory_space<semaphore_mem>>) src(%dma_wait3A_22 : memref<632x128xf32, #tpu.memory_space<hbm>>) dst(%dma_wait3A_20 : memref<632x128xf32, #tpu.memory_space<vmem_shared>>)
      tpu.yield
    }) : () -> ()
    %run_scoped3A = arith.constant 0 : i32
    %run_scoped3A_3 = arith.constant 0 : i32
    "tpu.region"() ({
      %run_scoped3A_16 = tpu.sem_alloc : memref<!tpu.dma_semaphore, #tpu.memory_space<semaphore_mem>>
      %dma_start3A = arith.constant 0 : i32
      %dma_start3A_17 = arith.constant 0 : i32
      %dma_start3A_18 = tpu.memref_slice %arg7[%run_scoped3A_3, %dma_start3A, %dma_start3A_17] : memref<2x8x128xi32, #tpu.memory_space<vmem>> -> memref<1x8x128xi32, #tpu.memory_space<vmem>>
      %dma_start3A_19 = tpu.memref_squeeze %dma_start3A_18 : memref<1x8x128xi32, #tpu.memory_space<vmem>> -> memref<8x128xi32, #tpu.memory_space<vmem>>
      %dma_start3A_20 = arith.constant 0 : i32
      %dma_start3A_21 = arith.constant 0 : i32
      %dma_start3A_22 = tpu.memref_slice %arg3[%arg1, %run_scoped3A, %dma_start3A_20, %dma_start3A_21] : memref<16x21x8x128xi32, #tpu.memory_space<hbm>> -> memref<1x1x8x128xi32, #tpu.memory_space<hbm>>
      %dma_start3A_23 = tpu.memref_squeeze %dma_start3A_22 : memref<1x1x8x128xi32, #tpu.memory_space<hbm>> -> memref<8x128xi32, #tpu.memory_space<hbm>>
      %dma_start3A_24 = arith.constant 0 : i32
      %dma_start3A_25 = arith.constant 0 : i32
      %dma_start3A_26 = tpu.memref_slice %arg7[%run_scoped3A_3, %dma_start3A_24, %dma_start3A_25] : memref<2x8x128xi32, #tpu.memory_space<vmem>> -> memref<1x8x128xi32, #tpu.memory_space<vmem>>
      %dma_start3A_27 = tpu.memref_squeeze %dma_start3A_26 : memref<1x8x128xi32, #tpu.memory_space<vmem>> -> memref<8x128xi32, #tpu.memory_space<vmem>>
      %dma_start3A_28 = arith.constant 0 : i32
      %dma_start3A_29 = arith.constant 0 : i32
      %dma_start3A_30 = tpu.memref_slice %arg3[%arg1, %run_scoped3A, %dma_start3A_28, %dma_start3A_29] : memref<16x21x8x128xi32, #tpu.memory_space<hbm>> -> memref<1x1x8x128xi32, #tpu.memory_space<hbm>>
      %dma_start3A_31 = tpu.memref_squeeze %dma_start3A_30 : memref<1x1x8x128xi32, #tpu.memory_space<hbm>> -> memref<8x128xi32, #tpu.memory_space<hbm>>
      tpu.enqueue_dma source(%dma_start3A_31 : memref<8x128xi32, #tpu.memory_space<hbm>>) target(%dma_start3A_27 : memref<8x128xi32, #tpu.memory_space<vmem>>) target_semaphore(%run_scoped3A_16 : memref<!tpu.dma_semaphore, #tpu.memory_space<semaphore_mem>>)
      %dma_wait3A = arith.constant 0 : i32
      %dma_wait3A_32 = arith.constant 0 : i32
      %dma_wait3A_33 = tpu.memref_slice %arg7[%run_scoped3A_3, %dma_wait3A, %dma_wait3A_32] : memref<2x8x128xi32, #tpu.memory_space<vmem>> -> memref<1x8x128xi32, #tpu.memory_space<vmem>>
      %dma_wait3A_34 = tpu.memref_squeeze %dma_wait3A_33 : memref<1x8x128xi32, #tpu.memory_space<vmem>> -> memref<8x128xi32, #tpu.memory_space<vmem>>
      %dma_wait3A_35 = arith.constant 0 : i32
      %dma_wait3A_36 = arith.constant 0 : i32
      %dma_wait3A_37 = tpu.memref_slice %arg3[%arg1, %run_scoped3A, %dma_wait3A_35, %dma_wait3A_36] : memref<16x21x8x128xi32, #tpu.memory_space<hbm>> -> memref<1x1x8x128xi32, #tpu.memory_space<hbm>>
      %dma_wait3A_38 = tpu.memref_squeeze %dma_wait3A_37 : memref<1x1x8x128xi32, #tpu.memory_space<hbm>> -> memref<8x128xi32, #tpu.memory_space<hbm>>
      %dma_wait3A_39 = arith.constant 0 : i32
      %dma_wait3A_40 = arith.constant 0 : i32
      %dma_wait3A_41 = tpu.memref_slice %arg7[%run_scoped3A_3, %dma_wait3A_39, %dma_wait3A_40] : memref<2x8x128xi32, #tpu.memory_space<vmem>> -> memref<1x8x128xi32, #tpu.memory_space<vmem>>
      %dma_wait3A_42 = tpu.memref_squeeze %dma_wait3A_41 : memref<1x8x128xi32, #tpu.memory_space<vmem>> -> memref<8x128xi32, #tpu.memory_space<vmem>>
      %dma_wait3A_43 = arith.constant 0 : i32
      %dma_wait3A_44 = arith.constant 0 : i32
      %dma_wait3A_45 = tpu.memref_slice %arg3[%arg1, %run_scoped3A, %dma_wait3A_43, %dma_wait3A_44] : memref<16x21x8x128xi32, #tpu.memory_space<hbm>> -> memref<1x1x8x128xi32, #tpu.memory_space<hbm>>
      %dma_wait3A_46 = tpu.memref_squeeze %dma_wait3A_45 : memref<1x1x8x128xi32, #tpu.memory_space<hbm>> -> memref<8x128xi32, #tpu.memory_space<hbm>>
      tpu.wait_dma2 semaphore(%run_scoped3A_16 : memref<!tpu.dma_semaphore, #tpu.memory_space<semaphore_mem>>) src(%dma_wait3A_46 : memref<8x128xi32, #tpu.memory_space<hbm>>) dst(%dma_wait3A_42 : memref<8x128xi32, #tpu.memory_space<vmem>>)
      tpu.yield
    }) : () -> ()
    %run_scoped3A_4 = arith.constant 0 : i32
    %run_scoped3A_5 = arith.constant 0 : i32
    "tpu.region"() ({
      %run_scoped3A_16 = tpu.sem_alloc : memref<!tpu.dma_semaphore, #tpu.memory_space<semaphore_mem>>
      %dma_start3A = arith.constant 0 : i32
      %dma_start3A_17 = arith.constant 0 : i32
      %dma_start3A_18 = tpu.memref_slice %arg8[%run_scoped3A_5, %dma_start3A, %dma_start3A_17] : memref<2x8x128xi32, #tpu.memory_space<vmem>> -> memref<1x8x128xi32, #tpu.memory_space<vmem>>
      %dma_start3A_19 = tpu.memref_squeeze %dma_start3A_18 : memref<1x8x128xi32, #tpu.memory_space<vmem>> -> memref<8x128xi32, #tpu.memory_space<vmem>>
      %dma_start3A_20 = arith.constant 0 : i32
      %dma_start3A_21 = arith.constant 0 : i32
      %dma_start3A_22 = tpu.memref_slice %arg4[%arg1, %run_scoped3A_4, %dma_start3A_20, %dma_start3A_21] : memref<16x21x8x128xi32, #tpu.memory_space<hbm>> -> memref<1x1x8x128xi32, #tpu.memory_space<hbm>>
      %dma_start3A_23 = tpu.memref_squeeze %dma_start3A_22 : memref<1x1x8x128xi32, #tpu.memory_space<hbm>> -> memref<8x128xi32, #tpu.memory_space<hbm>>
      %dma_start3A_24 = arith.constant 0 : i32
      %dma_start3A_25 = arith.constant 0 : i32
      %dma_start3A_26 = tpu.memref_slice %arg8[%run_scoped3A_5, %dma_start3A_24, %dma_start3A_25] : memref<2x8x128xi32, #tpu.memory_space<vmem>> -> memref<1x8x128xi32, #tpu.memory_space<vmem>>
      %dma_start3A_27 = tpu.memref_squeeze %dma_start3A_26 : memref<1x8x128xi32, #tpu.memory_space<vmem>> -> memref<8x128xi32, #tpu.memory_space<vmem>>
      %dma_start3A_28 = arith.constant 0 : i32
      %dma_start3A_29 = arith.constant 0 : i32
      %dma_start3A_30 = tpu.memref_slice %arg4[%arg1, %run_scoped3A_4, %dma_start3A_28, %dma_start3A_29] : memref<16x21x8x128xi32, #tpu.memory_space<hbm>> -> memref<1x1x8x128xi32, #tpu.memory_space<hbm>>
      %dma_start3A_31 = tpu.memref_squeeze %dma_start3A_30 : memref<1x1x8x128xi32, #tpu.memory_space<hbm>> -> memref<8x128xi32, #tpu.memory_space<hbm>>
      tpu.enqueue_dma source(%dma_start3A_31 : memref<8x128xi32, #tpu.memory_space<hbm>>) target(%dma_start3A_27 : memref<8x128xi32, #tpu.memory_space<vmem>>) target_semaphore(%run_scoped3A_16 : memref<!tpu.dma_semaphore, #tpu.memory_space<semaphore_mem>>)
      %dma_wait3A = arith.constant 0 : i32
      %dma_wait3A_32 = arith.constant 0 : i32
      %dma_wait3A_33 = tpu.memref_slice %arg8[%run_scoped3A_5, %dma_wait3A, %dma_wait3A_32] : memref<2x8x128xi32, #tpu.memory_space<vmem>> -> memref<1x8x128xi32, #tpu.memory_space<vmem>>
      %dma_wait3A_34 = tpu.memref_squeeze %dma_wait3A_33 : memref<1x8x128xi32, #tpu.memory_space<vmem>> -> memref<8x128xi32, #tpu.memory_space<vmem>>
      %dma_wait3A_35 = arith.constant 0 : i32
      %dma_wait3A_36 = arith.constant 0 : i32
      %dma_wait3A_37 = tpu.memref_slice %arg4[%arg1, %run_scoped3A_4, %dma_wait3A_35, %dma_wait3A_36] : memref<16x21x8x128xi32, #tpu.memory_space<hbm>> -> memref<1x1x8x128xi32, #tpu.memory_space<hbm>>
      %dma_wait3A_38 = tpu.memref_squeeze %dma_wait3A_37 : memref<1x1x8x128xi32, #tpu.memory_space<hbm>> -> memref<8x128xi32, #tpu.memory_space<hbm>>
      %dma_wait3A_39 = arith.constant 0 : i32
      %dma_wait3A_40 = arith.constant 0 : i32
      %dma_wait3A_41 = tpu.memref_slice %arg8[%run_scoped3A_5, %dma_wait3A_39, %dma_wait3A_40] : memref<2x8x128xi32, #tpu.memory_space<vmem>> -> memref<1x8x128xi32, #tpu.memory_space<vmem>>
      %dma_wait3A_42 = tpu.memref_squeeze %dma_wait3A_41 : memref<1x8x128xi32, #tpu.memory_space<vmem>> -> memref<8x128xi32, #tpu.memory_space<vmem>>
      %dma_wait3A_43 = arith.constant 0 : i32
      %dma_wait3A_44 = arith.constant 0 : i32
      %dma_wait3A_45 = tpu.memref_slice %arg4[%arg1, %run_scoped3A_4, %dma_wait3A_43, %dma_wait3A_44] : memref<16x21x8x128xi32, #tpu.memory_space<hbm>> -> memref<1x1x8x128xi32, #tpu.memory_space<hbm>>
      %dma_wait3A_46 = tpu.memref_squeeze %dma_wait3A_45 : memref<1x1x8x128xi32, #tpu.memory_space<hbm>> -> memref<8x128xi32, #tpu.memory_space<hbm>>
      tpu.wait_dma2 semaphore(%run_scoped3A_16 : memref<!tpu.dma_semaphore, #tpu.memory_space<semaphore_mem>>) src(%dma_wait3A_46 : memref<8x128xi32, #tpu.memory_space<hbm>>) dst(%dma_wait3A_42 : memref<8x128xi32, #tpu.memory_space<vmem>>)
      tpu.yield
    }) : () -> ()
    %barrier3A = arith.constant 0 : index
    tpu.barrier barrier_id(%barrier3A)
    %scan3A = arith.constant 0 : i32
    %scan3A_6 = arith.constant 0 : i32
    %scan3A_7 = arith.constant 21 : i32
    %scan3A_8 = arith.addi %scan3A_6, %scan3A_7 : i32
    %scan3A_9 = arith.constant 1 : i32
    scf.for %scan3A_16 = %scan3A_6 to %scan3A_8 step %scan3A_9  : i32 {
      %rem3A = arith.constant 2 : i32
      %rem3A_17 = arith.remsi %scan3A_16, %rem3A : i32
      %add3A = arith.constant 1 : i32
      %add3A_18 = arith.addi %scan3A_16, %add3A : i32
      %rem3A_19 = arith.constant 2 : i32
      %rem3A_20 = arith.remsi %add3A_18, %rem3A_19 : i32
      %add3A_21 = arith.constant 1 : i32
      %add3A_22 = arith.addi %scan3A_16, %add3A_21 : i32
      %lt3A = arith.constant 21 : i32
      %lt3A_23 = arith.cmpi slt, %add3A_22, %lt3A : i32
      %convert_element_type3A = arith.extui %lt3A_23 : i1 to i32
      %cond3A = arith.constant 0 : i32
      %cond3A_24 = arith.cmpi ne, %convert_element_type3A, %cond3A : i32
      scf.if %cond3A_24 {
        %add3A_251 = arith.constant 1 : i32
        %add3A_252 = arith.addi %scan3A_16, %add3A_251 : i32
        %dma_start3A_253 = arith.constant 0 : i32
        %dma_start3A_254 = arith.constant 0 : i32
        %dma_start3A_255 = tpu.memref_slice %arg7[%rem3A_20, %dma_start3A_253, %dma_start3A_254] : memref<2x8x128xi32, #tpu.memory_space<vmem>> -> memref<1x8x128xi32, #tpu.memory_space<vmem>>
        %dma_start3A_256 = tpu.memref_squeeze %dma_start3A_255 : memref<1x8x128xi32, #tpu.memory_space<vmem>> -> memref<8x128xi32, #tpu.memory_space<vmem>>
        %dma_start3A_257 = arith.constant 0 : i32
        %dma_start3A_258 = arith.constant 0 : i32
        %dma_start3A_259 = tpu.memref_slice %arg3[%arg1, %add3A_252, %dma_start3A_257, %dma_start3A_258] : memref<16x21x8x128xi32, #tpu.memory_space<hbm>> -> memref<1x1x8x128xi32, #tpu.memory_space<hbm>>
        %dma_start3A_260 = tpu.memref_squeeze %dma_start3A_259 : memref<1x1x8x128xi32, #tpu.memory_space<hbm>> -> memref<8x128xi32, #tpu.memory_space<hbm>>
        %dma_start3A_261 = arith.constant 0 : i32
        %dma_start3A_262 = arith.constant 0 : i32
        %dma_start3A_263 = tpu.memref_slice %arg7[%rem3A_20, %dma_start3A_261, %dma_start3A_262] : memref<2x8x128xi32, #tpu.memory_space<vmem>> -> memref<1x8x128xi32, #tpu.memory_space<vmem>>
        %dma_start3A_264 = tpu.memref_squeeze %dma_start3A_263 : memref<1x8x128xi32, #tpu.memory_space<vmem>> -> memref<8x128xi32, #tpu.memory_space<vmem>>
        %dma_start3A_265 = arith.constant 0 : i32
        %dma_start3A_266 = arith.constant 0 : i32
        %dma_start3A_267 = tpu.memref_slice %arg3[%arg1, %add3A_252, %dma_start3A_265, %dma_start3A_266] : memref<16x21x8x128xi32, #tpu.memory_space<hbm>> -> memref<1x1x8x128xi32, #tpu.memory_space<hbm>>
        %dma_start3A_268 = tpu.memref_squeeze %dma_start3A_267 : memref<1x1x8x128xi32, #tpu.memory_space<hbm>> -> memref<8x128xi32, #tpu.memory_space<hbm>>
        tpu.enqueue_dma source(%dma_start3A_268 : memref<8x128xi32, #tpu.memory_space<hbm>>) target(%dma_start3A_264 : memref<8x128xi32, #tpu.memory_space<vmem>>) target_semaphore(%arg16 : memref<!tpu.dma_semaphore, #tpu.memory_space<semaphore_mem>>)
        %add3A_269 = arith.constant 1 : i32
        %add3A_270 = arith.addi %scan3A_16, %add3A_269 : i32
        %dma_start3A_271 = arith.constant 0 : i32
        %dma_start3A_272 = arith.constant 0 : i32
        %dma_start3A_273 = tpu.memref_slice %arg8[%rem3A_20, %dma_start3A_271, %dma_start3A_272] : memref<2x8x128xi32, #tpu.memory_space<vmem>> -> memref<1x8x128xi32, #tpu.memory_space<vmem>>
        %dma_start3A_274 = tpu.memref_squeeze %dma_start3A_273 : memref<1x8x128xi32, #tpu.memory_space<vmem>> -> memref<8x128xi32, #tpu.memory_space<vmem>>
        %dma_start3A_275 = arith.constant 0 : i32
        %dma_start3A_276 = arith.constant 0 : i32
        %dma_start3A_277 = tpu.memref_slice %arg4[%arg1, %add3A_270, %dma_start3A_275, %dma_start3A_276] : memref<16x21x8x128xi32, #tpu.memory_space<hbm>> -> memref<1x1x8x128xi32, #tpu.memory_space<hbm>>
        %dma_start3A_278 = tpu.memref_squeeze %dma_start3A_277 : memref<1x1x8x128xi32, #tpu.memory_space<hbm>> -> memref<8x128xi32, #tpu.memory_space<hbm>>
        %dma_start3A_279 = arith.constant 0 : i32
        %dma_start3A_280 = arith.constant 0 : i32
        %dma_start3A_281 = tpu.memref_slice %arg8[%rem3A_20, %dma_start3A_279, %dma_start3A_280] : memref<2x8x128xi32, #tpu.memory_space<vmem>> -> memref<1x8x128xi32, #tpu.memory_space<vmem>>
        %dma_start3A_282 = tpu.memref_squeeze %dma_start3A_281 : memref<1x8x128xi32, #tpu.memory_space<vmem>> -> memref<8x128xi32, #tpu.memory_space<vmem>>
        %dma_start3A_283 = arith.constant 0 : i32
        %dma_start3A_284 = arith.constant 0 : i32
        %dma_start3A_285 = tpu.memref_slice %arg4[%arg1, %add3A_270, %dma_start3A_283, %dma_start3A_284] : memref<16x21x8x128xi32, #tpu.memory_space<hbm>> -> memref<1x1x8x128xi32, #tpu.memory_space<hbm>>
        %dma_start3A_286 = tpu.memref_squeeze %dma_start3A_285 : memref<1x1x8x128xi32, #tpu.memory_space<hbm>> -> memref<8x128xi32, #tpu.memory_space<hbm>>
        tpu.enqueue_dma source(%dma_start3A_286 : memref<8x128xi32, #tpu.memory_space<hbm>>) target(%dma_start3A_282 : memref<8x128xi32, #tpu.memory_space<vmem>>) target_semaphore(%arg17 : memref<!tpu.dma_semaphore, #tpu.memory_space<semaphore_mem>>)
      } else {
      }
      %gt3A = arith.constant 0 : i32
      %gt3A_25 = arith.cmpi sgt, %scan3A_16, %gt3A : i32
      %convert_element_type3A_26 = arith.extui %gt3A_25 : i1 to i32
      %cond3A_27 = arith.constant 0 : i32
      %cond3A_28 = arith.cmpi ne, %convert_element_type3A_26, %cond3A_27 : i32
      scf.if %cond3A_28 {
        %dma_wait3A_251 = arith.constant 0 : i32
        %dma_wait3A_252 = arith.constant 0 : i32
        %dma_wait3A_253 = tpu.memref_slice %arg7[%rem3A_17, %dma_wait3A_251, %dma_wait3A_252] : memref<2x8x128xi32, #tpu.memory_space<vmem>> -> memref<1x8x128xi32, #tpu.memory_space<vmem>>
        %dma_wait3A_254 = tpu.memref_squeeze %dma_wait3A_253 : memref<1x8x128xi32, #tpu.memory_space<vmem>> -> memref<8x128xi32, #tpu.memory_space<vmem>>
        %dma_wait3A_255 = arith.constant 0 : i32
        %dma_wait3A_256 = arith.constant 0 : i32
        %dma_wait3A_257 = tpu.memref_slice %arg3[%arg1, %scan3A_16, %dma_wait3A_255, %dma_wait3A_256] : memref<16x21x8x128xi32, #tpu.memory_space<hbm>> -> memref<1x1x8x128xi32, #tpu.memory_space<hbm>>
        %dma_wait3A_258 = tpu.memref_squeeze %dma_wait3A_257 : memref<1x1x8x128xi32, #tpu.memory_space<hbm>> -> memref<8x128xi32, #tpu.memory_space<hbm>>
        %dma_wait3A_259 = arith.constant 0 : i32
        %dma_wait3A_260 = arith.constant 0 : i32
        %dma_wait3A_261 = tpu.memref_slice %arg7[%rem3A_17, %dma_wait3A_259, %dma_wait3A_260] : memref<2x8x128xi32, #tpu.memory_space<vmem>> -> memref<1x8x128xi32, #tpu.memory_space<vmem>>
        %dma_wait3A_262 = tpu.memref_squeeze %dma_wait3A_261 : memref<1x8x128xi32, #tpu.memory_space<vmem>> -> memref<8x128xi32, #tpu.memory_space<vmem>>
        %dma_wait3A_263 = arith.constant 0 : i32
        %dma_wait3A_264 = arith.constant 0 : i32
        %dma_wait3A_265 = tpu.memref_slice %arg3[%arg1, %scan3A_16, %dma_wait3A_263, %dma_wait3A_264] : memref<16x21x8x128xi32, #tpu.memory_space<hbm>> -> memref<1x1x8x128xi32, #tpu.memory_space<hbm>>
        %dma_wait3A_266 = tpu.memref_squeeze %dma_wait3A_265 : memref<1x1x8x128xi32, #tpu.memory_space<hbm>> -> memref<8x128xi32, #tpu.memory_space<hbm>>
        tpu.wait_dma2 semaphore(%arg16 : memref<!tpu.dma_semaphore, #tpu.memory_space<semaphore_mem>>) src(%dma_wait3A_266 : memref<8x128xi32, #tpu.memory_space<hbm>>) dst(%dma_wait3A_262 : memref<8x128xi32, #tpu.memory_space<vmem>>)
        %dma_wait3A_267 = arith.constant 0 : i32
        %dma_wait3A_268 = arith.constant 0 : i32
        %dma_wait3A_269 = tpu.memref_slice %arg8[%rem3A_17, %dma_wait3A_267, %dma_wait3A_268] : memref<2x8x128xi32, #tpu.memory_space<vmem>> -> memref<1x8x128xi32, #tpu.memory_space<vmem>>
        %dma_wait3A_270 = tpu.memref_squeeze %dma_wait3A_269 : memref<1x8x128xi32, #tpu.memory_space<vmem>> -> memref<8x128xi32, #tpu.memory_space<vmem>>
        %dma_wait3A_271 = arith.constant 0 : i32
        %dma_wait3A_272 = arith.constant 0 : i32
        %dma_wait3A_273 = tpu.memref_slice %arg4[%arg1, %scan3A_16, %dma_wait3A_271, %dma_wait3A_272] : memref<16x21x8x128xi32, #tpu.memory_space<hbm>> -> memref<1x1x8x128xi32, #tpu.memory_space<hbm>>
        %dma_wait3A_274 = tpu.memref_squeeze %dma_wait3A_273 : memref<1x1x8x128xi32, #tpu.memory_space<hbm>> -> memref<8x128xi32, #tpu.memory_space<hbm>>
        %dma_wait3A_275 = arith.constant 0 : i32
        %dma_wait3A_276 = arith.constant 0 : i32
        %dma_wait3A_277 = tpu.memref_slice %arg8[%rem3A_17, %dma_wait3A_275, %dma_wait3A_276] : memref<2x8x128xi32, #tpu.memory_space<vmem>> -> memref<1x8x128xi32, #tpu.memory_space<vmem>>
        %dma_wait3A_278 = tpu.memref_squeeze %dma_wait3A_277 : memref<1x8x128xi32, #tpu.memory_space<vmem>> -> memref<8x128xi32, #tpu.memory_space<vmem>>
        %dma_wait3A_279 = arith.constant 0 : i32
        %dma_wait3A_280 = arith.constant 0 : i32
        %dma_wait3A_281 = tpu.memref_slice %arg4[%arg1, %scan3A_16, %dma_wait3A_279, %dma_wait3A_280] : memref<16x21x8x128xi32, #tpu.memory_space<hbm>> -> memref<1x1x8x128xi32, #tpu.memory_space<hbm>>
        %dma_wait3A_282 = tpu.memref_squeeze %dma_wait3A_281 : memref<1x1x8x128xi32, #tpu.memory_space<hbm>> -> memref<8x128xi32, #tpu.memory_space<hbm>>
        tpu.wait_dma2 semaphore(%arg17 : memref<!tpu.dma_semaphore, #tpu.memory_space<semaphore_mem>>) src(%dma_wait3A_282 : memref<8x128xi32, #tpu.memory_space<hbm>>) dst(%dma_wait3A_278 : memref<8x128xi32, #tpu.memory_space<vmem>>)
      } else {
      }
      %dma_start3A = arith.constant 0 : i32
      %dma_start3A_29 = arith.constant 0 : i32
      %dma_start3A_30 = tpu.memref_slice %arg7[%rem3A_17, %dma_start3A, %dma_start3A_29] : memref<2x8x128xi32, #tpu.memory_space<vmem>> -> memref<1x1x128xi32, #tpu.memory_space<vmem>>
      %dma_start3A_31 = tpu.memref_squeeze %dma_start3A_30 : memref<1x1x128xi32, #tpu.memory_space<vmem>> -> memref<128xi32, #tpu.memory_space<vmem>>
      %dma_start3A_32 = arith.constant 0 : i32
      %dma_start3A_33 = arith.constant 0 : i32
      %dma_start3A_34 = tpu.memref_slice %arg2[%dma_start3A_32, %dma_start3A_33] : memref<10112x128xf32, #tpu.memory_space<hbm>> -> memref<10112x128xf32, #tpu.memory_space<hbm>>
      tpu.enqueue_indirect_dma source(%dma_start3A_34 : memref<10112x128xf32, #tpu.memory_space<hbm>>) target(%arg9 : memref<128x128xf32, #tpu.memory_space<vmem>>) offsets(%dma_start3A_31 : memref<128xi32, #tpu.memory_space<vmem>>) semaphore(%arg12 : memref<!tpu.dma_semaphore, #tpu.memory_space<semaphore_mem>>)
      %dma_start3A_35 = arith.constant 1 : i32
      %dma_start3A_36 = arith.constant 0 : i32
      %dma_start3A_37 = tpu.memref_slice %arg7[%rem3A_17, %dma_start3A_35, %dma_start3A_36] : memref<2x8x128xi32, #tpu.memory_space<vmem>> -> memref<1x1x128xi32, #tpu.memory_space<vmem>>
      %dma_start3A_38 = tpu.memref_squeeze %dma_start3A_37 : memref<1x1x128xi32, #tpu.memory_space<vmem>> -> memref<128xi32, #tpu.memory_space<vmem>>
      %dma_start3A_39 = arith.constant 0 : i32
      %dma_start3A_40 = arith.constant 0 : i32
      %dma_start3A_41 = tpu.memref_slice %arg2[%dma_start3A_39, %dma_start3A_40] : memref<10112x128xf32, #tpu.memory_space<hbm>> -> memref<10112x128xf32, #tpu.memory_space<hbm>>
      tpu.enqueue_indirect_dma source(%dma_start3A_41 : memref<10112x128xf32, #tpu.memory_space<hbm>>) target(%arg10 : memref<128x128xf32, #tpu.memory_space<vmem>>) offsets(%dma_start3A_38 : memref<128xi32, #tpu.memory_space<vmem>>) semaphore(%arg13 : memref<!tpu.dma_semaphore, #tpu.memory_space<semaphore_mem>>)
      %dma_wait3A = arith.constant 0 : i32
      %dma_wait3A_42 = arith.constant 0 : i32
      %dma_wait3A_43 = tpu.memref_slice %arg7[%rem3A_17, %dma_wait3A, %dma_wait3A_42] : memref<2x8x128xi32, #tpu.memory_space<vmem>> -> memref<1x1x128xi32, #tpu.memory_space<vmem>>
      %dma_wait3A_44 = tpu.memref_squeeze %dma_wait3A_43 : memref<1x1x128xi32, #tpu.memory_space<vmem>> -> memref<128xi32, #tpu.memory_space<vmem>>
      %dma_wait3A_45 = arith.constant 0 : i32
      %dma_wait3A_46 = arith.constant 0 : i32
      %dma_wait3A_47 = tpu.memref_slice %arg2[%dma_wait3A_45, %dma_wait3A_46] : memref<10112x128xf32, #tpu.memory_space<hbm>> -> memref<10112x128xf32, #tpu.memory_space<hbm>>
      tpu.wait_indirect_dma semaphore(%arg12 : memref<!tpu.dma_semaphore, #tpu.memory_space<semaphore_mem>>) src(%dma_wait3A_47 : memref<10112x128xf32, #tpu.memory_space<hbm>>) dst(%arg9 : memref<128x128xf32, #tpu.memory_space<vmem>>)
      %dma_start3A_48 = arith.constant 0 : i32
      %dma_start3A_49 = arith.constant 0 : i32
      %dma_start3A_50 = tpu.memref_slice %arg8[%rem3A_17, %dma_start3A_48, %dma_start3A_49] : memref<2x8x128xi32, #tpu.memory_space<vmem>> -> memref<1x1x128xi32, #tpu.memory_space<vmem>>
      %dma_start3A_51 = tpu.memref_squeeze %dma_start3A_50 : memref<1x1x128xi32, #tpu.memory_space<vmem>> -> memref<128xi32, #tpu.memory_space<vmem>>
      %dma_start3A_52 = arith.constant 0 : i32
      %dma_start3A_53 = arith.constant 0 : i32
      %dma_start3A_54 = tpu.memref_slice %arg11[%dma_start3A_52, %dma_start3A_53] : memref<10112x128xf32, #tpu.memory_space<vmem_shared>> -> memref<10112x128xf32, #tpu.memory_space<vmem_shared>>
      tpu.enqueue_indirect_dma source(%arg9 : memref<128x128xf32, #tpu.memory_space<vmem>>) target(%dma_start3A_54 : memref<10112x128xf32, #tpu.memory_space<vmem_shared>>) offsets(%dma_start3A_51 : memref<128xi32, #tpu.memory_space<vmem>>) semaphore(%arg14 : memref<!tpu.dma_semaphore, #tpu.memory_space<semaphore_mem>>) {add = true}
      %dma_wait3A_55 = arith.constant 0 : i32
      %dma_wait3A_56 = arith.constant 0 : i32
      %dma_wait3A_57 = tpu.memref_slice %arg8[%rem3A_17, %dma_wait3A_55, %dma_wait3A_56] : memref<2x8x128xi32, #tpu.memory_space<vmem>> -> memref<1x1x128xi32, #tpu.memory_space<vmem>>
      %dma_wait3A_58 = tpu.memref_squeeze %dma_wait3A_57 : memref<1x1x128xi32, #tpu.memory_space<vmem>> -> memref<128xi32, #tpu.memory_space<vmem>>
      %dma_wait3A_59 = arith.constant 0 : i32
      %dma_wait3A_60 = arith.constant 0 : i32
      %dma_wait3A_61 = tpu.memref_slice %arg11[%dma_wait3A_59, %dma_wait3A_60] : memref<10112x128xf32, #tpu.memory_space<vmem_shared>> -> memref<10112x128xf32, #tpu.memory_space<vmem_shared>>
      tpu.wait_indirect_dma semaphore(%arg14 : memref<!tpu.dma_semaphore, #tpu.memory_space<semaphore_mem>>) src(%arg9 : memref<128x128xf32, #tpu.memory_space<vmem>>) dst(%dma_wait3A_61 : memref<10112x128xf32, #tpu.memory_space<vmem_shared>>)
      %dma_start3A_62 = arith.constant 2 : i32
      %dma_start3A_63 = arith.constant 0 : i32
      %dma_start3A_64 = tpu.memref_slice %arg7[%rem3A_17, %dma_start3A_62, %dma_start3A_63] : memref<2x8x128xi32, #tpu.memory_space<vmem>> -> memref<1x1x128xi32, #tpu.memory_space<vmem>>
      %dma_start3A_65 = tpu.memref_squeeze %dma_start3A_64 : memref<1x1x128xi32, #tpu.memory_space<vmem>> -> memref<128xi32, #tpu.memory_space<vmem>>
      %dma_start3A_66 = arith.constant 0 : i32
      %dma_start3A_67 = arith.constant 0 : i32
      %dma_start3A_68 = tpu.memref_slice %arg2[%dma_start3A_66, %dma_start3A_67] : memref<10112x128xf32, #tpu.memory_space<hbm>> -> memref<10112x128xf32, #tpu.memory_space<hbm>>
      tpu.enqueue_indirect_dma source(%dma_start3A_68 : memref<10112x128xf32, #tpu.memory_space<hbm>>) target(%arg9 : memref<128x128xf32, #tpu.memory_space<vmem>>) offsets(%dma_start3A_65 : memref<128xi32, #tpu.memory_space<vmem>>) semaphore(%arg12 : memref<!tpu.dma_semaphore, #tpu.memory_space<semaphore_mem>>)
      %dma_wait3A_69 = arith.constant 1 : i32
      %dma_wait3A_70 = arith.constant 0 : i32
      %dma_wait3A_71 = tpu.memref_slice %arg7[%rem3A_17, %dma_wait3A_69, %dma_wait3A_70] : memref<2x8x128xi32, #tpu.memory_space<vmem>> -> memref<1x1x128xi32, #tpu.memory_space<vmem>>
      %dma_wait3A_72 = tpu.memref_squeeze %dma_wait3A_71 : memref<1x1x128xi32, #tpu.memory_space<vmem>> -> memref<128xi32, #tpu.memory_space<vmem>>
      %dma_wait3A_73 = arith.constant 0 : i32
      %dma_wait3A_74 = arith.constant 0 : i32
      %dma_wait3A_75 = tpu.memref_slice %arg2[%dma_wait3A_73, %dma_wait3A_74] : memref<10112x128xf32, #tpu.memory_space<hbm>> -> memref<10112x128xf32, #tpu.memory_space<hbm>>
      tpu.wait_indirect_dma semaphore(%arg13 : memref<!tpu.dma_semaphore, #tpu.memory_space<semaphore_mem>>) src(%dma_wait3A_75 : memref<10112x128xf32, #tpu.memory_space<hbm>>) dst(%arg10 : memref<128x128xf32, #tpu.memory_space<vmem>>)
      %dma_start3A_76 = arith.constant 1 : i32
      %dma_start3A_77 = arith.constant 0 : i32
      %dma_start3A_78 = tpu.memref_slice %arg8[%rem3A_17, %dma_start3A_76, %dma_start3A_77] : memref<2x8x128xi32, #tpu.memory_space<vmem>> -> memref<1x1x128xi32, #tpu.memory_space<vmem>>
      %dma_start3A_79 = tpu.memref_squeeze %dma_start3A_78 : memref<1x1x128xi32, #tpu.memory_space<vmem>> -> memref<128xi32, #tpu.memory_space<vmem>>
      %dma_start3A_80 = arith.constant 0 : i32
      %dma_start3A_81 = arith.constant 0 : i32
      %dma_start3A_82 = tpu.memref_slice %arg11[%dma_start3A_80, %dma_start3A_81] : memref<10112x128xf32, #tpu.memory_space<vmem_shared>> -> memref<10112x128xf32, #tpu.memory_space<vmem_shared>>
      tpu.enqueue_indirect_dma source(%arg10 : memref<128x128xf32, #tpu.memory_space<vmem>>) target(%dma_start3A_82 : memref<10112x128xf32, #tpu.memory_space<vmem_shared>>) offsets(%dma_start3A_79 : memref<128xi32, #tpu.memory_space<vmem>>) semaphore(%arg15 : memref<!tpu.dma_semaphore, #tpu.memory_space<semaphore_mem>>) {add = true}
      %dma_wait3A_83 = arith.constant 1 : i32
      %dma_wait3A_84 = arith.constant 0 : i32
      %dma_wait3A_85 = tpu.memref_slice %arg8[%rem3A_17, %dma_wait3A_83, %dma_wait3A_84] : memref<2x8x128xi32, #tpu.memory_space<vmem>> -> memref<1x1x128xi32, #tpu.memory_space<vmem>>
      %dma_wait3A_86 = tpu.memref_squeeze %dma_wait3A_85 : memref<1x1x128xi32, #tpu.memory_space<vmem>> -> memref<128xi32, #tpu.memory_space<vmem>>
      %dma_wait3A_87 = arith.constant 0 : i32
      %dma_wait3A_88 = arith.constant 0 : i32
      %dma_wait3A_89 = tpu.memref_slice %arg11[%dma_wait3A_87, %dma_wait3A_88] : memref<10112x128xf32, #tpu.memory_space<vmem_shared>> -> memref<10112x128xf32, #tpu.memory_space<vmem_shared>>
      tpu.wait_indirect_dma semaphore(%arg15 : memref<!tpu.dma_semaphore, #tpu.memory_space<semaphore_mem>>) src(%arg10 : memref<128x128xf32, #tpu.memory_space<vmem>>) dst(%dma_wait3A_89 : memref<10112x128xf32, #tpu.memory_space<vmem_shared>>)
      %dma_start3A_90 = arith.constant 3 : i32
      %dma_start3A_91 = arith.constant 0 : i32
      %dma_start3A_92 = tpu.memref_slice %arg7[%rem3A_17, %dma_start3A_90, %dma_start3A_91] : memref<2x8x128xi32, #tpu.memory_space<vmem>> -> memref<1x1x128xi32, #tpu.memory_space<vmem>>
      %dma_start3A_93 = tpu.memref_squeeze %dma_start3A_92 : memref<1x1x128xi32, #tpu.memory_space<vmem>> -> memref<128xi32, #tpu.memory_space<vmem>>
      %dma_start3A_94 = arith.constant 0 : i32
      %dma_start3A_95 = arith.constant 0 : i32
      %dma_start3A_96 = tpu.memref_slice %arg2[%dma_start3A_94, %dma_start3A_95] : memref<10112x128xf32, #tpu.memory_space<hbm>> -> memref<10112x128xf32, #tpu.memory_space<hbm>>
      tpu.enqueue_indirect_dma source(%dma_start3A_96 : memref<10112x128xf32, #tpu.memory_space<hbm>>) target(%arg10 : memref<128x128xf32, #tpu.memory_space<vmem>>) offsets(%dma_start3A_93 : memref<128xi32, #tpu.memory_space<vmem>>) semaphore(%arg13 : memref<!tpu.dma_semaphore, #tpu.memory_space<semaphore_mem>>)
      %dma_wait3A_97 = arith.constant 2 : i32
      %dma_wait3A_98 = arith.constant 0 : i32
      %dma_wait3A_99 = tpu.memref_slice %arg7[%rem3A_17, %dma_wait3A_97, %dma_wait3A_98] : memref<2x8x128xi32, #tpu.memory_space<vmem>> -> memref<1x1x128xi32, #tpu.memory_space<vmem>>
      %dma_wait3A_100 = tpu.memref_squeeze %dma_wait3A_99 : memref<1x1x128xi32, #tpu.memory_space<vmem>> -> memref<128xi32, #tpu.memory_space<vmem>>
      %dma_wait3A_101 = arith.constant 0 : i32
      %dma_wait3A_102 = arith.constant 0 : i32
      %dma_wait3A_103 = tpu.memref_slice %arg2[%dma_wait3A_101, %dma_wait3A_102] : memref<10112x128xf32, #tpu.memory_space<hbm>> -> memref<10112x128xf32, #tpu.memory_space<hbm>>
      tpu.wait_indirect_dma semaphore(%arg12 : memref<!tpu.dma_semaphore, #tpu.memory_space<semaphore_mem>>) src(%dma_wait3A_103 : memref<10112x128xf32, #tpu.memory_space<hbm>>) dst(%arg9 : memref<128x128xf32, #tpu.memory_space<vmem>>)
      %dma_start3A_104 = arith.constant 2 : i32
      %dma_start3A_105 = arith.constant 0 : i32
      %dma_start3A_106 = tpu.memref_slice %arg8[%rem3A_17, %dma_start3A_104, %dma_start3A_105] : memref<2x8x128xi32, #tpu.memory_space<vmem>> -> memref<1x1x128xi32, #tpu.memory_space<vmem>>
      %dma_start3A_107 = tpu.memref_squeeze %dma_start3A_106 : memref<1x1x128xi32, #tpu.memory_space<vmem>> -> memref<128xi32, #tpu.memory_space<vmem>>
      %dma_start3A_108 = arith.constant 0 : i32
      %dma_start3A_109 = arith.constant 0 : i32
      %dma_start3A_110 = tpu.memref_slice %arg11[%dma_start3A_108, %dma_start3A_109] : memref<10112x128xf32, #tpu.memory_space<vmem_shared>> -> memref<10112x128xf32, #tpu.memory_space<vmem_shared>>
      tpu.enqueue_indirect_dma source(%arg9 : memref<128x128xf32, #tpu.memory_space<vmem>>) target(%dma_start3A_110 : memref<10112x128xf32, #tpu.memory_space<vmem_shared>>) offsets(%dma_start3A_107 : memref<128xi32, #tpu.memory_space<vmem>>) semaphore(%arg14 : memref<!tpu.dma_semaphore, #tpu.memory_space<semaphore_mem>>) {add = true}
      %dma_wait3A_111 = arith.constant 2 : i32
      %dma_wait3A_112 = arith.constant 0 : i32
      %dma_wait3A_113 = tpu.memref_slice %arg8[%rem3A_17, %dma_wait3A_111, %dma_wait3A_112] : memref<2x8x128xi32, #tpu.memory_space<vmem>> -> memref<1x1x128xi32, #tpu.memory_space<vmem>>
      %dma_wait3A_114 = tpu.memref_squeeze %dma_wait3A_113 : memref<1x1x128xi32, #tpu.memory_space<vmem>> -> memref<128xi32, #tpu.memory_space<vmem>>
      %dma_wait3A_115 = arith.constant 0 : i32
      %dma_wait3A_116 = arith.constant 0 : i32
      %dma_wait3A_117 = tpu.memref_slice %arg11[%dma_wait3A_115, %dma_wait3A_116] : memref<10112x128xf32, #tpu.memory_space<vmem_shared>> -> memref<10112x128xf32, #tpu.memory_space<vmem_shared>>
      tpu.wait_indirect_dma semaphore(%arg14 : memref<!tpu.dma_semaphore, #tpu.memory_space<semaphore_mem>>) src(%arg9 : memref<128x128xf32, #tpu.memory_space<vmem>>) dst(%dma_wait3A_117 : memref<10112x128xf32, #tpu.memory_space<vmem_shared>>)
      %dma_start3A_118 = arith.constant 4 : i32
      %dma_start3A_119 = arith.constant 0 : i32
      %dma_start3A_120 = tpu.memref_slice %arg7[%rem3A_17, %dma_start3A_118, %dma_start3A_119] : memref<2x8x128xi32, #tpu.memory_space<vmem>> -> memref<1x1x128xi32, #tpu.memory_space<vmem>>
      %dma_start3A_121 = tpu.memref_squeeze %dma_start3A_120 : memref<1x1x128xi32, #tpu.memory_space<vmem>> -> memref<128xi32, #tpu.memory_space<vmem>>
      %dma_start3A_122 = arith.constant 0 : i32
      %dma_start3A_123 = arith.constant 0 : i32
      %dma_start3A_124 = tpu.memref_slice %arg2[%dma_start3A_122, %dma_start3A_123] : memref<10112x128xf32, #tpu.memory_space<hbm>> -> memref<10112x128xf32, #tpu.memory_space<hbm>>
      tpu.enqueue_indirect_dma source(%dma_start3A_124 : memref<10112x128xf32, #tpu.memory_space<hbm>>) target(%arg9 : memref<128x128xf32, #tpu.memory_space<vmem>>) offsets(%dma_start3A_121 : memref<128xi32, #tpu.memory_space<vmem>>) semaphore(%arg12 : memref<!tpu.dma_semaphore, #tpu.memory_space<semaphore_mem>>)
      %dma_wait3A_125 = arith.constant 3 : i32
      %dma_wait3A_126 = arith.constant 0 : i32
      %dma_wait3A_127 = tpu.memref_slice %arg7[%rem3A_17, %dma_wait3A_125, %dma_wait3A_126] : memref<2x8x128xi32, #tpu.memory_space<vmem>> -> memref<1x1x128xi32, #tpu.memory_space<vmem>>
      %dma_wait3A_128 = tpu.memref_squeeze %dma_wait3A_127 : memref<1x1x128xi32, #tpu.memory_space<vmem>> -> memref<128xi32, #tpu.memory_space<vmem>>
      %dma_wait3A_129 = arith.constant 0 : i32
      %dma_wait3A_130 = arith.constant 0 : i32
      %dma_wait3A_131 = tpu.memref_slice %arg2[%dma_wait3A_129, %dma_wait3A_130] : memref<10112x128xf32, #tpu.memory_space<hbm>> -> memref<10112x128xf32, #tpu.memory_space<hbm>>
      tpu.wait_indirect_dma semaphore(%arg13 : memref<!tpu.dma_semaphore, #tpu.memory_space<semaphore_mem>>) src(%dma_wait3A_131 : memref<10112x128xf32, #tpu.memory_space<hbm>>) dst(%arg10 : memref<128x128xf32, #tpu.memory_space<vmem>>)
      %dma_start3A_132 = arith.constant 3 : i32
      %dma_start3A_133 = arith.constant 0 : i32
      %dma_start3A_134 = tpu.memref_slice %arg8[%rem3A_17, %dma_start3A_132, %dma_start3A_133] : memref<2x8x128xi32, #tpu.memory_space<vmem>> -> memref<1x1x128xi32, #tpu.memory_space<vmem>>
      %dma_start3A_135 = tpu.memref_squeeze %dma_start3A_134 : memref<1x1x128xi32, #tpu.memory_space<vmem>> -> memref<128xi32, #tpu.memory_space<vmem>>
      %dma_start3A_136 = arith.constant 0 : i32
      %dma_start3A_137 = arith.constant 0 : i32
      %dma_start3A_138 = tpu.memref_slice %arg11[%dma_start3A_136, %dma_start3A_137] : memref<10112x128xf32, #tpu.memory_space<vmem_shared>> -> memref<10112x128xf32, #tpu.memory_space<vmem_shared>>
      tpu.enqueue_indirect_dma source(%arg10 : memref<128x128xf32, #tpu.memory_space<vmem>>) target(%dma_start3A_138 : memref<10112x128xf32, #tpu.memory_space<vmem_shared>>) offsets(%dma_start3A_135 : memref<128xi32, #tpu.memory_space<vmem>>) semaphore(%arg15 : memref<!tpu.dma_semaphore, #tpu.memory_space<semaphore_mem>>) {add = true}
      %dma_wait3A_139 = arith.constant 3 : i32
      %dma_wait3A_140 = arith.constant 0 : i32
      %dma_wait3A_141 = tpu.memref_slice %arg8[%rem3A_17, %dma_wait3A_139, %dma_wait3A_140] : memref<2x8x128xi32, #tpu.memory_space<vmem>> -> memref<1x1x128xi32, #tpu.memory_space<vmem>>
      %dma_wait3A_142 = tpu.memref_squeeze %dma_wait3A_141 : memref<1x1x128xi32, #tpu.memory_space<vmem>> -> memref<128xi32, #tpu.memory_space<vmem>>
      %dma_wait3A_143 = arith.constant 0 : i32
      %dma_wait3A_144 = arith.constant 0 : i32
      %dma_wait3A_145 = tpu.memref_slice %arg11[%dma_wait3A_143, %dma_wait3A_144] : memref<10112x128xf32, #tpu.memory_space<vmem_shared>> -> memref<10112x128xf32, #tpu.memory_space<vmem_shared>>
      tpu.wait_indirect_dma semaphore(%arg15 : memref<!tpu.dma_semaphore, #tpu.memory_space<semaphore_mem>>) src(%arg10 : memref<128x128xf32, #tpu.memory_space<vmem>>) dst(%dma_wait3A_145 : memref<10112x128xf32, #tpu.memory_space<vmem_shared>>)
      %dma_start3A_146 = arith.constant 5 : i32
      %dma_start3A_147 = arith.constant 0 : i32
      %dma_start3A_148 = tpu.memref_slice %arg7[%rem3A_17, %dma_start3A_146, %dma_start3A_147] : memref<2x8x128xi32, #tpu.memory_space<vmem>> -> memref<1x1x128xi32, #tpu.memory_space<vmem>>
      %dma_start3A_149 = tpu.memref_squeeze %dma_start3A_148 : memref<1x1x128xi32, #tpu.memory_space<vmem>> -> memref<128xi32, #tpu.memory_space<vmem>>
      %dma_start3A_150 = arith.constant 0 : i32
      %dma_start3A_151 = arith.constant 0 : i32
      %dma_start3A_152 = tpu.memref_slice %arg2[%dma_start3A_150, %dma_start3A_151] : memref<10112x128xf32, #tpu.memory_space<hbm>> -> memref<10112x128xf32, #tpu.memory_space<hbm>>
      tpu.enqueue_indirect_dma source(%dma_start3A_152 : memref<10112x128xf32, #tpu.memory_space<hbm>>) target(%arg10 : memref<128x128xf32, #tpu.memory_space<vmem>>) offsets(%dma_start3A_149 : memref<128xi32, #tpu.memory_space<vmem>>) semaphore(%arg13 : memref<!tpu.dma_semaphore, #tpu.memory_space<semaphore_mem>>)
      %dma_wait3A_153 = arith.constant 4 : i32
      %dma_wait3A_154 = arith.constant 0 : i32
      %dma_wait3A_155 = tpu.memref_slice %arg7[%rem3A_17, %dma_wait3A_153, %dma_wait3A_154] : memref<2x8x128xi32, #tpu.memory_space<vmem>> -> memref<1x1x128xi32, #tpu.memory_space<vmem>>
      %dma_wait3A_156 = tpu.memref_squeeze %dma_wait3A_155 : memref<1x1x128xi32, #tpu.memory_space<vmem>> -> memref<128xi32, #tpu.memory_space<vmem>>
      %dma_wait3A_157 = arith.constant 0 : i32
      %dma_wait3A_158 = arith.constant 0 : i32
      %dma_wait3A_159 = tpu.memref_slice %arg2[%dma_wait3A_157, %dma_wait3A_158] : memref<10112x128xf32, #tpu.memory_space<hbm>> -> memref<10112x128xf32, #tpu.memory_space<hbm>>
      tpu.wait_indirect_dma semaphore(%arg12 : memref<!tpu.dma_semaphore, #tpu.memory_space<semaphore_mem>>) src(%dma_wait3A_159 : memref<10112x128xf32, #tpu.memory_space<hbm>>) dst(%arg9 : memref<128x128xf32, #tpu.memory_space<vmem>>)
      %dma_start3A_160 = arith.constant 4 : i32
      %dma_start3A_161 = arith.constant 0 : i32
      %dma_start3A_162 = tpu.memref_slice %arg8[%rem3A_17, %dma_start3A_160, %dma_start3A_161] : memref<2x8x128xi32, #tpu.memory_space<vmem>> -> memref<1x1x128xi32, #tpu.memory_space<vmem>>
      %dma_start3A_163 = tpu.memref_squeeze %dma_start3A_162 : memref<1x1x128xi32, #tpu.memory_space<vmem>> -> memref<128xi32, #tpu.memory_space<vmem>>
      %dma_start3A_164 = arith.constant 0 : i32
      %dma_start3A_165 = arith.constant 0 : i32
      %dma_start3A_166 = tpu.memref_slice %arg11[%dma_start3A_164, %dma_start3A_165] : memref<10112x128xf32, #tpu.memory_space<vmem_shared>> -> memref<10112x128xf32, #tpu.memory_space<vmem_shared>>
      tpu.enqueue_indirect_dma source(%arg9 : memref<128x128xf32, #tpu.memory_space<vmem>>) target(%dma_start3A_166 : memref<10112x128xf32, #tpu.memory_space<vmem_shared>>) offsets(%dma_start3A_163 : memref<128xi32, #tpu.memory_space<vmem>>) semaphore(%arg14 : memref<!tpu.dma_semaphore, #tpu.memory_space<semaphore_mem>>) {add = true}
      %dma_wait3A_167 = arith.constant 4 : i32
      %dma_wait3A_168 = arith.constant 0 : i32
      %dma_wait3A_169 = tpu.memref_slice %arg8[%rem3A_17, %dma_wait3A_167, %dma_wait3A_168] : memref<2x8x128xi32, #tpu.memory_space<vmem>> -> memref<1x1x128xi32, #tpu.memory_space<vmem>>
      %dma_wait3A_170 = tpu.memref_squeeze %dma_wait3A_169 : memref<1x1x128xi32, #tpu.memory_space<vmem>> -> memref<128xi32, #tpu.memory_space<vmem>>
      %dma_wait3A_171 = arith.constant 0 : i32
      %dma_wait3A_172 = arith.constant 0 : i32
      %dma_wait3A_173 = tpu.memref_slice %arg11[%dma_wait3A_171, %dma_wait3A_172] : memref<10112x128xf32, #tpu.memory_space<vmem_shared>> -> memref<10112x128xf32, #tpu.memory_space<vmem_shared>>
      tpu.wait_indirect_dma semaphore(%arg14 : memref<!tpu.dma_semaphore, #tpu.memory_space<semaphore_mem>>) src(%arg9 : memref<128x128xf32, #tpu.memory_space<vmem>>) dst(%dma_wait3A_173 : memref<10112x128xf32, #tpu.memory_space<vmem_shared>>)
      %dma_start3A_174 = arith.constant 6 : i32
      %dma_start3A_175 = arith.constant 0 : i32
      %dma_start3A_176 = tpu.memref_slice %arg7[%rem3A_17, %dma_start3A_174, %dma_start3A_175] : memref<2x8x128xi32, #tpu.memory_space<vmem>> -> memref<1x1x128xi32, #tpu.memory_space<vmem>>
      %dma_start3A_177 = tpu.memref_squeeze %dma_start3A_176 : memref<1x1x128xi32, #tpu.memory_space<vmem>> -> memref<128xi32, #tpu.memory_space<vmem>>
      %dma_start3A_178 = arith.constant 0 : i32
      %dma_start3A_179 = arith.constant 0 : i32
      %dma_start3A_180 = tpu.memref_slice %arg2[%dma_start3A_178, %dma_start3A_179] : memref<10112x128xf32, #tpu.memory_space<hbm>> -> memref<10112x128xf32, #tpu.memory_space<hbm>>
      tpu.enqueue_indirect_dma source(%dma_start3A_180 : memref<10112x128xf32, #tpu.memory_space<hbm>>) target(%arg9 : memref<128x128xf32, #tpu.memory_space<vmem>>) offsets(%dma_start3A_177 : memref<128xi32, #tpu.memory_space<vmem>>) semaphore(%arg12 : memref<!tpu.dma_semaphore, #tpu.memory_space<semaphore_mem>>)
      %dma_wait3A_181 = arith.constant 5 : i32
      %dma_wait3A_182 = arith.constant 0 : i32
      %dma_wait3A_183 = tpu.memref_slice %arg7[%rem3A_17, %dma_wait3A_181, %dma_wait3A_182] : memref<2x8x128xi32, #tpu.memory_space<vmem>> -> memref<1x1x128xi32, #tpu.memory_space<vmem>>
      %dma_wait3A_184 = tpu.memref_squeeze %dma_wait3A_183 : memref<1x1x128xi32, #tpu.memory_space<vmem>> -> memref<128xi32, #tpu.memory_space<vmem>>
      %dma_wait3A_185 = arith.constant 0 : i32
      %dma_wait3A_186 = arith.constant 0 : i32
      %dma_wait3A_187 = tpu.memref_slice %arg2[%dma_wait3A_185, %dma_wait3A_186] : memref<10112x128xf32, #tpu.memory_space<hbm>> -> memref<10112x128xf32, #tpu.memory_space<hbm>>
      tpu.wait_indirect_dma semaphore(%arg13 : memref<!tpu.dma_semaphore, #tpu.memory_space<semaphore_mem>>) src(%dma_wait3A_187 : memref<10112x128xf32, #tpu.memory_space<hbm>>) dst(%arg10 : memref<128x128xf32, #tpu.memory_space<vmem>>)
      %dma_start3A_188 = arith.constant 5 : i32
      %dma_start3A_189 = arith.constant 0 : i32
      %dma_start3A_190 = tpu.memref_slice %arg8[%rem3A_17, %dma_start3A_188, %dma_start3A_189] : memref<2x8x128xi32, #tpu.memory_space<vmem>> -> memref<1x1x128xi32, #tpu.memory_space<vmem>>
      %dma_start3A_191 = tpu.memref_squeeze %dma_start3A_190 : memref<1x1x128xi32, #tpu.memory_space<vmem>> -> memref<128xi32, #tpu.memory_space<vmem>>
      %dma_start3A_192 = arith.constant 0 : i32
      %dma_start3A_193 = arith.constant 0 : i32
      %dma_start3A_194 = tpu.memref_slice %arg11[%dma_start3A_192, %dma_start3A_193] : memref<10112x128xf32, #tpu.memory_space<vmem_shared>> -> memref<10112x128xf32, #tpu.memory_space<vmem_shared>>
      tpu.enqueue_indirect_dma source(%arg10 : memref<128x128xf32, #tpu.memory_space<vmem>>) target(%dma_start3A_194 : memref<10112x128xf32, #tpu.memory_space<vmem_shared>>) offsets(%dma_start3A_191 : memref<128xi32, #tpu.memory_space<vmem>>) semaphore(%arg15 : memref<!tpu.dma_semaphore, #tpu.memory_space<semaphore_mem>>) {add = true}
      %dma_wait3A_195 = arith.constant 5 : i32
      %dma_wait3A_196 = arith.constant 0 : i32
      %dma_wait3A_197 = tpu.memref_slice %arg8[%rem3A_17, %dma_wait3A_195, %dma_wait3A_196] : memref<2x8x128xi32, #tpu.memory_space<vmem>> -> memref<1x1x128xi32, #tpu.memory_space<vmem>>
      %dma_wait3A_198 = tpu.memref_squeeze %dma_wait3A_197 : memref<1x1x128xi32, #tpu.memory_space<vmem>> -> memref<128xi32, #tpu.memory_space<vmem>>
      %dma_wait3A_199 = arith.constant 0 : i32
      %dma_wait3A_200 = arith.constant 0 : i32
      %dma_wait3A_201 = tpu.memref_slice %arg11[%dma_wait3A_199, %dma_wait3A_200] : memref<10112x128xf32, #tpu.memory_space<vmem_shared>> -> memref<10112x128xf32, #tpu.memory_space<vmem_shared>>
      tpu.wait_indirect_dma semaphore(%arg15 : memref<!tpu.dma_semaphore, #tpu.memory_space<semaphore_mem>>) src(%arg10 : memref<128x128xf32, #tpu.memory_space<vmem>>) dst(%dma_wait3A_201 : memref<10112x128xf32, #tpu.memory_space<vmem_shared>>)
      %dma_start3A_202 = arith.constant 7 : i32
      %dma_start3A_203 = arith.constant 0 : i32
      %dma_start3A_204 = tpu.memref_slice %arg7[%rem3A_17, %dma_start3A_202, %dma_start3A_203] : memref<2x8x128xi32, #tpu.memory_space<vmem>> -> memref<1x1x128xi32, #tpu.memory_space<vmem>>
      %dma_start3A_205 = tpu.memref_squeeze %dma_start3A_204 : memref<1x1x128xi32, #tpu.memory_space<vmem>> -> memref<128xi32, #tpu.memory_space<vmem>>
      %dma_start3A_206 = arith.constant 0 : i32
      %dma_start3A_207 = arith.constant 0 : i32
      %dma_start3A_208 = tpu.memref_slice %arg2[%dma_start3A_206, %dma_start3A_207] : memref<10112x128xf32, #tpu.memory_space<hbm>> -> memref<10112x128xf32, #tpu.memory_space<hbm>>
      tpu.enqueue_indirect_dma source(%dma_start3A_208 : memref<10112x128xf32, #tpu.memory_space<hbm>>) target(%arg10 : memref<128x128xf32, #tpu.memory_space<vmem>>) offsets(%dma_start3A_205 : memref<128xi32, #tpu.memory_space<vmem>>) semaphore(%arg13 : memref<!tpu.dma_semaphore, #tpu.memory_space<semaphore_mem>>)
      %dma_wait3A_209 = arith.constant 6 : i32
      %dma_wait3A_210 = arith.constant 0 : i32
      %dma_wait3A_211 = tpu.memref_slice %arg7[%rem3A_17, %dma_wait3A_209, %dma_wait3A_210] : memref<2x8x128xi32, #tpu.memory_space<vmem>> -> memref<1x1x128xi32, #tpu.memory_space<vmem>>
      %dma_wait3A_212 = tpu.memref_squeeze %dma_wait3A_211 : memref<1x1x128xi32, #tpu.memory_space<vmem>> -> memref<128xi32, #tpu.memory_space<vmem>>
      %dma_wait3A_213 = arith.constant 0 : i32
      %dma_wait3A_214 = arith.constant 0 : i32
      %dma_wait3A_215 = tpu.memref_slice %arg2[%dma_wait3A_213, %dma_wait3A_214] : memref<10112x128xf32, #tpu.memory_space<hbm>> -> memref<10112x128xf32, #tpu.memory_space<hbm>>
      tpu.wait_indirect_dma semaphore(%arg12 : memref<!tpu.dma_semaphore, #tpu.memory_space<semaphore_mem>>) src(%dma_wait3A_215 : memref<10112x128xf32, #tpu.memory_space<hbm>>) dst(%arg9 : memref<128x128xf32, #tpu.memory_space<vmem>>)
      %dma_start3A_216 = arith.constant 6 : i32
      %dma_start3A_217 = arith.constant 0 : i32
      %dma_start3A_218 = tpu.memref_slice %arg8[%rem3A_17, %dma_start3A_216, %dma_start3A_217] : memref<2x8x128xi32, #tpu.memory_space<vmem>> -> memref<1x1x128xi32, #tpu.memory_space<vmem>>
      %dma_start3A_219 = tpu.memref_squeeze %dma_start3A_218 : memref<1x1x128xi32, #tpu.memory_space<vmem>> -> memref<128xi32, #tpu.memory_space<vmem>>
      %dma_start3A_220 = arith.constant 0 : i32
      %dma_start3A_221 = arith.constant 0 : i32
      %dma_start3A_222 = tpu.memref_slice %arg11[%dma_start3A_220, %dma_start3A_221] : memref<10112x128xf32, #tpu.memory_space<vmem_shared>> -> memref<10112x128xf32, #tpu.memory_space<vmem_shared>>
      tpu.enqueue_indirect_dma source(%arg9 : memref<128x128xf32, #tpu.memory_space<vmem>>) target(%dma_start3A_222 : memref<10112x128xf32, #tpu.memory_space<vmem_shared>>) offsets(%dma_start3A_219 : memref<128xi32, #tpu.memory_space<vmem>>) semaphore(%arg14 : memref<!tpu.dma_semaphore, #tpu.memory_space<semaphore_mem>>) {add = true}
      %dma_wait3A_223 = arith.constant 7 : i32
      %dma_wait3A_224 = arith.constant 0 : i32
      %dma_wait3A_225 = tpu.memref_slice %arg7[%rem3A_17, %dma_wait3A_223, %dma_wait3A_224] : memref<2x8x128xi32, #tpu.memory_space<vmem>> -> memref<1x1x128xi32, #tpu.memory_space<vmem>>
      %dma_wait3A_226 = tpu.memref_squeeze %dma_wait3A_225 : memref<1x1x128xi32, #tpu.memory_space<vmem>> -> memref<128xi32, #tpu.memory_space<vmem>>
      %dma_wait3A_227 = arith.constant 0 : i32
      %dma_wait3A_228 = arith.constant 0 : i32
      %dma_wait3A_229 = tpu.memref_slice %arg2[%dma_wait3A_227, %dma_wait3A_228] : memref<10112x128xf32, #tpu.memory_space<hbm>> -> memref<10112x128xf32, #tpu.memory_space<hbm>>
      tpu.wait_indirect_dma semaphore(%arg13 : memref<!tpu.dma_semaphore, #tpu.memory_space<semaphore_mem>>) src(%dma_wait3A_229 : memref<10112x128xf32, #tpu.memory_space<hbm>>) dst(%arg10 : memref<128x128xf32, #tpu.memory_space<vmem>>)
      %dma_start3A_230 = arith.constant 7 : i32
      %dma_start3A_231 = arith.constant 0 : i32
      %dma_start3A_232 = tpu.memref_slice %arg8[%rem3A_17, %dma_start3A_230, %dma_start3A_231] : memref<2x8x128xi32, #tpu.memory_space<vmem>> -> memref<1x1x128xi32, #tpu.memory_space<vmem>>
      %dma_start3A_233 = tpu.memref_squeeze %dma_start3A_232 : memref<1x1x128xi32, #tpu.memory_space<vmem>> -> memref<128xi32, #tpu.memory_space<vmem>>
      %dma_start3A_234 = arith.constant 0 : i32
      %dma_start3A_235 = arith.constant 0 : i32
      %dma_start3A_236 = tpu.memref_slice %arg11[%dma_start3A_234, %dma_start3A_235] : memref<10112x128xf32, #tpu.memory_space<vmem_shared>> -> memref<10112x128xf32, #tpu.memory_space<vmem_shared>>
      tpu.enqueue_indirect_dma source(%arg10 : memref<128x128xf32, #tpu.memory_space<vmem>>) target(%dma_start3A_236 : memref<10112x128xf32, #tpu.memory_space<vmem_shared>>) offsets(%dma_start3A_233 : memref<128xi32, #tpu.memory_space<vmem>>) semaphore(%arg15 : memref<!tpu.dma_semaphore, #tpu.memory_space<semaphore_mem>>) {add = true}
      %dma_wait3A_237 = arith.constant 6 : i32
      %dma_wait3A_238 = arith.constant 0 : i32
      %dma_wait3A_239 = tpu.memref_slice %arg8[%rem3A_17, %dma_wait3A_237, %dma_wait3A_238] : memref<2x8x128xi32, #tpu.memory_space<vmem>> -> memref<1x1x128xi32, #tpu.memory_space<vmem>>
      %dma_wait3A_240 = tpu.memref_squeeze %dma_wait3A_239 : memref<1x1x128xi32, #tpu.memory_space<vmem>> -> memref<128xi32, #tpu.memory_space<vmem>>
      %dma_wait3A_241 = arith.constant 0 : i32
      %dma_wait3A_242 = arith.constant 0 : i32
      %dma_wait3A_243 = tpu.memref_slice %arg11[%dma_wait3A_241, %dma_wait3A_242] : memref<10112x128xf32, #tpu.memory_space<vmem_shared>> -> memref<10112x128xf32, #tpu.memory_space<vmem_shared>>
      tpu.wait_indirect_dma semaphore(%arg14 : memref<!tpu.dma_semaphore, #tpu.memory_space<semaphore_mem>>) src(%arg9 : memref<128x128xf32, #tpu.memory_space<vmem>>) dst(%dma_wait3A_243 : memref<10112x128xf32, #tpu.memory_space<vmem_shared>>)
      %dma_wait3A_244 = arith.constant 7 : i32
      %dma_wait3A_245 = arith.constant 0 : i32
      %dma_wait3A_246 = tpu.memref_slice %arg8[%rem3A_17, %dma_wait3A_244, %dma_wait3A_245] : memref<2x8x128xi32, #tpu.memory_space<vmem>> -> memref<1x1x128xi32, #tpu.memory_space<vmem>>
      %dma_wait3A_247 = tpu.memref_squeeze %dma_wait3A_246 : memref<1x1x128xi32, #tpu.memory_space<vmem>> -> memref<128xi32, #tpu.memory_space<vmem>>
      %dma_wait3A_248 = arith.constant 0 : i32
      %dma_wait3A_249 = arith.constant 0 : i32
      %dma_wait3A_250 = tpu.memref_slice %arg11[%dma_wait3A_248, %dma_wait3A_249] : memref<10112x128xf32, #tpu.memory_space<vmem_shared>> -> memref<10112x128xf32, #tpu.memory_space<vmem_shared>>
      tpu.wait_indirect_dma semaphore(%arg15 : memref<!tpu.dma_semaphore, #tpu.memory_space<semaphore_mem>>) src(%arg10 : memref<128x128xf32, #tpu.memory_space<vmem>>) dst(%dma_wait3A_250 : memref<10112x128xf32, #tpu.memory_space<vmem_shared>>)
    }
    %scan3A_10 = arith.constant 21 : i32
    %barrier3A_11 = arith.constant 0 : index
    tpu.barrier barrier_id(%barrier3A_11)
    %mul3A_12 = arith.constant 632 : i32
    %mul3A_13 = arith.muli %arg1, %mul3A_12 : i32
    %mul3A_14 = arith.constant 632 : i32
    %mul3A_15 = arith.muli %arg1, %mul3A_14 : i32
    "tpu.region"() ({
      %run_scoped3A_16 = tpu.sem_alloc : memref<!tpu.dma_semaphore, #tpu.memory_space<semaphore_mem>>
      %dma_start3A = arith.constant 0 : i32
      %dma_start3A_17 = tpu.memref_slice %arg6[%mul3A_15, %dma_start3A] : memref<10112x128xf32, #tpu.memory_space<hbm>> -> memref<632x128xf32, #tpu.memory_space<hbm>>
      %dma_start3A_18 = arith.constant 0 : i32
      %dma_start3A_19 = tpu.memref_slice %arg11[%mul3A_13, %dma_start3A_18] : memref<10112x128xf32, #tpu.memory_space<vmem_shared>> -> memref<632x128xf32, #tpu.memory_space<vmem_shared>>
      tpu.enqueue_dma source(%dma_start3A_19 : memref<632x128xf32, #tpu.memory_space<vmem_shared>>) target(%dma_start3A_17 : memref<632x128xf32, #tpu.memory_space<hbm>>) target_semaphore(%run_scoped3A_16 : memref<!tpu.dma_semaphore, #tpu.memory_space<semaphore_mem>>)
      %dma_wait3A = arith.constant 0 : i32
      %dma_wait3A_20 = tpu.memref_slice %arg6[%mul3A_15, %dma_wait3A] : memref<10112x128xf32, #tpu.memory_space<hbm>> -> memref<632x128xf32, #tpu.memory_space<hbm>>
      %dma_wait3A_21 = arith.constant 0 : i32
      %dma_wait3A_22 = tpu.memref_slice %arg11[%mul3A_13, %dma_wait3A_21] : memref<10112x128xf32, #tpu.memory_space<vmem_shared>> -> memref<632x128xf32, #tpu.memory_space<vmem_shared>>
      tpu.wait_dma2 semaphore(%run_scoped3A_16 : memref<!tpu.dma_semaphore, #tpu.memory_space<semaphore_mem>>) src(%dma_wait3A_22 : memref<632x128xf32, #tpu.memory_space<vmem_shared>>) dst(%dma_wait3A_20 : memref<632x128xf32, #tpu.memory_space<hbm>>)
      tpu.yield
    }) : () -> ()
    return
  }
}

#map = affine_map<(d0, d1) -> (0, 0)>
#map1 = affine_map<(d0, d1) -> (0, 0, 0, 0)>
module attributes {stable_mosaic.version = 14 : i64} {
  func.func @body(%arg0: i32, %arg1: i32, %arg2: memref<10112x128xf32, #tpu.memory_space<hbm>>, %arg3: memref<16x21x8x128xi32, #tpu.memory_space<hbm>>, %arg4: memref<16x21x8x128xi32, #tpu.memory_space<hbm>>, %arg5: memref<10112x128xf32, #tpu.memory_space<hbm>>, %arg6: memref<10112x128xf32, #tpu.memory_space<hbm>>, %arg7: memref<2x8x128xi32, #tpu.memory_space<vmem>>, %arg8: memref<2x8x128xi32, #tpu.memory_space<vmem>>, %arg9: memref<128x128xf32, #tpu.memory_space<vmem>>, %arg10: memref<128x128xf32, #tpu.memory_space<vmem>>, %arg11: memref<10112x128xf32, #tpu.memory_space<vmem_shared>>, %arg12: memref<!tpu.dma_semaphore, #tpu.memory_space<semaphore_mem>>, %arg13: memref<!tpu.dma_semaphore, #tpu.memory_space<semaphore_mem>>, %arg14: memref<!tpu.dma_semaphore, #tpu.memory_space<semaphore_mem>>, %arg15: memref<!tpu.dma_semaphore, #tpu.memory_space<semaphore_mem>>, %arg16: memref<!tpu.dma_semaphore, #tpu.memory_space<semaphore_mem>>, %arg17: memref<!tpu.dma_semaphore, #tpu.memory_space<semaphore_mem>>) attributes {dimension_semantics = [#tpu.dimension_semantics<core_parallel>, #tpu.dimension_semantics<subcore_parallel>], iteration_bounds = array<i64: 1, 16>, scalar_prefetch = 0 : i64, scratch_operands = 11 : i64, tpu.core_type = #tpu.core_type<sc_vector_subcore>, window_params = [{transform_indices = #map}, {transform_indices = #map1}, {transform_indices = #map1}, {transform_indices = #map}, {transform_indices = #map}]} {
    %mul3A = arith.constant 632 : i32
    %mul3A_0 = arith.muli %arg1, %mul3A : i32
    %mul3A_1 = arith.constant 632 : i32
    %mul3A_2 = arith.muli %arg1, %mul3A_1 : i32
    "tpu.region"() ({
      %run_scoped3A_16 = tpu.sem_alloc : memref<!tpu.dma_semaphore, #tpu.memory_space<semaphore_mem>>
      %dma_start3A = arith.constant 0 : i32
      %dma_start3A_17 = tpu.memref_slice %arg11[%mul3A_2, %dma_start3A] : memref<10112x128xf32, #tpu.memory_space<vmem_shared>> -> memref<632x128xf32, #tpu.memory_space<vmem_shared>>
      %dma_start3A_18 = arith.constant 0 : i32
      %dma_start3A_19 = tpu.memref_slice %arg5[%mul3A_0, %dma_start3A_18] : memref<10112x128xf32, #tpu.memory_space<hbm>> -> memref<632x128xf32, #tpu.memory_space<hbm>>
      tpu.enqueue_dma source(%dma_start3A_19 : memref<632x128xf32, #tpu.memory_space<hbm>>) target(%dma_start3A_17 : memref<632x128xf32, #tpu.memory_space<vmem_shared>>) target_semaphore(%run_scoped3A_16 : memref<!tpu.dma_semaphore, #tpu.memory_space<semaphore_mem>>)
      %dma_wait3A = arith.constant 0 : i32
      %dma_wait3A_20 = tpu.memref_slice %arg11[%mul3A_2, %dma_wait3A] : memref<10112x128xf32, #tpu.memory_space<vmem_shared>> -> memref<632x128xf32, #tpu.memory_space<vmem_shared>>
      %dma_wait3A_21 = arith.constant 0 : i32
      %dma_wait3A_22 = tpu.memref_slice %arg5[%mul3A_0, %dma_wait3A_21] : memref<10112x128xf32, #tpu.memory_space<hbm>> -> memref<632x128xf32, #tpu.memory_space<hbm>>
      tpu.wait_dma2 semaphore(%run_scoped3A_16 : memref<!tpu.dma_semaphore, #tpu.memory_space<semaphore_mem>>) src(%dma_wait3A_22 : memref<632x128xf32, #tpu.memory_space<hbm>>) dst(%dma_wait3A_20 : memref<632x128xf32, #tpu.memory_space<vmem_shared>>)
      tpu.yield
    }) : () -> ()
    %run_scoped3A = arith.constant 0 : i32
    %run_scoped3A_3 = arith.constant 0 : i32
    "tpu.region"() ({
      %run_scoped3A_16 = tpu.sem_alloc : memref<!tpu.dma_semaphore, #tpu.memory_space<semaphore_mem>>
      %dma_start3A = arith.constant 0 : i32
      %dma_start3A_17 = arith.constant 0 : i32
      %dma_start3A_18 = tpu.memref_slice %arg7[%run_scoped3A_3, %dma_start3A, %dma_start3A_17] : memref<2x8x128xi32, #tpu.memory_space<vmem>> -> memref<1x8x128xi32, #tpu.memory_space<vmem>>
      %dma_start3A_19 = tpu.memref_squeeze %dma_start3A_18 : memref<1x8x128xi32, #tpu.memory_space<vmem>> -> memref<8x128xi32, #tpu.memory_space<vmem>>
      %dma_start3A_20 = arith.constant 0 : i32
      %dma_start3A_21 = arith.constant 0 : i32
      %dma_start3A_22 = tpu.memref_slice %arg3[%arg1, %run_scoped3A, %dma_start3A_20, %dma_start3A_21] : memref<16x21x8x128xi32, #tpu.memory_space<hbm>> -> memref<1x1x8x128xi32, #tpu.memory_space<hbm>>
      %dma_start3A_23 = tpu.memref_squeeze %dma_start3A_22 : memref<1x1x8x128xi32, #tpu.memory_space<hbm>> -> memref<8x128xi32, #tpu.memory_space<hbm>>
      %dma_start3A_24 = arith.constant 0 : i32
      %dma_start3A_25 = arith.constant 0 : i32
      %dma_start3A_26 = tpu.memref_slice %arg7[%run_scoped3A_3, %dma_start3A_24, %dma_start3A_25] : memref<2x8x128xi32, #tpu.memory_space<vmem>> -> memref<1x8x128xi32, #tpu.memory_space<vmem>>
      %dma_start3A_27 = tpu.memref_squeeze %dma_start3A_26 : memref<1x8x128xi32, #tpu.memory_space<vmem>> -> memref<8x128xi32, #tpu.memory_space<vmem>>
      %dma_start3A_28 = arith.constant 0 : i32
      %dma_start3A_29 = arith.constant 0 : i32
      %dma_start3A_30 = tpu.memref_slice %arg3[%arg1, %run_scoped3A, %dma_start3A_28, %dma_start3A_29] : memref<16x21x8x128xi32, #tpu.memory_space<hbm>> -> memref<1x1x8x128xi32, #tpu.memory_space<hbm>>
      %dma_start3A_31 = tpu.memref_squeeze %dma_start3A_30 : memref<1x1x8x128xi32, #tpu.memory_space<hbm>> -> memref<8x128xi32, #tpu.memory_space<hbm>>
      tpu.enqueue_dma source(%dma_start3A_31 : memref<8x128xi32, #tpu.memory_space<hbm>>) target(%dma_start3A_27 : memref<8x128xi32, #tpu.memory_space<vmem>>) target_semaphore(%run_scoped3A_16 : memref<!tpu.dma_semaphore, #tpu.memory_space<semaphore_mem>>)
      %dma_wait3A = arith.constant 0 : i32
      %dma_wait3A_32 = arith.constant 0 : i32
      %dma_wait3A_33 = tpu.memref_slice %arg7[%run_scoped3A_3, %dma_wait3A, %dma_wait3A_32] : memref<2x8x128xi32, #tpu.memory_space<vmem>> -> memref<1x8x128xi32, #tpu.memory_space<vmem>>
      %dma_wait3A_34 = tpu.memref_squeeze %dma_wait3A_33 : memref<1x8x128xi32, #tpu.memory_space<vmem>> -> memref<8x128xi32, #tpu.memory_space<vmem>>
      %dma_wait3A_35 = arith.constant 0 : i32
      %dma_wait3A_36 = arith.constant 0 : i32
      %dma_wait3A_37 = tpu.memref_slice %arg3[%arg1, %run_scoped3A, %dma_wait3A_35, %dma_wait3A_36] : memref<16x21x8x128xi32, #tpu.memory_space<hbm>> -> memref<1x1x8x128xi32, #tpu.memory_space<hbm>>
      %dma_wait3A_38 = tpu.memref_squeeze %dma_wait3A_37 : memref<1x1x8x128xi32, #tpu.memory_space<hbm>> -> memref<8x128xi32, #tpu.memory_space<hbm>>
      %dma_wait3A_39 = arith.constant 0 : i32
      %dma_wait3A_40 = arith.constant 0 : i32
      %dma_wait3A_41 = tpu.memref_slice %arg7[%run_scoped3A_3, %dma_wait3A_39, %dma_wait3A_40] : memref<2x8x128xi32, #tpu.memory_space<vmem>> -> memref<1x8x128xi32, #tpu.memory_space<vmem>>
      %dma_wait3A_42 = tpu.memref_squeeze %dma_wait3A_41 : memref<1x8x128xi32, #tpu.memory_space<vmem>> -> memref<8x128xi32, #tpu.memory_space<vmem>>
      %dma_wait3A_43 = arith.constant 0 : i32
      %dma_wait3A_44 = arith.constant 0 : i32
      %dma_wait3A_45 = tpu.memref_slice %arg3[%arg1, %run_scoped3A, %dma_wait3A_43, %dma_wait3A_44] : memref<16x21x8x128xi32, #tpu.memory_space<hbm>> -> memref<1x1x8x128xi32, #tpu.memory_space<hbm>>
      %dma_wait3A_46 = tpu.memref_squeeze %dma_wait3A_45 : memref<1x1x8x128xi32, #tpu.memory_space<hbm>> -> memref<8x128xi32, #tpu.memory_space<hbm>>
      tpu.wait_dma2 semaphore(%run_scoped3A_16 : memref<!tpu.dma_semaphore, #tpu.memory_space<semaphore_mem>>) src(%dma_wait3A_46 : memref<8x128xi32, #tpu.memory_space<hbm>>) dst(%dma_wait3A_42 : memref<8x128xi32, #tpu.memory_space<vmem>>)
      tpu.yield
    }) : () -> ()
    %run_scoped3A_4 = arith.constant 0 : i32
    %run_scoped3A_5 = arith.constant 0 : i32
    "tpu.region"() ({
      %run_scoped3A_16 = tpu.sem_alloc : memref<!tpu.dma_semaphore, #tpu.memory_space<semaphore_mem>>
      %dma_start3A = arith.constant 0 : i32
      %dma_start3A_17 = arith.constant 0 : i32
      %dma_start3A_18 = tpu.memref_slice %arg8[%run_scoped3A_5, %dma_start3A, %dma_start3A_17] : memref<2x8x128xi32, #tpu.memory_space<vmem>> -> memref<1x8x128xi32, #tpu.memory_space<vmem>>
      %dma_start3A_19 = tpu.memref_squeeze %dma_start3A_18 : memref<1x8x128xi32, #tpu.memory_space<vmem>> -> memref<8x128xi32, #tpu.memory_space<vmem>>
      %dma_start3A_20 = arith.constant 0 : i32
      %dma_start3A_21 = arith.constant 0 : i32
      %dma_start3A_22 = tpu.memref_slice %arg4[%arg1, %run_scoped3A_4, %dma_start3A_20, %dma_start3A_21] : memref<16x21x8x128xi32, #tpu.memory_space<hbm>> -> memref<1x1x8x128xi32, #tpu.memory_space<hbm>>
      %dma_start3A_23 = tpu.memref_squeeze %dma_start3A_22 : memref<1x1x8x128xi32, #tpu.memory_space<hbm>> -> memref<8x128xi32, #tpu.memory_space<hbm>>
      %dma_start3A_24 = arith.constant 0 : i32
      %dma_start3A_25 = arith.constant 0 : i32
      %dma_start3A_26 = tpu.memref_slice %arg8[%run_scoped3A_5, %dma_start3A_24, %dma_start3A_25] : memref<2x8x128xi32, #tpu.memory_space<vmem>> -> memref<1x8x128xi32, #tpu.memory_space<vmem>>
      %dma_start3A_27 = tpu.memref_squeeze %dma_start3A_26 : memref<1x8x128xi32, #tpu.memory_space<vmem>> -> memref<8x128xi32, #tpu.memory_space<vmem>>
      %dma_start3A_28 = arith.constant 0 : i32
      %dma_start3A_29 = arith.constant 0 : i32
      %dma_start3A_30 = tpu.memref_slice %arg4[%arg1, %run_scoped3A_4, %dma_start3A_28, %dma_start3A_29] : memref<16x21x8x128xi32, #tpu.memory_space<hbm>> -> memref<1x1x8x128xi32, #tpu.memory_space<hbm>>
      %dma_start3A_31 = tpu.memref_squeeze %dma_start3A_30 : memref<1x1x8x128xi32, #tpu.memory_space<hbm>> -> memref<8x128xi32, #tpu.memory_space<hbm>>
      tpu.enqueue_dma source(%dma_start3A_31 : memref<8x128xi32, #tpu.memory_space<hbm>>) target(%dma_start3A_27 : memref<8x128xi32, #tpu.memory_space<vmem>>) target_semaphore(%run_scoped3A_16 : memref<!tpu.dma_semaphore, #tpu.memory_space<semaphore_mem>>)
      %dma_wait3A = arith.constant 0 : i32
      %dma_wait3A_32 = arith.constant 0 : i32
      %dma_wait3A_33 = tpu.memref_slice %arg8[%run_scoped3A_5, %dma_wait3A, %dma_wait3A_32] : memref<2x8x128xi32, #tpu.memory_space<vmem>> -> memref<1x8x128xi32, #tpu.memory_space<vmem>>
      %dma_wait3A_34 = tpu.memref_squeeze %dma_wait3A_33 : memref<1x8x128xi32, #tpu.memory_space<vmem>> -> memref<8x128xi32, #tpu.memory_space<vmem>>
      %dma_wait3A_35 = arith.constant 0 : i32
      %dma_wait3A_36 = arith.constant 0 : i32
      %dma_wait3A_37 = tpu.memref_slice %arg4[%arg1, %run_scoped3A_4, %dma_wait3A_35, %dma_wait3A_36] : memref<16x21x8x128xi32, #tpu.memory_space<hbm>> -> memref<1x1x8x128xi32, #tpu.memory_space<hbm>>
      %dma_wait3A_38 = tpu.memref_squeeze %dma_wait3A_37 : memref<1x1x8x128xi32, #tpu.memory_space<hbm>> -> memref<8x128xi32, #tpu.memory_space<hbm>>
      %dma_wait3A_39 = arith.constant 0 : i32
      %dma_wait3A_40 = arith.constant 0 : i32
      %dma_wait3A_41 = tpu.memref_slice %arg8[%run_scoped3A_5, %dma_wait3A_39, %dma_wait3A_40] : memref<2x8x128xi32, #tpu.memory_space<vmem>> -> memref<1x8x128xi32, #tpu.memory_space<vmem>>
      %dma_wait3A_42 = tpu.memref_squeeze %dma_wait3A_41 : memref<1x8x128xi32, #tpu.memory_space<vmem>> -> memref<8x128xi32, #tpu.memory_space<vmem>>
      %dma_wait3A_43 = arith.constant 0 : i32
      %dma_wait3A_44 = arith.constant 0 : i32
      %dma_wait3A_45 = tpu.memref_slice %arg4[%arg1, %run_scoped3A_4, %dma_wait3A_43, %dma_wait3A_44] : memref<16x21x8x128xi32, #tpu.memory_space<hbm>> -> memref<1x1x8x128xi32, #tpu.memory_space<hbm>>
      %dma_wait3A_46 = tpu.memref_squeeze %dma_wait3A_45 : memref<1x1x8x128xi32, #tpu.memory_space<hbm>> -> memref<8x128xi32, #tpu.memory_space<hbm>>
      tpu.wait_dma2 semaphore(%run_scoped3A_16 : memref<!tpu.dma_semaphore, #tpu.memory_space<semaphore_mem>>) src(%dma_wait3A_46 : memref<8x128xi32, #tpu.memory_space<hbm>>) dst(%dma_wait3A_42 : memref<8x128xi32, #tpu.memory_space<vmem>>)
      tpu.yield
    }) : () -> ()
    %barrier3A = arith.constant 0 : index
    tpu.barrier barrier_id(%barrier3A)
    %scan3A = arith.constant 0 : i32
    %scan3A_6 = arith.constant 0 : i32
    %scan3A_7 = arith.constant 21 : i32
    %scan3A_8 = arith.addi %scan3A_6, %scan3A_7 : i32
    %scan3A_9 = arith.constant 1 : i32
    scf.for %scan3A_16 = %scan3A_6 to %scan3A_8 step %scan3A_9  : i32 {
      %rem3A = arith.constant 2 : i32
      %rem3A_17 = arith.remsi %scan3A_16, %rem3A : i32
      %add3A = arith.constant 1 : i32
      %add3A_18 = arith.addi %scan3A_16, %add3A : i32
      %rem3A_19 = arith.constant 2 : i32
      %rem3A_20 = arith.remsi %add3A_18, %rem3A_19 : i32
      %add3A_21 = arith.constant 1 : i32
      %add3A_22 = arith.addi %scan3A_16, %add3A_21 : i32
      %lt3A = arith.constant 21 : i32
      %lt3A_23 = arith.cmpi slt, %add3A_22, %lt3A : i32
      %convert_element_type3A = arith.extui %lt3A_23 : i1 to i32
      %cond3A = arith.constant 0 : i32
      %cond3A_24 = arith.cmpi ne, %convert_element_type3A, %cond3A : i32
      scf.if %cond3A_24 {
        %add3A_251 = arith.constant 1 : i32
        %add3A_252 = arith.addi %scan3A_16, %add3A_251 : i32
        %dma_start3A_253 = arith.constant 0 : i32
        %dma_start3A_254 = arith.constant 0 : i32
        %dma_start3A_255 = tpu.memref_slice %arg7[%rem3A_20, %dma_start3A_253, %dma_start3A_254] : memref<2x8x128xi32, #tpu.memory_space<vmem>> -> memref<1x8x128xi32, #tpu.memory_space<vmem>>
        %dma_start3A_256 = tpu.memref_squeeze %dma_start3A_255 : memref<1x8x128xi32, #tpu.memory_space<vmem>> -> memref<8x128xi32, #tpu.memory_space<vmem>>
        %dma_start3A_257 = arith.constant 0 : i32
        %dma_start3A_258 = arith.constant 0 : i32
        %dma_start3A_259 = tpu.memref_slice %arg3[%arg1, %add3A_252, %dma_start3A_257, %dma_start3A_258] : memref<16x21x8x128xi32, #tpu.memory_space<hbm>> -> memref<1x1x8x128xi32, #tpu.memory_space<hbm>>
        %dma_start3A_260 = tpu.memref_squeeze %dma_start3A_259 : memref<1x1x8x128xi32, #tpu.memory_space<hbm>> -> memref<8x128xi32, #tpu.memory_space<hbm>>
        %dma_start3A_261 = arith.constant 0 : i32
        %dma_start3A_262 = arith.constant 0 : i32
        %dma_start3A_263 = tpu.memref_slice %arg7[%rem3A_20, %dma_start3A_261, %dma_start3A_262] : memref<2x8x128xi32, #tpu.memory_space<vmem>> -> memref<1x8x128xi32, #tpu.memory_space<vmem>>
        %dma_start3A_264 = tpu.memref_squeeze %dma_start3A_263 : memref<1x8x128xi32, #tpu.memory_space<vmem>> -> memref<8x128xi32, #tpu.memory_space<vmem>>
        %dma_start3A_265 = arith.constant 0 : i32
        %dma_start3A_266 = arith.constant 0 : i32
        %dma_start3A_267 = tpu.memref_slice %arg3[%arg1, %add3A_252, %dma_start3A_265, %dma_start3A_266] : memref<16x21x8x128xi32, #tpu.memory_space<hbm>> -> memref<1x1x8x128xi32, #tpu.memory_space<hbm>>
        %dma_start3A_268 = tpu.memref_squeeze %dma_start3A_267 : memref<1x1x8x128xi32, #tpu.memory_space<hbm>> -> memref<8x128xi32, #tpu.memory_space<hbm>>
        tpu.enqueue_dma source(%dma_start3A_268 : memref<8x128xi32, #tpu.memory_space<hbm>>) target(%dma_start3A_264 : memref<8x128xi32, #tpu.memory_space<vmem>>) target_semaphore(%arg16 : memref<!tpu.dma_semaphore, #tpu.memory_space<semaphore_mem>>)
        %add3A_269 = arith.constant 1 : i32
        %add3A_270 = arith.addi %scan3A_16, %add3A_269 : i32
        %dma_start3A_271 = arith.constant 0 : i32
        %dma_start3A_272 = arith.constant 0 : i32
        %dma_start3A_273 = tpu.memref_slice %arg8[%rem3A_20, %dma_start3A_271, %dma_start3A_272] : memref<2x8x128xi32, #tpu.memory_space<vmem>> -> memref<1x8x128xi32, #tpu.memory_space<vmem>>
        %dma_start3A_274 = tpu.memref_squeeze %dma_start3A_273 : memref<1x8x128xi32, #tpu.memory_space<vmem>> -> memref<8x128xi32, #tpu.memory_space<vmem>>
        %dma_start3A_275 = arith.constant 0 : i32
        %dma_start3A_276 = arith.constant 0 : i32
        %dma_start3A_277 = tpu.memref_slice %arg4[%arg1, %add3A_270, %dma_start3A_275, %dma_start3A_276] : memref<16x21x8x128xi32, #tpu.memory_space<hbm>> -> memref<1x1x8x128xi32, #tpu.memory_space<hbm>>
        %dma_start3A_278 = tpu.memref_squeeze %dma_start3A_277 : memref<1x1x8x128xi32, #tpu.memory_space<hbm>> -> memref<8x128xi32, #tpu.memory_space<hbm>>
        %dma_start3A_279 = arith.constant 0 : i32
        %dma_start3A_280 = arith.constant 0 : i32
        %dma_start3A_281 = tpu.memref_slice %arg8[%rem3A_20, %dma_start3A_279, %dma_start3A_280] : memref<2x8x128xi32, #tpu.memory_space<vmem>> -> memref<1x8x128xi32, #tpu.memory_space<vmem>>
        %dma_start3A_282 = tpu.memref_squeeze %dma_start3A_281 : memref<1x8x128xi32, #tpu.memory_space<vmem>> -> memref<8x128xi32, #tpu.memory_space<vmem>>
        %dma_start3A_283 = arith.constant 0 : i32
        %dma_start3A_284 = arith.constant 0 : i32
        %dma_start3A_285 = tpu.memref_slice %arg4[%arg1, %add3A_270, %dma_start3A_283, %dma_start3A_284] : memref<16x21x8x128xi32, #tpu.memory_space<hbm>> -> memref<1x1x8x128xi32, #tpu.memory_space<hbm>>
        %dma_start3A_286 = tpu.memref_squeeze %dma_start3A_285 : memref<1x1x8x128xi32, #tpu.memory_space<hbm>> -> memref<8x128xi32, #tpu.memory_space<hbm>>
        tpu.enqueue_dma source(%dma_start3A_286 : memref<8x128xi32, #tpu.memory_space<hbm>>) target(%dma_start3A_282 : memref<8x128xi32, #tpu.memory_space<vmem>>) target_semaphore(%arg17 : memref<!tpu.dma_semaphore, #tpu.memory_space<semaphore_mem>>)
      } else {
      }
      %gt3A = arith.constant 0 : i32
      %gt3A_25 = arith.cmpi sgt, %scan3A_16, %gt3A : i32
      %convert_element_type3A_26 = arith.extui %gt3A_25 : i1 to i32
      %cond3A_27 = arith.constant 0 : i32
      %cond3A_28 = arith.cmpi ne, %convert_element_type3A_26, %cond3A_27 : i32
      scf.if %cond3A_28 {
        %dma_wait3A_251 = arith.constant 0 : i32
        %dma_wait3A_252 = arith.constant 0 : i32
        %dma_wait3A_253 = tpu.memref_slice %arg7[%rem3A_17, %dma_wait3A_251, %dma_wait3A_252] : memref<2x8x128xi32, #tpu.memory_space<vmem>> -> memref<1x8x128xi32, #tpu.memory_space<vmem>>
        %dma_wait3A_254 = tpu.memref_squeeze %dma_wait3A_253 : memref<1x8x128xi32, #tpu.memory_space<vmem>> -> memref<8x128xi32, #tpu.memory_space<vmem>>
        %dma_wait3A_255 = arith.constant 0 : i32
        %dma_wait3A_256 = arith.constant 0 : i32
        %dma_wait3A_257 = tpu.memref_slice %arg3[%arg1, %scan3A_16, %dma_wait3A_255, %dma_wait3A_256] : memref<16x21x8x128xi32, #tpu.memory_space<hbm>> -> memref<1x1x8x128xi32, #tpu.memory_space<hbm>>
        %dma_wait3A_258 = tpu.memref_squeeze %dma_wait3A_257 : memref<1x1x8x128xi32, #tpu.memory_space<hbm>> -> memref<8x128xi32, #tpu.memory_space<hbm>>
        %dma_wait3A_259 = arith.constant 0 : i32
        %dma_wait3A_260 = arith.constant 0 : i32
        %dma_wait3A_261 = tpu.memref_slice %arg7[%rem3A_17, %dma_wait3A_259, %dma_wait3A_260] : memref<2x8x128xi32, #tpu.memory_space<vmem>> -> memref<1x8x128xi32, #tpu.memory_space<vmem>>
        %dma_wait3A_262 = tpu.memref_squeeze %dma_wait3A_261 : memref<1x8x128xi32, #tpu.memory_space<vmem>> -> memref<8x128xi32, #tpu.memory_space<vmem>>
        %dma_wait3A_263 = arith.constant 0 : i32
        %dma_wait3A_264 = arith.constant 0 : i32
        %dma_wait3A_265 = tpu.memref_slice %arg3[%arg1, %scan3A_16, %dma_wait3A_263, %dma_wait3A_264] : memref<16x21x8x128xi32, #tpu.memory_space<hbm>> -> memref<1x1x8x128xi32, #tpu.memory_space<hbm>>
        %dma_wait3A_266 = tpu.memref_squeeze %dma_wait3A_265 : memref<1x1x8x128xi32, #tpu.memory_space<hbm>> -> memref<8x128xi32, #tpu.memory_space<hbm>>
        tpu.wait_dma2 semaphore(%arg16 : memref<!tpu.dma_semaphore, #tpu.memory_space<semaphore_mem>>) src(%dma_wait3A_266 : memref<8x128xi32, #tpu.memory_space<hbm>>) dst(%dma_wait3A_262 : memref<8x128xi32, #tpu.memory_space<vmem>>)
        %dma_wait3A_267 = arith.constant 0 : i32
        %dma_wait3A_268 = arith.constant 0 : i32
        %dma_wait3A_269 = tpu.memref_slice %arg8[%rem3A_17, %dma_wait3A_267, %dma_wait3A_268] : memref<2x8x128xi32, #tpu.memory_space<vmem>> -> memref<1x8x128xi32, #tpu.memory_space<vmem>>
        %dma_wait3A_270 = tpu.memref_squeeze %dma_wait3A_269 : memref<1x8x128xi32, #tpu.memory_space<vmem>> -> memref<8x128xi32, #tpu.memory_space<vmem>>
        %dma_wait3A_271 = arith.constant 0 : i32
        %dma_wait3A_272 = arith.constant 0 : i32
        %dma_wait3A_273 = tpu.memref_slice %arg4[%arg1, %scan3A_16, %dma_wait3A_271, %dma_wait3A_272] : memref<16x21x8x128xi32, #tpu.memory_space<hbm>> -> memref<1x1x8x128xi32, #tpu.memory_space<hbm>>
        %dma_wait3A_274 = tpu.memref_squeeze %dma_wait3A_273 : memref<1x1x8x128xi32, #tpu.memory_space<hbm>> -> memref<8x128xi32, #tpu.memory_space<hbm>>
        %dma_wait3A_275 = arith.constant 0 : i32
        %dma_wait3A_276 = arith.constant 0 : i32
        %dma_wait3A_277 = tpu.memref_slice %arg8[%rem3A_17, %dma_wait3A_275, %dma_wait3A_276] : memref<2x8x128xi32, #tpu.memory_space<vmem>> -> memref<1x8x128xi32, #tpu.memory_space<vmem>>
        %dma_wait3A_278 = tpu.memref_squeeze %dma_wait3A_277 : memref<1x8x128xi32, #tpu.memory_space<vmem>> -> memref<8x128xi32, #tpu.memory_space<vmem>>
        %dma_wait3A_279 = arith.constant 0 : i32
        %dma_wait3A_280 = arith.constant 0 : i32
        %dma_wait3A_281 = tpu.memref_slice %arg4[%arg1, %scan3A_16, %dma_wait3A_279, %dma_wait3A_280] : memref<16x21x8x128xi32, #tpu.memory_space<hbm>> -> memref<1x1x8x128xi32, #tpu.memory_space<hbm>>
        %dma_wait3A_282 = tpu.memref_squeeze %dma_wait3A_281 : memref<1x1x8x128xi32, #tpu.memory_space<hbm>> -> memref<8x128xi32, #tpu.memory_space<hbm>>
        tpu.wait_dma2 semaphore(%arg17 : memref<!tpu.dma_semaphore, #tpu.memory_space<semaphore_mem>>) src(%dma_wait3A_282 : memref<8x128xi32, #tpu.memory_space<hbm>>) dst(%dma_wait3A_278 : memref<8x128xi32, #tpu.memory_space<vmem>>)
      } else {
      }
      %dma_start3A = arith.constant 0 : i32
      %dma_start3A_29 = arith.constant 0 : i32
      %dma_start3A_30 = tpu.memref_slice %arg7[%rem3A_17, %dma_start3A, %dma_start3A_29] : memref<2x8x128xi32, #tpu.memory_space<vmem>> -> memref<1x1x128xi32, #tpu.memory_space<vmem>>
      %dma_start3A_31 = tpu.memref_squeeze %dma_start3A_30 : memref<1x1x128xi32, #tpu.memory_space<vmem>> -> memref<128xi32, #tpu.memory_space<vmem>>
      %dma_start3A_32 = arith.constant 0 : i32
      %dma_start3A_33 = arith.constant 0 : i32
      %dma_start3A_34 = tpu.memref_slice %arg2[%dma_start3A_32, %dma_start3A_33] : memref<10112x128xf32, #tpu.memory_space<hbm>> -> memref<10112x128xf32, #tpu.memory_space<hbm>>
      tpu.enqueue_indirect_dma source(%dma_start3A_34 : memref<10112x128xf32, #tpu.memory_space<hbm>>) target(%arg9 : memref<128x128xf32, #tpu.memory_space<vmem>>) offsets(%dma_start3A_31 : memref<128xi32, #tpu.memory_space<vmem>>) semaphore(%arg12 : memref<!tpu.dma_semaphore, #tpu.memory_space<semaphore_mem>>)
      %dma_start3A_35 = arith.constant 1 : i32
      %dma_start3A_36 = arith.constant 0 : i32
      %dma_start3A_37 = tpu.memref_slice %arg7[%rem3A_17, %dma_start3A_35, %dma_start3A_36] : memref<2x8x128xi32, #tpu.memory_space<vmem>> -> memref<1x1x128xi32, #tpu.memory_space<vmem>>
      %dma_start3A_38 = tpu.memref_squeeze %dma_start3A_37 : memref<1x1x128xi32, #tpu.memory_space<vmem>> -> memref<128xi32, #tpu.memory_space<vmem>>
      %dma_start3A_39 = arith.constant 0 : i32
      %dma_start3A_40 = arith.constant 0 : i32
      %dma_start3A_41 = tpu.memref_slice %arg2[%dma_start3A_39, %dma_start3A_40] : memref<10112x128xf32, #tpu.memory_space<hbm>> -> memref<10112x128xf32, #tpu.memory_space<hbm>>
      tpu.enqueue_indirect_dma source(%dma_start3A_41 : memref<10112x128xf32, #tpu.memory_space<hbm>>) target(%arg10 : memref<128x128xf32, #tpu.memory_space<vmem>>) offsets(%dma_start3A_38 : memref<128xi32, #tpu.memory_space<vmem>>) semaphore(%arg13 : memref<!tpu.dma_semaphore, #tpu.memory_space<semaphore_mem>>)
      %dma_wait3A = arith.constant 0 : i32
      %dma_wait3A_42 = arith.constant 0 : i32
      %dma_wait3A_43 = tpu.memref_slice %arg7[%rem3A_17, %dma_wait3A, %dma_wait3A_42] : memref<2x8x128xi32, #tpu.memory_space<vmem>> -> memref<1x1x128xi32, #tpu.memory_space<vmem>>
      %dma_wait3A_44 = tpu.memref_squeeze %dma_wait3A_43 : memref<1x1x128xi32, #tpu.memory_space<vmem>> -> memref<128xi32, #tpu.memory_space<vmem>>
      %dma_wait3A_45 = arith.constant 0 : i32
      %dma_wait3A_46 = arith.constant 0 : i32
      %dma_wait3A_47 = tpu.memref_slice %arg2[%dma_wait3A_45, %dma_wait3A_46] : memref<10112x128xf32, #tpu.memory_space<hbm>> -> memref<10112x128xf32, #tpu.memory_space<hbm>>
      tpu.wait_indirect_dma semaphore(%arg12 : memref<!tpu.dma_semaphore, #tpu.memory_space<semaphore_mem>>) src(%dma_wait3A_47 : memref<10112x128xf32, #tpu.memory_space<hbm>>) dst(%arg9 : memref<128x128xf32, #tpu.memory_space<vmem>>)
      %dma_start3A_48 = arith.constant 0 : i32
      %dma_start3A_49 = arith.constant 0 : i32
      %dma_start3A_50 = tpu.memref_slice %arg8[%rem3A_17, %dma_start3A_48, %dma_start3A_49] : memref<2x8x128xi32, #tpu.memory_space<vmem>> -> memref<1x1x128xi32, #tpu.memory_space<vmem>>
      %dma_start3A_51 = tpu.memref_squeeze %dma_start3A_50 : memref<1x1x128xi32, #tpu.memory_space<vmem>> -> memref<128xi32, #tpu.memory_space<vmem>>
      %dma_start3A_52 = arith.constant 0 : i32
      %dma_start3A_53 = arith.constant 0 : i32
      %dma_start3A_54 = tpu.memref_slice %arg11[%dma_start3A_52, %dma_start3A_53] : memref<10112x128xf32, #tpu.memory_space<vmem_shared>> -> memref<10112x128xf32, #tpu.memory_space<vmem_shared>>
      tpu.enqueue_indirect_dma source(%arg9 : memref<128x128xf32, #tpu.memory_space<vmem>>) target(%dma_start3A_54 : memref<10112x128xf32, #tpu.memory_space<vmem_shared>>) offsets(%dma_start3A_51 : memref<128xi32, #tpu.memory_space<vmem>>) semaphore(%arg14 : memref<!tpu.dma_semaphore, #tpu.memory_space<semaphore_mem>>) {add = true}
      %dma_wait3A_55 = arith.constant 0 : i32
      %dma_wait3A_56 = arith.constant 0 : i32
      %dma_wait3A_57 = tpu.memref_slice %arg8[%rem3A_17, %dma_wait3A_55, %dma_wait3A_56] : memref<2x8x128xi32, #tpu.memory_space<vmem>> -> memref<1x1x128xi32, #tpu.memory_space<vmem>>
      %dma_wait3A_58 = tpu.memref_squeeze %dma_wait3A_57 : memref<1x1x128xi32, #tpu.memory_space<vmem>> -> memref<128xi32, #tpu.memory_space<vmem>>
      %dma_wait3A_59 = arith.constant 0 : i32
      %dma_wait3A_60 = arith.constant 0 : i32
      %dma_wait3A_61 = tpu.memref_slice %arg11[%dma_wait3A_59, %dma_wait3A_60] : memref<10112x128xf32, #tpu.memory_space<vmem_shared>> -> memref<10112x128xf32, #tpu.memory_space<vmem_shared>>
      tpu.wait_indirect_dma semaphore(%arg14 : memref<!tpu.dma_semaphore, #tpu.memory_space<semaphore_mem>>) src(%arg9 : memref<128x128xf32, #tpu.memory_space<vmem>>) dst(%dma_wait3A_61 : memref<10112x128xf32, #tpu.memory_space<vmem_shared>>)
      %dma_start3A_62 = arith.constant 2 : i32
      %dma_start3A_63 = arith.constant 0 : i32
      %dma_start3A_64 = tpu.memref_slice %arg7[%rem3A_17, %dma_start3A_62, %dma_start3A_63] : memref<2x8x128xi32, #tpu.memory_space<vmem>> -> memref<1x1x128xi32, #tpu.memory_space<vmem>>
      %dma_start3A_65 = tpu.memref_squeeze %dma_start3A_64 : memref<1x1x128xi32, #tpu.memory_space<vmem>> -> memref<128xi32, #tpu.memory_space<vmem>>
      %dma_start3A_66 = arith.constant 0 : i32
      %dma_start3A_67 = arith.constant 0 : i32
      %dma_start3A_68 = tpu.memref_slice %arg2[%dma_start3A_66, %dma_start3A_67] : memref<10112x128xf32, #tpu.memory_space<hbm>> -> memref<10112x128xf32, #tpu.memory_space<hbm>>
      tpu.enqueue_indirect_dma source(%dma_start3A_68 : memref<10112x128xf32, #tpu.memory_space<hbm>>) target(%arg9 : memref<128x128xf32, #tpu.memory_space<vmem>>) offsets(%dma_start3A_65 : memref<128xi32, #tpu.memory_space<vmem>>) semaphore(%arg12 : memref<!tpu.dma_semaphore, #tpu.memory_space<semaphore_mem>>)
      %dma_wait3A_69 = arith.constant 1 : i32
      %dma_wait3A_70 = arith.constant 0 : i32
      %dma_wait3A_71 = tpu.memref_slice %arg7[%rem3A_17, %dma_wait3A_69, %dma_wait3A_70] : memref<2x8x128xi32, #tpu.memory_space<vmem>> -> memref<1x1x128xi32, #tpu.memory_space<vmem>>
      %dma_wait3A_72 = tpu.memref_squeeze %dma_wait3A_71 : memref<1x1x128xi32, #tpu.memory_space<vmem>> -> memref<128xi32, #tpu.memory_space<vmem>>
      %dma_wait3A_73 = arith.constant 0 : i32
      %dma_wait3A_74 = arith.constant 0 : i32
      %dma_wait3A_75 = tpu.memref_slice %arg2[%dma_wait3A_73, %dma_wait3A_74] : memref<10112x128xf32, #tpu.memory_space<hbm>> -> memref<10112x128xf32, #tpu.memory_space<hbm>>
      tpu.wait_indirect_dma semaphore(%arg13 : memref<!tpu.dma_semaphore, #tpu.memory_space<semaphore_mem>>) src(%dma_wait3A_75 : memref<10112x128xf32, #tpu.memory_space<hbm>>) dst(%arg10 : memref<128x128xf32, #tpu.memory_space<vmem>>)
      %dma_start3A_76 = arith.constant 1 : i32
      %dma_start3A_77 = arith.constant 0 : i32
      %dma_start3A_78 = tpu.memref_slice %arg8[%rem3A_17, %dma_start3A_76, %dma_start3A_77] : memref<2x8x128xi32, #tpu.memory_space<vmem>> -> memref<1x1x128xi32, #tpu.memory_space<vmem>>
      %dma_start3A_79 = tpu.memref_squeeze %dma_start3A_78 : memref<1x1x128xi32, #tpu.memory_space<vmem>> -> memref<128xi32, #tpu.memory_space<vmem>>
      %dma_start3A_80 = arith.constant 0 : i32
      %dma_start3A_81 = arith.constant 0 : i32
      %dma_start3A_82 = tpu.memref_slice %arg11[%dma_start3A_80, %dma_start3A_81] : memref<10112x128xf32, #tpu.memory_space<vmem_shared>> -> memref<10112x128xf32, #tpu.memory_space<vmem_shared>>
      tpu.enqueue_indirect_dma source(%arg10 : memref<128x128xf32, #tpu.memory_space<vmem>>) target(%dma_start3A_82 : memref<10112x128xf32, #tpu.memory_space<vmem_shared>>) offsets(%dma_start3A_79 : memref<128xi32, #tpu.memory_space<vmem>>) semaphore(%arg15 : memref<!tpu.dma_semaphore, #tpu.memory_space<semaphore_mem>>) {add = true}
      %dma_wait3A_83 = arith.constant 1 : i32
      %dma_wait3A_84 = arith.constant 0 : i32
      %dma_wait3A_85 = tpu.memref_slice %arg8[%rem3A_17, %dma_wait3A_83, %dma_wait3A_84] : memref<2x8x128xi32, #tpu.memory_space<vmem>> -> memref<1x1x128xi32, #tpu.memory_space<vmem>>
      %dma_wait3A_86 = tpu.memref_squeeze %dma_wait3A_85 : memref<1x1x128xi32, #tpu.memory_space<vmem>> -> memref<128xi32, #tpu.memory_space<vmem>>
      %dma_wait3A_87 = arith.constant 0 : i32
      %dma_wait3A_88 = arith.constant 0 : i32
      %dma_wait3A_89 = tpu.memref_slice %arg11[%dma_wait3A_87, %dma_wait3A_88] : memref<10112x128xf32, #tpu.memory_space<vmem_shared>> -> memref<10112x128xf32, #tpu.memory_space<vmem_shared>>
      tpu.wait_indirect_dma semaphore(%arg15 : memref<!tpu.dma_semaphore, #tpu.memory_space<semaphore_mem>>) src(%arg10 : memref<128x128xf32, #tpu.memory_space<vmem>>) dst(%dma_wait3A_89 : memref<10112x128xf32, #tpu.memory_space<vmem_shared>>)
      %dma_start3A_90 = arith.constant 3 : i32
      %dma_start3A_91 = arith.constant 0 : i32
      %dma_start3A_92 = tpu.memref_slice %arg7[%rem3A_17, %dma_start3A_90, %dma_start3A_91] : memref<2x8x128xi32, #tpu.memory_space<vmem>> -> memref<1x1x128xi32, #tpu.memory_space<vmem>>
      %dma_start3A_93 = tpu.memref_squeeze %dma_start3A_92 : memref<1x1x128xi32, #tpu.memory_space<vmem>> -> memref<128xi32, #tpu.memory_space<vmem>>
      %dma_start3A_94 = arith.constant 0 : i32
      %dma_start3A_95 = arith.constant 0 : i32
      %dma_start3A_96 = tpu.memref_slice %arg2[%dma_start3A_94, %dma_start3A_95] : memref<10112x128xf32, #tpu.memory_space<hbm>> -> memref<10112x128xf32, #tpu.memory_space<hbm>>
      tpu.enqueue_indirect_dma source(%dma_start3A_96 : memref<10112x128xf32, #tpu.memory_space<hbm>>) target(%arg10 : memref<128x128xf32, #tpu.memory_space<vmem>>) offsets(%dma_start3A_93 : memref<128xi32, #tpu.memory_space<vmem>>) semaphore(%arg13 : memref<!tpu.dma_semaphore, #tpu.memory_space<semaphore_mem>>)
      %dma_wait3A_97 = arith.constant 2 : i32
      %dma_wait3A_98 = arith.constant 0 : i32
      %dma_wait3A_99 = tpu.memref_slice %arg7[%rem3A_17, %dma_wait3A_97, %dma_wait3A_98] : memref<2x8x128xi32, #tpu.memory_space<vmem>> -> memref<1x1x128xi32, #tpu.memory_space<vmem>>
      %dma_wait3A_100 = tpu.memref_squeeze %dma_wait3A_99 : memref<1x1x128xi32, #tpu.memory_space<vmem>> -> memref<128xi32, #tpu.memory_space<vmem>>
      %dma_wait3A_101 = arith.constant 0 : i32
      %dma_wait3A_102 = arith.constant 0 : i32
      %dma_wait3A_103 = tpu.memref_slice %arg2[%dma_wait3A_101, %dma_wait3A_102] : memref<10112x128xf32, #tpu.memory_space<hbm>> -> memref<10112x128xf32, #tpu.memory_space<hbm>>
      tpu.wait_indirect_dma semaphore(%arg12 : memref<!tpu.dma_semaphore, #tpu.memory_space<semaphore_mem>>) src(%dma_wait3A_103 : memref<10112x128xf32, #tpu.memory_space<hbm>>) dst(%arg9 : memref<128x128xf32, #tpu.memory_space<vmem>>)
      %dma_start3A_104 = arith.constant 2 : i32
      %dma_start3A_105 = arith.constant 0 : i32
      %dma_start3A_106 = tpu.memref_slice %arg8[%rem3A_17, %dma_start3A_104, %dma_start3A_105] : memref<2x8x128xi32, #tpu.memory_space<vmem>> -> memref<1x1x128xi32, #tpu.memory_space<vmem>>
      %dma_start3A_107 = tpu.memref_squeeze %dma_start3A_106 : memref<1x1x128xi32, #tpu.memory_space<vmem>> -> memref<128xi32, #tpu.memory_space<vmem>>
      %dma_start3A_108 = arith.constant 0 : i32
      %dma_start3A_109 = arith.constant 0 : i32
      %dma_start3A_110 = tpu.memref_slice %arg11[%dma_start3A_108, %dma_start3A_109] : memref<10112x128xf32, #tpu.memory_space<vmem_shared>> -> memref<10112x128xf32, #tpu.memory_space<vmem_shared>>
      tpu.enqueue_indirect_dma source(%arg9 : memref<128x128xf32, #tpu.memory_space<vmem>>) target(%dma_start3A_110 : memref<10112x128xf32, #tpu.memory_space<vmem_shared>>) offsets(%dma_start3A_107 : memref<128xi32, #tpu.memory_space<vmem>>) semaphore(%arg14 : memref<!tpu.dma_semaphore, #tpu.memory_space<semaphore_mem>>) {add = true}
      %dma_wait3A_111 = arith.constant 2 : i32
      %dma_wait3A_112 = arith.constant 0 : i32
      %dma_wait3A_113 = tpu.memref_slice %arg8[%rem3A_17, %dma_wait3A_111, %dma_wait3A_112] : memref<2x8x128xi32, #tpu.memory_space<vmem>> -> memref<1x1x128xi32, #tpu.memory_space<vmem>>
      %dma_wait3A_114 = tpu.memref_squeeze %dma_wait3A_113 : memref<1x1x128xi32, #tpu.memory_space<vmem>> -> memref<128xi32, #tpu.memory_space<vmem>>
      %dma_wait3A_115 = arith.constant 0 : i32
      %dma_wait3A_116 = arith.constant 0 : i32
      %dma_wait3A_117 = tpu.memref_slice %arg11[%dma_wait3A_115, %dma_wait3A_116] : memref<10112x128xf32, #tpu.memory_space<vmem_shared>> -> memref<10112x128xf32, #tpu.memory_space<vmem_shared>>
      tpu.wait_indirect_dma semaphore(%arg14 : memref<!tpu.dma_semaphore, #tpu.memory_space<semaphore_mem>>) src(%arg9 : memref<128x128xf32, #tpu.memory_space<vmem>>) dst(%dma_wait3A_117 : memref<10112x128xf32, #tpu.memory_space<vmem_shared>>)
      %dma_start3A_118 = arith.constant 4 : i32
      %dma_start3A_119 = arith.constant 0 : i32
      %dma_start3A_120 = tpu.memref_slice %arg7[%rem3A_17, %dma_start3A_118, %dma_start3A_119] : memref<2x8x128xi32, #tpu.memory_space<vmem>> -> memref<1x1x128xi32, #tpu.memory_space<vmem>>
      %dma_start3A_121 = tpu.memref_squeeze %dma_start3A_120 : memref<1x1x128xi32, #tpu.memory_space<vmem>> -> memref<128xi32, #tpu.memory_space<vmem>>
      %dma_start3A_122 = arith.constant 0 : i32
      %dma_start3A_123 = arith.constant 0 : i32
      %dma_start3A_124 = tpu.memref_slice %arg2[%dma_start3A_122, %dma_start3A_123] : memref<10112x128xf32, #tpu.memory_space<hbm>> -> memref<10112x128xf32, #tpu.memory_space<hbm>>
      tpu.enqueue_indirect_dma source(%dma_start3A_124 : memref<10112x128xf32, #tpu.memory_space<hbm>>) target(%arg9 : memref<128x128xf32, #tpu.memory_space<vmem>>) offsets(%dma_start3A_121 : memref<128xi32, #tpu.memory_space<vmem>>) semaphore(%arg12 : memref<!tpu.dma_semaphore, #tpu.memory_space<semaphore_mem>>)
      %dma_wait3A_125 = arith.constant 3 : i32
      %dma_wait3A_126 = arith.constant 0 : i32
      %dma_wait3A_127 = tpu.memref_slice %arg7[%rem3A_17, %dma_wait3A_125, %dma_wait3A_126] : memref<2x8x128xi32, #tpu.memory_space<vmem>> -> memref<1x1x128xi32, #tpu.memory_space<vmem>>
      %dma_wait3A_128 = tpu.memref_squeeze %dma_wait3A_127 : memref<1x1x128xi32, #tpu.memory_space<vmem>> -> memref<128xi32, #tpu.memory_space<vmem>>
      %dma_wait3A_129 = arith.constant 0 : i32
      %dma_wait3A_130 = arith.constant 0 : i32
      %dma_wait3A_131 = tpu.memref_slice %arg2[%dma_wait3A_129, %dma_wait3A_130] : memref<10112x128xf32, #tpu.memory_space<hbm>> -> memref<10112x128xf32, #tpu.memory_space<hbm>>
      tpu.wait_indirect_dma semaphore(%arg13 : memref<!tpu.dma_semaphore, #tpu.memory_space<semaphore_mem>>) src(%dma_wait3A_131 : memref<10112x128xf32, #tpu.memory_space<hbm>>) dst(%arg10 : memref<128x128xf32, #tpu.memory_space<vmem>>)
      %dma_start3A_132 = arith.constant 3 : i32
      %dma_start3A_133 = arith.constant 0 : i32
      %dma_start3A_134 = tpu.memref_slice %arg8[%rem3A_17, %dma_start3A_132, %dma_start3A_133] : memref<2x8x128xi32, #tpu.memory_space<vmem>> -> memref<1x1x128xi32, #tpu.memory_space<vmem>>
      %dma_start3A_135 = tpu.memref_squeeze %dma_start3A_134 : memref<1x1x128xi32, #tpu.memory_space<vmem>> -> memref<128xi32, #tpu.memory_space<vmem>>
      %dma_start3A_136 = arith.constant 0 : i32
      %dma_start3A_137 = arith.constant 0 : i32
      %dma_start3A_138 = tpu.memref_slice %arg11[%dma_start3A_136, %dma_start3A_137] : memref<10112x128xf32, #tpu.memory_space<vmem_shared>> -> memref<10112x128xf32, #tpu.memory_space<vmem_shared>>
      tpu.enqueue_indirect_dma source(%arg10 : memref<128x128xf32, #tpu.memory_space<vmem>>) target(%dma_start3A_138 : memref<10112x128xf32, #tpu.memory_space<vmem_shared>>) offsets(%dma_start3A_135 : memref<128xi32, #tpu.memory_space<vmem>>) semaphore(%arg15 : memref<!tpu.dma_semaphore, #tpu.memory_space<semaphore_mem>>) {add = true}
      %dma_wait3A_139 = arith.constant 3 : i32
      %dma_wait3A_140 = arith.constant 0 : i32
      %dma_wait3A_141 = tpu.memref_slice %arg8[%rem3A_17, %dma_wait3A_139, %dma_wait3A_140] : memref<2x8x128xi32, #tpu.memory_space<vmem>> -> memref<1x1x128xi32, #tpu.memory_space<vmem>>
      %dma_wait3A_142 = tpu.memref_squeeze %dma_wait3A_141 : memref<1x1x128xi32, #tpu.memory_space<vmem>> -> memref<128xi32, #tpu.memory_space<vmem>>
      %dma_wait3A_143 = arith.constant 0 : i32
      %dma_wait3A_144 = arith.constant 0 : i32
      %dma_wait3A_145 = tpu.memref_slice %arg11[%dma_wait3A_143, %dma_wait3A_144] : memref<10112x128xf32, #tpu.memory_space<vmem_shared>> -> memref<10112x128xf32, #tpu.memory_space<vmem_shared>>
      tpu.wait_indirect_dma semaphore(%arg15 : memref<!tpu.dma_semaphore, #tpu.memory_space<semaphore_mem>>) src(%arg10 : memref<128x128xf32, #tpu.memory_space<vmem>>) dst(%dma_wait3A_145 : memref<10112x128xf32, #tpu.memory_space<vmem_shared>>)
      %dma_start3A_146 = arith.constant 5 : i32
      %dma_start3A_147 = arith.constant 0 : i32
      %dma_start3A_148 = tpu.memref_slice %arg7[%rem3A_17, %dma_start3A_146, %dma_start3A_147] : memref<2x8x128xi32, #tpu.memory_space<vmem>> -> memref<1x1x128xi32, #tpu.memory_space<vmem>>
      %dma_start3A_149 = tpu.memref_squeeze %dma_start3A_148 : memref<1x1x128xi32, #tpu.memory_space<vmem>> -> memref<128xi32, #tpu.memory_space<vmem>>
      %dma_start3A_150 = arith.constant 0 : i32
      %dma_start3A_151 = arith.constant 0 : i32
      %dma_start3A_152 = tpu.memref_slice %arg2[%dma_start3A_150, %dma_start3A_151] : memref<10112x128xf32, #tpu.memory_space<hbm>> -> memref<10112x128xf32, #tpu.memory_space<hbm>>
      tpu.enqueue_indirect_dma source(%dma_start3A_152 : memref<10112x128xf32, #tpu.memory_space<hbm>>) target(%arg10 : memref<128x128xf32, #tpu.memory_space<vmem>>) offsets(%dma_start3A_149 : memref<128xi32, #tpu.memory_space<vmem>>) semaphore(%arg13 : memref<!tpu.dma_semaphore, #tpu.memory_space<semaphore_mem>>)
      %dma_wait3A_153 = arith.constant 4 : i32
      %dma_wait3A_154 = arith.constant 0 : i32
      %dma_wait3A_155 = tpu.memref_slice %arg7[%rem3A_17, %dma_wait3A_153, %dma_wait3A_154] : memref<2x8x128xi32, #tpu.memory_space<vmem>> -> memref<1x1x128xi32, #tpu.memory_space<vmem>>
      %dma_wait3A_156 = tpu.memref_squeeze %dma_wait3A_155 : memref<1x1x128xi32, #tpu.memory_space<vmem>> -> memref<128xi32, #tpu.memory_space<vmem>>
      %dma_wait3A_157 = arith.constant 0 : i32
      %dma_wait3A_158 = arith.constant 0 : i32
      %dma_wait3A_159 = tpu.memref_slice %arg2[%dma_wait3A_157, %dma_wait3A_158] : memref<10112x128xf32, #tpu.memory_space<hbm>> -> memref<10112x128xf32, #tpu.memory_space<hbm>>
      tpu.wait_indirect_dma semaphore(%arg12 : memref<!tpu.dma_semaphore, #tpu.memory_space<semaphore_mem>>) src(%dma_wait3A_159 : memref<10112x128xf32, #tpu.memory_space<hbm>>) dst(%arg9 : memref<128x128xf32, #tpu.memory_space<vmem>>)
      %dma_start3A_160 = arith.constant 4 : i32
      %dma_start3A_161 = arith.constant 0 : i32
      %dma_start3A_162 = tpu.memref_slice %arg8[%rem3A_17, %dma_start3A_160, %dma_start3A_161] : memref<2x8x128xi32, #tpu.memory_space<vmem>> -> memref<1x1x128xi32, #tpu.memory_space<vmem>>
      %dma_start3A_163 = tpu.memref_squeeze %dma_start3A_162 : memref<1x1x128xi32, #tpu.memory_space<vmem>> -> memref<128xi32, #tpu.memory_space<vmem>>
      %dma_start3A_164 = arith.constant 0 : i32
      %dma_start3A_165 = arith.constant 0 : i32
      %dma_start3A_166 = tpu.memref_slice %arg11[%dma_start3A_164, %dma_start3A_165] : memref<10112x128xf32, #tpu.memory_space<vmem_shared>> -> memref<10112x128xf32, #tpu.memory_space<vmem_shared>>
      tpu.enqueue_indirect_dma source(%arg9 : memref<128x128xf32, #tpu.memory_space<vmem>>) target(%dma_start3A_166 : memref<10112x128xf32, #tpu.memory_space<vmem_shared>>) offsets(%dma_start3A_163 : memref<128xi32, #tpu.memory_space<vmem>>) semaphore(%arg14 : memref<!tpu.dma_semaphore, #tpu.memory_space<semaphore_mem>>) {add = true}
      %dma_wait3A_167 = arith.constant 4 : i32
      %dma_wait3A_168 = arith.constant 0 : i32
      %dma_wait3A_169 = tpu.memref_slice %arg8[%rem3A_17, %dma_wait3A_167, %dma_wait3A_168] : memref<2x8x128xi32, #tpu.memory_space<vmem>> -> memref<1x1x128xi32, #tpu.memory_space<vmem>>
      %dma_wait3A_170 = tpu.memref_squeeze %dma_wait3A_169 : memref<1x1x128xi32, #tpu.memory_space<vmem>> -> memref<128xi32, #tpu.memory_space<vmem>>
      %dma_wait3A_171 = arith.constant 0 : i32
      %dma_wait3A_172 = arith.constant 0 : i32
      %dma_wait3A_173 = tpu.memref_slice %arg11[%dma_wait3A_171, %dma_wait3A_172] : memref<10112x128xf32, #tpu.memory_space<vmem_shared>> -> memref<10112x128xf32, #tpu.memory_space<vmem_shared>>
      tpu.wait_indirect_dma semaphore(%arg14 : memref<!tpu.dma_semaphore, #tpu.memory_space<semaphore_mem>>) src(%arg9 : memref<128x128xf32, #tpu.memory_space<vmem>>) dst(%dma_wait3A_173 : memref<10112x128xf32, #tpu.memory_space<vmem_shared>>)
      %dma_start3A_174 = arith.constant 6 : i32
      %dma_start3A_175 = arith.constant 0 : i32
      %dma_start3A_176 = tpu.memref_slice %arg7[%rem3A_17, %dma_start3A_174, %dma_start3A_175] : memref<2x8x128xi32, #tpu.memory_space<vmem>> -> memref<1x1x128xi32, #tpu.memory_space<vmem>>
      %dma_start3A_177 = tpu.memref_squeeze %dma_start3A_176 : memref<1x1x128xi32, #tpu.memory_space<vmem>> -> memref<128xi32, #tpu.memory_space<vmem>>
      %dma_start3A_178 = arith.constant 0 : i32
      %dma_start3A_179 = arith.constant 0 : i32
      %dma_start3A_180 = tpu.memref_slice %arg2[%dma_start3A_178, %dma_start3A_179] : memref<10112x128xf32, #tpu.memory_space<hbm>> -> memref<10112x128xf32, #tpu.memory_space<hbm>>
      tpu.enqueue_indirect_dma source(%dma_start3A_180 : memref<10112x128xf32, #tpu.memory_space<hbm>>) target(%arg9 : memref<128x128xf32, #tpu.memory_space<vmem>>) offsets(%dma_start3A_177 : memref<128xi32, #tpu.memory_space<vmem>>) semaphore(%arg12 : memref<!tpu.dma_semaphore, #tpu.memory_space<semaphore_mem>>)
      %dma_wait3A_181 = arith.constant 5 : i32
      %dma_wait3A_182 = arith.constant 0 : i32
      %dma_wait3A_183 = tpu.memref_slice %arg7[%rem3A_17, %dma_wait3A_181, %dma_wait3A_182] : memref<2x8x128xi32, #tpu.memory_space<vmem>> -> memref<1x1x128xi32, #tpu.memory_space<vmem>>
      %dma_wait3A_184 = tpu.memref_squeeze %dma_wait3A_183 : memref<1x1x128xi32, #tpu.memory_space<vmem>> -> memref<128xi32, #tpu.memory_space<vmem>>
      %dma_wait3A_185 = arith.constant 0 : i32
      %dma_wait3A_186 = arith.constant 0 : i32
      %dma_wait3A_187 = tpu.memref_slice %arg2[%dma_wait3A_185, %dma_wait3A_186] : memref<10112x128xf32, #tpu.memory_space<hbm>> -> memref<10112x128xf32, #tpu.memory_space<hbm>>
      tpu.wait_indirect_dma semaphore(%arg13 : memref<!tpu.dma_semaphore, #tpu.memory_space<semaphore_mem>>) src(%dma_wait3A_187 : memref<10112x128xf32, #tpu.memory_space<hbm>>) dst(%arg10 : memref<128x128xf32, #tpu.memory_space<vmem>>)
      %dma_start3A_188 = arith.constant 5 : i32
      %dma_start3A_189 = arith.constant 0 : i32
      %dma_start3A_190 = tpu.memref_slice %arg8[%rem3A_17, %dma_start3A_188, %dma_start3A_189] : memref<2x8x128xi32, #tpu.memory_space<vmem>> -> memref<1x1x128xi32, #tpu.memory_space<vmem>>
      %dma_start3A_191 = tpu.memref_squeeze %dma_start3A_190 : memref<1x1x128xi32, #tpu.memory_space<vmem>> -> memref<128xi32, #tpu.memory_space<vmem>>
      %dma_start3A_192 = arith.constant 0 : i32
      %dma_start3A_193 = arith.constant 0 : i32
      %dma_start3A_194 = tpu.memref_slice %arg11[%dma_start3A_192, %dma_start3A_193] : memref<10112x128xf32, #tpu.memory_space<vmem_shared>> -> memref<10112x128xf32, #tpu.memory_space<vmem_shared>>
      tpu.enqueue_indirect_dma source(%arg10 : memref<128x128xf32, #tpu.memory_space<vmem>>) target(%dma_start3A_194 : memref<10112x128xf32, #tpu.memory_space<vmem_shared>>) offsets(%dma_start3A_191 : memref<128xi32, #tpu.memory_space<vmem>>) semaphore(%arg15 : memref<!tpu.dma_semaphore, #tpu.memory_space<semaphore_mem>>) {add = true}
      %dma_wait3A_195 = arith.constant 5 : i32
      %dma_wait3A_196 = arith.constant 0 : i32
      %dma_wait3A_197 = tpu.memref_slice %arg8[%rem3A_17, %dma_wait3A_195, %dma_wait3A_196] : memref<2x8x128xi32, #tpu.memory_space<vmem>> -> memref<1x1x128xi32, #tpu.memory_space<vmem>>
      %dma_wait3A_198 = tpu.memref_squeeze %dma_wait3A_197 : memref<1x1x128xi32, #tpu.memory_space<vmem>> -> memref<128xi32, #tpu.memory_space<vmem>>
      %dma_wait3A_199 = arith.constant 0 : i32
      %dma_wait3A_200 = arith.constant 0 : i32
      %dma_wait3A_201 = tpu.memref_slice %arg11[%dma_wait3A_199, %dma_wait3A_200] : memref<10112x128xf32, #tpu.memory_space<vmem_shared>> -> memref<10112x128xf32, #tpu.memory_space<vmem_shared>>
      tpu.wait_indirect_dma semaphore(%arg15 : memref<!tpu.dma_semaphore, #tpu.memory_space<semaphore_mem>>) src(%arg10 : memref<128x128xf32, #tpu.memory_space<vmem>>) dst(%dma_wait3A_201 : memref<10112x128xf32, #tpu.memory_space<vmem_shared>>)
      %dma_start3A_202 = arith.constant 7 : i32
      %dma_start3A_203 = arith.constant 0 : i32
      %dma_start3A_204 = tpu.memref_slice %arg7[%rem3A_17, %dma_start3A_202, %dma_start3A_203] : memref<2x8x128xi32, #tpu.memory_space<vmem>> -> memref<1x1x128xi32, #tpu.memory_space<vmem>>
      %dma_start3A_205 = tpu.memref_squeeze %dma_start3A_204 : memref<1x1x128xi32, #tpu.memory_space<vmem>> -> memref<128xi32, #tpu.memory_space<vmem>>
      %dma_start3A_206 = arith.constant 0 : i32
      %dma_start3A_207 = arith.constant 0 : i32
      %dma_start3A_208 = tpu.memref_slice %arg2[%dma_start3A_206, %dma_start3A_207] : memref<10112x128xf32, #tpu.memory_space<hbm>> -> memref<10112x128xf32, #tpu.memory_space<hbm>>
      tpu.enqueue_indirect_dma source(%dma_start3A_208 : memref<10112x128xf32, #tpu.memory_space<hbm>>) target(%arg10 : memref<128x128xf32, #tpu.memory_space<vmem>>) offsets(%dma_start3A_205 : memref<128xi32, #tpu.memory_space<vmem>>) semaphore(%arg13 : memref<!tpu.dma_semaphore, #tpu.memory_space<semaphore_mem>>)
      %dma_wait3A_209 = arith.constant 6 : i32
      %dma_wait3A_210 = arith.constant 0 : i32
      %dma_wait3A_211 = tpu.memref_slice %arg7[%rem3A_17, %dma_wait3A_209, %dma_wait3A_210] : memref<2x8x128xi32, #tpu.memory_space<vmem>> -> memref<1x1x128xi32, #tpu.memory_space<vmem>>
      %dma_wait3A_212 = tpu.memref_squeeze %dma_wait3A_211 : memref<1x1x128xi32, #tpu.memory_space<vmem>> -> memref<128xi32, #tpu.memory_space<vmem>>
      %dma_wait3A_213 = arith.constant 0 : i32
      %dma_wait3A_214 = arith.constant 0 : i32
      %dma_wait3A_215 = tpu.memref_slice %arg2[%dma_wait3A_213, %dma_wait3A_214] : memref<10112x128xf32, #tpu.memory_space<hbm>> -> memref<10112x128xf32, #tpu.memory_space<hbm>>
      tpu.wait_indirect_dma semaphore(%arg12 : memref<!tpu.dma_semaphore, #tpu.memory_space<semaphore_mem>>) src(%dma_wait3A_215 : memref<10112x128xf32, #tpu.memory_space<hbm>>) dst(%arg9 : memref<128x128xf32, #tpu.memory_space<vmem>>)
      %dma_start3A_216 = arith.constant 6 : i32
      %dma_start3A_217 = arith.constant 0 : i32
      %dma_start3A_218 = tpu.memref_slice %arg8[%rem3A_17, %dma_start3A_216, %dma_start3A_217] : memref<2x8x128xi32, #tpu.memory_space<vmem>> -> memref<1x1x128xi32, #tpu.memory_space<vmem>>
      %dma_start3A_219 = tpu.memref_squeeze %dma_start3A_218 : memref<1x1x128xi32, #tpu.memory_space<vmem>> -> memref<128xi32, #tpu.memory_space<vmem>>
      %dma_start3A_220 = arith.constant 0 : i32
      %dma_start3A_221 = arith.constant 0 : i32
      %dma_start3A_222 = tpu.memref_slice %arg11[%dma_start3A_220, %dma_start3A_221] : memref<10112x128xf32, #tpu.memory_space<vmem_shared>> -> memref<10112x128xf32, #tpu.memory_space<vmem_shared>>
      tpu.enqueue_indirect_dma source(%arg9 : memref<128x128xf32, #tpu.memory_space<vmem>>) target(%dma_start3A_222 : memref<10112x128xf32, #tpu.memory_space<vmem_shared>>) offsets(%dma_start3A_219 : memref<128xi32, #tpu.memory_space<vmem>>) semaphore(%arg14 : memref<!tpu.dma_semaphore, #tpu.memory_space<semaphore_mem>>) {add = true}
      %dma_wait3A_223 = arith.constant 7 : i32
      %dma_wait3A_224 = arith.constant 0 : i32
      %dma_wait3A_225 = tpu.memref_slice %arg7[%rem3A_17, %dma_wait3A_223, %dma_wait3A_224] : memref<2x8x128xi32, #tpu.memory_space<vmem>> -> memref<1x1x128xi32, #tpu.memory_space<vmem>>
      %dma_wait3A_226 = tpu.memref_squeeze %dma_wait3A_225 : memref<1x1x128xi32, #tpu.memory_space<vmem>> -> memref<128xi32, #tpu.memory_space<vmem>>
      %dma_wait3A_227 = arith.constant 0 : i32
      %dma_wait3A_228 = arith.constant 0 : i32
      %dma_wait3A_229 = tpu.memref_slice %arg2[%dma_wait3A_227, %dma_wait3A_228] : memref<10112x128xf32, #tpu.memory_space<hbm>> -> memref<10112x128xf32, #tpu.memory_space<hbm>>
      tpu.wait_indirect_dma semaphore(%arg13 : memref<!tpu.dma_semaphore, #tpu.memory_space<semaphore_mem>>) src(%dma_wait3A_229 : memref<10112x128xf32, #tpu.memory_space<hbm>>) dst(%arg10 : memref<128x128xf32, #tpu.memory_space<vmem>>)
      %dma_start3A_230 = arith.constant 7 : i32
      %dma_start3A_231 = arith.constant 0 : i32
      %dma_start3A_232 = tpu.memref_slice %arg8[%rem3A_17, %dma_start3A_230, %dma_start3A_231] : memref<2x8x128xi32, #tpu.memory_space<vmem>> -> memref<1x1x128xi32, #tpu.memory_space<vmem>>
      %dma_start3A_233 = tpu.memref_squeeze %dma_start3A_232 : memref<1x1x128xi32, #tpu.memory_space<vmem>> -> memref<128xi32, #tpu.memory_space<vmem>>
      %dma_start3A_234 = arith.constant 0 : i32
      %dma_start3A_235 = arith.constant 0 : i32
      %dma_start3A_236 = tpu.memref_slice %arg11[%dma_start3A_234, %dma_start3A_235] : memref<10112x128xf32, #tpu.memory_space<vmem_shared>> -> memref<10112x128xf32, #tpu.memory_space<vmem_shared>>
      tpu.enqueue_indirect_dma source(%arg10 : memref<128x128xf32, #tpu.memory_space<vmem>>) target(%dma_start3A_236 : memref<10112x128xf32, #tpu.memory_space<vmem_shared>>) offsets(%dma_start3A_233 : memref<128xi32, #tpu.memory_space<vmem>>) semaphore(%arg15 : memref<!tpu.dma_semaphore, #tpu.memory_space<semaphore_mem>>) {add = true}
      %dma_wait3A_237 = arith.constant 6 : i32
      %dma_wait3A_238 = arith.constant 0 : i32
      %dma_wait3A_239 = tpu.memref_slice %arg8[%rem3A_17, %dma_wait3A_237, %dma_wait3A_238] : memref<2x8x128xi32, #tpu.memory_space<vmem>> -> memref<1x1x128xi32, #tpu.memory_space<vmem>>
      %dma_wait3A_240 = tpu.memref_squeeze %dma_wait3A_239 : memref<1x1x128xi32, #tpu.memory_space<vmem>> -> memref<128xi32, #tpu.memory_space<vmem>>
      %dma_wait3A_241 = arith.constant 0 : i32
      %dma_wait3A_242 = arith.constant 0 : i32
      %dma_wait3A_243 = tpu.memref_slice %arg11[%dma_wait3A_241, %dma_wait3A_242] : memref<10112x128xf32, #tpu.memory_space<vmem_shared>> -> memref<10112x128xf32, #tpu.memory_space<vmem_shared>>
      tpu.wait_indirect_dma semaphore(%arg14 : memref<!tpu.dma_semaphore, #tpu.memory_space<semaphore_mem>>) src(%arg9 : memref<128x128xf32, #tpu.memory_space<vmem>>) dst(%dma_wait3A_243 : memref<10112x128xf32, #tpu.memory_space<vmem_shared>>)
      %dma_wait3A_244 = arith.constant 7 : i32
      %dma_wait3A_245 = arith.constant 0 : i32
      %dma_wait3A_246 = tpu.memref_slice %arg8[%rem3A_17, %dma_wait3A_244, %dma_wait3A_245] : memref<2x8x128xi32, #tpu.memory_space<vmem>> -> memref<1x1x128xi32, #tpu.memory_space<vmem>>
      %dma_wait3A_247 = tpu.memref_squeeze %dma_wait3A_246 : memref<1x1x128xi32, #tpu.memory_space<vmem>> -> memref<128xi32, #tpu.memory_space<vmem>>
      %dma_wait3A_248 = arith.constant 0 : i32
      %dma_wait3A_249 = arith.constant 0 : i32
      %dma_wait3A_250 = tpu.memref_slice %arg11[%dma_wait3A_248, %dma_wait3A_249] : memref<10112x128xf32, #tpu.memory_space<vmem_shared>> -> memref<10112x128xf32, #tpu.memory_space<vmem_shared>>
      tpu.wait_indirect_dma semaphore(%arg15 : memref<!tpu.dma_semaphore, #tpu.memory_space<semaphore_mem>>) src(%arg10 : memref<128x128xf32, #tpu.memory_space<vmem>>) dst(%dma_wait3A_250 : memref<10112x128xf32, #tpu.memory_space<vmem_shared>>)
    }
    %scan3A_10 = arith.constant 21 : i32
    %barrier3A_11 = arith.constant 0 : index
    tpu.barrier barrier_id(%barrier3A_11)
    %mul3A_12 = arith.constant 632 : i32
    %mul3A_13 = arith.muli %arg1, %mul3A_12 : i32
    %mul3A_14 = arith.constant 632 : i32
    %mul3A_15 = arith.muli %arg1, %mul3A_14 : i32
    "tpu.region"() ({
      %run_scoped3A_16 = tpu.sem_alloc : memref<!tpu.dma_semaphore, #tpu.memory_space<semaphore_mem>>
      %dma_start3A = arith.constant 0 : i32
      %dma_start3A_17 = tpu.memref_slice %arg6[%mul3A_15, %dma_start3A] : memref<10112x128xf32, #tpu.memory_space<hbm>> -> memref<632x128xf32, #tpu.memory_space<hbm>>
      %dma_start3A_18 = arith.constant 0 : i32
      %dma_start3A_19 = tpu.memref_slice %arg11[%mul3A_13, %dma_start3A_18] : memref<10112x128xf32, #tpu.memory_space<vmem_shared>> -> memref<632x128xf32, #tpu.memory_space<vmem_shared>>
      tpu.enqueue_dma source(%dma_start3A_19 : memref<632x128xf32, #tpu.memory_space<vmem_shared>>) target(%dma_start3A_17 : memref<632x128xf32, #tpu.memory_space<hbm>>) target_semaphore(%run_scoped3A_16 : memref<!tpu.dma_semaphore, #tpu.memory_space<semaphore_mem>>)
      %dma_wait3A = arith.constant 0 : i32
      %dma_wait3A_20 = tpu.memref_slice %arg6[%mul3A_15, %dma_wait3A] : memref<10112x128xf32, #tpu.memory_space<hbm>> -> memref<632x128xf32, #tpu.memory_space<hbm>>
      %dma_wait3A_21 = arith.constant 0 : i32
      %dma_wait3A_22 = tpu.memref_slice %arg11[%mul3A_13, %dma_wait3A_21] : memref<10112x128xf32, #tpu.memory_space<vmem_shared>> -> memref<632x128xf32, #tpu.memory_space<vmem_shared>>
      tpu.wait_dma2 semaphore(%run_scoped3A_16 : memref<!tpu.dma_semaphore, #tpu.memory_space<semaphore_mem>>) src(%dma_wait3A_22 : memref<632x128xf32, #tpu.memory_space<vmem_shared>>) dst(%dma_wait3A_20 : memref<632x128xf32, #tpu.memory_space<hbm>>)
      tpu.yield
    }) : () -> ()
    return
  }
}

module attributes {stable_mosaic.version = 14 : i64} {
  func.func @body(%arg0: i32, %arg1: memref<1264x128xf32, #tpu.memory_space<vmem>>, %arg2: memref<128x64xf32, #tpu.memory_space<vmem>>, %arg3: memref<1264x128xf32, #tpu.memory_space<vmem>>, %arg4: memref<1264x128xf32, #tpu.memory_space<vmem>>) attributes {dimension_semantics = [#tpu.dimension_semantics<arbitrary>], iteration_bounds = array<i64: 8>, scalar_prefetch = 0 : i64, scratch_operands = 0 : i64, tpu.core_type = #tpu.core_type<tc>, window_params = [{transform_indices = @transform_0, window_bounds = array<i64: 1264, 128>}, {pipeline_mode = #tpu.pipeline_mode<synchronous>, transform_indices = @transform_1, window_bounds = array<i64: 128, 64>}, {transform_indices = @transform_2, window_bounds = array<i64: 1264, 128>}, {transform_indices = @transform_3, window_bounds = array<i64: 1264, 128>}]} {
    %get3A = arith.constant 0 : index
    %get3A_0 = arith.constant 0 : index
    %get3A_1 = vector.load %arg3[%get3A, %get3A_0] : memref<1264x128xf32, #tpu.memory_space<vmem>>, vector<1264x1xf32>
    %max3A = arith.constant 1.000000e+00 : f32
    %max3A_2 = vector.broadcast %max3A : f32 to vector<1264x1xf32>
    %max3A_3 = arith.maximumf %get3A_1, %max3A_2 : vector<1264x1xf32>
    %rsqrt3A = math.rsqrt %max3A_3 : vector<1264x1xf32>
    %get3A_4 = arith.constant 0 : index
    %get3A_5 = arith.constant 0 : index
    %get3A_6 = vector.load %arg1[%get3A_4, %get3A_5] : memref<1264x128xf32, #tpu.memory_space<vmem>>, vector<1264x128xf32>
    %get3A_7 = arith.constant 0 : index
    %get3A_8 = arith.constant 0 : index
    %get3A_9 = vector.load %arg2[%get3A_7, %get3A_8] : memref<128x64xf32, #tpu.memory_space<vmem>>, vector<128x64xf32>
    %dot_general3A = arith.constant dense<0.000000e+00> : vector<1264x64xf32>
    %dot_general3A_10 = tpu.matmul %get3A_6, %get3A_9, %dot_general3A {dimension_numbers = #tpu.dot_dimension_numbers<[1], [0], [0], [1], [0, 0, 1, 1], [], []>, transpose_lhs_hint = false} : vector<1264x128xf32>, vector<128x64xf32>, vector<1264x64xf32> -> vector<1264x64xf32>
    %mul3A = vector.broadcast %rsqrt3A : vector<1264x1xf32> to vector<1264x64xf32>
    %mul3A_11 = arith.mulf %dot_general3A_10, %mul3A : vector<1264x64xf32>
    %broadcast_in_dim3A = arith.constant 0.000000e+00 : f32
    %broadcast_in_dim3A_12 = vector.broadcast %broadcast_in_dim3A : f32 to vector<1264x64xf32>
    %concatenate3A = tpu.concatenate %mul3A_11, %broadcast_in_dim3A_12 in 1 : vector<1264x64xf32>, vector<1264x64xf32> -> vector<1264x128xf32>
    %swap3A = arith.constant 0 : index
    %swap3A_13 = arith.constant 0 : index
    %swap3A_14 = vector.load %arg4[%swap3A, %swap3A_13] : memref<1264x128xf32, #tpu.memory_space<vmem>>, vector<1264x128xf32>
    tpu.vector_store %arg4[%swap3A, %swap3A_13], %concatenate3A {strides = array<i32>} : memref<1264x128xf32, #tpu.memory_space<vmem>>, vector<1264x128xf32>,
    return
  }
  func.func @transform_0(%arg0: i32) -> (i32, i32) {
    %c0_i32 = arith.constant 0 : i32
    %c0_i32_0 = arith.constant 0 : i32
    return %arg0, %c0_i32 : i32, i32
  }
  func.func @transform_1(%arg0: i32) -> (i32, i32) {
    %c0_i32 = arith.constant 0 : i32
    %c0_i32_0 = arith.constant 0 : i32
    %c0_i32_1 = arith.constant 0 : i32
    return %c0_i32, %c0_i32_0 : i32, i32
  }
  func.func @transform_2(%arg0: i32) -> (i32, i32) {
    %c0_i32 = arith.constant 0 : i32
    %c0_i32_0 = arith.constant 0 : i32
    return %arg0, %c0_i32 : i32, i32
  }
  func.func @transform_3(%arg0: i32) -> (i32, i32) {
    %c0_i32 = arith.constant 0 : i32
    %c0_i32_0 = arith.constant 0 : i32
    return %arg0, %c0_i32 : i32, i32
  }
}

module attributes {stable_mosaic.version = 14 : i64} {
  func.func @body(%arg0: i32, %arg1: memref<1264x128xf32, #tpu.memory_space<vmem>>, %arg2: memref<1264x128xf32, #tpu.memory_space<vmem>>, %arg3: memref<8x64xf32, #tpu.memory_space<vmem>>, %arg4: memref<64x64xf32, #tpu.memory_space<vmem>>, %arg5: memref<1264x128xf32, #tpu.memory_space<vmem>>) attributes {dimension_semantics = [#tpu.dimension_semantics<arbitrary>], iteration_bounds = array<i64: 8>, scalar_prefetch = 0 : i64, scratch_operands = 0 : i64, tpu.core_type = #tpu.core_type<tc>, window_params = [{transform_indices = @transform_0, window_bounds = array<i64: 1264, 128>}, {transform_indices = @transform_1, window_bounds = array<i64: 1264, 128>}, {pipeline_mode = #tpu.pipeline_mode<synchronous>, transform_indices = @transform_2, window_bounds = array<i64: 8, 64>}, {pipeline_mode = #tpu.pipeline_mode<synchronous>, transform_indices = @transform_3, window_bounds = array<i64: 64, 64>}, {transform_indices = @transform_4, window_bounds = array<i64: 1264, 128>}]} {
    %get3A = arith.constant 0 : index
    %get3A_0 = arith.constant 0 : index
    %get3A_1 = vector.load %arg2[%get3A, %get3A_0] : memref<1264x128xf32, #tpu.memory_space<vmem>>, vector<1264x1xf32>
    %max3A = arith.constant 1.000000e+00 : f32
    %max3A_2 = vector.broadcast %max3A : f32 to vector<1264x1xf32>
    %max3A_3 = arith.maximumf %get3A_1, %max3A_2 : vector<1264x1xf32>
    %rsqrt3A = math.rsqrt %max3A_3 : vector<1264x1xf32>
    %get3A_4 = arith.constant 0 : index
    %get3A_5 = arith.constant 0 : index
    %get3A_6 = vector.load %arg1[%get3A_4, %get3A_5] : memref<1264x128xf32, #tpu.memory_space<vmem>>, vector<1264x64xf32>
    %mul3A = vector.broadcast %rsqrt3A : vector<1264x1xf32> to vector<1264x64xf32>
    %mul3A_7 = arith.mulf %get3A_6, %mul3A : vector<1264x64xf32>
    %get3A_8 = arith.constant 0 : index
    %get3A_9 = arith.constant 0 : index
    %get3A_10 = vector.load %arg3[%get3A_8, %get3A_9] : memref<8x64xf32, #tpu.memory_space<vmem>>, vector<1x64xf32>
    %add3A = vector.broadcast %get3A_10 : vector<1x64xf32> to vector<1264x64xf32>
    %add3A_11 = arith.addf %mul3A_7, %add3A : vector<1264x64xf32>
    %max3A_12 = arith.constant 0.000000e+00 : f32
    %max3A_13 = vector.broadcast %max3A_12 : f32 to vector<1264x64xf32>
    %max3A_14 = arith.maximumf %add3A_11, %max3A_13 : vector<1264x64xf32>
    %get3A_15 = arith.constant 0 : index
    %get3A_16 = arith.constant 0 : index
    %get3A_17 = vector.load %arg4[%get3A_15, %get3A_16] : memref<64x64xf32, #tpu.memory_space<vmem>>, vector<64x64xf32>
    %dot_general3A = arith.constant dense<0.000000e+00> : vector<1264x64xf32>
    %dot_general3A_18 = tpu.matmul %max3A_14, %get3A_17, %dot_general3A {dimension_numbers = #tpu.dot_dimension_numbers<[1], [0], [0], [1], [0, 0, 1, 1], [], []>, transpose_lhs_hint = false} : vector<1264x64xf32>, vector<64x64xf32>, vector<1264x64xf32> -> vector<1264x64xf32>
    %mul3A_19 = vector.broadcast %rsqrt3A : vector<1264x1xf32> to vector<1264x64xf32>
    %mul3A_20 = arith.mulf %dot_general3A_18, %mul3A_19 : vector<1264x64xf32>
    %broadcast_in_dim3A = arith.constant 0.000000e+00 : f32
    %broadcast_in_dim3A_21 = vector.broadcast %broadcast_in_dim3A : f32 to vector<1264x64xf32>
    %concatenate3A = tpu.concatenate %mul3A_20, %broadcast_in_dim3A_21 in 1 : vector<1264x64xf32>, vector<1264x64xf32> -> vector<1264x128xf32>
    %swap3A = arith.constant 0 : index
    %swap3A_22 = arith.constant 0 : index
    %swap3A_23 = vector.load %arg5[%swap3A, %swap3A_22] : memref<1264x128xf32, #tpu.memory_space<vmem>>, vector<1264x128xf32>
    tpu.vector_store %arg5[%swap3A, %swap3A_22], %concatenate3A {strides = array<i32>} : memref<1264x128xf32, #tpu.memory_space<vmem>>, vector<1264x128xf32>,
    return
  }
  func.func @transform_0(%arg0: i32) -> (i32, i32) {
    %c0_i32 = arith.constant 0 : i32
    %c0_i32_0 = arith.constant 0 : i32
    return %arg0, %c0_i32 : i32, i32
  }
  func.func @transform_1(%arg0: i32) -> (i32, i32) {
    %c0_i32 = arith.constant 0 : i32
    %c0_i32_0 = arith.constant 0 : i32
    return %arg0, %c0_i32 : i32, i32
  }
  func.func @transform_2(%arg0: i32) -> (i32, i32) {
    %c0_i32 = arith.constant 0 : i32
    %c0_i32_0 = arith.constant 0 : i32
    %c0_i32_1 = arith.constant 0 : i32
    return %c0_i32, %c0_i32_0 : i32, i32
  }
  func.func @transform_3(%arg0: i32) -> (i32, i32) {
    %c0_i32 = arith.constant 0 : i32
    %c0_i32_0 = arith.constant 0 : i32
    %c0_i32_1 = arith.constant 0 : i32
    return %c0_i32, %c0_i32_0 : i32, i32
  }
  func.func @transform_4(%arg0: i32) -> (i32, i32) {
    %c0_i32 = arith.constant 0 : i32
    %c0_i32_0 = arith.constant 0 : i32
    return %arg0, %c0_i32 : i32, i32
  }
}

module attributes {stable_mosaic.version = 14 : i64} {
  func.func @body(%arg0: i32, %arg1: memref<1264x128xf32, #tpu.memory_space<vmem>>, %arg2: memref<1264x128xf32, #tpu.memory_space<vmem>>, %arg3: memref<8x64xf32, #tpu.memory_space<vmem>>, %arg4: memref<64x64xf32, #tpu.memory_space<vmem>>, %arg5: memref<64x64xf32, #tpu.memory_space<vmem>>, %arg6: memref<1264x128xf32, #tpu.memory_space<vmem>>) attributes {dimension_semantics = [#tpu.dimension_semantics<arbitrary>], iteration_bounds = array<i64: 8>, scalar_prefetch = 0 : i64, scratch_operands = 0 : i64, tpu.core_type = #tpu.core_type<tc>, window_params = [{transform_indices = @transform_0, window_bounds = array<i64: 1264, 128>}, {transform_indices = @transform_1, window_bounds = array<i64: 1264, 128>}, {pipeline_mode = #tpu.pipeline_mode<synchronous>, transform_indices = @transform_2, window_bounds = array<i64: 8, 64>}, {pipeline_mode = #tpu.pipeline_mode<synchronous>, transform_indices = @transform_3, window_bounds = array<i64: 64, 64>}, {pipeline_mode = #tpu.pipeline_mode<synchronous>, transform_indices = @transform_4, window_bounds = array<i64: 64, 64>}, {transform_indices = @transform_5, window_bounds = array<i64: 1264, 128>}]} {
    %get3A = arith.constant 0 : index
    %get3A_0 = arith.constant 0 : index
    %get3A_1 = vector.load %arg2[%get3A, %get3A_0] : memref<1264x128xf32, #tpu.memory_space<vmem>>, vector<1264x1xf32>
    %max3A = arith.constant 1.000000e+00 : f32
    %max3A_2 = vector.broadcast %max3A : f32 to vector<1264x1xf32>
    %max3A_3 = arith.maximumf %get3A_1, %max3A_2 : vector<1264x1xf32>
    %rsqrt3A = math.rsqrt %max3A_3 : vector<1264x1xf32>
    %get3A_4 = arith.constant 0 : index
    %get3A_5 = arith.constant 0 : index
    %get3A_6 = vector.load %arg1[%get3A_4, %get3A_5] : memref<1264x128xf32, #tpu.memory_space<vmem>>, vector<1264x64xf32>
    %mul3A = vector.broadcast %rsqrt3A : vector<1264x1xf32> to vector<1264x64xf32>
    %mul3A_7 = arith.mulf %get3A_6, %mul3A : vector<1264x64xf32>
    %get3A_8 = arith.constant 0 : index
    %get3A_9 = arith.constant 0 : index
    %get3A_10 = vector.load %arg3[%get3A_8, %get3A_9] : memref<8x64xf32, #tpu.memory_space<vmem>>, vector<1x64xf32>
    %add3A = vector.broadcast %get3A_10 : vector<1x64xf32> to vector<1264x64xf32>
    %add3A_11 = arith.addf %mul3A_7, %add3A : vector<1264x64xf32>
    %max3A_12 = arith.constant 0.000000e+00 : f32
    %max3A_13 = vector.broadcast %max3A_12 : f32 to vector<1264x64xf32>
    %max3A_14 = arith.maximumf %add3A_11, %max3A_13 : vector<1264x64xf32>
    %get3A_15 = arith.constant 0 : index
    %get3A_16 = arith.constant 0 : index
    %get3A_17 = vector.load %arg4[%get3A_15, %get3A_16] : memref<64x64xf32, #tpu.memory_space<vmem>>, vector<64x64xf32>
    %dot_general3A = arith.constant dense<0.000000e+00> : vector<1264x64xf32>
    %dot_general3A_18 = tpu.matmul %max3A_14, %get3A_17, %dot_general3A {dimension_numbers = #tpu.dot_dimension_numbers<[1], [0], [0], [1], [0, 0, 1, 1], [], []>, transpose_lhs_hint = false} : vector<1264x64xf32>, vector<64x64xf32>, vector<1264x64xf32> -> vector<1264x64xf32>
    %get3A_19 = arith.constant 0 : index
    %get3A_20 = arith.constant 0 : index
    %get3A_21 = vector.load %arg5[%get3A_19, %get3A_20] : memref<64x64xf32, #tpu.memory_space<vmem>>, vector<64x64xf32>
    %dot_general3A_22 = arith.constant dense<0.000000e+00> : vector<1264x64xf32>
    %dot_general3A_23 = tpu.matmul %max3A_14, %get3A_21, %dot_general3A_22 {dimension_numbers = #tpu.dot_dimension_numbers<[1], [0], [0], [1], [0, 0, 1, 1], [], []>, transpose_lhs_hint = false} : vector<1264x64xf32>, vector<64x64xf32>, vector<1264x64xf32> -> vector<1264x64xf32>
    %concatenate3A = tpu.concatenate %dot_general3A_18, %dot_general3A_23 in 1 : vector<1264x64xf32>, vector<1264x64xf32> -> vector<1264x128xf32>
    %mul3A_24 = vector.broadcast %rsqrt3A : vector<1264x1xf32> to vector<1264x128xf32>
    %mul3A_25 = arith.mulf %concatenate3A, %mul3A_24 : vector<1264x128xf32>
    %swap3A = arith.constant 0 : index
    %swap3A_26 = arith.constant 0 : index
    %swap3A_27 = vector.load %arg6[%swap3A, %swap3A_26] : memref<1264x128xf32, #tpu.memory_space<vmem>>, vector<1264x128xf32>
    tpu.vector_store %arg6[%swap3A, %swap3A_26], %mul3A_25 {strides = array<i32>} : memref<1264x128xf32, #tpu.memory_space<vmem>>, vector<1264x128xf32>,
    return
  }
  func.func @transform_0(%arg0: i32) -> (i32, i32) {
    %c0_i32 = arith.constant 0 : i32
    %c0_i32_0 = arith.constant 0 : i32
    return %arg0, %c0_i32 : i32, i32
  }
  func.func @transform_1(%arg0: i32) -> (i32, i32) {
    %c0_i32 = arith.constant 0 : i32
    %c0_i32_0 = arith.constant 0 : i32
    return %arg0, %c0_i32 : i32, i32
  }
  func.func @transform_2(%arg0: i32) -> (i32, i32) {
    %c0_i32 = arith.constant 0 : i32
    %c0_i32_0 = arith.constant 0 : i32
    %c0_i32_1 = arith.constant 0 : i32
    return %c0_i32, %c0_i32_0 : i32, i32
  }
  func.func @transform_3(%arg0: i32) -> (i32, i32) {
    %c0_i32 = arith.constant 0 : i32
    %c0_i32_0 = arith.constant 0 : i32
    %c0_i32_1 = arith.constant 0 : i32
    return %c0_i32, %c0_i32_0 : i32, i32
  }
  func.func @transform_4(%arg0: i32) -> (i32, i32) {
    %c0_i32 = arith.constant 0 : i32
    %c0_i32_0 = arith.constant 0 : i32
    %c0_i32_1 = arith.constant 0 : i32
    return %c0_i32, %c0_i32_0 : i32, i32
  }
  func.func @transform_5(%arg0: i32) -> (i32, i32) {
    %c0_i32 = arith.constant 0 : i32
    %c0_i32_0 = arith.constant 0 : i32
    return %arg0, %c0_i32 : i32, i32
  }
}

module attributes {stable_mosaic.version = 14 : i64} {
  func.func @body(%arg0: i32, %arg1: memref<1264x128xf32, #tpu.memory_space<vmem>>, %arg2: memref<1264x128xf32, #tpu.memory_space<vmem>>, %arg3: memref<8x64xf32, #tpu.memory_space<vmem>>, %arg4: memref<64x128xf32, #tpu.memory_space<vmem>>, %arg5: memref<1264x128xf32, #tpu.memory_space<vmem>>) attributes {dimension_semantics = [#tpu.dimension_semantics<arbitrary>], iteration_bounds = array<i64: 8>, scalar_prefetch = 0 : i64, scratch_operands = 0 : i64, tpu.core_type = #tpu.core_type<tc>, window_params = [{transform_indices = @transform_0, window_bounds = array<i64: 1264, 128>}, {transform_indices = @transform_1, window_bounds = array<i64: 1264, 128>}, {pipeline_mode = #tpu.pipeline_mode<synchronous>, transform_indices = @transform_2, window_bounds = array<i64: 8, 64>}, {pipeline_mode = #tpu.pipeline_mode<synchronous>, transform_indices = @transform_3, window_bounds = array<i64: 64, 128>}, {transform_indices = @transform_4, window_bounds = array<i64: 1264, 128>}]} {
    %get3A = arith.constant 0 : index
    %get3A_0 = arith.constant 0 : index
    %get3A_1 = vector.load %arg2[%get3A, %get3A_0] : memref<1264x128xf32, #tpu.memory_space<vmem>>, vector<1264x1xf32>
    %max3A = arith.constant 1.000000e+00 : f32
    %max3A_2 = vector.broadcast %max3A : f32 to vector<1264x1xf32>
    %max3A_3 = arith.maximumf %get3A_1, %max3A_2 : vector<1264x1xf32>
    %rsqrt3A = math.rsqrt %max3A_3 : vector<1264x1xf32>
    %get3A_4 = arith.constant 0 : index
    %get3A_5 = arith.constant 0 : index
    %get3A_6 = vector.load %arg1[%get3A_4, %get3A_5] : memref<1264x128xf32, #tpu.memory_space<vmem>>, vector<1264x64xf32>
    %mul3A = vector.broadcast %rsqrt3A : vector<1264x1xf32> to vector<1264x64xf32>
    %mul3A_7 = arith.mulf %get3A_6, %mul3A : vector<1264x64xf32>
    %get3A_8 = arith.constant 0 : index
    %get3A_9 = arith.constant 0 : index
    %get3A_10 = vector.load %arg3[%get3A_8, %get3A_9] : memref<8x64xf32, #tpu.memory_space<vmem>>, vector<1x64xf32>
    %add3A = vector.broadcast %get3A_10 : vector<1x64xf32> to vector<1264x64xf32>
    %add3A_11 = arith.addf %mul3A_7, %add3A : vector<1264x64xf32>
    %max3A_12 = arith.constant 0.000000e+00 : f32
    %max3A_13 = vector.broadcast %max3A_12 : f32 to vector<1264x64xf32>
    %max3A_14 = arith.maximumf %add3A_11, %max3A_13 : vector<1264x64xf32>
    %get3A_15 = arith.constant 0 : index
    %get3A_16 = arith.constant 0 : index
    %get3A_17 = vector.load %arg4[%get3A_15, %get3A_16] : memref<64x128xf32, #tpu.memory_space<vmem>>, vector<64x128xf32>
    %dot_general3A = arith.constant dense<0.000000e+00> : vector<1264x128xf32>
    %dot_general3A_18 = tpu.matmul %max3A_14, %get3A_17, %dot_general3A {dimension_numbers = #tpu.dot_dimension_numbers<[1], [0], [0], [1], [0, 0, 1, 1], [], []>, transpose_lhs_hint = false} : vector<1264x64xf32>, vector<64x128xf32>, vector<1264x128xf32> -> vector<1264x128xf32>
    %mul3A_19 = vector.broadcast %rsqrt3A : vector<1264x1xf32> to vector<1264x128xf32>
    %mul3A_20 = arith.mulf %dot_general3A_18, %mul3A_19 : vector<1264x128xf32>
    %swap3A = arith.constant 0 : index
    %swap3A_21 = arith.constant 0 : index
    %swap3A_22 = vector.load %arg5[%swap3A, %swap3A_21] : memref<1264x128xf32, #tpu.memory_space<vmem>>, vector<1264x128xf32>
    tpu.vector_store %arg5[%swap3A, %swap3A_21], %mul3A_20 {strides = array<i32>} : memref<1264x128xf32, #tpu.memory_space<vmem>>, vector<1264x128xf32>,
    return
  }
  func.func @transform_0(%arg0: i32) -> (i32, i32) {
    %c0_i32 = arith.constant 0 : i32
    %c0_i32_0 = arith.constant 0 : i32
    return %arg0, %c0_i32 : i32, i32
  }
  func.func @transform_1(%arg0: i32) -> (i32, i32) {
    %c0_i32 = arith.constant 0 : i32
    %c0_i32_0 = arith.constant 0 : i32
    return %arg0, %c0_i32 : i32, i32
  }
  func.func @transform_2(%arg0: i32) -> (i32, i32) {
    %c0_i32 = arith.constant 0 : i32
    %c0_i32_0 = arith.constant 0 : i32
    %c0_i32_1 = arith.constant 0 : i32
    return %c0_i32, %c0_i32_0 : i32, i32
  }
  func.func @transform_3(%arg0: i32) -> (i32, i32) {
    %c0_i32 = arith.constant 0 : i32
    %c0_i32_0 = arith.constant 0 : i32
    %c0_i32_1 = arith.constant 0 : i32
    return %c0_i32, %c0_i32_0 : i32, i32
  }
  func.func @transform_4(%arg0: i32) -> (i32, i32) {
    %c0_i32 = arith.constant 0 : i32
    %c0_i32_0 = arith.constant 0 : i32
    return %arg0, %c0_i32 : i32, i32
  }
}

module attributes {stable_mosaic.version = 14 : i64} {
  func.func @body(%arg0: i32, %arg1: memref<1264x128xf32, #tpu.memory_space<vmem>>, %arg2: memref<1264x128xf32, #tpu.memory_space<vmem>>, %arg3: memref<8x64xf32, #tpu.memory_space<vmem>>, %arg4: memref<1264x64xf32, #tpu.memory_space<vmem>>) attributes {dimension_semantics = [#tpu.dimension_semantics<arbitrary>], iteration_bounds = array<i64: 8>, scalar_prefetch = 0 : i64, scratch_operands = 0 : i64, tpu.core_type = #tpu.core_type<tc>, window_params = [{transform_indices = @transform_0, window_bounds = array<i64: 1264, 128>}, {transform_indices = @transform_1, window_bounds = array<i64: 1264, 128>}, {pipeline_mode = #tpu.pipeline_mode<synchronous>, transform_indices = @transform_2, window_bounds = array<i64: 8, 64>}, {transform_indices = @transform_3, window_bounds = array<i64: 1264, 64>}]} {
    %get3A = arith.constant 0 : index
    %get3A_0 = arith.constant 0 : index
    %get3A_1 = vector.load %arg2[%get3A, %get3A_0] : memref<1264x128xf32, #tpu.memory_space<vmem>>, vector<1264x1xf32>
    %max3A = arith.constant 1.000000e+00 : f32
    %max3A_2 = vector.broadcast %max3A : f32 to vector<1264x1xf32>
    %max3A_3 = arith.maximumf %get3A_1, %max3A_2 : vector<1264x1xf32>
    %rsqrt3A = math.rsqrt %max3A_3 : vector<1264x1xf32>
    %get3A_4 = arith.constant 0 : index
    %get3A_5 = arith.constant 64 : index
    %get3A_6 = vector.load %arg1[%get3A_4, %get3A_5] : memref<1264x128xf32, #tpu.memory_space<vmem>>, vector<1264x64xf32>
    %mul3A = vector.broadcast %rsqrt3A : vector<1264x1xf32> to vector<1264x64xf32>
    %mul3A_7 = arith.mulf %get3A_6, %mul3A : vector<1264x64xf32>
    %get3A_8 = arith.constant 0 : index
    %get3A_9 = arith.constant 0 : index
    %get3A_10 = vector.load %arg3[%get3A_8, %get3A_9] : memref<8x64xf32, #tpu.memory_space<vmem>>, vector<1x64xf32>
    %add3A = vector.broadcast %get3A_10 : vector<1x64xf32> to vector<1264x64xf32>
    %add3A_11 = arith.addf %mul3A_7, %add3A : vector<1264x64xf32>
    %max3A_12 = arith.constant 0.000000e+00 : f32
    %max3A_13 = vector.broadcast %max3A_12 : f32 to vector<1264x64xf32>
    %max3A_14 = arith.maximumf %add3A_11, %max3A_13 : vector<1264x64xf32>
    %swap3A = arith.constant 0 : index
    %swap3A_15 = arith.constant 0 : index
    %swap3A_16 = vector.load %arg4[%swap3A, %swap3A_15] : memref<1264x64xf32, #tpu.memory_space<vmem>>, vector<1264x64xf32>
    tpu.vector_store %arg4[%swap3A, %swap3A_15], %max3A_14 {strides = array<i32>} : memref<1264x64xf32, #tpu.memory_space<vmem>>, vector<1264x64xf32>,
    return
  }
  func.func @transform_0(%arg0: i32) -> (i32, i32) {
    %c0_i32 = arith.constant 0 : i32
    %c0_i32_0 = arith.constant 0 : i32
    return %arg0, %c0_i32 : i32, i32
  }
  func.func @transform_1(%arg0: i32) -> (i32, i32) {
    %c0_i32 = arith.constant 0 : i32
    %c0_i32_0 = arith.constant 0 : i32
    return %arg0, %c0_i32 : i32, i32
  }
  func.func @transform_2(%arg0: i32) -> (i32, i32) {
    %c0_i32 = arith.constant 0 : i32
    %c0_i32_0 = arith.constant 0 : i32
    %c0_i32_1 = arith.constant 0 : i32
    return %c0_i32, %c0_i32_0 : i32, i32
  }
  func.func @transform_3(%arg0: i32) -> (i32, i32) {
    %c0_i32 = arith.constant 0 : i32
    %c0_i32_0 = arith.constant 0 : i32
    return %arg0, %c0_i32 : i32, i32
  }
}

module attributes {stable_mosaic.version = 14 : i64} {
  func.func @body(%arg0: i32, %arg1: i32, %arg2: memref<1024x64xf32, #tpu.memory_space<vmem>>, %arg3: memref<1024x64xf32, #tpu.memory_space<vmem>>, %arg4: memref<1024x1024xf32, #tpu.memory_space<vmem>>) attributes {dimension_semantics = [#tpu.dimension_semantics<arbitrary>, #tpu.dimension_semantics<arbitrary>], iteration_bounds = array<i64: 10, 10>, scalar_prefetch = 0 : i64, scratch_operands = 0 : i64, tpu.core_type = #tpu.core_type<tc>, window_params = [{transform_indices = @transform_0, window_bounds = array<i64: 1024, 64>}, {transform_indices = @transform_1, window_bounds = array<i64: 1024, 64>}, {transform_indices = @transform_2, window_bounds = array<i64: 1024, 1024>}]} {
    %get3A = arith.constant 0 : index
    %get3A_0 = arith.constant 0 : index
    %get3A_1 = vector.load %arg2[%get3A, %get3A_0] : memref<1024x64xf32, #tpu.memory_space<vmem>>, vector<1024x64xf32>
    %get3A_2 = arith.constant 0 : index
    %get3A_3 = arith.constant 0 : index
    %get3A_4 = vector.load %arg3[%get3A_2, %get3A_3] : memref<1024x64xf32, #tpu.memory_space<vmem>>, vector<1024x64xf32>
    %dot_general3A = arith.constant dense<0.000000e+00> : vector<1024x1024xf32>
    %dot_general3A_5 = tpu.matmul %get3A_1, %get3A_4, %dot_general3A {dimension_numbers = #tpu.dot_dimension_numbers<[1], [1], [0], [0], [0, 0, 1, 0], [], []>, transpose_lhs_hint = false} : vector<1024x64xf32>, vector<1024x64xf32>, vector<1024x1024xf32> -> vector<1024x1024xf32>
    %swap3A = arith.constant 0 : index
    %swap3A_6 = arith.constant 0 : index
    %swap3A_7 = vector.load %arg4[%swap3A, %swap3A_6] : memref<1024x1024xf32, #tpu.memory_space<vmem>>, vector<1024x1024xf32>
    tpu.vector_store %arg4[%swap3A, %swap3A_6], %dot_general3A_5 {strides = array<i32>} : memref<1024x1024xf32, #tpu.memory_space<vmem>>, vector<1024x1024xf32>,
    return
  }
  func.func @transform_0(%arg0: i32, %arg1: i32) -> (i32, i32) {
    %c0_i32 = arith.constant 0 : i32
    %c0_i32_0 = arith.constant 0 : i32
    return %arg0, %c0_i32 : i32, i32
  }
  func.func @transform_1(%arg0: i32, %arg1: i32) -> (i32, i32) {
    %c0_i32 = arith.constant 0 : i32
    %c0_i32_0 = arith.constant 0 : i32
    return %arg1, %c0_i32 : i32, i32
  }
  func.func @transform_2(%arg0: i32, %arg1: i32) -> (i32, i32) {
    %c0_i32 = arith.constant 0 : i32
    return %arg0, %arg1 : i32, i32
  }
}

module attributes {stable_mosaic.version = 14 : i64} {
  func.func @body(%arg0: i32, %arg1: memref<1264x128xf32, #tpu.memory_space<vmem>>, %arg2: memref<1264x128xf32, #tpu.memory_space<vmem>>, %arg3: memref<8x128xf32, #tpu.memory_space<vmem>>, %arg4: memref<1264x128xf32, #tpu.memory_space<vmem>>) attributes {dimension_semantics = [#tpu.dimension_semantics<arbitrary>], iteration_bounds = array<i64: 8>, scalar_prefetch = 0 : i64, scratch_operands = 0 : i64, tpu.core_type = #tpu.core_type<tc>, window_params = [{transform_indices = @transform_0, window_bounds = array<i64: 1264, 128>}, {transform_indices = @transform_1, window_bounds = array<i64: 1264, 128>}, {pipeline_mode = #tpu.pipeline_mode<synchronous>, transform_indices = @transform_2, window_bounds = array<i64: 8, 128>}, {transform_indices = @transform_3, window_bounds = array<i64: 1264, 128>}]} {
    %get3A = arith.constant 0 : index
    %get3A_0 = arith.constant 0 : index
    %get3A_1 = vector.load %arg2[%get3A, %get3A_0] : memref<1264x128xf32, #tpu.memory_space<vmem>>, vector<1264x1xf32>
    %max3A = arith.constant 1.000000e+00 : f32
    %max3A_2 = vector.broadcast %max3A : f32 to vector<1264x1xf32>
    %max3A_3 = arith.maximumf %get3A_1, %max3A_2 : vector<1264x1xf32>
    %rsqrt3A = math.rsqrt %max3A_3 : vector<1264x1xf32>
    %get3A_4 = arith.constant 0 : index
    %get3A_5 = arith.constant 0 : index
    %get3A_6 = vector.load %arg1[%get3A_4, %get3A_5] : memref<1264x128xf32, #tpu.memory_space<vmem>>, vector<1264x128xf32>
    %mul3A = vector.broadcast %rsqrt3A : vector<1264x1xf32> to vector<1264x128xf32>
    %mul3A_7 = arith.mulf %get3A_6, %mul3A : vector<1264x128xf32>
    %get3A_8 = arith.constant 0 : index
    %get3A_9 = arith.constant 0 : index
    %get3A_10 = vector.load %arg3[%get3A_8, %get3A_9] : memref<8x128xf32, #tpu.memory_space<vmem>>, vector<1x128xf32>
    %add3A = vector.broadcast %get3A_10 : vector<1x128xf32> to vector<1264x128xf32>
    %add3A_11 = arith.addf %mul3A_7, %add3A : vector<1264x128xf32>
    %max3A_12 = arith.constant 0.000000e+00 : f32
    %max3A_13 = vector.broadcast %max3A_12 : f32 to vector<1264x128xf32>
    %max3A_14 = arith.maximumf %add3A_11, %max3A_13 : vector<1264x128xf32>
    %swap3A = arith.constant 0 : index
    %swap3A_15 = arith.constant 0 : index
    %swap3A_16 = vector.load %arg4[%swap3A, %swap3A_15] : memref<1264x128xf32, #tpu.memory_space<vmem>>, vector<1264x128xf32>
    tpu.vector_store %arg4[%swap3A, %swap3A_15], %max3A_14 {strides = array<i32>} : memref<1264x128xf32, #tpu.memory_space<vmem>>, vector<1264x128xf32>,
    return
  }
  func.func @transform_0(%arg0: i32) -> (i32, i32) {
    %c0_i32 = arith.constant 0 : i32
    %c0_i32_0 = arith.constant 0 : i32
    return %arg0, %c0_i32 : i32, i32
  }
  func.func @transform_1(%arg0: i32) -> (i32, i32) {
    %c0_i32 = arith.constant 0 : i32
    %c0_i32_0 = arith.constant 0 : i32
    return %arg0, %c0_i32 : i32, i32
  }
  func.func @transform_2(%arg0: i32) -> (i32, i32) {
    %c0_i32 = arith.constant 0 : i32
    %c0_i32_0 = arith.constant 0 : i32
    %c0_i32_1 = arith.constant 0 : i32
    return %c0_i32, %c0_i32_0 : i32, i32
  }
  func.func @transform_3(%arg0: i32) -> (i32, i32) {
    %c0_i32 = arith.constant 0 : i32
    %c0_i32_0 = arith.constant 0 : i32
    return %arg0, %c0_i32 : i32, i32
  }
}

</mosaic_0001>

<sc_bundles>
// kernel: kernel.14.cloned.1.call-start
scs
__scs_entry_jumppad:
0x0: {  	(pc) =	sbr.rel $0x88, $3  }
0x1: {  	(tag) =	ssettag $0x0;
	lr =	simm.s32 $0x1  }
0x2: {  	[smem:$0x3F95] =	sst lr;
	_ =	strace $0xD0000000  }
0x3: {  	_ = 	snop  }
0x4: {  	_ = 	snop  }
0x5: {  	_ = 	snop  }
0x6: {  	_ = 	snop  }
0x7: {  	_ = 	snop  }
__scs_overlays_trampoline_lowered:
0x8: {  	[smem:$0x3FA4] =	sst s0  }
0x9: {  	[smem:$0x3FA5] =	sst s1  }
0xa: {  	[smem:$0x3FA6] =	sst s2  }
0xb: {  	[smem:$0x3FA7] =	sst s3  }
0xc: {  	[smem:$0x3FA8] =	sst s4  }
0xd: {  	[smem:$0x3FA9] =	sst s5  }
0xe: {  	[smem:$0x3FAA] =	sst s6  }
0xf: {  	[smem:$0x3FAB] =	sst s7  }
0x10: {  	[smem:$0x3FAC] =	sst s8  }
0x11: {  	[smem:$0x3FAD] =	sst s9;
	s0 =	simm.s32 @!p0 $0x0  }
0x12: {  	s1 =	sld [smem:$0x3F93];
	s0 =	simm.s32 @p0 $0x1  }
0x13: {  	[smem:$0x3FAE] =	sst s0;
	s0 =	simm.s32 @!p1 $0x0  }
0x14: {  	s2 =	sld [smem:$0x3F92];
	s0 =	simm.s32 @p1 $0x1  }
0x15: {  	[smem:$0x3FAF] =	sst s0;
	s0 =	simm.s32 @!p2 $0x0  }
0x16: {  	s3 =	sld [smem:$0x3FDB];
	s0 =	simm.s32 @p2 $0x1  }
0x17: {  	s4 =	simm.s32 $0x1BF5;
	[smem:$0x3FB1] =	sst s0  }
0x18: {  	s0 =	sld [smem:$0x3F94];
	_ =	swait.ge [sflag:s4], $0x0  }
0x19: {  	s7 =	sld [smem:$0x3F95]  }
0x1a: {  	s8 =	sadd.s32 $0xFFFFE003, lr  }
0x1b: {  	s9 =	sadd.s32 $0xFFFFFEF7, lr;
	s5 =	simm.s32 $0xFFFFFFFF;
	p2 =	slt.u32 s8, $0xFFFFF086  }
0x1c: {  	p1 =	slt.u32 s9, $0xF7A;
	s5 =	simm.s32 @!p2 $0x0  }
0x1d: {  	s5 =	simm.s32 @p1 $0x1;
	p0 =	seq.s32 s7, s2  }
0x1e: {  	s7 =	smul.u32 @!p0 $0xF7A, s2;
	p2 =	seq.s32 @!p0 s5, $0x0  }
0x1f: {  	s9 =	smul.u32 $0xF7A, s1;
	s8 =	simm.s32 @!p0 $0x1BF5;
	p2 =	por !p2, p0  }
0x20: {  	[sflag:s8] =	ssyncset.s32 @!p0 $0xFFFFF086;
	s6 =	sadd.s32 @!p0 s3, s7;
	s7 =	simm.s32 @!p0 $0x108  }
0x21: {  	s3 =	sadd.s32 s3, s9;
	s6 =	sadd.s32 @!p0 $0x88, s6;
	s7 =	simm.s32 @p2 $0x1082  }
0x22: {  	[simem:s7], [sflag:s8] =	dma.local @!p0 [hbm:s6], $0xF7A  }
0x23: {  	s9 =	sor.u32 $0xD0000000, s2;
	s6 =	simm.s32 $0x108;
	_ =	swait.ge @!p0 [sflag:s8], $0x0  }
0x24: {  	s3 =	sadd.s32 $0x88, s3;
	s6 =	simm.s32 @!p1 $0x1082;
	[sflag:s4] =	ssyncset.s32 $0xFFFFF086  }
0x25: {  	[simem:s6], [sflag:s4] =	dma.local [hbm:s3], $0xF7A  }
0x26: {  	[smem:$0x3F95] =	sst s1;
	(tag) =	ssettag s2;
	_ =	strace s9  }
0x27: {  	s1 =	sld [smem:$0x3FA5]  }
0x28: {  	s2 =	sld [smem:$0x3FA6]  }
0x29: {  	s4 =	sld [smem:$0x3FA8]  }
0x2a: {  	p0 =	seq.s32 s5, $0x0;
	s5 =	sld [smem:$0x3FA9]  }
0x2b: {  	s6 =	sld [smem:$0x3FAA]  }
0x2c: {  	s7 =	sld [smem:$0x3FAB]  }
0x2d: {  	s3 =	simm.s32 $0x108;
	s8 =	sld [smem:$0x3FAC]  }
0x2e: {  	s3 =	simm.s32 @!p0 $0x1082;
	s9 =	sld [smem:$0x3FAD]  }
0x2f: {  	lr =	sadd.s32 s0, s3;
	s0 =	sld [smem:$0x3FA4]  }
0x30: {  	s3 =	sld [smem:$0x3FA7]  }
0x31: {  	[smem:$0x3FB0] =	sst s10  }
0x32: {  	s10 =	sld [smem:$0x3FAE];
	_ =	sdelay $0x3  }
0x33: {  	p0 =	seq.s32 s10, $0x1;
	s10 =	sld [smem:$0x3FB0];
	_ =	sdelay $0x3  }
0x34: {  	[smem:$0x3FB0] =	sst s10  }
0x35: {  	s10 =	sld [smem:$0x3FAF];
	_ =	sdelay $0x3  }
0x36: {  	p1 =	seq.s32 s10, $0x1;
	s10 =	sld [smem:$0x3FB0];
	_ =	sdelay $0x3  }
0x37: {  	[smem:$0x3FB0] =	sst s10  }
0x38: {  	s10 =	sld [smem:$0x3FB1]  }
0x39: {  	_ = 	snop;
	(pc) =	sbr.ind lr, $3  }
0x3a: {  	_ = 	snop  }
0x3b: {  	_ = 	snop  }
0x3c: {  	p2 =	seq.s32 s10, $0x1;
	s10 =	sld [smem:$0x3FB0]  }
0x3d: {  	_ =	shalt  }
0x3e: {  	_ =	shalt  }
0x3f: {  	_ =	shalt  }
0x40: {  	_ =	shalt  }
0x41: {  	_ =	shalt  }
0x42: {  	_ =	shalt  }
0x43: {  	_ =	shalt  }
0x44: {  	_ =	shalt  }
0x45: {  	_ =	shalt  }
0x46: {  	_ =	shalt  }
0x47: {  	_ =	shalt  }
0x48: {  	_ =	shalt  }
0x49: {  	_ =	shalt  }
0x4a: {  	_ =	shalt  }
0x4b: {  	_ =	shalt  }
0x4c: {  	_ =	shalt  }
0x4d: {  	_ =	shalt  }
0x4e: {  	_ =	shalt  }
0x4f: {  	_ =	shalt  }
0x50: {  	_ =	shalt  }
0x51: {  	_ =	shalt  }
0x52: {  	_ =	shalt  }
0x53: {  	_ =	shalt  }
0x54: {  	_ =	shalt  }
0x55: {  	_ =	shalt  }
0x56: {  	_ =	shalt  }
0x57: {  	_ =	shalt  }
0x58: {  	_ =	shalt  }
0x59: {  	_ =	shalt  }
0x5a: {  	_ =	shalt  }
0x5b: {  	_ =	shalt  }
0x5c: {  	_ =	shalt  }
0x5d: {  	_ =	shalt  }
0x5e: {  	_ =	shalt  }
0x5f: {  	_ =	shalt  }
0x60: {  	_ =	shalt  }
0x61: {  	_ =	shalt  }
0x62: {  	_ =	shalt  }
0x63: {  	_ =	shalt  }
0x64: {  	_ =	shalt  }
0x65: {  	_ =	shalt  }
0x66: {  	_ =	shalt  }
0x67: {  	_ =	shalt  }
0x68: {  	_ =	shalt  }
0x69: {  	_ =	shalt  }
0x6a: {  	_ =	shalt  }
0x6b: {  	_ =	shalt  }
0x6c: {  	_ =	shalt  }
0x6d: {  	_ =	shalt  }
0x6e: {  	_ =	shalt  }
0x6f: {  	_ =	shalt  }
0x70: {  	_ =	shalt  }
0x71: {  	_ =	shalt  }
0x72: {  	_ =	shalt  }
0x73: {  	_ =	shalt  }
0x74: {  	_ =	shalt  }
0x75: {  	_ =	shalt  }
0x76: {  	_ =	shalt  }
0x77: {  	_ =	shalt  }
0x78: {  	_ =	shalt  }
0x79: {  	_ =	shalt  }
0x7a: {  	_ =	shalt  }
0x7b: {  	_ =	shalt  }
0x7c: {  	_ =	shalt  }
0x7d: {  	_ =	shalt  }
0x7e: {  	_ =	shalt  }
0x7f: {  	_ =	shalt  }
0x80: {  	_ =	shalt  }
0x81: {  	_ =	shalt  }
0x82: {  	_ =	shalt  }
0x83: {  	_ =	shalt  }
0x84: {  	_ =	shalt  }
0x85: {  	_ =	shalt  }
0x86: {  	_ =	shalt  }
0x87: {  	_ =	shalt  }
.Lfunc_end0:
.L_simem_size_0:
called_computation_lowered:
.L_overlay_start_0:
0x88: {  	s0 =	sld [smem:$0x3FD9]  }
0x89: {  	s1 =	sld [smem:$0x3FFE];
	_ =	sdelay $0x3  }
0x8a: {  	s0 =	sadd.s32 s1, s0  }
0x8b: {  	[smem:$0x3FBC] =	sst s0  }
0x8c: {  	_ = 	snop  }
0x8d: {  	s0 =	sld [smem:$0x3FD0];
	_ =	sdelay $0x2  }
0x8e: {  	s13 =	simm.s32 $0xA;
	s2 =	simm.s32 $0x10  }
0x8f: {  	[smem:s2], [sflag:s13] =	dma.local [hbm:s0], $0x1  }
0x90: {  	_ =	swait.eq [sflag:s13], $0x1  }
0x91: {  	[sflag:s13] =	ssyncset.done $0x0  }
0x92: {  	[sflag:s13] =	ssyncadd.s32 $0xFFFFFFFF  }
0x93: {  	s14 =	sld [smem:$0x11];
	(tm) =	ssettm $0x1  }
0x94: {  	s15 =	sld [smem:$0x3FFB];
	_ =	sdelay $0x3  }
0x95: {  	_ =	strace s15  }
0x96: {  	s1 =	sld [smem:$0x3FFC];
	_ =	sdelay $0x3  }
0x97: {  	_ =	strace s1  }
0x98: {  	s1 =	sld [smem:$0x3FFD];
	_ =	sdelay $0x3  }
0x99: {  	_ =	strace s1  }
0x9a: {  	_ =	strace $0x8FFFFFFF  }
0x9b: {  	s16 =	sld [smem:$0x3FDB];
	_ =	sdelay $0x1  }
0x9c: {  	s17 =	simm.s32 $_scs_section_size  }
0x9d: {  	s3 =	simm.s32 $_size__tile_overlayer_lowered;
	s4 =	simm.s32 $_tile_overlayer_lowered  }
0x9e: {  	s20 =	simm.s32 $0x1BFF;
	s19 =	sshll.u32 s4, $0x1;
	s1 =	sadd.s32 s17, s16  }
0x9f: {  	s5 =	simm.s32 $0x0;
	s18 =	sshll.u32 s3, $0x1;
	s3 =	sadd.s32 s19, s1  }
0xa0: {  	[timem:s5], [sflag:s20] =	dma.local [hbm:s3], s18  }
0xa1: {  	_ =	swait.ge [sflag:s20], s18  }
0xa2: {  	s2 =	ssub.s32 $0x0, s18;
	[sflag:s20] =	ssyncset.done $0x0  }
0xa3: {  	[sflag:s20] =	ssyncadd.s32 s2;
	_ =	sdelay $0x1  }
0xa4: {  	s21 =	simm.s32 $0x1B8B  }
0xa5: {  	_ =	swait.ge [sflag:s21], $0x1  }
0xa6: {  	[sflag:s21] =	ssyncset.done $0x0  }
0xa7: {  	s23 =	simm.s32 $0x1B8E;
	s22 =	sld [smem:$0x3FFE];
	[sflag:s21] =	ssyncadd.s32 $0xFFFFFFFF  }
0xa8: {  	s24 =	simm.s32 $execute0_lowered;
	[smem:$0x3FD2] =	sst s23  }
0xa9: {  	s3 =	sshll.u32 s24, $0x1;
	_ =	strace $0x80000046;
	[dreg:$0x1] =	wrdreg $0xFFFFFFFF  }
0xaa: {  	s25 =	simm.s32 $_size_execute0_lowered;
	s1 =	sadd.s32 s1, s3;
	[dreg:$0x0] =	wrdreg $0x0  }
0xab: {  	s3 =	sshll.u32 s25, $0x1;
	[dreg:$0x2] =	wrdreg s1  }
0xac: {  	[dreg:$0x3] =	wrdreg s3  }
0xad: {  	[dreg:$0x4] =	wrdreg $0xC0  }
0xae: {  	_ =	task [dreg:s5], $0x5FFFF  }
0xaf: {  	[dreg:$0x1] =	wrdreg $0xFFFFFFFF  }
0xb0: {  	[dreg:$0x0] =	wrdreg $0x60  }
0xb1: {  	[dreg:$0x2] =	wrdreg s14  }
0xb2: {  	[dreg:$0x3] =	wrdreg s22  }
0xb3: {  	[dreg:$0x4] =	wrdreg $0x48000  }
0xb4: {  	[dreg:$0x5] =	wrdreg $0x9  }
0xb5: {  	_ =	task.clear_ibuf [dreg:s5], $0x6FFFF;
	_ =	strace $0x90000046  }
0xb6: {  	s26 =	simm.s32 $0x9;
	_ =	strace $0x80000048  }
0xb7: {  	_ =	swait.ge [sflag:s26], $0x1  }
0xb8: {  	[sflag:s26] =	ssyncadd.s32 $0xFFFFFFFF  }
0xb9: {  	_ =	strace $0x90000048  }
0xba: {  	_ =	sfence  }
0xbb: {  	s28 =	sld [smem:$0x0];
	_ =	sdelay $0x1  }
0xbc: {  	s29 =	srdreg.scid  }
0xbd: {  	s30 =	sshll.u32 s29, $0xD;
	s31 =	sshrl.u32 s29, $0x2  }
0xbe: {  	s2 =	sand.u32 $0x4000, s30;
	s1 =	sand.u32 $0x1, s29;
	s0 =	sadd.s32 s31, s28  }
0xbf: {  	s1 =	sor.u32 s2, s1;
	s0 =	sshll.u32 s0, $0x11  }
0xc0: {  	s0 =	sor.u32 s0, s1  }
0xc1: {  	s0 =	sadd.s32 $0x8F2B, s0  }
0xc2: {  	[sflag:s0] =	ssyncadd.remote.s32 $0x1  }
0xc3: {  	_ =	sfence.sel $0xFFFF  }
0xc4: {  	[dreg:$0x0] =	wrdreg $0xFFFFFFFF;
	(pc) =	sbr.abs _section_cstart, $3  }
0xc5: {  	[dreg:$0x1] =	wrdreg $0xFFFFFFFF  }
0xc6: {  	_ =	task.clear_ibuf [dreg:s5], $0x2FFFF;
	_ =	strace $0x9FFFFFFF  }
0xc7: {  	(tm) =	ssettm $0x7FFFFFFF  }
tec
execute0_lowered:
.L_overlay_start_1:
0x0: {  	(tag) =	ssettag $0x1  }
0x1: {  	s12 =	rddreg [dreg:$0x0]  }
0x2: {  	s4 =	rddreg [dreg:$0x1]  }
0x3: {  	s3 =	rddreg [dreg:$0x2];
	s1 =	stileid.u32  }
0x4: {  	s0 =	rddreg [dreg:$0x3];
	s5 =	simm.s32 $0x0;
	s2 =	smul.u32 $0x2780, s1  }
0x5: {  	s6 =	simm.s32 $0x0;
	s8 =	simm.s32 $0x200;
	[smem:$0x7FF] =	sst s5  }
0x6: {  	s31 =	sshll.u32 s1, $0x6;
	_ =	strace $0x80000047;
	s30 =	sadd.s32 s2, s4  }
0x7: {  	v0 =	vimm.f32 $1.000000000e+00;
	s5 =	sor.u32 $0x1C04, s31;
	s4 =	sadd.s32 $0x2C200, s4;
	s7 =	sadd.s32 $0x4A00, s30  }
.LBB2_1:
0x8: {  	p0 =	sne.s32 s8, $0xFE00;
	[tilespmem:s6+$0x870] =	vst v0  }
0x9: {  	[tilespmem:s6+$0x800] =	vst v0  }
0xa: {  	[tilespmem:s6+$0x810] =	vst v0  }
.Ltmp0:
0xb: {  	[tilespmem:s6+$0x820] =	vst v0;
	(pc) =	sbr.rel @p0 .LBB2_1-.Ltmp0, $4  }
0xc: {  	[tilespmem:s6+$0x830] =	vst v0  }
0xd: {  	[tilespmem:s6+$0x840] =	vst v0  }
0xe: {  	[tilespmem:s6+$0x850] =	vst v0  }
0xf: {  	[tilespmem:s6+$0x860] =	vst v0;
	s6 =	sshra.s32 s8, $0x2;
	s8 =	sadd.s32 $0x200, s8  }
0x10: {  	[tilespmem:s6+$0x870] =	vst v0  }
0x11: {  	[tilespmem:s6+$0x800] =	vst v0  }
0x12: {  	[tilespmem:s6+$0x810] =	vst v0  }
0x13: {  	[tilespmem:s6+$0x820] =	vst v0;
	s8 =	smul.u32 $0x4F000, s1  }
0x14: {  	[tilespmem:s6+$0x830] =	vst v0  }
0x15: {  	[tilespmem:s6+$0x840] =	vst v0;
	s8 =	sshrl.u32 s8, $0x2  }
0x16: {  	[tilespmem:s6+$0x850] =	vst v0;
	s8 =	sadd.s32 s8, s3  }
0x17: {  	[tilespmem:s6+$0x860] =	vst v0;
	s17 =	smul.u32 $0x5400, s1;
	s18 =	simm.s32 $0x4;
	s6 =	sshrl.u32 s8, $0x3  }
0x18: {  	[spmem:s6], [sflag:s5] =	dma.local [hbm:s7], $0x2780  }
0x19: {  	_ =	swait.ge [sflag:s18], $0x2780  }
0x1a: {  	s7 =	sshrl.u32 s17, $0x3;
	[sflag:s18] =	ssyncset.done $0x0  }
0x1b: {  	s11 =	simm.s32 $0x0;
	s7 =	sadd.s32 s12, s7;
	[sflag:s18] =	ssyncadd.s32 $0xFFFFD880  }
0x1c: {  	[tilespmem:s11], [sflag:$0x4] =	stream.linear.gather [hbm4b:s7+s11], $0x400, $0x38;
	[tilespmem:$0x18400] =	vst v63  }
0x1d: {  	_ =	swait.ge [sflag:s18], $0x400  }
0x1e: {  	[sflag:s18] =	ssyncset.done $0x0  }
0x1f: {  	[sflag:s18] =	ssyncadd.s32 $0xFFFFFC00  }
0x20: {  	s14 =	simm.s32 $0x400;
	s7 =	sadd.s32 $0x80, s7;
	[bflag:$0x0] =	sbarrier.arrive $0xFFFF  }
0x21: {  	[tilespmem:s14], [sflag:$0x3] =	stream.linear.gather [hbm4b:s7+s11], $0x400, $0x38;
	[tilespmem:$0x18400] =	vst v63  }
0x22: {  	s8 =	simm.s32 $0x800;
	s7 =	simm.s32 $0x80  }
0x23: {  	[spmem:s3] =	stream.indirect.scatter.add.f32 [tilespmem:s8], [sflag:$0x1], $0x80, s11, s7, $0xb8;
	[tilespmem:$0x18400] =	vst v63  }
0x24: {  	s9 =	simm.s32 $0x1  }
0x25: {  	[spmem:s3] =	stream.indirect.scatter.add.f32 [tilespmem:s8], [sflag:$0x2], $0x80, s7, s7, $0xb8;
	[tilespmem:$0x18400] =	vst v63  }
0x26: {  	_ =	swait.ge [sflag:s9], $0x4000  }
0x27: {  	[sflag:s9] =	ssyncset.done $0x0  }
0x28: {  	s10 =	simm.s32 $0x100;
	[sflag:s9] =	ssyncadd.s32 $0xFFFFC000  }
0x29: {  	[spmem:s3] =	stream.indirect.scatter.add.f32 [tilespmem:s8], [sflag:$0x1], $0x80, s10, s7, $0xb8;
	[tilespmem:$0x18400] =	vst v63  }
0x2a: {  	s10 =	simm.s32 $0x2  }
0x2b: {  	_ =	swait.ge [sflag:s10], $0x4000  }
0x2c: {  	[sflag:s10] =	ssyncset.done $0x0  }
0x2d: {  	s13 =	simm.s32 $0x180;
	[sflag:s10] =	ssyncadd.s32 $0xFFFFC000  }
0x2e: {  	[spmem:s3] =	stream.indirect.scatter.add.f32 [tilespmem:s8], [sflag:$0x2], $0x80, s13, s7, $0xb8;
	[tilespmem:$0x18400] =	vst v63  }
0x2f: {  	_ =	swait.ge [sflag:s9], $0x4000  }
0x30: {  	[sflag:s9] =	ssyncset.done $0x0  }
0x31: {  	s19 =	simm.s32 $0x200;
	[sflag:s9] =	ssyncadd.s32 $0xFFFFC000  }
0x32: {  	[spmem:s3] =	stream.indirect.scatter.add.f32 [tilespmem:s8], [sflag:$0x1], $0x80, s19, s7, $0xb8;
	[tilespmem:$0x18400] =	vst v63  }
0x33: {  	_ =	swait.ge [sflag:s10], $0x4000  }
0x34: {  	[sflag:s10] =	ssyncset.done $0x0  }
0x35: {  	s20 =	simm.s32 $0x280;
	[sflag:s10] =	ssyncadd.s32 $0xFFFFC000  }
0x36: {  	[spmem:s3] =	stream.indirect.scatter.add.f32 [tilespmem:s8], [sflag:$0x2], $0x80, s20, s7, $0xb8;
	[tilespmem:$0x18400] =	vst v63  }
0x37: {  	_ =	swait.ge [sflag:s9], $0x4000  }
0x38: {  	[sflag:s9] =	ssyncset.done $0x0  }
0x39: {  	s21 =	simm.s32 $0x300;
	[sflag:s9] =	ssyncadd.s32 $0xFFFFC000  }
0x3a: {  	[spmem:s3] =	stream.indirect.scatter.add.f32 [tilespmem:s8], [sflag:$0x1], $0x80, s21, s7, $0xb8;
	[tilespmem:$0x18400] =	vst v63  }
0x3b: {  	_ =	swait.ge [sflag:s10], $0x4000  }
0x3c: {  	[sflag:s10] =	ssyncset.done $0x0  }
0x3d: {  	s22 =	simm.s32 $0x380;
	[sflag:s10] =	ssyncadd.s32 $0xFFFFC000  }
0x3e: {  	[spmem:s3] =	stream.indirect.scatter.add.f32 [tilespmem:s8], [sflag:$0x2], $0x80, s22, s7, $0xb8;
	[tilespmem:$0x18400] =	vst v63  }
0x3f: {  	_ =	swait.ge [sflag:s9], $0x4000  }
0x40: {  	[sflag:s9] =	ssyncset.done $0x0  }
0x41: {  	s23 =	smul.u32 $0xA80, s1;
	s15 =	simm.s32 $0x2000;
	[sflag:s9] =	ssyncadd.s32 $0xFFFFC000  }
0x42: {  	s15 =	sand.u32 $0x1000, s15;
	_ =	swait.ge [sflag:s10], $0x4000  }
0x43: {  	s24 =	sadd.s32 s23, s12;
	s15 =	sshrl.u32 s15, $0x2;
	[sflag:s10] =	ssyncset.done $0x0  }
0x44: {  	s12 =	simm.s32 $0x3;
	s13 =	sadd.s32 $0x100, s24;
	[sflag:s10] =	ssyncadd.s32 $0xFFFFC000  }
0x45: {  	[tilespmem:s15], [sflag:$0x3] =	stream.linear.gather [hbm4b:s13+s11], $0x400, $0x38;
	[tilespmem:$0x18400] =	vst v63  }
0x46: {  	_ =	swait.ge [sflag:s12], $0x400  }
0x47: {  	[sflag:s12] =	ssyncset.done $0x0  }
0x48: {  	s14 =	sand.u32 $0x400, s14;
	[sflag:s12] =	ssyncadd.s32 $0xFFFFFC00  }
0x49: {  	[spmem:s3] =	stream.indirect.scatter.add.f32 [tilespmem:s8], [sflag:$0x1], $0x80, s14, s7, $0xb8;
	[tilespmem:$0x18400] =	vst v63  }
0x4a: {  	s25 =	sor.u32 $0x80, s14  }
0x4b: {  	[spmem:s3] =	stream.indirect.scatter.add.f32 [tilespmem:s8], [sflag:$0x2], $0x80, s25, s7, $0xb8;
	[tilespmem:$0x18400] =	vst v63  }
0x4c: {  	_ =	swait.ge [sflag:s9], $0x4000  }
0x4d: {  	[sflag:s9] =	ssyncset.done $0x0  }
0x4e: {  	s26 =	sor.u32 $0x100, s14;
	[sflag:s9] =	ssyncadd.s32 $0xFFFFC000  }
0x4f: {  	[spmem:s3] =	stream.indirect.scatter.add.f32 [tilespmem:s8], [sflag:$0x1], $0x80, s26, s7, $0xb8;
	[tilespmem:$0x18400] =	vst v63  }
0x50: {  	_ =	swait.ge [sflag:s10], $0x4000  }
0x51: {  	[sflag:s10] =	ssyncset.done $0x0  }
0x52: {  	s28 =	sor.u32 $0x180, s14;
	[sflag:s10] =	ssyncadd.s32 $0xFFFFC000  }
0x53: {  	[spmem:s3] =	stream.indirect.scatter.add.f32 [tilespmem:s8], [sflag:$0x2], $0x80, s28, s7, $0xb8;
	[tilespmem:$0x18400] =	vst v63  }
0x54: {  	_ =	swait.ge [sflag:s9], $0x4000  }
0x55: {  	[sflag:s9] =	ssyncset.done $0x0  }
0x56: {  	s29 =	sor.u32 $0x200, s14;
	[sflag:s9] =	ssyncadd.s32 $0xFFFFC000  }
0x57: {  	[spmem:s3] =	stream.indirect.scatter.add.f32 [tilespmem:s8], [sflag:$0x1], $0x80, s29, s7, $0xb8;
	[tilespmem:$0x18400] =	vst v63  }
0x58: {  	_ =	swait.ge [sflag:s10], $0x4000  }
0x59: {  	[sflag:s10] =	ssyncset.done $0x0  }
0x5a: {  	s30 =	sor.u32 $0x280, s14;
	[sflag:s10] =	ssyncadd.s32 $0xFFFFC000  }
0x5b: {  	[spmem:s3] =	stream.indirect.scatter.add.f32 [tilespmem:s8], [sflag:$0x2], $0x80, s30, s7, $0xb8;
	[tilespmem:$0x18400] =	vst v63  }
0x5c: {  	_ =	swait.ge [sflag:s9], $0x4000  }
0x5d: {  	[sflag:s9] =	ssyncset.done $0x0  }
0x5e: {  	s31 =	sor.u32 $0x300, s14;
	[sflag:s9] =	ssyncadd.s32 $0xFFFFC000  }
0x5f: {  	[spmem:s3] =	stream.indirect.scatter.add.f32 [tilespmem:s8], [sflag:$0x1], $0x80, s31, s7, $0xb8;
	[tilespmem:$0x18400] =	vst v63  }
0x60: {  	_ =	swait.ge [sflag:s10], $0x4000  }
0x61: {  	[sflag:s10] =	ssyncset.done $0x0  }
0x62: {  	s14 =	sor.u32 $0x380, s14;
	[sflag:s10] =	ssyncadd.s32 $0xFFFFC000  }
0x63: {  	[spmem:s3] =	stream.indirect.scatter.add.f32 [tilespmem:s8], [sflag:$0x2], $0x80, s14, s7, $0xb8;
	[tilespmem:$0x18400] =	vst v63  }
0x64: {  	_ =	swait.ge [sflag:s9], $0x4000  }
0x65: {  	[sflag:s9] =	ssyncset.done $0x0  }
0x66: {  	[sflag:s9] =	ssyncadd.s32 $0xFFFFC000  }
0x67: {  	s16 =	simm.s32 $0xC00;
	s15 =	simm.s32 $0x3000;
	_ =	swait.ge [sflag:s10], $0x4000  }
0x68: {  	s17 =	sand.u32 $0x1000, s15;
	s14 =	simm.s32 $0x800;
	[sflag:s10] =	ssyncset.done $0x0  }
.LBB2_3:
0x69: {  	s17 =	sshrl.u32 s17, $0x2  }
0x6a: {  	[sflag:s10] =	ssyncadd.s32 $0xFFFFC000;
	s13 =	sadd.s32 $0x80, s13;
	s18 =	smov.u32 s16  }
0x6b: {  	[tilespmem:s17], [sflag:$0x3] =	stream.linear.gather [hbm4b:s13+s11], $0x400, $0x38;
	[tilespmem:$0x18400] =	vst v63  }
0x6c: {  	p0 =	sne.s32 s16, $0x4C00;
	s16 =	sadd.s32 $0x400, s16;
	_ =	swait.ge [sflag:s12], $0x400  }
0x6d: {  	[sflag:s12] =	ssyncset.done $0x0  }
0x6e: {  	s17 =	sand.u32 $0x400, s14;
	s14 =	smov.u32 s18;
	[sflag:s12] =	ssyncadd.s32 $0xFFFFFC00  }
0x6f: {  	[spmem:s3] =	stream.indirect.scatter.add.f32 [tilespmem:s8], [sflag:$0x1], $0x80, s17, s7, $0xb8;
	[tilespmem:$0x18400] =	vst v63  }
0x70: {  	s18 =	sor.u32 $0x80, s17  }
0x71: {  	[spmem:s3] =	stream.indirect.scatter.add.f32 [tilespmem:s8], [sflag:$0x2], $0x80, s18, s7, $0xb8;
	[tilespmem:$0x18400] =	vst v63  }
0x72: {  	_ =	swait.ge [sflag:s9], $0x4000  }
0x73: {  	[sflag:s9] =	ssyncset.done $0x0  }
0x74: {  	s18 =	sor.u32 $0x100, s17;
	[sflag:s9] =	ssyncadd.s32 $0xFFFFC000  }
0x75: {  	[spmem:s3] =	stream.indirect.scatter.add.f32 [tilespmem:s8], [sflag:$0x1], $0x80, s18, s7, $0xb8;
	[tilespmem:$0x18400] =	vst v63  }
0x76: {  	_ =	swait.ge [sflag:s10], $0x4000  }
0x77: {  	[sflag:s10] =	ssyncset.done $0x0  }
0x78: {  	s18 =	sor.u32 $0x180, s17;
	[sflag:s10] =	ssyncadd.s32 $0xFFFFC000  }
0x79: {  	[spmem:s3] =	stream.indirect.scatter.add.f32 [tilespmem:s8], [sflag:$0x2], $0x80, s18, s7, $0xb8;
	[tilespmem:$0x18400] =	vst v63  }
0x7a: {  	_ =	swait.ge [sflag:s9], $0x4000  }
0x7b: {  	[sflag:s9] =	ssyncset.done $0x0  }
0x7c: {  	s18 =	sor.u32 $0x200, s17;
	[sflag:s9] =	ssyncadd.s32 $0xFFFFC000  }
0x7d: {  	[spmem:s3] =	stream.indirect.scatter.add.f32 [tilespmem:s8], [sflag:$0x1], $0x80, s18, s7, $0xb8;
	[tilespmem:$0x18400] =	vst v63  }
0x7e: {  	_ =	swait.ge [sflag:s10], $0x4000  }
0x7f: {  	[sflag:s10] =	ssyncset.done $0x0  }
0x80: {  	s18 =	sor.u32 $0x280, s17;
	[sflag:s10] =	ssyncadd.s32 $0xFFFFC000  }
0x81: {  	[spmem:s3] =	stream.indirect.scatter.add.f32 [tilespmem:s8], [sflag:$0x2], $0x80, s18, s7, $0xb8;
	[tilespmem:$0x18400] =	vst v63  }
0x82: {  	_ =	swait.ge [sflag:s9], $0x4000  }
0x83: {  	[sflag:s9] =	ssyncset.done $0x0  }
0x84: {  	s18 =	sor.u32 $0x300, s17;
	[sflag:s9] =	ssyncadd.s32 $0xFFFFC000  }
0x85: {  	[spmem:s3] =	stream.indirect.scatter.add.f32 [tilespmem:s8], [sflag:$0x1], $0x80, s18, s7, $0xb8;
	[tilespmem:$0x18400] =	vst v63  }
0x86: {  	_ =	swait.ge [sflag:s10], $0x4000  }
0x87: {  	[sflag:s10] =	ssyncset.done $0x0  }
0x88: {  	s17 =	sor.u32 $0x380, s17;
	[sflag:s10] =	ssyncadd.s32 $0xFFFFC000  }
0x89: {  	[spmem:s3] =	stream.indirect.scatter.add.f32 [tilespmem:s8], [sflag:$0x2], $0x80, s17, s7, $0xb8;
	[tilespmem:$0x18400] =	vst v63  }
.Ltmp1:
0x8a: {  	_ =	swait.ge [sflag:s9], $0x4000;
	(pc) =	sbr.rel @p0 .LBB2_3-.Ltmp1, $4  }
0x8b: {  	[sflag:s9] =	ssyncset.done $0x0  }
0x8c: {  	[sflag:s9] =	ssyncadd.s32 $0xFFFFC000  }
0x8d: {  	s15 =	sadd.s32 $0x1000, s15;
	_ =	swait.ge [sflag:s10], $0x4000  }
0x8e: {  	s17 =	sand.u32 $0x1000, s15;
	[sflag:s10] =	ssyncset.done $0x0  }
0x8f: {  	s15 =	sshrl.u32 s17, $0x2;
	[sflag:s10] =	ssyncadd.s32 $0xFFFFC000;
	s13 =	sadd.s32 $0x80, s13  }
0x90: {  	[tilespmem:s15], [sflag:$0x3] =	stream.linear.gather [hbm4b:s13+s11], $0x400, $0x38;
	[tilespmem:$0x18400] =	vst v63  }
0x91: {  	_ =	swait.ge [sflag:s12], $0x400  }
0x92: {  	[sflag:s12] =	ssyncset.done $0x0  }
0x93: {  	s30 =	sand.u32 $0x400, s14;
	[sflag:s12] =	ssyncadd.s32 $0xFFFFFC00  }
0x94: {  	[spmem:s3] =	stream.indirect.scatter.add.f32 [tilespmem:s8], [sflag:$0x1], $0x80, s30, s7, $0xb8;
	[tilespmem:$0x18400] =	vst v63  }
0x95: {  	s31 =	sor.u32 $0x80, s30  }
0x96: {  	[spmem:s3] =	stream.indirect.scatter.add.f32 [tilespmem:s8], [sflag:$0x2], $0x80, s31, s7, $0xb8;
	[tilespmem:$0x18400] =	vst v63  }
0x97: {  	_ =	swait.ge [sflag:s9], $0x4000  }
0x98: {  	[sflag:s9] =	ssyncset.done $0x0  }
0x99: {  	s13 =	sor.u32 $0x100, s30;
	[sflag:s9] =	ssyncadd.s32 $0xFFFFC000  }
0x9a: {  	[spmem:s3] =	stream.indirect.scatter.add.f32 [tilespmem:s8], [sflag:$0x1], $0x80, s13, s7, $0xb8;
	[tilespmem:$0x18400] =	vst v63  }
0x9b: {  	_ =	swait.ge [sflag:s10], $0x4000  }
0x9c: {  	[sflag:s10] =	ssyncset.done $0x0  }
0x9d: {  	s14 =	sor.u32 $0x180, s30;
	[sflag:s10] =	ssyncadd.s32 $0xFFFFC000  }
0x9e: {  	[spmem:s3] =	stream.indirect.scatter.add.f32 [tilespmem:s8], [sflag:$0x2], $0x80, s14, s7, $0xb8;
	[tilespmem:$0x18400] =	vst v63  }
0x9f: {  	_ =	swait.ge [sflag:s9], $0x4000  }
0xa0: {  	[sflag:s9] =	ssyncset.done $0x0  }
0xa1: {  	s15 =	sor.u32 $0x200, s30;
	[sflag:s9] =	ssyncadd.s32 $0xFFFFC000  }
0xa2: {  	[spmem:s3] =	stream.indirect.scatter.add.f32 [tilespmem:s8], [sflag:$0x1], $0x80, s15, s7, $0xb8;
	[tilespmem:$0x18400] =	vst v63  }
0xa3: {  	_ =	swait.ge [sflag:s10], $0x4000  }
0xa4: {  	[sflag:s10] =	ssyncset.done $0x0  }
0xa5: {  	s16 =	sor.u32 $0x280, s30;
	[sflag:s10] =	ssyncadd.s32 $0xFFFFC000  }
0xa6: {  	[spmem:s3] =	stream.indirect.scatter.add.f32 [tilespmem:s8], [sflag:$0x2], $0x80, s16, s7, $0xb8;
	[tilespmem:$0x18400] =	vst v63  }
0xa7: {  	_ =	swait.ge [sflag:s9], $0x4000  }
0xa8: {  	[sflag:s9] =	ssyncset.done $0x0  }
0xa9: {  	s17 =	sor.u32 $0x300, s30;
	[sflag:s9] =	ssyncadd.s32 $0xFFFFC000  }
0xaa: {  	[spmem:s3] =	stream.indirect.scatter.add.f32 [tilespmem:s8], [sflag:$0x1], $0x80, s17, s7, $0xb8;
	[tilespmem:$0x18400] =	vst v63  }
0xab: {  	_ =	swait.ge [sflag:s10], $0x4000  }
0xac: {  	[sflag:s10] =	ssyncset.done $0x0  }
0xad: {  	s11 =	sor.u32 $0x380, s30;
	[sflag:s10] =	ssyncadd.s32 $0xFFFFC000  }
0xae: {  	[spmem:s3] =	stream.indirect.scatter.add.f32 [tilespmem:s8], [sflag:$0x2], $0x80, s11, s7, $0xb8;
	[tilespmem:$0x18400] =	vst v63  }
0xaf: {  	_ =	swait.ge [sflag:s9], $0x4000  }
0xb0: {  	[sflag:s9] =	ssyncset.done $0x0  }
0xb1: {  	[sflag:s9] =	ssyncadd.s32 $0xFFFFC000  }
0xb2: {  	_ =	swait.ge [sflag:s10], $0x4000  }
0xb3: {  	[sflag:s10] =	ssyncset.done $0x0  }
0xb4: {  	s18 =	simm.s32 $0x3;
	[sflag:s10] =	ssyncadd.s32 $0xFFFFC000  }
0xb5: {  	_ =	swait.ge [sflag:s18], $0x400  }
0xb6: {  	s19 =	simm.s32 $0x80;
	[sflag:s18] =	ssyncset.done $0x0  }
0xb7: {  	s20 =	simm.s32 $0x0;
	s21 =	simm.s32 $0x800;
	[sflag:s18] =	ssyncadd.s32 $0xFFFFFC00  }
0xb8: {  	[spmem:s3] =	stream.indirect.scatter.add.f32 [tilespmem:s21], [sflag:$0x1], $0x80, s20, s19, $0xb8;
	[tilespmem:$0x18400] =	vst v63  }
0xb9: {  	s22 =	simm.s32 $0x1  }
0xba: {  	[spmem:s3] =	stream.indirect.scatter.add.f32 [tilespmem:s21], [sflag:$0x2], $0x80, s19, s19, $0xb8;
	[tilespmem:$0x18400] =	vst v63  }
0xbb: {  	_ =	swait.ge [sflag:s22], $0x4000  }
0xbc: {  	[sflag:s22] =	ssyncset.done $0x0  }
0xbd: {  	s23 =	simm.s32 $0x100;
	s24 =	simm.s32 $0x2;
	[sflag:s22] =	ssyncadd.s32 $0xFFFFC000  }
0xbe: {  	[spmem:s3] =	stream.indirect.scatter.add.f32 [tilespmem:s21], [sflag:$0x1], $0x80, s23, s19, $0xb8;
	[tilespmem:$0x18400] =	vst v63  }
0xbf: {  	_ =	swait.ge [sflag:s24], $0x4000  }
0xc0: {  	[sflag:s24] =	ssyncset.done $0x0  }
0xc1: {  	s25 =	simm.s32 $0x180;
	[sflag:s24] =	ssyncadd.s32 $0xFFFFC000  }
0xc2: {  	[spmem:s3] =	stream.indirect.scatter.add.f32 [tilespmem:s21], [sflag:$0x2], $0x80, s25, s19, $0xb8;
	[tilespmem:$0x18400] =	vst v63  }
0xc3: {  	_ =	swait.ge [sflag:s22], $0x4000  }
0xc4: {  	[sflag:s22] =	ssyncset.done $0x0  }
0xc5: {  	s26 =	simm.s32 $0x200;
	[sflag:s22] =	ssyncadd.s32 $0xFFFFC000  }
0xc6: {  	[spmem:s3] =	stream.indirect.scatter.add.f32 [tilespmem:s21], [sflag:$0x1], $0x80, s26, s19, $0xb8;
	[tilespmem:$0x18400] =	vst v63  }
0xc7: {  	_ =	swait.ge [sflag:s24], $0x4000  }
0xc8: {  	[sflag:s24] =	ssyncset.done $0x0  }
0xc9: {  	s28 =	simm.s32 $0x280;
	[sflag:s24] =	ssyncadd.s32 $0xFFFFC000  }
0xca: {  	[spmem:s3] =	stream.indirect.scatter.add.f32 [tilespmem:s21], [sflag:$0x2], $0x80, s28, s19, $0xb8;
	[tilespmem:$0x18400] =	vst v63  }
0xcb: {  	_ =	swait.ge [sflag:s22], $0x4000  }
0xcc: {  	[sflag:s22] =	ssyncset.done $0x0  }
0xcd: {  	s29 =	simm.s32 $0x300;
	[sflag:s22] =	ssyncadd.s32 $0xFFFFC000  }
0xce: {  	[spmem:s3] =	stream.indirect.scatter.add.f32 [tilespmem:s21], [sflag:$0x1], $0x80, s29, s19, $0xb8;
	[tilespmem:$0x18400] =	vst v63  }
0xcf: {  	_ =	swait.ge [sflag:s24], $0x4000  }
0xd0: {  	[sflag:s24] =	ssyncset.done $0x0  }
0xd1: {  	s30 =	simm.s32 $0x380;
	[sflag:s24] =	ssyncadd.s32 $0xFFFFC000  }
0xd2: {  	[spmem:s3] =	stream.indirect.scatter.add.f32 [tilespmem:s21], [sflag:$0x2], $0x80, s30, s19, $0xb8;
	[tilespmem:$0x18400] =	vst v63  }
0xd3: {  	_ =	swait.ge [sflag:s22], $0x4000  }
0xd4: {  	[sflag:s22] =	ssyncset.done $0x0  }
0xd5: {  	[sflag:s22] =	ssyncadd.s32 $0xFFFFC000  }
0xd6: {  	_ =	swait.ge [sflag:s24], $0x4000  }
0xd7: {  	[sflag:s24] =	ssyncset.done $0x0  }
0xd8: {  	[sflag:s24] =	ssyncadd.s32 $0xFFFFC000  }
0xd9: {  	s2 =	sadd.s32 s4, s2;
	s31 =	simm.s32 $0x4;
	[bflag:$0x0] =	sbarrier.arrive $0xFFFF  }
0xda: {  	[hbm:s2], [sflag:s5] =	dma.local [spmem:s6], $0x2780  }
0xdb: {  	_ =	swait.ge [sflag:s31], $0x2780  }
0xdc: {  	[sflag:s31] =	ssyncset.done $0x0  }
0xdd: {  	[sflag:s31] =	ssyncadd.s32 $0xFFFFD880  }
0xde: {  	_ =	sfence.sel $0x180000  }
0xdf: {  	[bflag:$0x0] =	sbarrier.arrive $0xFFFF  }
0xe0: {  	p0 =	sne.s32 s1, $0x0;
	_ =	strace $0x90000047  }
0xe1: {  	s0 =	sadd.s32 @!p0 $0x100000, s0;
	[bflag:$0x2] =	sbarrier.arrive $0xFFFF  }
0xe2: {  	[sflag:s0] =	ssyncadd.tile.s32 @!p0 $0x1;
	_ =	shalt  }
.Lfunc_end2:
_tile_overlayer_lowered:
.L_overlay_start_2:
0xe3: {  	(tag) =	ssettag $0x2  }
0xe4: {  	s0 =	rddreg [dreg:$0x0];
	s2 =	stileid.u32  }
0xe5: {  	s1 =	rddreg [dreg:$0x1];
	p0 =	sne.s32 s2, $0x0  }
0xe6: {  	s3 =	rddreg [dreg:$0x2];
	[bflag:$0x3] =	sbarrier.arrive $0xFFFF;
	s2 =	simm.s32 @!p0 $0x1C04  }
0xe7: {  	[timem:s3], [sflag:s2] =	dma.local @!p0 [hbm:s0], s1  }
0xe8: {  	s0 =	simm.s32 @!p0 $0x4  }
0xe9: {  	_ =	swait.ge @!p0 [sflag:s0], s1  }
0xea: {  	s1 =	ssub.s32 @!p0 $0x0, s1;
	[sflag:s0] =	ssyncset.done @!p0 $0x0  }
0xeb: {  	[sflag:s0] =	ssyncadd.s32 @!p0 s1  }
0xec: {  	[bflag:$0x3] =	sbarrier.arrive $0xFFFF  }
0xed: {  	_ =	shalt  }

// kernel: kernel.17.cloned.1.call-start
scs
__scs_entry_jumppad:
0x0: {  	(pc) =	sbr.rel $0x88, $3  }
0x1: {  	(tag) =	ssettag $0x0;
	lr =	simm.s32 $0x1  }
0x2: {  	[smem:$0x3F95] =	sst lr;
	_ =	strace $0xD0000000  }
0x3: {  	_ = 	snop  }
0x4: {  	_ = 	snop  }
0x5: {  	_ = 	snop  }
0x6: {  	_ = 	snop  }
0x7: {  	_ = 	snop  }
__scs_overlays_trampoline_lowered:
0x8: {  	[smem:$0x3FA4] =	sst s0  }
0x9: {  	[smem:$0x3FA5] =	sst s1  }
0xa: {  	[smem:$0x3FA6] =	sst s2  }
0xb: {  	[smem:$0x3FA7] =	sst s3  }
0xc: {  	[smem:$0x3FA8] =	sst s4  }
0xd: {  	[smem:$0x3FA9] =	sst s5  }
0xe: {  	[smem:$0x3FAA] =	sst s6  }
0xf: {  	[smem:$0x3FAB] =	sst s7  }
0x10: {  	[smem:$0x3FAC] =	sst s8  }
0x11: {  	[smem:$0x3FAD] =	sst s9;
	s0 =	simm.s32 @!p0 $0x0  }
0x12: {  	s1 =	sld [smem:$0x3F93];
	s0 =	simm.s32 @p0 $0x1  }
0x13: {  	[smem:$0x3FAE] =	sst s0;
	s0 =	simm.s32 @!p1 $0x0  }
0x14: {  	s2 =	sld [smem:$0x3F92];
	s0 =	simm.s32 @p1 $0x1  }
0x15: {  	[smem:$0x3FAF] =	sst s0;
	s0 =	simm.s32 @!p2 $0x0  }
0x16: {  	s3 =	sld [smem:$0x3FDB];
	s0 =	simm.s32 @p2 $0x1  }
0x17: {  	s4 =	simm.s32 $0x1BF5;
	[smem:$0x3FB1] =	sst s0  }
0x18: {  	s0 =	sld [smem:$0x3F94];
	_ =	swait.ge [sflag:s4], $0x0  }
0x19: {  	s7 =	sld [smem:$0x3F95]  }
0x1a: {  	s8 =	sadd.s32 $0xFFFFE003, lr  }
0x1b: {  	s9 =	sadd.s32 $0xFFFFFEF7, lr;
	s5 =	simm.s32 $0xFFFFFFFF;
	p2 =	slt.u32 s8, $0xFFFFF086  }
0x1c: {  	p1 =	slt.u32 s9, $0xF7A;
	s5 =	simm.s32 @!p2 $0x0  }
0x1d: {  	s5 =	simm.s32 @p1 $0x1;
	p0 =	seq.s32 s7, s2  }
0x1e: {  	s7 =	smul.u32 @!p0 $0xF7A, s2;
	p2 =	seq.s32 @!p0 s5, $0x0  }
0x1f: {  	s9 =	smul.u32 $0xF7A, s1;
	s8 =	simm.s32 @!p0 $0x1BF5;
	p2 =	por !p2, p0  }
0x20: {  	[sflag:s8] =	ssyncset.s32 @!p0 $0xFFFFF086;
	s6 =	sadd.s32 @!p0 s3, s7;
	s7 =	simm.s32 @!p0 $0x108  }
0x21: {  	s3 =	sadd.s32 s3, s9;
	s6 =	sadd.s32 @!p0 $0x88, s6;
	s7 =	simm.s32 @p2 $0x1082  }
0x22: {  	[simem:s7], [sflag:s8] =	dma.local @!p0 [hbm:s6], $0xF7A  }
0x23: {  	s9 =	sor.u32 $0xD0000000, s2;
	s6 =	simm.s32 $0x108;
	_ =	swait.ge @!p0 [sflag:s8], $0x0  }
0x24: {  	s3 =	sadd.s32 $0x88, s3;
	s6 =	simm.s32 @!p1 $0x1082;
	[sflag:s4] =	ssyncset.s32 $0xFFFFF086  }
0x25: {  	[simem:s6], [sflag:s4] =	dma.local [hbm:s3], $0xF7A  }
0x26: {  	[smem:$0x3F95] =	sst s1;
	(tag) =	ssettag s2;
	_ =	strace s9  }
0x27: {  	s1 =	sld [smem:$0x3FA5]  }
0x28: {  	s2 =	sld [smem:$0x3FA6]  }
0x29: {  	s4 =	sld [smem:$0x3FA8]  }
0x2a: {  	p0 =	seq.s32 s5, $0x0;
	s5 =	sld [smem:$0x3FA9]  }
0x2b: {  	s6 =	sld [smem:$0x3FAA]  }
0x2c: {  	s7 =	sld [smem:$0x3FAB]  }
0x2d: {  	s3 =	simm.s32 $0x108;
	s8 =	sld [smem:$0x3FAC]  }
0x2e: {  	s3 =	simm.s32 @!p0 $0x1082;
	s9 =	sld [smem:$0x3FAD]  }
0x2f: {  	lr =	sadd.s32 s0, s3;
	s0 =	sld [smem:$0x3FA4]  }
0x30: {  	s3 =	sld [smem:$0x3FA7]  }
0x31: {  	[smem:$0x3FB0] =	sst s10  }
0x32: {  	s10 =	sld [smem:$0x3FAE];
	_ =	sdelay $0x3  }
0x33: {  	p0 =	seq.s32 s10, $0x1;
	s10 =	sld [smem:$0x3FB0];
	_ =	sdelay $0x3  }
0x34: {  	[smem:$0x3FB0] =	sst s10  }
0x35: {  	s10 =	sld [smem:$0x3FAF];
	_ =	sdelay $0x3  }
0x36: {  	p1 =	seq.s32 s10, $0x1;
	s10 =	sld [smem:$0x3FB0];
	_ =	sdelay $0x3  }
0x37: {  	[smem:$0x3FB0] =	sst s10  }
0x38: {  	s10 =	sld [smem:$0x3FB1]  }
0x39: {  	_ = 	snop;
	(pc) =	sbr.ind lr, $3  }
0x3a: {  	_ = 	snop  }
0x3b: {  	_ = 	snop  }
0x3c: {  	p2 =	seq.s32 s10, $0x1;
	s10 =	sld [smem:$0x3FB0]  }
0x3d: {  	_ =	shalt  }
0x3e: {  	_ =	shalt  }
0x3f: {  	_ =	shalt  }
0x40: {  	_ =	shalt  }
0x41: {  	_ =	shalt  }
0x42: {  	_ =	shalt  }
0x43: {  	_ =	shalt  }
0x44: {  	_ =	shalt  }
0x45: {  	_ =	shalt  }
0x46: {  	_ =	shalt  }
0x47: {  	_ =	shalt  }
0x48: {  	_ =	shalt  }
0x49: {  	_ =	shalt  }
0x4a: {  	_ =	shalt  }
0x4b: {  	_ =	shalt  }
0x4c: {  	_ =	shalt  }
0x4d: {  	_ =	shalt  }
0x4e: {  	_ =	shalt  }
0x4f: {  	_ =	shalt  }
0x50: {  	_ =	shalt  }
0x51: {  	_ =	shalt  }
0x52: {  	_ =	shalt  }
0x53: {  	_ =	shalt  }
0x54: {  	_ =	shalt  }
0x55: {  	_ =	shalt  }
0x56: {  	_ =	shalt  }
0x57: {  	_ =	shalt  }
0x58: {  	_ =	shalt  }
0x59: {  	_ =	shalt  }
0x5a: {  	_ =	shalt  }
0x5b: {  	_ =	shalt  }
0x5c: {  	_ =	shalt  }
0x5d: {  	_ =	shalt  }
0x5e: {  	_ =	shalt  }
0x5f: {  	_ =	shalt  }
0x60: {  	_ =	shalt  }
0x61: {  	_ =	shalt  }
0x62: {  	_ =	shalt  }
0x63: {  	_ =	shalt  }
0x64: {  	_ =	shalt  }
0x65: {  	_ =	shalt  }
0x66: {  	_ =	shalt  }
0x67: {  	_ =	shalt  }
0x68: {  	_ =	shalt  }
0x69: {  	_ =	shalt  }
0x6a: {  	_ =	shalt  }
0x6b: {  	_ =	shalt  }
0x6c: {  	_ =	shalt  }
0x6d: {  	_ =	shalt  }
0x6e: {  	_ =	shalt  }
0x6f: {  	_ =	shalt  }
0x70: {  	_ =	shalt  }
0x71: {  	_ =	shalt  }
0x72: {  	_ =	shalt  }
0x73: {  	_ =	shalt  }
0x74: {  	_ =	shalt  }
0x75: {  	_ =	shalt  }
0x76: {  	_ =	shalt  }
0x77: {  	_ =	shalt  }
0x78: {  	_ =	shalt  }
0x79: {  	_ =	shalt  }
0x7a: {  	_ =	shalt  }
0x7b: {  	_ =	shalt  }
0x7c: {  	_ =	shalt  }
0x7d: {  	_ =	shalt  }
0x7e: {  	_ =	shalt  }
0x7f: {  	_ =	shalt  }
0x80: {  	_ =	shalt  }
0x81: {  	_ =	shalt  }
0x82: {  	_ =	shalt  }
0x83: {  	_ =	shalt  }
0x84: {  	_ =	shalt  }
0x85: {  	_ =	shalt  }
0x86: {  	_ =	shalt  }
0x87: {  	_ =	shalt  }
.Lfunc_end0:
.L_simem_size_0:
called_computation.1_lowered:
.L_overlay_start_0:
0x88: {  	s0 =	sld [smem:$0x3FD9]  }
0x89: {  	s1 =	sld [smem:$0x3FFE];
	_ =	sdelay $0x3  }
0x8a: {  	s0 =	sadd.s32 s1, s0  }
0x8b: {  	[smem:$0x3FBC] =	sst s0  }
0x8c: {  	_ = 	snop  }
0x8d: {  	s0 =	sld [smem:$0x3FD0];
	_ =	sdelay $0x2  }
0x8e: {  	s13 =	simm.s32 $0xA;
	s2 =	simm.s32 $0x10  }
0x8f: {  	[smem:s2], [sflag:s13] =	dma.local [hbm:s0], $0x1  }
0x90: {  	_ =	swait.eq [sflag:s13], $0x1  }
0x91: {  	[sflag:s13] =	ssyncset.done $0x0  }
0x92: {  	s14 =	sld [smem:$0x10];
	[sflag:s13] =	ssyncadd.s32 $0xFFFFFFFF  }
0x93: {  	s15 =	sld [smem:$0x11];
	(tm) =	ssettm $0x1  }
0x94: {  	s16 =	sld [smem:$0x3FFB];
	_ =	sdelay $0x3  }
0x95: {  	_ =	strace s16  }
0x96: {  	s2 =	sld [smem:$0x3FFC];
	_ =	sdelay $0x3  }
0x97: {  	_ =	strace s2  }
0x98: {  	s2 =	sld [smem:$0x3FFD];
	_ =	sdelay $0x3  }
0x99: {  	_ =	strace s2  }
0x9a: {  	_ =	strace $0x8FFFFFFF  }
0x9b: {  	s17 =	sld [smem:$0x3FDB];
	_ =	sdelay $0x1  }
0x9c: {  	s3 =	simm.s32 $_scs_section_size  }
0x9d: {  	s4 =	simm.s32 $_size__tile_overlayer_lowered;
	s5 =	simm.s32 $_tile_overlayer_lowered  }
0x9e: {  	s20 =	simm.s32 $0x1BFF;
	s19 =	sshll.u32 s5, $0x1;
	s2 =	sadd.s32 s3, s17  }
0x9f: {  	s6 =	simm.s32 $0x0;
	s18 =	sshll.u32 s4, $0x1;
	s4 =	sadd.s32 s19, s2  }
0xa0: {  	[timem:s6], [sflag:s20] =	dma.local [hbm:s4], s18  }
0xa1: {  	_ =	swait.ge [sflag:s20], s18  }
0xa2: {  	s3 =	ssub.s32 $0x0, s18;
	[sflag:s20] =	ssyncset.done $0x0  }
0xa3: {  	[sflag:s20] =	ssyncadd.s32 s3;
	_ =	sdelay $0x1  }
0xa4: {  	s21 =	simm.s32 $0x1B8B  }
0xa5: {  	_ =	swait.ge [sflag:s21], $0x1  }
0xa6: {  	[sflag:s21] =	ssyncset.done $0x0  }
0xa7: {  	s23 =	simm.s32 $0x1B8E;
	s22 =	sld [smem:$0x3FFE];
	[sflag:s21] =	ssyncadd.s32 $0xFFFFFFFF  }
0xa8: {  	s24 =	simm.s32 $execute0_lowered;
	[smem:$0x3FD2] =	sst s23  }
0xa9: {  	s4 =	sshll.u32 s24, $0x1;
	_ =	strace $0x80000049;
	[dreg:$0x1] =	wrdreg $0xFFFFFFFF  }
0xaa: {  	s25 =	simm.s32 $_size_execute0_lowered;
	s2 =	sadd.s32 s2, s4;
	[dreg:$0x0] =	wrdreg $0x0  }
0xab: {  	s4 =	sshll.u32 s25, $0x1;
	[dreg:$0x2] =	wrdreg s2  }
0xac: {  	[dreg:$0x3] =	wrdreg s4  }
0xad: {  	[dreg:$0x4] =	wrdreg $0xC0  }
0xae: {  	_ =	task [dreg:s6], $0x5FFFF  }
0xaf: {  	[dreg:$0x1] =	wrdreg $0xFFFFFFFF  }
0xb0: {  	[dreg:$0x0] =	wrdreg $0x60  }
0xb1: {  	[dreg:$0x2] =	wrdreg s14  }
0xb2: {  	[dreg:$0x3] =	wrdreg s22  }
0xb3: {  	[dreg:$0x4] =	wrdreg s15  }
0xb4: {  	[dreg:$0x5] =	wrdreg $0x90000  }
0xb5: {  	[dreg:$0x6] =	wrdreg $0x9  }
0xb6: {  	_ =	task.clear_ibuf [dreg:s6], $0x7FFFF;
	_ =	strace $0x90000049  }
0xb7: {  	s26 =	simm.s32 $0x9;
	_ =	strace $0x8000004B  }
0xb8: {  	_ =	swait.ge [sflag:s26], $0x1  }
0xb9: {  	[sflag:s26] =	ssyncadd.s32 $0xFFFFFFFF  }
0xba: {  	_ =	strace $0x9000004B  }
0xbb: {  	_ =	sfence  }
0xbc: {  	s28 =	sld [smem:$0x0];
	_ =	sdelay $0x1  }
0xbd: {  	s29 =	srdreg.scid  }
0xbe: {  	s30 =	sshll.u32 s29, $0xD;
	s31 =	sshrl.u32 s29, $0x2  }
0xbf: {  	s1 =	sand.u32 $0x1, s29;
	s2 =	sand.u32 $0x4000, s30;
	s0 =	sadd.s32 s31, s28  }
0xc0: {  	s1 =	sor.u32 s2, s1;
	s0 =	sshll.u32 s0, $0x11  }
0xc1: {  	s0 =	sor.u32 s0, s1  }
0xc2: {  	s0 =	sadd.s32 $0x8F2B, s0  }
0xc3: {  	[sflag:s0] =	ssyncadd.remote.s32 $0x1  }
0xc4: {  	_ =	sfence.sel $0xFFFF  }
0xc5: {  	[dreg:$0x0] =	wrdreg $0xFFFFFFFF;
	(pc) =	sbr.abs _section_cstart, $3  }
0xc6: {  	[dreg:$0x1] =	wrdreg $0xFFFFFFFF  }
0xc7: {  	_ =	task.clear_ibuf [dreg:s6], $0x2FFFF;
	_ =	strace $0x9FFFFFFF  }
0xc8: {  	(tm) =	ssettm $0x7FFFFFFF  }
0xc9: {  	_ =	shalt  }
tec
execute0_lowered:
.L_overlay_start_1:
0x0: {  	(tag) =	ssettag $0x1  }
0x1: {  	s2 =	rddreg [dreg:$0x0]  }
0x2: {  	s7 =	rddreg [dreg:$0x1]  }
0x3: {  	s8 =	rddreg [dreg:$0x2]  }
0x4: {  	s3 =	rddreg [dreg:$0x3]  }
0x5: {  	s1 =	stileid.u32;
	s0 =	rddreg [dreg:$0x4]  }
0x6: {  	s9 =	simm.s32 $0x0;
	s29 =	simm.s32 $0x7;
	s5 =	smul.u32 $0x4F000, s1  }
0x7: {  	s30 =	simm.s32 $0x800;
	[smem:$0x7FF] =	sst s9;
	s4 =	smul.u32 $0x2780, s1  }
0x8: {  	s26 =	sshll.u32 s1, $0x6;
	s28 =	smul.u32 $0x5400, s1;
	s5 =	sshrl.u32 s5, $0x2  }
0x9: {  	_ =	strace $0x8000004A;
	s6 =	sadd.s32 s4, s7;
	s10 =	sadd.s32 s5, s3  }
0xa: {  	s11 =	sadd.s32 $0x4A00, s6;
	s5 =	sor.u32 $0x1C07, s26;
	s6 =	sshrl.u32 s10, $0x3  }
0xb: {  	[spmem:s6], [sflag:s5] =	dma.local [hbm:s11], $0x2780  }
0xc: {  	s14 =	simm.s32 $0x1;
	s15 =	simm.s32 $0x3;
	_ =	swait.ge [sflag:s29], $0x2780  }
0xd: {  	s12 =	sadd.s32 $0x53A00, s7;
	s10 =	sshrl.u32 s28, $0x3;
	[sflag:s29] =	ssyncset.done $0x0  }
0xe: {  	s16 =	simm.s32 $0x2;
	s13 =	sadd.s32 s12, s10;
	[sflag:s29] =	ssyncadd.s32 $0xFFFFD880  }
0xf: {  	[tilespmem:s9], [sflag:$0x7] =	stream.linear.gather [hbm4b:s13+s9], $0x400, $0x38;
	[tilespmem:$0x1CC00] =	vst v63  }
0x10: {  	s17 =	simm.s32 $0x4;
	s18 =	simm.s32 $0x5;
	_ =	swait.ge [sflag:s29], $0x400  }
0x11: {  	s19 =	simm.s32 $0x6;
	s31 =	smul.u32 $0xA80, s1;
	[sflag:s29] =	ssyncset.done $0x0  }
0x12: {  	s7 =	sadd.s32 $0x5E200, s7;
	s10 =	sadd.s32 s8, s10;
	[sflag:s29] =	ssyncadd.s32 $0xFFFFFC00  }
0x13: {  	[tilespmem:s30], [sflag:$0x7] =	stream.linear.gather [hbm4b:s10+s9], $0x400, $0x38;
	[tilespmem:$0x1CC00] =	vst v63  }
0x14: {  	s8 =	sadd.s32 s31, s8;
	s11 =	simm.s32 $0x80;
	_ =	swait.ge [sflag:s29], $0x400  }
0x15: {  	s8 =	sadd.s32 $0x80, s8;
	s13 =	simm.s32 $0x5000;
	[sflag:s29] =	ssyncset.done $0x0  }
0x16: {  	s9 =	sadd.s32 s31, s12;
	s10 =	simm.s32 $0x400;
	[sflag:s29] =	ssyncadd.s32 $0xFFFFFC00  }
0x17: {  	s12 =	simm.s32 $0x1000;
	s9 =	sadd.s32 $0x80, s9;
	[bflag:$0x0] =	sbarrier.arrive $0xFFFF  }
.LBB2_1:
0x18: {  	p0 =	seq.s32 s10, $0x5400  }
0x19: {  	s20 =	sand.u32 @!p0 $0x400, s10;
	s21 =	simm.s32 @!p0 $0x0  }
0x1a: {  	[tilespmem:s20], [sflag:$0x5] =	stream.linear.gather @!p0 [hbm4b:s9+s21], $0x400, $0x38;
	[tilespmem:$0x1CC00] =	vst v63  }
0x1b: {  	p1 =	seq.s32 @!p0 s10, $0x400;
	s20 =	sor.u32 @!p0 $0x800, s20  }
0x1c: {  	[tilespmem:s20], [sflag:$0x6] =	stream.linear.gather @!p0 [hbm4b:s8+s21], $0x400, $0x38;
	[tilespmem:$0x1CC00] =	vst v63  }
0x1d: {  	p0 =	por p0, !p1  }
0x1e: {  	_ =	swait.ge @p0 [sflag:s18], $0x400  }
0x1f: {  	[sflag:s18] =	ssyncset.done @p0 $0x0  }
0x20: {  	[sflag:s18] =	ssyncadd.s32 @p0 $0xFFFFFC00  }
0x21: {  	_ =	swait.ge @p0 [sflag:s19], $0x400  }
0x22: {  	s25 =	sadd.s32 $0xFFFFFC00, s10;
	[sflag:s19] =	ssyncset.done @p0 $0x0  }
0x23: {  	s20 =	sand.u32 $0x400, s25;
	[sflag:s19] =	ssyncadd.s32 @p0 $0xFFFFFC00  }
0x24: {  	[tilespmem:s12], [sflag:$0x1] =	stream.indirect.gather [hbm4b:s2+s11], $0x80, s20, s11, $0xb8;
	[tilespmem:$0x1CC00] =	vst v63  }
0x25: {  	s26 =	sor.u32 $0x80, s20  }
0x26: {  	[tilespmem:s13], [sflag:$0x2] =	stream.indirect.gather [hbm4b:s2+s11], $0x80, s26, s11, $0xb8;
	[tilespmem:$0x1CC00] =	vst v63  }
0x27: {  	_ =	swait.ge [sflag:s14], $0x4000  }
0x28: {  	[sflag:s14] =	ssyncset.done $0x0  }
0x29: {  	s28 =	sor.u32 $0x800, s20;
	[sflag:s14] =	ssyncadd.s32 $0xFFFFC000  }
0x2a: {  	[spmem:s3] =	stream.indirect.scatter.add.f32 [tilespmem:s12], [sflag:$0x3], $0x80, s28, s11, $0xb8;
	[tilespmem:$0x1CC00] =	vst v63  }
0x2b: {  	_ =	swait.ge [sflag:s15], $0x4000  }
0x2c: {  	[sflag:s15] =	ssyncset.done $0x0  }
0x2d: {  	s29 =	sor.u32 $0x100, s20;
	[sflag:s15] =	ssyncadd.s32 $0xFFFFC000  }
0x2e: {  	[tilespmem:s12], [sflag:$0x1] =	stream.indirect.gather [hbm4b:s2+s11], $0x80, s29, s11, $0xb8;
	[tilespmem:$0x1CC00] =	vst v63  }
0x2f: {  	_ =	swait.ge [sflag:s16], $0x4000  }
0x30: {  	[sflag:s16] =	ssyncset.done $0x0  }
0x31: {  	s30 =	sor.u32 $0x880, s20;
	[sflag:s16] =	ssyncadd.s32 $0xFFFFC000  }
0x32: {  	[spmem:s3] =	stream.indirect.scatter.add.f32 [tilespmem:s13], [sflag:$0x4], $0x80, s30, s11, $0xb8;
	[tilespmem:$0x1CC00] =	vst v63  }
0x33: {  	_ =	swait.ge [sflag:s17], $0x4000  }
0x34: {  	[sflag:s17] =	ssyncset.done $0x0  }
0x35: {  	s31 =	sor.u32 $0x180, s20;
	[sflag:s17] =	ssyncadd.s32 $0xFFFFC000  }
0x36: {  	[tilespmem:s13], [sflag:$0x2] =	stream.indirect.gather [hbm4b:s2+s11], $0x80, s31, s11, $0xb8;
	[tilespmem:$0x1CC00] =	vst v63  }
0x37: {  	_ =	swait.ge [sflag:s14], $0x4000  }
0x38: {  	[sflag:s14] =	ssyncset.done $0x0  }
0x39: {  	s22 =	sor.u32 $0x900, s20;
	[sflag:s14] =	ssyncadd.s32 $0xFFFFC000  }
0x3a: {  	[spmem:s3] =	stream.indirect.scatter.add.f32 [tilespmem:s12], [sflag:$0x3], $0x80, s22, s11, $0xb8;
	[tilespmem:$0x1CC00] =	vst v63  }
0x3b: {  	_ =	swait.ge [sflag:s15], $0x4000  }
0x3c: {  	[sflag:s15] =	ssyncset.done $0x0  }
0x3d: {  	s23 =	sor.u32 $0x200, s20;
	[sflag:s15] =	ssyncadd.s32 $0xFFFFC000  }
0x3e: {  	[tilespmem:s12], [sflag:$0x1] =	stream.indirect.gather [hbm4b:s2+s11], $0x80, s23, s11, $0xb8;
	[tilespmem:$0x1CC00] =	vst v63  }
0x3f: {  	_ =	swait.ge [sflag:s16], $0x4000  }
0x40: {  	[sflag:s16] =	ssyncset.done $0x0  }
0x41: {  	s24 =	sor.u32 $0x980, s20;
	[sflag:s16] =	ssyncadd.s32 $0xFFFFC000  }
0x42: {  	[spmem:s3] =	stream.indirect.scatter.add.f32 [tilespmem:s13], [sflag:$0x4], $0x80, s24, s11, $0xb8;
	[tilespmem:$0x1CC00] =	vst v63  }
0x43: {  	_ =	swait.ge [sflag:s17], $0x4000  }
0x44: {  	[sflag:s17] =	ssyncset.done $0x0  }
0x45: {  	s25 =	sor.u32 $0x280, s20;
	[sflag:s17] =	ssyncadd.s32 $0xFFFFC000  }
0x46: {  	[tilespmem:s13], [sflag:$0x2] =	stream.indirect.gather [hbm4b:s2+s11], $0x80, s25, s11, $0xb8;
	[tilespmem:$0x1CC00] =	vst v63  }
0x47: {  	_ =	swait.ge [sflag:s14], $0x4000  }
0x48: {  	[sflag:s14] =	ssyncset.done $0x0  }
0x49: {  	s26 =	sor.u32 $0xA00, s20;
	[sflag:s14] =	ssyncadd.s32 $0xFFFFC000  }
0x4a: {  	[spmem:s3] =	stream.indirect.scatter.add.f32 [tilespmem:s12], [sflag:$0x3], $0x80, s26, s11, $0xb8;
	[tilespmem:$0x1CC00] =	vst v63  }
0x4b: {  	_ =	swait.ge [sflag:s15], $0x4000  }
0x4c: {  	[sflag:s15] =	ssyncset.done $0x0  }
0x4d: {  	s28 =	sor.u32 $0x300, s20;
	[sflag:s15] =	ssyncadd.s32 $0xFFFFC000  }
0x4e: {  	[tilespmem:s12], [sflag:$0x1] =	stream.indirect.gather [hbm4b:s2+s11], $0x80, s28, s11, $0xb8;
	[tilespmem:$0x1CC00] =	vst v63  }
0x4f: {  	_ =	swait.ge [sflag:s16], $0x4000  }
0x50: {  	[sflag:s16] =	ssyncset.done $0x0  }
0x51: {  	s29 =	sor.u32 $0xA80, s20;
	[sflag:s16] =	ssyncadd.s32 $0xFFFFC000  }
0x52: {  	[spmem:s3] =	stream.indirect.scatter.add.f32 [tilespmem:s13], [sflag:$0x4], $0x80, s29, s11, $0xb8;
	[tilespmem:$0x1CC00] =	vst v63  }
0x53: {  	_ =	swait.ge [sflag:s17], $0x4000  }
0x54: {  	[sflag:s17] =	ssyncset.done $0x0  }
0x55: {  	s30 =	sor.u32 $0x380, s20;
	[sflag:s17] =	ssyncadd.s32 $0xFFFFC000  }
0x56: {  	[tilespmem:s13], [sflag:$0x2] =	stream.indirect.gather [hbm4b:s2+s11], $0x80, s30, s11, $0xb8;
	[tilespmem:$0x1CC00] =	vst v63  }
0x57: {  	_ =	swait.ge [sflag:s14], $0x4000  }
0x58: {  	[sflag:s14] =	ssyncset.done $0x0  }
0x59: {  	s31 =	sor.u32 $0xB00, s20;
	[sflag:s14] =	ssyncadd.s32 $0xFFFFC000  }
0x5a: {  	[spmem:s3] =	stream.indirect.scatter.add.f32 [tilespmem:s12], [sflag:$0x3], $0x80, s31, s11, $0xb8;
	[tilespmem:$0x1CC00] =	vst v63  }
0x5b: {  	_ =	swait.ge [sflag:s16], $0x4000  }
0x5c: {  	[sflag:s16] =	ssyncset.done $0x0  }
0x5d: {  	s10 =	sadd.s32 $0x400, s10;
	s20 =	sor.u32 $0xB80, s20;
	[sflag:s16] =	ssyncadd.s32 $0xFFFFC000  }
0x5e: {  	[spmem:s3] =	stream.indirect.scatter.add.f32 [tilespmem:s13], [sflag:$0x4], $0x80, s20, s11, $0xb8;
	[tilespmem:$0x1CC00] =	vst v63  }
0x5f: {  	p0 =	sne.s32 s10, $0x5800;
	_ =	swait.ge [sflag:s15], $0x4000  }
.Ltmp0:
0x60: {  	[sflag:s15] =	ssyncset.done $0x0;
	(pc) =	sbr.rel @p0 .LBB2_1-.Ltmp0, $4  }
0x61: {  	[sflag:s15] =	ssyncadd.s32 $0xFFFFC000  }
0x62: {  	_ =	swait.ge [sflag:s17], $0x4000  }
0x63: {  	[sflag:s17] =	ssyncset.done $0x0  }
0x64: {  	s9 =	sadd.s32 $0x80, s9;
	s8 =	sadd.s32 $0x80, s8;
	[sflag:s17] =	ssyncadd.s32 $0xFFFFC000  }
0x65: {  	s2 =	sadd.s32 s7, s4;
	[bflag:$0x0] =	sbarrier.arrive $0xFFFF;
	s31 =	simm.s32 $0x7  }
0x66: {  	[hbm:s2], [sflag:s5] =	dma.local [spmem:s6], $0x2780  }
0x67: {  	_ =	swait.ge [sflag:s31], $0x2780  }
0x68: {  	[sflag:s31] =	ssyncset.done $0x0  }
0x69: {  	[sflag:s31] =	ssyncadd.s32 $0xFFFFD880  }
0x6a: {  	_ =	sfence.sel $0x180000  }
0x6b: {  	[bflag:$0x0] =	sbarrier.arrive $0xFFFF  }
0x6c: {  	p0 =	sne.s32 s1, $0x0;
	_ =	strace $0x9000004A  }
0x6d: {  	s0 =	sadd.s32 @!p0 $0x100000, s0;
	[bflag:$0x2] =	sbarrier.arrive $0xFFFF  }
0x6e: {  	[sflag:s0] =	ssyncadd.tile.s32 @!p0 $0x1;
	_ =	shalt  }
.Lfunc_end2:
_tile_overlayer_lowered:
.L_overlay_start_2:
0x6f: {  	(tag) =	ssettag $0x2  }
0x70: {  	s0 =	rddreg [dreg:$0x0];
	s2 =	stileid.u32  }
0x71: {  	s1 =	rddreg [dreg:$0x1];
	p0 =	sne.s32 s2, $0x0  }
0x72: {  	s3 =	rddreg [dreg:$0x2];
	[bflag:$0x3] =	sbarrier.arrive $0xFFFF;
	s2 =	simm.s32 @!p0 $0x1C07  }
0x73: {  	[timem:s3], [sflag:s2] =	dma.local @!p0 [hbm:s0], s1  }
0x74: {  	s0 =	simm.s32 @!p0 $0x7  }
0x75: {  	_ =	swait.ge @!p0 [sflag:s0], s1  }
0x76: {  	s1 =	ssub.s32 @!p0 $0x0, s1;
	[sflag:s0] =	ssyncset.done @!p0 $0x0  }
0x77: {  	[sflag:s0] =	ssyncadd.s32 @!p0 s1  }
0x78: {  	[bflag:$0x3] =	sbarrier.arrive $0xFFFF  }
0x79: {  	_ =	shalt  }

// kernel: kernel.20.cloned.1.call-start
scs
__scs_entry_jumppad:
0x0: {  	(pc) =	sbr.rel $0x88, $3  }
0x1: {  	(tag) =	ssettag $0x0;
	lr =	simm.s32 $0x1  }
0x2: {  	[smem:$0x3F95] =	sst lr;
	_ =	strace $0xD0000000  }
0x3: {  	_ = 	snop  }
0x4: {  	_ = 	snop  }
0x5: {  	_ = 	snop  }
0x6: {  	_ = 	snop  }
0x7: {  	_ = 	snop  }
__scs_overlays_trampoline_lowered:
0x8: {  	[smem:$0x3FA4] =	sst s0  }
0x9: {  	[smem:$0x3FA5] =	sst s1  }
0xa: {  	[smem:$0x3FA6] =	sst s2  }
0xb: {  	[smem:$0x3FA7] =	sst s3  }
0xc: {  	[smem:$0x3FA8] =	sst s4  }
0xd: {  	[smem:$0x3FA9] =	sst s5  }
0xe: {  	[smem:$0x3FAA] =	sst s6  }
0xf: {  	[smem:$0x3FAB] =	sst s7  }
0x10: {  	[smem:$0x3FAC] =	sst s8  }
0x11: {  	[smem:$0x3FAD] =	sst s9;
	s0 =	simm.s32 @!p0 $0x0  }
0x12: {  	s1 =	sld [smem:$0x3F93];
	s0 =	simm.s32 @p0 $0x1  }
0x13: {  	[smem:$0x3FAE] =	sst s0;
	s0 =	simm.s32 @!p1 $0x0  }
0x14: {  	s2 =	sld [smem:$0x3F92];
	s0 =	simm.s32 @p1 $0x1  }
0x15: {  	[smem:$0x3FAF] =	sst s0;
	s0 =	simm.s32 @!p2 $0x0  }
0x16: {  	s3 =	sld [smem:$0x3FDB];
	s0 =	simm.s32 @p2 $0x1  }
0x17: {  	s4 =	simm.s32 $0x1BF5;
	[smem:$0x3FB1] =	sst s0  }
0x18: {  	s0 =	sld [smem:$0x3F94];
	_ =	swait.ge [sflag:s4], $0x0  }
0x19: {  	s7 =	sld [smem:$0x3F95]  }
0x1a: {  	s8 =	sadd.s32 $0xFFFFE003, lr  }
0x1b: {  	s9 =	sadd.s32 $0xFFFFFEF7, lr;
	s5 =	simm.s32 $0xFFFFFFFF;
	p2 =	slt.u32 s8, $0xFFFFF086  }
0x1c: {  	p1 =	slt.u32 s9, $0xF7A;
	s5 =	simm.s32 @!p2 $0x0  }
0x1d: {  	s5 =	simm.s32 @p1 $0x1;
	p0 =	seq.s32 s7, s2  }
0x1e: {  	s7 =	smul.u32 @!p0 $0xF7A, s2;
	p2 =	seq.s32 @!p0 s5, $0x0  }
0x1f: {  	s9 =	smul.u32 $0xF7A, s1;
	s8 =	simm.s32 @!p0 $0x1BF5;
	p2 =	por !p2, p0  }
0x20: {  	[sflag:s8] =	ssyncset.s32 @!p0 $0xFFFFF086;
	s6 =	sadd.s32 @!p0 s3, s7;
	s7 =	simm.s32 @!p0 $0x108  }
0x21: {  	s3 =	sadd.s32 s3, s9;
	s6 =	sadd.s32 @!p0 $0x88, s6;
	s7 =	simm.s32 @p2 $0x1082  }
0x22: {  	[simem:s7], [sflag:s8] =	dma.local @!p0 [hbm:s6], $0xF7A  }
0x23: {  	s9 =	sor.u32 $0xD0000000, s2;
	s6 =	simm.s32 $0x108;
	_ =	swait.ge @!p0 [sflag:s8], $0x0  }
0x24: {  	s3 =	sadd.s32 $0x88, s3;
	s6 =	simm.s32 @!p1 $0x1082;
	[sflag:s4] =	ssyncset.s32 $0xFFFFF086  }
0x25: {  	[simem:s6], [sflag:s4] =	dma.local [hbm:s3], $0xF7A  }
0x26: {  	[smem:$0x3F95] =	sst s1;
	(tag) =	ssettag s2;
	_ =	strace s9  }
0x27: {  	s1 =	sld [smem:$0x3FA5]  }
0x28: {  	s2 =	sld [smem:$0x3FA6]  }
0x29: {  	s4 =	sld [smem:$0x3FA8]  }
0x2a: {  	p0 =	seq.s32 s5, $0x0;
	s5 =	sld [smem:$0x3FA9]  }
0x2b: {  	s6 =	sld [smem:$0x3FAA]  }
0x2c: {  	s7 =	sld [smem:$0x3FAB]  }
0x2d: {  	s3 =	simm.s32 $0x108;
	s8 =	sld [smem:$0x3FAC]  }
0x2e: {  	s3 =	simm.s32 @!p0 $0x1082;
	s9 =	sld [smem:$0x3FAD]  }
0x2f: {  	lr =	sadd.s32 s0, s3;
	s0 =	sld [smem:$0x3FA4]  }
0x30: {  	s3 =	sld [smem:$0x3FA7]  }
0x31: {  	[smem:$0x3FB0] =	sst s10  }
0x32: {  	s10 =	sld [smem:$0x3FAE];
	_ =	sdelay $0x3  }
0x33: {  	p0 =	seq.s32 s10, $0x1;
	s10 =	sld [smem:$0x3FB0];
	_ =	sdelay $0x3  }
0x34: {  	[smem:$0x3FB0] =	sst s10  }
0x35: {  	s10 =	sld [smem:$0x3FAF];
	_ =	sdelay $0x3  }
0x36: {  	p1 =	seq.s32 s10, $0x1;
	s10 =	sld [smem:$0x3FB0];
	_ =	sdelay $0x3  }
0x37: {  	[smem:$0x3FB0] =	sst s10  }
0x38: {  	s10 =	sld [smem:$0x3FB1]  }
0x39: {  	_ = 	snop;
	(pc) =	sbr.ind lr, $3  }
0x3a: {  	_ = 	snop  }
0x3b: {  	_ = 	snop  }
0x3c: {  	p2 =	seq.s32 s10, $0x1;
	s10 =	sld [smem:$0x3FB0]  }
0x3d: {  	_ =	shalt  }
0x3e: {  	_ =	shalt  }
0x3f: {  	_ =	shalt  }
0x40: {  	_ =	shalt  }
0x41: {  	_ =	shalt  }
0x42: {  	_ =	shalt  }
0x43: {  	_ =	shalt  }
0x44: {  	_ =	shalt  }
0x45: {  	_ =	shalt  }
0x46: {  	_ =	shalt  }
0x47: {  	_ =	shalt  }
0x48: {  	_ =	shalt  }
0x49: {  	_ =	shalt  }
0x4a: {  	_ =	shalt  }
0x4b: {  	_ =	shalt  }
0x4c: {  	_ =	shalt  }
0x4d: {  	_ =	shalt  }
0x4e: {  	_ =	shalt  }
0x4f: {  	_ =	shalt  }
0x50: {  	_ =	shalt  }
0x51: {  	_ =	shalt  }
0x52: {  	_ =	shalt  }
0x53: {  	_ =	shalt  }
0x54: {  	_ =	shalt  }
0x55: {  	_ =	shalt  }
0x56: {  	_ =	shalt  }
0x57: {  	_ =	shalt  }
0x58: {  	_ =	shalt  }
0x59: {  	_ =	shalt  }
0x5a: {  	_ =	shalt  }
0x5b: {  	_ =	shalt  }
0x5c: {  	_ =	shalt  }
0x5d: {  	_ =	shalt  }
0x5e: {  	_ =	shalt  }
0x5f: {  	_ =	shalt  }
0x60: {  	_ =	shalt  }
0x61: {  	_ =	shalt  }
0x62: {  	_ =	shalt  }
0x63: {  	_ =	shalt  }
0x64: {  	_ =	shalt  }
0x65: {  	_ =	shalt  }
0x66: {  	_ =	shalt  }
0x67: {  	_ =	shalt  }
0x68: {  	_ =	shalt  }
0x69: {  	_ =	shalt  }
0x6a: {  	_ =	shalt  }
0x6b: {  	_ =	shalt  }
0x6c: {  	_ =	shalt  }
0x6d: {  	_ =	shalt  }
0x6e: {  	_ =	shalt  }
0x6f: {  	_ =	shalt  }
0x70: {  	_ =	shalt  }
0x71: {  	_ =	shalt  }
0x72: {  	_ =	shalt  }
0x73: {  	_ =	shalt  }
0x74: {  	_ =	shalt  }
0x75: {  	_ =	shalt  }
0x76: {  	_ =	shalt  }
0x77: {  	_ =	shalt  }
0x78: {  	_ =	shalt  }
0x79: {  	_ =	shalt  }
0x7a: {  	_ =	shalt  }
0x7b: {  	_ =	shalt  }
0x7c: {  	_ =	shalt  }
0x7d: {  	_ =	shalt  }
0x7e: {  	_ =	shalt  }
0x7f: {  	_ =	shalt  }
0x80: {  	_ =	shalt  }
0x81: {  	_ =	shalt  }
0x82: {  	_ =	shalt  }
0x83: {  	_ =	shalt  }
0x84: {  	_ =	shalt  }
0x85: {  	_ =	shalt  }
0x86: {  	_ =	shalt  }
0x87: {  	_ =	shalt  }
.Lfunc_end0:
.L_simem_size_0:
called_computation.2_lowered:
.L_overlay_start_0:
0x88: {  	s0 =	sld [smem:$0x3FD9]  }
0x89: {  	s1 =	sld [smem:$0x3FFE];
	_ =	sdelay $0x3  }
0x8a: {  	s0 =	sadd.s32 s1, s0  }
0x8b: {  	[smem:$0x3FBC] =	sst s0  }
0x8c: {  	_ = 	snop  }
0x8d: {  	s0 =	sld [smem:$0x3FD0];
	_ =	sdelay $0x2  }
0x8e: {  	s13 =	simm.s32 $0xA;
	s2 =	simm.s32 $0x10  }
0x8f: {  	[smem:s2], [sflag:s13] =	dma.local [hbm:s0], $0x1  }
0x90: {  	_ =	swait.eq [sflag:s13], $0x1  }
0x91: {  	[sflag:s13] =	ssyncset.done $0x0  }
0x92: {  	s14 =	sld [smem:$0x10];
	[sflag:s13] =	ssyncadd.s32 $0xFFFFFFFF  }
0x93: {  	s15 =	sld [smem:$0x11];
	(tm) =	ssettm $0x1  }
0x94: {  	s16 =	sld [smem:$0x3FFB];
	_ =	sdelay $0x3  }
0x95: {  	_ =	strace s16  }
0x96: {  	s2 =	sld [smem:$0x3FFC];
	_ =	sdelay $0x3  }
0x97: {  	_ =	strace s2  }
0x98: {  	s2 =	sld [smem:$0x3FFD];
	_ =	sdelay $0x3  }
0x99: {  	_ =	strace s2  }
0x9a: {  	_ =	strace $0x8FFFFFFF  }
0x9b: {  	s17 =	sld [smem:$0x3FDB];
	_ =	sdelay $0x1  }
0x9c: {  	s3 =	simm.s32 $_scs_section_size  }
0x9d: {  	s4 =	simm.s32 $_size__tile_overlayer_lowered;
	s5 =	simm.s32 $_tile_overlayer_lowered  }
0x9e: {  	s20 =	simm.s32 $0x1BFF;
	s19 =	sshll.u32 s5, $0x1;
	s2 =	sadd.s32 s3, s17  }
0x9f: {  	s6 =	simm.s32 $0x0;
	s18 =	sshll.u32 s4, $0x1;
	s4 =	sadd.s32 s19, s2  }
0xa0: {  	[timem:s6], [sflag:s20] =	dma.local [hbm:s4], s18  }
0xa1: {  	_ =	swait.ge [sflag:s20], s18  }
0xa2: {  	s3 =	ssub.s32 $0x0, s18;
	[sflag:s20] =	ssyncset.done $0x0  }
0xa3: {  	[sflag:s20] =	ssyncadd.s32 s3;
	_ =	sdelay $0x1  }
0xa4: {  	s21 =	simm.s32 $0x1B8B  }
0xa5: {  	_ =	swait.ge [sflag:s21], $0x1  }
0xa6: {  	[sflag:s21] =	ssyncset.done $0x0  }
0xa7: {  	s23 =	simm.s32 $0x1B8E;
	s22 =	sld [smem:$0x3FFE];
	[sflag:s21] =	ssyncadd.s32 $0xFFFFFFFF  }
0xa8: {  	s24 =	simm.s32 $execute0_lowered;
	[smem:$0x3FD2] =	sst s23  }
0xa9: {  	s4 =	sshll.u32 s24, $0x1;
	_ =	strace $0x8000004C;
	[dreg:$0x1] =	wrdreg $0xFFFFFFFF  }
0xaa: {  	s25 =	simm.s32 $_size_execute0_lowered;
	s2 =	sadd.s32 s2, s4;
	[dreg:$0x0] =	wrdreg $0x0  }
0xab: {  	s4 =	sshll.u32 s25, $0x1;
	[dreg:$0x2] =	wrdreg s2  }
0xac: {  	[dreg:$0x3] =	wrdreg s4  }
0xad: {  	[dreg:$0x4] =	wrdreg $0xC0  }
0xae: {  	_ =	task [dreg:s6], $0x5FFFF  }
0xaf: {  	[dreg:$0x1] =	wrdreg $0xFFFFFFFF  }
0xb0: {  	[dreg:$0x0] =	wrdreg $0x60  }
0xb1: {  	[dreg:$0x2] =	wrdreg s14  }
0xb2: {  	[dreg:$0x3] =	wrdreg s22  }
0xb3: {  	[dreg:$0x4] =	wrdreg s15  }
0xb4: {  	[dreg:$0x5] =	wrdreg $0x90000  }
0xb5: {  	[dreg:$0x6] =	wrdreg $0x9  }
0xb6: {  	_ =	task.clear_ibuf [dreg:s6], $0x7FFFF;
	_ =	strace $0x9000004C  }
0xb7: {  	s26 =	simm.s32 $0x9;
	_ =	strace $0x8000004E  }
0xb8: {  	_ =	swait.ge [sflag:s26], $0x1  }
0xb9: {  	[sflag:s26] =	ssyncadd.s32 $0xFFFFFFFF  }
0xba: {  	_ =	strace $0x9000004E  }
0xbb: {  	_ =	sfence  }
0xbc: {  	s28 =	sld [smem:$0x0];
	_ =	sdelay $0x1  }
0xbd: {  	s29 =	srdreg.scid  }
0xbe: {  	s30 =	sshll.u32 s29, $0xD;
	s31 =	sshrl.u32 s29, $0x2  }
0xbf: {  	s1 =	sand.u32 $0x1, s29;
	s2 =	sand.u32 $0x4000, s30;
	s0 =	sadd.s32 s31, s28  }
0xc0: {  	s1 =	sor.u32 s2, s1;
	s0 =	sshll.u32 s0, $0x11  }
0xc1: {  	s0 =	sor.u32 s0, s1  }
0xc2: {  	s0 =	sadd.s32 $0x8F2B, s0  }
0xc3: {  	[sflag:s0] =	ssyncadd.remote.s32 $0x1  }
0xc4: {  	_ =	sfence.sel $0xFFFF  }
0xc5: {  	[dreg:$0x0] =	wrdreg $0xFFFFFFFF;
	(pc) =	sbr.abs _section_cstart, $3  }
0xc6: {  	[dreg:$0x1] =	wrdreg $0xFFFFFFFF  }
0xc7: {  	_ =	task.clear_ibuf [dreg:s6], $0x2FFFF;
	_ =	strace $0x9FFFFFFF  }
0xc8: {  	(tm) =	ssettm $0x7FFFFFFF  }
0xc9: {  	_ =	shalt  }
tec
execute0_lowered:
.L_overlay_start_1:
0x0: {  	(tag) =	ssettag $0x1  }
0x1: {  	s2 =	rddreg [dreg:$0x0]  }
0x2: {  	s7 =	rddreg [dreg:$0x1]  }
0x3: {  	s8 =	rddreg [dreg:$0x2]  }
0x4: {  	s3 =	rddreg [dreg:$0x3]  }
0x5: {  	s1 =	stileid.u32;
	s0 =	rddreg [dreg:$0x4]  }
0x6: {  	s9 =	simm.s32 $0x0;
	s29 =	simm.s32 $0x7;
	s5 =	smul.u32 $0x4F000, s1  }
0x7: {  	s30 =	simm.s32 $0x800;
	[smem:$0x7FF] =	sst s9;
	s4 =	smul.u32 $0x2780, s1  }
0x8: {  	s26 =	sshll.u32 s1, $0x6;
	s28 =	smul.u32 $0x5400, s1;
	s5 =	sshrl.u32 s5, $0x2  }
0x9: {  	_ =	strace $0x8000004D;
	s6 =	sadd.s32 s4, s7;
	s10 =	sadd.s32 s5, s3  }
0xa: {  	s11 =	sadd.s32 $0x4A00, s6;
	s5 =	sor.u32 $0x1C07, s26;
	s6 =	sshrl.u32 s10, $0x3  }
0xb: {  	[spmem:s6], [sflag:s5] =	dma.local [hbm:s11], $0x2780  }
0xc: {  	s14 =	simm.s32 $0x1;
	s15 =	simm.s32 $0x3;
	_ =	swait.ge [sflag:s29], $0x2780  }
0xd: {  	s12 =	sadd.s32 $0x53A00, s7;
	s10 =	sshrl.u32 s28, $0x3;
	[sflag:s29] =	ssyncset.done $0x0  }
0xe: {  	s16 =	simm.s32 $0x2;
	s13 =	sadd.s32 s12, s10;
	[sflag:s29] =	ssyncadd.s32 $0xFFFFD880  }
0xf: {  	[tilespmem:s9], [sflag:$0x7] =	stream.linear.gather [hbm4b:s13+s9], $0x400, $0x38;
	[tilespmem:$0x1CC00] =	vst v63  }
0x10: {  	s17 =	simm.s32 $0x4;
	s18 =	simm.s32 $0x5;
	_ =	swait.ge [sflag:s29], $0x400  }
0x11: {  	s19 =	simm.s32 $0x6;
	s31 =	smul.u32 $0xA80, s1;
	[sflag:s29] =	ssyncset.done $0x0  }
0x12: {  	s7 =	sadd.s32 $0x5E200, s7;
	s10 =	sadd.s32 s8, s10;
	[sflag:s29] =	ssyncadd.s32 $0xFFFFFC00  }
0x13: {  	[tilespmem:s30], [sflag:$0x7] =	stream.linear.gather [hbm4b:s10+s9], $0x400, $0x38;
	[tilespmem:$0x1CC00] =	vst v63  }
0x14: {  	s8 =	sadd.s32 s31, s8;
	s11 =	simm.s32 $0x80;
	_ =	swait.ge [sflag:s29], $0x400  }
0x15: {  	s8 =	sadd.s32 $0x80, s8;
	s13 =	simm.s32 $0x5000;
	[sflag:s29] =	ssyncset.done $0x0  }
0x16: {  	s9 =	sadd.s32 s31, s12;
	s10 =	simm.s32 $0x400;
	[sflag:s29] =	ssyncadd.s32 $0xFFFFFC00  }
0x17: {  	s12 =	simm.s32 $0x1000;
	s9 =	sadd.s32 $0x80, s9;
	[bflag:$0x0] =	sbarrier.arrive $0xFFFF  }
.LBB2_1:
0x18: {  	p0 =	seq.s32 s10, $0x5400  }
0x19: {  	s20 =	sand.u32 @!p0 $0x400, s10;
	s21 =	simm.s32 @!p0 $0x0  }
0x1a: {  	[tilespmem:s20], [sflag:$0x5] =	stream.linear.gather @!p0 [hbm4b:s9+s21], $0x400, $0x38;
	[tilespmem:$0x1CC00] =	vst v63  }
0x1b: {  	p1 =	seq.s32 @!p0 s10, $0x400;
	s20 =	sor.u32 @!p0 $0x800, s20  }
0x1c: {  	[tilespmem:s20], [sflag:$0x6] =	stream.linear.gather @!p0 [hbm4b:s8+s21], $0x400, $0x38;
	[tilespmem:$0x1CC00] =	vst v63  }
0x1d: {  	p0 =	por p0, !p1  }
0x1e: {  	_ =	swait.ge @p0 [sflag:s18], $0x400  }
0x1f: {  	[sflag:s18] =	ssyncset.done @p0 $0x0  }
0x20: {  	[sflag:s18] =	ssyncadd.s32 @p0 $0xFFFFFC00  }
0x21: {  	_ =	swait.ge @p0 [sflag:s19], $0x400  }
0x22: {  	s25 =	sadd.s32 $0xFFFFFC00, s10;
	[sflag:s19] =	ssyncset.done @p0 $0x0  }
0x23: {  	s20 =	sand.u32 $0x400, s25;
	[sflag:s19] =	ssyncadd.s32 @p0 $0xFFFFFC00  }
0x24: {  	[tilespmem:s12], [sflag:$0x1] =	stream.indirect.gather [hbm4b:s2+s11], $0x80, s20, s11, $0xb8;
	[tilespmem:$0x1CC00] =	vst v63  }
0x25: {  	s26 =	sor.u32 $0x80, s20  }
0x26: {  	[tilespmem:s13], [sflag:$0x2] =	stream.indirect.gather [hbm4b:s2+s11], $0x80, s26, s11, $0xb8;
	[tilespmem:$0x1CC00] =	vst v63  }
0x27: {  	_ =	swait.ge [sflag:s14], $0x4000  }
0x28: {  	[sflag:s14] =	ssyncset.done $0x0  }
0x29: {  	s28 =	sor.u32 $0x800, s20;
	[sflag:s14] =	ssyncadd.s32 $0xFFFFC000  }
0x2a: {  	[spmem:s3] =	stream.indirect.scatter.add.f32 [tilespmem:s12], [sflag:$0x3], $0x80, s28, s11, $0xb8;
	[tilespmem:$0x1CC00] =	vst v63  }
0x2b: {  	_ =	swait.ge [sflag:s15], $0x4000  }
0x2c: {  	[sflag:s15] =	ssyncset.done $0x0  }
0x2d: {  	s29 =	sor.u32 $0x100, s20;
	[sflag:s15] =	ssyncadd.s32 $0xFFFFC000  }
0x2e: {  	[tilespmem:s12], [sflag:$0x1] =	stream.indirect.gather [hbm4b:s2+s11], $0x80, s29, s11, $0xb8;
	[tilespmem:$0x1CC00] =	vst v63  }
0x2f: {  	_ =	swait.ge [sflag:s16], $0x4000  }
0x30: {  	[sflag:s16] =	ssyncset.done $0x0  }
0x31: {  	s30 =	sor.u32 $0x880, s20;
	[sflag:s16] =	ssyncadd.s32 $0xFFFFC000  }
0x32: {  	[spmem:s3] =	stream.indirect.scatter.add.f32 [tilespmem:s13], [sflag:$0x4], $0x80, s30, s11, $0xb8;
	[tilespmem:$0x1CC00] =	vst v63  }
0x33: {  	_ =	swait.ge [sflag:s17], $0x4000  }
0x34: {  	[sflag:s17] =	ssyncset.done $0x0  }
0x35: {  	s31 =	sor.u32 $0x180, s20;
	[sflag:s17] =	ssyncadd.s32 $0xFFFFC000  }
0x36: {  	[tilespmem:s13], [sflag:$0x2] =	stream.indirect.gather [hbm4b:s2+s11], $0x80, s31, s11, $0xb8;
	[tilespmem:$0x1CC00] =	vst v63  }
0x37: {  	_ =	swait.ge [sflag:s14], $0x4000  }
0x38: {  	[sflag:s14] =	ssyncset.done $0x0  }
0x39: {  	s22 =	sor.u32 $0x900, s20;
	[sflag:s14] =	ssyncadd.s32 $0xFFFFC000  }
0x3a: {  	[spmem:s3] =	stream.indirect.scatter.add.f32 [tilespmem:s12], [sflag:$0x3], $0x80, s22, s11, $0xb8;
	[tilespmem:$0x1CC00] =	vst v63  }
0x3b: {  	_ =	swait.ge [sflag:s15], $0x4000  }
0x3c: {  	[sflag:s15] =	ssyncset.done $0x0  }
0x3d: {  	s23 =	sor.u32 $0x200, s20;
	[sflag:s15] =	ssyncadd.s32 $0xFFFFC000  }
0x3e: {  	[tilespmem:s12], [sflag:$0x1] =	stream.indirect.gather [hbm4b:s2+s11], $0x80, s23, s11, $0xb8;
	[tilespmem:$0x1CC00] =	vst v63  }
0x3f: {  	_ =	swait.ge [sflag:s16], $0x4000  }
0x40: {  	[sflag:s16] =	ssyncset.done $0x0  }
0x41: {  	s24 =	sor.u32 $0x980, s20;
	[sflag:s16] =	ssyncadd.s32 $0xFFFFC000  }
0x42: {  	[spmem:s3] =	stream.indirect.scatter.add.f32 [tilespmem:s13], [sflag:$0x4], $0x80, s24, s11, $0xb8;
	[tilespmem:$0x1CC00] =	vst v63  }
0x43: {  	_ =	swait.ge [sflag:s17], $0x4000  }
0x44: {  	[sflag:s17] =	ssyncset.done $0x0  }
0x45: {  	s25 =	sor.u32 $0x280, s20;
	[sflag:s17] =	ssyncadd.s32 $0xFFFFC000  }
0x46: {  	[tilespmem:s13], [sflag:$0x2] =	stream.indirect.gather [hbm4b:s2+s11], $0x80, s25, s11, $0xb8;
	[tilespmem:$0x1CC00] =	vst v63  }
0x47: {  	_ =	swait.ge [sflag:s14], $0x4000  }
0x48: {  	[sflag:s14] =	ssyncset.done $0x0  }
0x49: {  	s26 =	sor.u32 $0xA00, s20;
	[sflag:s14] =	ssyncadd.s32 $0xFFFFC000  }
0x4a: {  	[spmem:s3] =	stream.indirect.scatter.add.f32 [tilespmem:s12], [sflag:$0x3], $0x80, s26, s11, $0xb8;
	[tilespmem:$0x1CC00] =	vst v63  }
0x4b: {  	_ =	swait.ge [sflag:s15], $0x4000  }
0x4c: {  	[sflag:s15] =	ssyncset.done $0x0  }
0x4d: {  	s28 =	sor.u32 $0x300, s20;
	[sflag:s15] =	ssyncadd.s32 $0xFFFFC000  }
0x4e: {  	[tilespmem:s12], [sflag:$0x1] =	stream.indirect.gather [hbm4b:s2+s11], $0x80, s28, s11, $0xb8;
	[tilespmem:$0x1CC00] =	vst v63  }
0x4f: {  	_ =	swait.ge [sflag:s16], $0x4000  }
0x50: {  	[sflag:s16] =	ssyncset.done $0x0  }
0x51: {  	s29 =	sor.u32 $0xA80, s20;
	[sflag:s16] =	ssyncadd.s32 $0xFFFFC000  }
0x52: {  	[spmem:s3] =	stream.indirect.scatter.add.f32 [tilespmem:s13], [sflag:$0x4], $0x80, s29, s11, $0xb8;
	[tilespmem:$0x1CC00] =	vst v63  }
0x53: {  	_ =	swait.ge [sflag:s17], $0x4000  }
0x54: {  	[sflag:s17] =	ssyncset.done $0x0  }
0x55: {  	s30 =	sor.u32 $0x380, s20;
	[sflag:s17] =	ssyncadd.s32 $0xFFFFC000  }
0x56: {  	[tilespmem:s13], [sflag:$0x2] =	stream.indirect.gather [hbm4b:s2+s11], $0x80, s30, s11, $0xb8;
	[tilespmem:$0x1CC00] =	vst v63  }
0x57: {  	_ =	swait.ge [sflag:s14], $0x4000  }
0x58: {  	[sflag:s14] =	ssyncset.done $0x0  }
0x59: {  	s31 =	sor.u32 $0xB00, s20;
	[sflag:s14] =	ssyncadd.s32 $0xFFFFC000  }
0x5a: {  	[spmem:s3] =	stream.indirect.scatter.add.f32 [tilespmem:s12], [sflag:$0x3], $0x80, s31, s11, $0xb8;
	[tilespmem:$0x1CC00] =	vst v63  }
0x5b: {  	_ =	swait.ge [sflag:s16], $0x4000  }
0x5c: {  	[sflag:s16] =	ssyncset.done $0x0  }
0x5d: {  	s10 =	sadd.s32 $0x400, s10;
	s20 =	sor.u32 $0xB80, s20;
	[sflag:s16] =	ssyncadd.s32 $0xFFFFC000  }
0x5e: {  	[spmem:s3] =	stream.indirect.scatter.add.f32 [tilespmem:s13], [sflag:$0x4], $0x80, s20, s11, $0xb8;
	[tilespmem:$0x1CC00] =	vst v63  }
0x5f: {  	p0 =	sne.s32 s10, $0x5800;
	_ =	swait.ge [sflag:s15], $0x4000  }
.Ltmp0:
0x60: {  	[sflag:s15] =	ssyncset.done $0x0;
	(pc) =	sbr.rel @p0 .LBB2_1-.Ltmp0, $4  }
0x61: {  	[sflag:s15] =	ssyncadd.s32 $0xFFFFC000  }
0x62: {  	_ =	swait.ge [sflag:s17], $0x4000  }
0x63: {  	[sflag:s17] =	ssyncset.done $0x0  }
0x64: {  	s9 =	sadd.s32 $0x80, s9;
	s8 =	sadd.s32 $0x80, s8;
	[sflag:s17] =	ssyncadd.s32 $0xFFFFC000  }
0x65: {  	s2 =	sadd.s32 s7, s4;
	[bflag:$0x0] =	sbarrier.arrive $0xFFFF;
	s31 =	simm.s32 $0x7  }
0x66: {  	[hbm:s2], [sflag:s5] =	dma.local [spmem:s6], $0x2780  }
0x67: {  	_ =	swait.ge [sflag:s31], $0x2780  }
0x68: {  	[sflag:s31] =	ssyncset.done $0x0  }
0x69: {  	[sflag:s31] =	ssyncadd.s32 $0xFFFFD880  }
0x6a: {  	_ =	sfence.sel $0x180000  }
0x6b: {  	[bflag:$0x0] =	sbarrier.arrive $0xFFFF  }
0x6c: {  	p0 =	sne.s32 s1, $0x0;
	_ =	strace $0x9000004D  }
0x6d: {  	s0 =	sadd.s32 @!p0 $0x100000, s0;
	[bflag:$0x2] =	sbarrier.arrive $0xFFFF  }
0x6e: {  	[sflag:s0] =	ssyncadd.tile.s32 @!p0 $0x1;
	_ =	shalt  }
.Lfunc_end2:
_tile_overlayer_lowered:
.L_overlay_start_2:
0x6f: {  	(tag) =	ssettag $0x2  }
0x70: {  	s0 =	rddreg [dreg:$0x0];
	s2 =	stileid.u32  }
0x71: {  	s1 =	rddreg [dreg:$0x1];
	p0 =	sne.s32 s2, $0x0  }
0x72: {  	s3 =	rddreg [dreg:$0x2];
	[bflag:$0x3] =	sbarrier.arrive $0xFFFF;
	s2 =	simm.s32 @!p0 $0x1C07  }
0x73: {  	[timem:s3], [sflag:s2] =	dma.local @!p0 [hbm:s0], s1  }
0x74: {  	s0 =	simm.s32 @!p0 $0x7  }
0x75: {  	_ =	swait.ge @!p0 [sflag:s0], s1  }
0x76: {  	s1 =	ssub.s32 @!p0 $0x0, s1;
	[sflag:s0] =	ssyncset.done @!p0 $0x0  }
0x77: {  	[sflag:s0] =	ssyncadd.s32 @!p0 s1  }
0x78: {  	[bflag:$0x3] =	sbarrier.arrive $0xFFFF  }
0x79: {  	_ =	shalt  }

// kernel: kernel.23.cloned.1.call-start
scs
__scs_entry_jumppad:
0x0: {  	(pc) =	sbr.rel $0x88, $3  }
0x1: {  	(tag) =	ssettag $0x0;
	lr =	simm.s32 $0x1  }
0x2: {  	[smem:$0x3F95] =	sst lr;
	_ =	strace $0xD0000000  }
0x3: {  	_ = 	snop  }
0x4: {  	_ = 	snop  }
0x5: {  	_ = 	snop  }
0x6: {  	_ = 	snop  }
0x7: {  	_ = 	snop  }
__scs_overlays_trampoline_lowered:
0x8: {  	[smem:$0x3FA4] =	sst s0  }
0x9: {  	[smem:$0x3FA5] =	sst s1  }
0xa: {  	[smem:$0x3FA6] =	sst s2  }
0xb: {  	[smem:$0x3FA7] =	sst s3  }
0xc: {  	[smem:$0x3FA8] =	sst s4  }
0xd: {  	[smem:$0x3FA9] =	sst s5  }
0xe: {  	[smem:$0x3FAA] =	sst s6  }
0xf: {  	[smem:$0x3FAB] =	sst s7  }
0x10: {  	[smem:$0x3FAC] =	sst s8  }
0x11: {  	[smem:$0x3FAD] =	sst s9;
	s0 =	simm.s32 @!p0 $0x0  }
0x12: {  	s1 =	sld [smem:$0x3F93];
	s0 =	simm.s32 @p0 $0x1  }
0x13: {  	[smem:$0x3FAE] =	sst s0;
	s0 =	simm.s32 @!p1 $0x0  }
0x14: {  	s2 =	sld [smem:$0x3F92];
	s0 =	simm.s32 @p1 $0x1  }
0x15: {  	[smem:$0x3FAF] =	sst s0;
	s0 =	simm.s32 @!p2 $0x0  }
0x16: {  	s3 =	sld [smem:$0x3FDB];
	s0 =	simm.s32 @p2 $0x1  }
0x17: {  	s4 =	simm.s32 $0x1BF5;
	[smem:$0x3FB1] =	sst s0  }
0x18: {  	s0 =	sld [smem:$0x3F94];
	_ =	swait.ge [sflag:s4], $0x0  }
0x19: {  	s7 =	sld [smem:$0x3F95]  }
0x1a: {  	s8 =	sadd.s32 $0xFFFFE003, lr  }
0x1b: {  	s9 =	sadd.s32 $0xFFFFFEF7, lr;
	s5 =	simm.s32 $0xFFFFFFFF;
	p2 =	slt.u32 s8, $0xFFFFF086  }
0x1c: {  	p1 =	slt.u32 s9, $0xF7A;
	s5 =	simm.s32 @!p2 $0x0  }
0x1d: {  	s5 =	simm.s32 @p1 $0x1;
	p0 =	seq.s32 s7, s2  }
0x1e: {  	s7 =	smul.u32 @!p0 $0xF7A, s2;
	p2 =	seq.s32 @!p0 s5, $0x0  }
0x1f: {  	s9 =	smul.u32 $0xF7A, s1;
	s8 =	simm.s32 @!p0 $0x1BF5;
	p2 =	por !p2, p0  }
0x20: {  	[sflag:s8] =	ssyncset.s32 @!p0 $0xFFFFF086;
	s6 =	sadd.s32 @!p0 s3, s7;
	s7 =	simm.s32 @!p0 $0x108  }
0x21: {  	s3 =	sadd.s32 s3, s9;
	s6 =	sadd.s32 @!p0 $0x88, s6;
	s7 =	simm.s32 @p2 $0x1082  }
0x22: {  	[simem:s7], [sflag:s8] =	dma.local @!p0 [hbm:s6], $0xF7A  }
0x23: {  	s9 =	sor.u32 $0xD0000000, s2;
	s6 =	simm.s32 $0x108;
	_ =	swait.ge @!p0 [sflag:s8], $0x0  }
0x24: {  	s3 =	sadd.s32 $0x88, s3;
	s6 =	simm.s32 @!p1 $0x1082;
	[sflag:s4] =	ssyncset.s32 $0xFFFFF086  }
0x25: {  	[simem:s6], [sflag:s4] =	dma.local [hbm:s3], $0xF7A  }
0x26: {  	[smem:$0x3F95] =	sst s1;
	(tag) =	ssettag s2;
	_ =	strace s9  }
0x27: {  	s1 =	sld [smem:$0x3FA5]  }
0x28: {  	s2 =	sld [smem:$0x3FA6]  }
0x29: {  	s4 =	sld [smem:$0x3FA8]  }
0x2a: {  	p0 =	seq.s32 s5, $0x0;
	s5 =	sld [smem:$0x3FA9]  }
0x2b: {  	s6 =	sld [smem:$0x3FAA]  }
0x2c: {  	s7 =	sld [smem:$0x3FAB]  }
0x2d: {  	s3 =	simm.s32 $0x108;
	s8 =	sld [smem:$0x3FAC]  }
0x2e: {  	s3 =	simm.s32 @!p0 $0x1082;
	s9 =	sld [smem:$0x3FAD]  }
0x2f: {  	lr =	sadd.s32 s0, s3;
	s0 =	sld [smem:$0x3FA4]  }
0x30: {  	s3 =	sld [smem:$0x3FA7]  }
0x31: {  	[smem:$0x3FB0] =	sst s10  }
0x32: {  	s10 =	sld [smem:$0x3FAE];
	_ =	sdelay $0x3  }
0x33: {  	p0 =	seq.s32 s10, $0x1;
	s10 =	sld [smem:$0x3FB0];
	_ =	sdelay $0x3  }
0x34: {  	[smem:$0x3FB0] =	sst s10  }
0x35: {  	s10 =	sld [smem:$0x3FAF];
	_ =	sdelay $0x3  }
0x36: {  	p1 =	seq.s32 s10, $0x1;
	s10 =	sld [smem:$0x3FB0];
	_ =	sdelay $0x3  }
0x37: {  	[smem:$0x3FB0] =	sst s10  }
0x38: {  	s10 =	sld [smem:$0x3FB1]  }
0x39: {  	_ = 	snop;
	(pc) =	sbr.ind lr, $3  }
0x3a: {  	_ = 	snop  }
0x3b: {  	_ = 	snop  }
0x3c: {  	p2 =	seq.s32 s10, $0x1;
	s10 =	sld [smem:$0x3FB0]  }
0x3d: {  	_ =	shalt  }
0x3e: {  	_ =	shalt  }
0x3f: {  	_ =	shalt  }
0x40: {  	_ =	shalt  }
0x41: {  	_ =	shalt  }
0x42: {  	_ =	shalt  }
0x43: {  	_ =	shalt  }
0x44: {  	_ =	shalt  }
0x45: {  	_ =	shalt  }
0x46: {  	_ =	shalt  }
0x47: {  	_ =	shalt  }
0x48: {  	_ =	shalt  }
0x49: {  	_ =	shalt  }
0x4a: {  	_ =	shalt  }
0x4b: {  	_ =	shalt  }
0x4c: {  	_ =	shalt  }
0x4d: {  	_ =	shalt  }
0x4e: {  	_ =	shalt  }
0x4f: {  	_ =	shalt  }
0x50: {  	_ =	shalt  }
0x51: {  	_ =	shalt  }
0x52: {  	_ =	shalt  }
0x53: {  	_ =	shalt  }
0x54: {  	_ =	shalt  }
0x55: {  	_ =	shalt  }
0x56: {  	_ =	shalt  }
0x57: {  	_ =	shalt  }
0x58: {  	_ =	shalt  }
0x59: {  	_ =	shalt  }
0x5a: {  	_ =	shalt  }
0x5b: {  	_ =	shalt  }
0x5c: {  	_ =	shalt  }
0x5d: {  	_ =	shalt  }
0x5e: {  	_ =	shalt  }
0x5f: {  	_ =	shalt  }
0x60: {  	_ =	shalt  }
0x61: {  	_ =	shalt  }
0x62: {  	_ =	shalt  }
0x63: {  	_ =	shalt  }
0x64: {  	_ =	shalt  }
0x65: {  	_ =	shalt  }
0x66: {  	_ =	shalt  }
0x67: {  	_ =	shalt  }
0x68: {  	_ =	shalt  }
0x69: {  	_ =	shalt  }
0x6a: {  	_ =	shalt  }
0x6b: {  	_ =	shalt  }
0x6c: {  	_ =	shalt  }
0x6d: {  	_ =	shalt  }
0x6e: {  	_ =	shalt  }
0x6f: {  	_ =	shalt  }
0x70: {  	_ =	shalt  }
0x71: {  	_ =	shalt  }
0x72: {  	_ =	shalt  }
0x73: {  	_ =	shalt  }
0x74: {  	_ =	shalt  }
0x75: {  	_ =	shalt  }
0x76: {  	_ =	shalt  }
0x77: {  	_ =	shalt  }
0x78: {  	_ =	shalt  }
0x79: {  	_ =	shalt  }
0x7a: {  	_ =	shalt  }
0x7b: {  	_ =	shalt  }
0x7c: {  	_ =	shalt  }
0x7d: {  	_ =	shalt  }
0x7e: {  	_ =	shalt  }
0x7f: {  	_ =	shalt  }
0x80: {  	_ =	shalt  }
0x81: {  	_ =	shalt  }
0x82: {  	_ =	shalt  }
0x83: {  	_ =	shalt  }
0x84: {  	_ =	shalt  }
0x85: {  	_ =	shalt  }
0x86: {  	_ =	shalt  }
0x87: {  	_ =	shalt  }
.Lfunc_end0:
.L_simem_size_0:
called_computation.3_lowered:
.L_overlay_start_0:
0x88: {  	s0 =	sld [smem:$0x3FD9]  }
0x89: {  	s1 =	sld [smem:$0x3FFE];
	_ =	sdelay $0x3  }
0x8a: {  	s0 =	sadd.s32 s1, s0  }
0x8b: {  	[smem:$0x3FBC] =	sst s0  }
0x8c: {  	_ = 	snop  }
0x8d: {  	s0 =	sld [smem:$0x3FD0];
	_ =	sdelay $0x2  }
0x8e: {  	s13 =	simm.s32 $0xA;
	s2 =	simm.s32 $0x10  }
0x8f: {  	[smem:s2], [sflag:s13] =	dma.local [hbm:s0], $0x1  }
0x90: {  	_ =	swait.eq [sflag:s13], $0x1  }
0x91: {  	[sflag:s13] =	ssyncset.done $0x0  }
0x92: {  	s14 =	sld [smem:$0x10];
	[sflag:s13] =	ssyncadd.s32 $0xFFFFFFFF  }
0x93: {  	s15 =	sld [smem:$0x11];
	(tm) =	ssettm $0x1  }
0x94: {  	s16 =	sld [smem:$0x3FFB];
	_ =	sdelay $0x3  }
0x95: {  	_ =	strace s16  }
0x96: {  	s2 =	sld [smem:$0x3FFC];
	_ =	sdelay $0x3  }
0x97: {  	_ =	strace s2  }
0x98: {  	s2 =	sld [smem:$0x3FFD];
	_ =	sdelay $0x3  }
0x99: {  	_ =	strace s2  }
0x9a: {  	_ =	strace $0x8FFFFFFF  }
0x9b: {  	s17 =	sld [smem:$0x3FDB];
	_ =	sdelay $0x1  }
0x9c: {  	s3 =	simm.s32 $_scs_section_size  }
0x9d: {  	s4 =	simm.s32 $_size__tile_overlayer_lowered;
	s5 =	simm.s32 $_tile_overlayer_lowered  }
0x9e: {  	s20 =	simm.s32 $0x1BFF;
	s19 =	sshll.u32 s5, $0x1;
	s2 =	sadd.s32 s3, s17  }
0x9f: {  	s6 =	simm.s32 $0x0;
	s18 =	sshll.u32 s4, $0x1;
	s4 =	sadd.s32 s19, s2  }
0xa0: {  	[timem:s6], [sflag:s20] =	dma.local [hbm:s4], s18  }
0xa1: {  	_ =	swait.ge [sflag:s20], s18  }
0xa2: {  	s3 =	ssub.s32 $0x0, s18;
	[sflag:s20] =	ssyncset.done $0x0  }
0xa3: {  	[sflag:s20] =	ssyncadd.s32 s3;
	_ =	sdelay $0x1  }
0xa4: {  	s21 =	simm.s32 $0x1B8B  }
0xa5: {  	_ =	swait.ge [sflag:s21], $0x1  }
0xa6: {  	[sflag:s21] =	ssyncset.done $0x0  }
0xa7: {  	s23 =	simm.s32 $0x1B8E;
	s22 =	sld [smem:$0x3FFE];
	[sflag:s21] =	ssyncadd.s32 $0xFFFFFFFF  }
0xa8: {  	s24 =	simm.s32 $execute0_lowered;
	[smem:$0x3FD2] =	sst s23  }
0xa9: {  	s4 =	sshll.u32 s24, $0x1;
	_ =	strace $0x8000004F;
	[dreg:$0x1] =	wrdreg $0xFFFFFFFF  }
0xaa: {  	s25 =	simm.s32 $_size_execute0_lowered;
	s2 =	sadd.s32 s2, s4;
	[dreg:$0x0] =	wrdreg $0x0  }
0xab: {  	s4 =	sshll.u32 s25, $0x1;
	[dreg:$0x2] =	wrdreg s2  }
0xac: {  	[dreg:$0x3] =	wrdreg s4  }
0xad: {  	[dreg:$0x4] =	wrdreg $0xC0  }
0xae: {  	_ =	task [dreg:s6], $0x5FFFF  }
0xaf: {  	[dreg:$0x1] =	wrdreg $0xFFFFFFFF  }
0xb0: {  	[dreg:$0x0] =	wrdreg $0x60  }
0xb1: {  	[dreg:$0x2] =	wrdreg s14  }
0xb2: {  	[dreg:$0x3] =	wrdreg s22  }
0xb3: {  	[dreg:$0x4] =	wrdreg s15  }
0xb4: {  	[dreg:$0x5] =	wrdreg $0x90000  }
0xb5: {  	[dreg:$0x6] =	wrdreg $0x9  }
0xb6: {  	_ =	task.clear_ibuf [dreg:s6], $0x7FFFF;
	_ =	strace $0x9000004F  }
0xb7: {  	s26 =	simm.s32 $0x9;
	_ =	strace $0x80000051  }
0xb8: {  	_ =	swait.ge [sflag:s26], $0x1  }
0xb9: {  	[sflag:s26] =	ssyncadd.s32 $0xFFFFFFFF  }
0xba: {  	_ =	strace $0x90000051  }
0xbb: {  	_ =	sfence  }
0xbc: {  	s28 =	sld [smem:$0x0];
	_ =	sdelay $0x1  }
0xbd: {  	s29 =	srdreg.scid  }
0xbe: {  	s30 =	sshll.u32 s29, $0xD;
	s31 =	sshrl.u32 s29, $0x2  }
0xbf: {  	s1 =	sand.u32 $0x1, s29;
	s2 =	sand.u32 $0x4000, s30;
	s0 =	sadd.s32 s31, s28  }
0xc0: {  	s1 =	sor.u32 s2, s1;
	s0 =	sshll.u32 s0, $0x11  }
0xc1: {  	s0 =	sor.u32 s0, s1  }
0xc2: {  	s0 =	sadd.s32 $0x8F2B, s0  }
0xc3: {  	[sflag:s0] =	ssyncadd.remote.s32 $0x1  }
0xc4: {  	_ =	sfence.sel $0xFFFF  }
0xc5: {  	[dreg:$0x0] =	wrdreg $0xFFFFFFFF;
	(pc) =	sbr.abs _section_cstart, $3  }
0xc6: {  	[dreg:$0x1] =	wrdreg $0xFFFFFFFF  }
0xc7: {  	_ =	task.clear_ibuf [dreg:s6], $0x2FFFF;
	_ =	strace $0x9FFFFFFF  }
0xc8: {  	(tm) =	ssettm $0x7FFFFFFF  }
0xc9: {  	_ =	shalt  }
tec
execute0_lowered:
.L_overlay_start_1:
0x0: {  	(tag) =	ssettag $0x1  }
0x1: {  	s2 =	rddreg [dreg:$0x0]  }
0x2: {  	s7 =	rddreg [dreg:$0x1]  }
0x3: {  	s8 =	rddreg [dreg:$0x2]  }
0x4: {  	s3 =	rddreg [dreg:$0x3]  }
0x5: {  	s1 =	stileid.u32;
	s0 =	rddreg [dreg:$0x4]  }
0x6: {  	s9 =	simm.s32 $0x0;
	s29 =	simm.s32 $0x7;
	s5 =	smul.u32 $0x4F000, s1  }
0x7: {  	s30 =	simm.s32 $0x800;
	[smem:$0x7FF] =	sst s9;
	s4 =	smul.u32 $0x2780, s1  }
0x8: {  	s26 =	sshll.u32 s1, $0x6;
	s28 =	smul.u32 $0x5400, s1;
	s5 =	sshrl.u32 s5, $0x2  }
0x9: {  	_ =	strace $0x80000050;
	s6 =	sadd.s32 s4, s7;
	s10 =	sadd.s32 s5, s3  }
0xa: {  	s11 =	sadd.s32 $0x4A00, s6;
	s5 =	sor.u32 $0x1C07, s26;
	s6 =	sshrl.u32 s10, $0x3  }
0xb: {  	[spmem:s6], [sflag:s5] =	dma.local [hbm:s11], $0x2780  }
0xc: {  	s14 =	simm.s32 $0x1;
	s15 =	simm.s32 $0x3;
	_ =	swait.ge [sflag:s29], $0x2780  }
0xd: {  	s12 =	sadd.s32 $0x53A00, s7;
	s10 =	sshrl.u32 s28, $0x3;
	[sflag:s29] =	ssyncset.done $0x0  }
0xe: {  	s16 =	simm.s32 $0x2;
	s13 =	sadd.s32 s12, s10;
	[sflag:s29] =	ssyncadd.s32 $0xFFFFD880  }
0xf: {  	[tilespmem:s9], [sflag:$0x7] =	stream.linear.gather [hbm4b:s13+s9], $0x400, $0x38;
	[tilespmem:$0x1CC00] =	vst v63  }
0x10: {  	s17 =	simm.s32 $0x4;
	s18 =	simm.s32 $0x5;
	_ =	swait.ge [sflag:s29], $0x400  }
0x11: {  	s19 =	simm.s32 $0x6;
	s31 =	smul.u32 $0xA80, s1;
	[sflag:s29] =	ssyncset.done $0x0  }
0x12: {  	s7 =	sadd.s32 $0x5E200, s7;
	s10 =	sadd.s32 s8, s10;
	[sflag:s29] =	ssyncadd.s32 $0xFFFFFC00  }
0x13: {  	[tilespmem:s30], [sflag:$0x7] =	stream.linear.gather [hbm4b:s10+s9], $0x400, $0x38;
	[tilespmem:$0x1CC00] =	vst v63  }
0x14: {  	s8 =	sadd.s32 s31, s8;
	s11 =	simm.s32 $0x80;
	_ =	swait.ge [sflag:s29], $0x400  }
0x15: {  	s8 =	sadd.s32 $0x80, s8;
	s13 =	simm.s32 $0x5000;
	[sflag:s29] =	ssyncset.done $0x0  }
0x16: {  	s9 =	sadd.s32 s31, s12;
	s10 =	simm.s32 $0x400;
	[sflag:s29] =	ssyncadd.s32 $0xFFFFFC00  }
0x17: {  	s12 =	simm.s32 $0x1000;
	s9 =	sadd.s32 $0x80, s9;
	[bflag:$0x0] =	sbarrier.arrive $0xFFFF  }
.LBB2_1:
0x18: {  	p0 =	seq.s32 s10, $0x5400  }
0x19: {  	s20 =	sand.u32 @!p0 $0x400, s10;
	s21 =	simm.s32 @!p0 $0x0  }
0x1a: {  	[tilespmem:s20], [sflag:$0x5] =	stream.linear.gather @!p0 [hbm4b:s9+s21], $0x400, $0x38;
	[tilespmem:$0x1CC00] =	vst v63  }
0x1b: {  	p1 =	seq.s32 @!p0 s10, $0x400;
	s20 =	sor.u32 @!p0 $0x800, s20  }
0x1c: {  	[tilespmem:s20], [sflag:$0x6] =	stream.linear.gather @!p0 [hbm4b:s8+s21], $0x400, $0x38;
	[tilespmem:$0x1CC00] =	vst v63  }
0x1d: {  	p0 =	por p0, !p1  }
0x1e: {  	_ =	swait.ge @p0 [sflag:s18], $0x400  }
0x1f: {  	[sflag:s18] =	ssyncset.done @p0 $0x0  }
0x20: {  	[sflag:s18] =	ssyncadd.s32 @p0 $0xFFFFFC00  }
0x21: {  	_ =	swait.ge @p0 [sflag:s19], $0x400  }
0x22: {  	s25 =	sadd.s32 $0xFFFFFC00, s10;
	[sflag:s19] =	ssyncset.done @p0 $0x0  }
0x23: {  	s20 =	sand.u32 $0x400, s25;
	[sflag:s19] =	ssyncadd.s32 @p0 $0xFFFFFC00  }
0x24: {  	[tilespmem:s12], [sflag:$0x1] =	stream.indirect.gather [hbm4b:s2+s11], $0x80, s20, s11, $0xb8;
	[tilespmem:$0x1CC00] =	vst v63  }
0x25: {  	s26 =	sor.u32 $0x80, s20  }
0x26: {  	[tilespmem:s13], [sflag:$0x2] =	stream.indirect.gather [hbm4b:s2+s11], $0x80, s26, s11, $0xb8;
	[tilespmem:$0x1CC00] =	vst v63  }
0x27: {  	_ =	swait.ge [sflag:s14], $0x4000  }
0x28: {  	[sflag:s14] =	ssyncset.done $0x0  }
0x29: {  	s28 =	sor.u32 $0x800, s20;
	[sflag:s14] =	ssyncadd.s32 $0xFFFFC000  }
0x2a: {  	[spmem:s3] =	stream.indirect.scatter.add.f32 [tilespmem:s12], [sflag:$0x3], $0x80, s28, s11, $0xb8;
	[tilespmem:$0x1CC00] =	vst v63  }
0x2b: {  	_ =	swait.ge [sflag:s15], $0x4000  }
0x2c: {  	[sflag:s15] =	ssyncset.done $0x0  }
0x2d: {  	s29 =	sor.u32 $0x100, s20;
	[sflag:s15] =	ssyncadd.s32 $0xFFFFC000  }
0x2e: {  	[tilespmem:s12], [sflag:$0x1] =	stream.indirect.gather [hbm4b:s2+s11], $0x80, s29, s11, $0xb8;
	[tilespmem:$0x1CC00] =	vst v63  }
0x2f: {  	_ =	swait.ge [sflag:s16], $0x4000  }
0x30: {  	[sflag:s16] =	ssyncset.done $0x0  }
0x31: {  	s30 =	sor.u32 $0x880, s20;
	[sflag:s16] =	ssyncadd.s32 $0xFFFFC000  }
0x32: {  	[spmem:s3] =	stream.indirect.scatter.add.f32 [tilespmem:s13], [sflag:$0x4], $0x80, s30, s11, $0xb8;
	[tilespmem:$0x1CC00] =	vst v63  }
0x33: {  	_ =	swait.ge [sflag:s17], $0x4000  }
0x34: {  	[sflag:s17] =	ssyncset.done $0x0  }
0x35: {  	s31 =	sor.u32 $0x180, s20;
	[sflag:s17] =	ssyncadd.s32 $0xFFFFC000  }
0x36: {  	[tilespmem:s13], [sflag:$0x2] =	stream.indirect.gather [hbm4b:s2+s11], $0x80, s31, s11, $0xb8;
	[tilespmem:$0x1CC00] =	vst v63  }
0x37: {  	_ =	swait.ge [sflag:s14], $0x4000  }
0x38: {  	[sflag:s14] =	ssyncset.done $0x0  }
0x39: {  	s22 =	sor.u32 $0x900, s20;
	[sflag:s14] =	ssyncadd.s32 $0xFFFFC000  }
0x3a: {  	[spmem:s3] =	stream.indirect.scatter.add.f32 [tilespmem:s12], [sflag:$0x3], $0x80, s22, s11, $0xb8;
	[tilespmem:$0x1CC00] =	vst v63  }
0x3b: {  	_ =	swait.ge [sflag:s15], $0x4000  }
0x3c: {  	[sflag:s15] =	ssyncset.done $0x0  }
0x3d: {  	s23 =	sor.u32 $0x200, s20;
	[sflag:s15] =	ssyncadd.s32 $0xFFFFC000  }
0x3e: {  	[tilespmem:s12], [sflag:$0x1] =	stream.indirect.gather [hbm4b:s2+s11], $0x80, s23, s11, $0xb8;
	[tilespmem:$0x1CC00] =	vst v63  }
0x3f: {  	_ =	swait.ge [sflag:s16], $0x4000  }
0x40: {  	[sflag:s16] =	ssyncset.done $0x0  }
0x41: {  	s24 =	sor.u32 $0x980, s20;
	[sflag:s16] =	ssyncadd.s32 $0xFFFFC000  }
0x42: {  	[spmem:s3] =	stream.indirect.scatter.add.f32 [tilespmem:s13], [sflag:$0x4], $0x80, s24, s11, $0xb8;
	[tilespmem:$0x1CC00] =	vst v63  }
0x43: {  	_ =	swait.ge [sflag:s17], $0x4000  }
0x44: {  	[sflag:s17] =	ssyncset.done $0x0  }
0x45: {  	s25 =	sor.u32 $0x280, s20;
	[sflag:s17] =	ssyncadd.s32 $0xFFFFC000  }
0x46: {  	[tilespmem:s13], [sflag:$0x2] =	stream.indirect.gather [hbm4b:s2+s11], $0x80, s25, s11, $0xb8;
	[tilespmem:$0x1CC00] =	vst v63  }
0x47: {  	_ =	swait.ge [sflag:s14], $0x4000  }
0x48: {  	[sflag:s14] =	ssyncset.done $0x0  }
0x49: {  	s26 =	sor.u32 $0xA00, s20;
	[sflag:s14] =	ssyncadd.s32 $0xFFFFC000  }
0x4a: {  	[spmem:s3] =	stream.indirect.scatter.add.f32 [tilespmem:s12], [sflag:$0x3], $0x80, s26, s11, $0xb8;
	[tilespmem:$0x1CC00] =	vst v63  }
0x4b: {  	_ =	swait.ge [sflag:s15], $0x4000  }
0x4c: {  	[sflag:s15] =	ssyncset.done $0x0  }
0x4d: {  	s28 =	sor.u32 $0x300, s20;
	[sflag:s15] =	ssyncadd.s32 $0xFFFFC000  }
0x4e: {  	[tilespmem:s12], [sflag:$0x1] =	stream.indirect.gather [hbm4b:s2+s11], $0x80, s28, s11, $0xb8;
	[tilespmem:$0x1CC00] =	vst v63  }
0x4f: {  	_ =	swait.ge [sflag:s16], $0x4000  }
0x50: {  	[sflag:s16] =	ssyncset.done $0x0  }
0x51: {  	s29 =	sor.u32 $0xA80, s20;
	[sflag:s16] =	ssyncadd.s32 $0xFFFFC000  }
0x52: {  	[spmem:s3] =	stream.indirect.scatter.add.f32 [tilespmem:s13], [sflag:$0x4], $0x80, s29, s11, $0xb8;
	[tilespmem:$0x1CC00] =	vst v63  }
0x53: {  	_ =	swait.ge [sflag:s17], $0x4000  }
0x54: {  	[sflag:s17] =	ssyncset.done $0x0  }
0x55: {  	s30 =	sor.u32 $0x380, s20;
	[sflag:s17] =	ssyncadd.s32 $0xFFFFC000  }
0x56: {  	[tilespmem:s13], [sflag:$0x2] =	stream.indirect.gather [hbm4b:s2+s11], $0x80, s30, s11, $0xb8;
	[tilespmem:$0x1CC00] =	vst v63  }
0x57: {  	_ =	swait.ge [sflag:s14], $0x4000  }
0x58: {  	[sflag:s14] =	ssyncset.done $0x0  }
0x59: {  	s31 =	sor.u32 $0xB00, s20;
	[sflag:s14] =	ssyncadd.s32 $0xFFFFC000  }
0x5a: {  	[spmem:s3] =	stream.indirect.scatter.add.f32 [tilespmem:s12], [sflag:$0x3], $0x80, s31, s11, $0xb8;
	[tilespmem:$0x1CC00] =	vst v63  }
0x5b: {  	_ =	swait.ge [sflag:s16], $0x4000  }
0x5c: {  	[sflag:s16] =	ssyncset.done $0x0  }
0x5d: {  	s10 =	sadd.s32 $0x400, s10;
	s20 =	sor.u32 $0xB80, s20;
	[sflag:s16] =	ssyncadd.s32 $0xFFFFC000  }
0x5e: {  	[spmem:s3] =	stream.indirect.scatter.add.f32 [tilespmem:s13], [sflag:$0x4], $0x80, s20, s11, $0xb8;
	[tilespmem:$0x1CC00] =	vst v63  }
0x5f: {  	p0 =	sne.s32 s10, $0x5800;
	_ =	swait.ge [sflag:s15], $0x4000  }
.Ltmp0:
0x60: {  	[sflag:s15] =	ssyncset.done $0x0;
	(pc) =	sbr.rel @p0 .LBB2_1-.Ltmp0, $4  }
0x61: {  	[sflag:s15] =	ssyncadd.s32 $0xFFFFC000  }
0x62: {  	_ =	swait.ge [sflag:s17], $0x4000  }
0x63: {  	[sflag:s17] =	ssyncset.done $0x0  }
0x64: {  	s9 =	sadd.s32 $0x80, s9;
	s8 =	sadd.s32 $0x80, s8;
	[sflag:s17] =	ssyncadd.s32 $0xFFFFC000  }
0x65: {  	s2 =	sadd.s32 s7, s4;
	[bflag:$0x0] =	sbarrier.arrive $0xFFFF;
	s31 =	simm.s32 $0x7  }
0x66: {  	[hbm:s2], [sflag:s5] =	dma.local [spmem:s6], $0x2780  }
0x67: {  	_ =	swait.ge [sflag:s31], $0x2780  }
0x68: {  	[sflag:s31] =	ssyncset.done $0x0  }
0x69: {  	[sflag:s31] =	ssyncadd.s32 $0xFFFFD880  }
0x6a: {  	_ =	sfence.sel $0x180000  }
0x6b: {  	[bflag:$0x0] =	sbarrier.arrive $0xFFFF  }
0x6c: {  	p0 =	sne.s32 s1, $0x0;
	_ =	strace $0x90000050  }
0x6d: {  	s0 =	sadd.s32 @!p0 $0x100000, s0;
	[bflag:$0x2] =	sbarrier.arrive $0xFFFF  }
0x6e: {  	[sflag:s0] =	ssyncadd.tile.s32 @!p0 $0x1;
	_ =	shalt  }
.Lfunc_end2:
_tile_overlayer_lowered:
.L_overlay_start_2:
0x6f: {  	(tag) =	ssettag $0x2  }
0x70: {  	s0 =	rddreg [dreg:$0x0];
	s2 =	stileid.u32  }
0x71: {  	s1 =	rddreg [dreg:$0x1];
	p0 =	sne.s32 s2, $0x0  }
0x72: {  	s3 =	rddreg [dreg:$0x2];
	[bflag:$0x3] =	sbarrier.arrive $0xFFFF;
	s2 =	simm.s32 @!p0 $0x1C07  }
0x73: {  	[timem:s3], [sflag:s2] =	dma.local @!p0 [hbm:s0], s1  }
0x74: {  	s0 =	simm.s32 @!p0 $0x7  }
0x75: {  	_ =	swait.ge @!p0 [sflag:s0], s1  }
0x76: {  	s1 =	ssub.s32 @!p0 $0x0, s1;
	[sflag:s0] =	ssyncset.done @!p0 $0x0  }
0x77: {  	[sflag:s0] =	ssyncadd.s32 @!p0 s1  }
0x78: {  	[bflag:$0x3] =	sbarrier.arrive $0xFFFF  }
0x79: {  	_ =	shalt  }

// kernel: kernel.26.cloned.1.call-start
scs
__scs_entry_jumppad:
0x0: {  	(pc) =	sbr.rel $0x88, $3  }
0x1: {  	(tag) =	ssettag $0x0;
	lr =	simm.s32 $0x1  }
0x2: {  	[smem:$0x3F95] =	sst lr;
	_ =	strace $0xD0000000  }
0x3: {  	_ = 	snop  }
0x4: {  	_ = 	snop  }
0x5: {  	_ = 	snop  }
0x6: {  	_ = 	snop  }
0x7: {  	_ = 	snop  }
__scs_overlays_trampoline_lowered:
0x8: {  	[smem:$0x3FA4] =	sst s0  }
0x9: {  	[smem:$0x3FA5] =	sst s1  }
0xa: {  	[smem:$0x3FA6] =	sst s2  }
0xb: {  	[smem:$0x3FA7] =	sst s3  }
0xc: {  	[smem:$0x3FA8] =	sst s4  }
0xd: {  	[smem:$0x3FA9] =	sst s5  }
0xe: {  	[smem:$0x3FAA] =	sst s6  }
0xf: {  	[smem:$0x3FAB] =	sst s7  }
0x10: {  	[smem:$0x3FAC] =	sst s8  }
0x11: {  	[smem:$0x3FAD] =	sst s9;
	s0 =	simm.s32 @!p0 $0x0  }
0x12: {  	s1 =	sld [smem:$0x3F93];
	s0 =	simm.s32 @p0 $0x1  }
0x13: {  	[smem:$0x3FAE] =	sst s0;
	s0 =	simm.s32 @!p1 $0x0  }
0x14: {  	s2 =	sld [smem:$0x3F92];
	s0 =	simm.s32 @p1 $0x1  }
0x15: {  	[smem:$0x3FAF] =	sst s0;
	s0 =	simm.s32 @!p2 $0x0  }
0x16: {  	s3 =	sld [smem:$0x3FDB];
	s0 =	simm.s32 @p2 $0x1  }
0x17: {  	s4 =	simm.s32 $0x1BF5;
	[smem:$0x3FB1] =	sst s0  }
0x18: {  	s0 =	sld [smem:$0x3F94];
	_ =	swait.ge [sflag:s4], $0x0  }
0x19: {  	s7 =	sld [smem:$0x3F95]  }
0x1a: {  	s8 =	sadd.s32 $0xFFFFE003, lr  }
0x1b: {  	s9 =	sadd.s32 $0xFFFFFEF7, lr;
	s5 =	simm.s32 $0xFFFFFFFF;
	p2 =	slt.u32 s8, $0xFFFFF086  }
0x1c: {  	p1 =	slt.u32 s9, $0xF7A;
	s5 =	simm.s32 @!p2 $0x0  }
0x1d: {  	s5 =	simm.s32 @p1 $0x1;
	p0 =	seq.s32 s7, s2  }
0x1e: {  	s7 =	smul.u32 @!p0 $0xF7A, s2;
	p2 =	seq.s32 @!p0 s5, $0x0  }
0x1f: {  	s9 =	smul.u32 $0xF7A, s1;
	s8 =	simm.s32 @!p0 $0x1BF5;
	p2 =	por !p2, p0  }
0x20: {  	[sflag:s8] =	ssyncset.s32 @!p0 $0xFFFFF086;
	s6 =	sadd.s32 @!p0 s3, s7;
	s7 =	simm.s32 @!p0 $0x108  }
0x21: {  	s3 =	sadd.s32 s3, s9;
	s6 =	sadd.s32 @!p0 $0x88, s6;
	s7 =	simm.s32 @p2 $0x1082  }
0x22: {  	[simem:s7], [sflag:s8] =	dma.local @!p0 [hbm:s6], $0xF7A  }
0x23: {  	s9 =	sor.u32 $0xD0000000, s2;
	s6 =	simm.s32 $0x108;
	_ =	swait.ge @!p0 [sflag:s8], $0x0  }
0x24: {  	s3 =	sadd.s32 $0x88, s3;
	s6 =	simm.s32 @!p1 $0x1082;
	[sflag:s4] =	ssyncset.s32 $0xFFFFF086  }
0x25: {  	[simem:s6], [sflag:s4] =	dma.local [hbm:s3], $0xF7A  }
0x26: {  	[smem:$0x3F95] =	sst s1;
	(tag) =	ssettag s2;
	_ =	strace s9  }
0x27: {  	s1 =	sld [smem:$0x3FA5]  }
0x28: {  	s2 =	sld [smem:$0x3FA6]  }
0x29: {  	s4 =	sld [smem:$0x3FA8]  }
0x2a: {  	p0 =	seq.s32 s5, $0x0;
	s5 =	sld [smem:$0x3FA9]  }
0x2b: {  	s6 =	sld [smem:$0x3FAA]  }
0x2c: {  	s7 =	sld [smem:$0x3FAB]  }
0x2d: {  	s3 =	simm.s32 $0x108;
	s8 =	sld [smem:$0x3FAC]  }
0x2e: {  	s3 =	simm.s32 @!p0 $0x1082;
	s9 =	sld [smem:$0x3FAD]  }
0x2f: {  	lr =	sadd.s32 s0, s3;
	s0 =	sld [smem:$0x3FA4]  }
0x30: {  	s3 =	sld [smem:$0x3FA7]  }
0x31: {  	[smem:$0x3FB0] =	sst s10  }
0x32: {  	s10 =	sld [smem:$0x3FAE];
	_ =	sdelay $0x3  }
0x33: {  	p0 =	seq.s32 s10, $0x1;
	s10 =	sld [smem:$0x3FB0];
	_ =	sdelay $0x3  }
0x34: {  	[smem:$0x3FB0] =	sst s10  }
0x35: {  	s10 =	sld [smem:$0x3FAF];
	_ =	sdelay $0x3  }
0x36: {  	p1 =	seq.s32 s10, $0x1;
	s10 =	sld [smem:$0x3FB0];
	_ =	sdelay $0x3  }
0x37: {  	[smem:$0x3FB0] =	sst s10  }
0x38: {  	s10 =	sld [smem:$0x3FB1]  }
0x39: {  	_ = 	snop;
	(pc) =	sbr.ind lr, $3  }
0x3a: {  	_ = 	snop  }
0x3b: {  	_ = 	snop  }
0x3c: {  	p2 =	seq.s32 s10, $0x1;
	s10 =	sld [smem:$0x3FB0]  }
0x3d: {  	_ =	shalt  }
0x3e: {  	_ =	shalt  }
0x3f: {  	_ =	shalt  }
0x40: {  	_ =	shalt  }
0x41: {  	_ =	shalt  }
0x42: {  	_ =	shalt  }
0x43: {  	_ =	shalt  }
0x44: {  	_ =	shalt  }
0x45: {  	_ =	shalt  }
0x46: {  	_ =	shalt  }
0x47: {  	_ =	shalt  }
0x48: {  	_ =	shalt  }
0x49: {  	_ =	shalt  }
0x4a: {  	_ =	shalt  }
0x4b: {  	_ =	shalt  }
0x4c: {  	_ =	shalt  }
0x4d: {  	_ =	shalt  }
0x4e: {  	_ =	shalt  }
0x4f: {  	_ =	shalt  }
0x50: {  	_ =	shalt  }
0x51: {  	_ =	shalt  }
0x52: {  	_ =	shalt  }
0x53: {  	_ =	shalt  }
0x54: {  	_ =	shalt  }
0x55: {  	_ =	shalt  }
0x56: {  	_ =	shalt  }
0x57: {  	_ =	shalt  }
0x58: {  	_ =	shalt  }
0x59: {  	_ =	shalt  }
0x5a: {  	_ =	shalt  }
0x5b: {  	_ =	shalt  }
0x5c: {  	_ =	shalt  }
0x5d: {  	_ =	shalt  }
0x5e: {  	_ =	shalt  }
0x5f: {  	_ =	shalt  }
0x60: {  	_ =	shalt  }
0x61: {  	_ =	shalt  }
0x62: {  	_ =	shalt  }
0x63: {  	_ =	shalt  }
0x64: {  	_ =	shalt  }
0x65: {  	_ =	shalt  }
0x66: {  	_ =	shalt  }
0x67: {  	_ =	shalt  }
0x68: {  	_ =	shalt  }
0x69: {  	_ =	shalt  }
0x6a: {  	_ =	shalt  }
0x6b: {  	_ =	shalt  }
0x6c: {  	_ =	shalt  }
0x6d: {  	_ =	shalt  }
0x6e: {  	_ =	shalt  }
0x6f: {  	_ =	shalt  }
0x70: {  	_ =	shalt  }
0x71: {  	_ =	shalt  }
0x72: {  	_ =	shalt  }
0x73: {  	_ =	shalt  }
0x74: {  	_ =	shalt  }
0x75: {  	_ =	shalt  }
0x76: {  	_ =	shalt  }
0x77: {  	_ =	shalt  }
0x78: {  	_ =	shalt  }
0x79: {  	_ =	shalt  }
0x7a: {  	_ =	shalt  }
0x7b: {  	_ =	shalt  }
0x7c: {  	_ =	shalt  }
0x7d: {  	_ =	shalt  }
0x7e: {  	_ =	shalt  }
0x7f: {  	_ =	shalt  }
0x80: {  	_ =	shalt  }
0x81: {  	_ =	shalt  }
0x82: {  	_ =	shalt  }
0x83: {  	_ =	shalt  }
0x84: {  	_ =	shalt  }
0x85: {  	_ =	shalt  }
0x86: {  	_ =	shalt  }
0x87: {  	_ =	shalt  }
.Lfunc_end0:
.L_simem_size_0:
called_computation.4_lowered:
.L_overlay_start_0:
0x88: {  	s0 =	sld [smem:$0x3FD9]  }
0x89: {  	s1 =	sld [smem:$0x3FFE];
	_ =	sdelay $0x3  }
0x8a: {  	s0 =	sadd.s32 s1, s0  }
0x8b: {  	[smem:$0x3FBC] =	sst s0  }
0x8c: {  	_ = 	snop  }
0x8d: {  	s0 =	sld [smem:$0x3FD0];
	_ =	sdelay $0x2  }
0x8e: {  	s13 =	simm.s32 $0xA;
	s2 =	simm.s32 $0x10  }
0x8f: {  	[smem:s2], [sflag:s13] =	dma.local [hbm:s0], $0x1  }
0x90: {  	_ =	swait.eq [sflag:s13], $0x1  }
0x91: {  	[sflag:s13] =	ssyncset.done $0x0  }
0x92: {  	[sflag:s13] =	ssyncadd.s32 $0xFFFFFFFF  }
0x93: {  	s14 =	sld [smem:$0x11];
	(tm) =	ssettm $0x1  }
0x94: {  	s15 =	sld [smem:$0x3FFB];
	_ =	sdelay $0x3  }
0x95: {  	_ =	strace s15  }
0x96: {  	s1 =	sld [smem:$0x3FFC];
	_ =	sdelay $0x3  }
0x97: {  	_ =	strace s1  }
0x98: {  	s1 =	sld [smem:$0x3FFD];
	_ =	sdelay $0x3  }
0x99: {  	_ =	strace s1  }
0x9a: {  	_ =	strace $0x8FFFFFFF  }
0x9b: {  	s16 =	sld [smem:$0x3FDB];
	_ =	sdelay $0x1  }
0x9c: {  	s17 =	simm.s32 $_scs_section_size  }
0x9d: {  	s3 =	simm.s32 $_size__tile_overlayer_lowered;
	s4 =	simm.s32 $_tile_overlayer_lowered  }
0x9e: {  	s20 =	simm.s32 $0x1BFF;
	s19 =	sshll.u32 s4, $0x1;
	s1 =	sadd.s32 s17, s16  }
0x9f: {  	s5 =	simm.s32 $0x0;
	s18 =	sshll.u32 s3, $0x1;
	s3 =	sadd.s32 s19, s1  }
0xa0: {  	[timem:s5], [sflag:s20] =	dma.local [hbm:s3], s18  }
0xa1: {  	_ =	swait.ge [sflag:s20], s18  }
0xa2: {  	s2 =	ssub.s32 $0x0, s18;
	[sflag:s20] =	ssyncset.done $0x0  }
0xa3: {  	[sflag:s20] =	ssyncadd.s32 s2;
	_ =	sdelay $0x1  }
0xa4: {  	s21 =	simm.s32 $0x1B8B  }
0xa5: {  	_ =	swait.ge [sflag:s21], $0x1  }
0xa6: {  	[sflag:s21] =	ssyncset.done $0x0  }
0xa7: {  	s23 =	simm.s32 $0x1B8E;
	s22 =	sld [smem:$0x3FFE];
	[sflag:s21] =	ssyncadd.s32 $0xFFFFFFFF  }
0xa8: {  	s24 =	simm.s32 $execute0_lowered;
	[smem:$0x3FD2] =	sst s23  }
0xa9: {  	s3 =	sshll.u32 s24, $0x1;
	_ =	strace $0x80000052;
	[dreg:$0x1] =	wrdreg $0xFFFFFFFF  }
0xaa: {  	s25 =	simm.s32 $_size_execute0_lowered;
	s1 =	sadd.s32 s1, s3;
	[dreg:$0x0] =	wrdreg $0x0  }
0xab: {  	s3 =	sshll.u32 s25, $0x1;
	[dreg:$0x2] =	wrdreg s1  }
0xac: {  	[dreg:$0x3] =	wrdreg s3  }
0xad: {  	[dreg:$0x4] =	wrdreg $0xC0  }
0xae: {  	_ =	task [dreg:s5], $0x5FFFF  }
0xaf: {  	[dreg:$0x1] =	wrdreg $0xFFFFFFFF  }
0xb0: {  	[dreg:$0x0] =	wrdreg $0x60  }
0xb1: {  	[dreg:$0x2] =	wrdreg s22  }
0xb2: {  	[dreg:$0x3] =	wrdreg s14  }
0xb3: {  	[dreg:$0x4] =	wrdreg $0x90000  }
0xb4: {  	[dreg:$0x5] =	wrdreg $0x9  }
0xb5: {  	_ =	task.clear_ibuf [dreg:s5], $0x6FFFF;
	_ =	strace $0x90000052  }
0xb6: {  	s26 =	simm.s32 $0x9;
	_ =	strace $0x80000054  }
0xb7: {  	_ =	swait.ge [sflag:s26], $0x1  }
0xb8: {  	[sflag:s26] =	ssyncadd.s32 $0xFFFFFFFF  }
0xb9: {  	_ =	strace $0x90000054  }
0xba: {  	_ =	sfence  }
0xbb: {  	s28 =	sld [smem:$0x0];
	_ =	sdelay $0x1  }
0xbc: {  	s29 =	srdreg.scid  }
0xbd: {  	s30 =	sshll.u32 s29, $0xD;
	s31 =	sshrl.u32 s29, $0x2  }
0xbe: {  	s2 =	sand.u32 $0x4000, s30;
	s1 =	sand.u32 $0x1, s29;
	s0 =	sadd.s32 s31, s28  }
0xbf: {  	s1 =	sor.u32 s2, s1;
	s0 =	sshll.u32 s0, $0x11  }
0xc0: {  	s0 =	sor.u32 s0, s1  }
0xc1: {  	s0 =	sadd.s32 $0x8F2B, s0  }
0xc2: {  	[sflag:s0] =	ssyncadd.remote.s32 $0x1  }
0xc3: {  	_ =	sfence.sel $0xFFFF  }
0xc4: {  	[dreg:$0x0] =	wrdreg $0xFFFFFFFF;
	(pc) =	sbr.abs _section_cstart, $3  }
0xc5: {  	[dreg:$0x1] =	wrdreg $0xFFFFFFFF  }
0xc6: {  	_ =	task.clear_ibuf [dreg:s5], $0x2FFFF;
	_ =	strace $0x9FFFFFFF  }
0xc7: {  	(tm) =	ssettm $0x7FFFFFFF  }
tec
execute0_lowered:
.L_overlay_start_1:
0x0: {  	(tag) =	ssettag $0x1  }
0x1: {  	s6 =	rddreg [dreg:$0x0]  }
0x2: {  	s8 =	rddreg [dreg:$0x1]  }
0x3: {  	s2 =	rddreg [dreg:$0x2]  }
0x4: {  	s1 =	stileid.u32;
	s0 =	rddreg [dreg:$0x3];
	s7 =	simm.s32 $0x0  }
0x5: {  	s29 =	simm.s32 $0x7;
	s30 =	simm.s32 $0x800;
	s4 =	smul.u32 $0x4F000, s1  }
0x6: {  	s13 =	simm.s32 $0x5000;
	[smem:$0x7FF] =	sst s7;
	s3 =	smul.u32 $0x2780, s1  }
0x7: {  	s26 =	sshll.u32 s1, $0x6;
	s28 =	smul.u32 $0x5400, s1;
	s4 =	sshrl.u32 s4, $0x2  }
0x8: {  	_ =	strace $0x80000053;
	s5 =	sadd.s32 s3, s6;
	s9 =	sadd.s32 s4, s2  }
0x9: {  	s10 =	sadd.s32 $0x4A00, s5;
	s4 =	sor.u32 $0x1C07, s26;
	s5 =	sshrl.u32 s9, $0x3  }
0xa: {  	[spmem:s5], [sflag:s4] =	dma.local [hbm:s10], $0x2780  }
0xb: {  	s14 =	simm.s32 $0x1;
	s15 =	simm.s32 $0x3;
	_ =	swait.ge [sflag:s29], $0x2780  }
0xc: {  	s11 =	sadd.s32 $0x53A00, s6;
	s9 =	sshrl.u32 s28, $0x3;
	[sflag:s29] =	ssyncset.done $0x0  }
0xd: {  	s16 =	simm.s32 $0x2;
	s12 =	sadd.s32 s11, s9;
	[sflag:s29] =	ssyncadd.s32 $0xFFFFD880  }
0xe: {  	[tilespmem:s7], [sflag:$0x7] =	stream.linear.gather [hbm4b:s12+s7], $0x400, $0x38;
	[tilespmem:$0x1CC00] =	vst v63  }
0xf: {  	s17 =	simm.s32 $0x4;
	s31 =	smul.u32 $0xA80, s1;
	_ =	swait.ge [sflag:s29], $0x400  }
0x10: {  	s18 =	simm.s32 $0x5;
	s19 =	simm.s32 $0x6;
	[sflag:s29] =	ssyncset.done $0x0  }
0x11: {  	s9 =	sadd.s32 s8, s9;
	s8 =	sadd.s32 s31, s8;
	[sflag:s29] =	ssyncadd.s32 $0xFFFFFC00  }
0x12: {  	[tilespmem:s30], [sflag:$0x7] =	stream.linear.gather [hbm4b:s9+s7], $0x400, $0x38;
	[tilespmem:$0x1CC00] =	vst v63  }
0x13: {  	s10 =	simm.s32 $0x400;
	s8 =	sadd.s32 $0x80, s8;
	_ =	swait.ge [sflag:s29], $0x400  }
0x14: {  	s12 =	simm.s32 $0x1000;
	s7 =	sadd.s32 $0x5E200, s6;
	[sflag:s29] =	ssyncset.done $0x0  }
0x15: {  	s6 =	sadd.s32 $0x85A00, s6;
	s9 =	sadd.s32 s31, s11;
	[sflag:s29] =	ssyncadd.s32 $0xFFFFFC00  }
0x16: {  	s11 =	simm.s32 $0x80;
	s9 =	sadd.s32 $0x80, s9;
	[bflag:$0x0] =	sbarrier.arrive $0xFFFF  }
.LBB2_1:
0x17: {  	p0 =	seq.s32 s10, $0x5400  }
0x18: {  	s20 =	sand.u32 @!p0 $0x400, s10;
	s21 =	simm.s32 @!p0 $0x0  }
0x19: {  	[tilespmem:s20], [sflag:$0x5] =	stream.linear.gather @!p0 [hbm4b:s9+s21], $0x400, $0x38;
	[tilespmem:$0x1CC00] =	vst v63  }
0x1a: {  	p1 =	seq.s32 @!p0 s10, $0x400;
	s20 =	sor.u32 @!p0 $0x800, s20  }
0x1b: {  	[tilespmem:s20], [sflag:$0x6] =	stream.linear.gather @!p0 [hbm4b:s8+s21], $0x400, $0x38;
	[tilespmem:$0x1CC00] =	vst v63  }
0x1c: {  	p0 =	por p0, !p1  }
0x1d: {  	_ =	swait.ge @p0 [sflag:s18], $0x400  }
0x1e: {  	[sflag:s18] =	ssyncset.done @p0 $0x0  }
0x1f: {  	[sflag:s18] =	ssyncadd.s32 @p0 $0xFFFFFC00  }
0x20: {  	_ =	swait.ge @p0 [sflag:s19], $0x400  }
0x21: {  	s25 =	sadd.s32 $0xFFFFFC00, s10;
	[sflag:s19] =	ssyncset.done @p0 $0x0  }
0x22: {  	s20 =	sand.u32 $0x400, s25;
	[sflag:s19] =	ssyncadd.s32 @p0 $0xFFFFFC00  }
0x23: {  	[tilespmem:s12], [sflag:$0x1] =	stream.indirect.gather [hbm4b:s7+s11], $0x80, s20, s11, $0xb8;
	[tilespmem:$0x1CC00] =	vst v63  }
0x24: {  	s26 =	sor.u32 $0x80, s20  }
0x25: {  	[tilespmem:s13], [sflag:$0x2] =	stream.indirect.gather [hbm4b:s7+s11], $0x80, s26, s11, $0xb8;
	[tilespmem:$0x1CC00] =	vst v63  }
0x26: {  	_ =	swait.ge [sflag:s14], $0x4000  }
0x27: {  	[sflag:s14] =	ssyncset.done $0x0  }
0x28: {  	s28 =	sor.u32 $0x800, s20;
	[sflag:s14] =	ssyncadd.s32 $0xFFFFC000  }
0x29: {  	[spmem:s2] =	stream.indirect.scatter.add.f32 [tilespmem:s12], [sflag:$0x3], $0x80, s28, s11, $0xb8;
	[tilespmem:$0x1CC00] =	vst v63  }
0x2a: {  	_ =	swait.ge [sflag:s15], $0x4000  }
0x2b: {  	[sflag:s15] =	ssyncset.done $0x0  }
0x2c: {  	s29 =	sor.u32 $0x100, s20;
	[sflag:s15] =	ssyncadd.s32 $0xFFFFC000  }
0x2d: {  	[tilespmem:s12], [sflag:$0x1] =	stream.indirect.gather [hbm4b:s7+s11], $0x80, s29, s11, $0xb8;
	[tilespmem:$0x1CC00] =	vst v63  }
0x2e: {  	_ =	swait.ge [sflag:s16], $0x4000  }
0x2f: {  	[sflag:s16] =	ssyncset.done $0x0  }
0x30: {  	s30 =	sor.u32 $0x880, s20;
	[sflag:s16] =	ssyncadd.s32 $0xFFFFC000  }
0x31: {  	[spmem:s2] =	stream.indirect.scatter.add.f32 [tilespmem:s13], [sflag:$0x4], $0x80, s30, s11, $0xb8;
	[tilespmem:$0x1CC00] =	vst v63  }
0x32: {  	_ =	swait.ge [sflag:s17], $0x4000  }
0x33: {  	[sflag:s17] =	ssyncset.done $0x0  }
0x34: {  	s31 =	sor.u32 $0x180, s20;
	[sflag:s17] =	ssyncadd.s32 $0xFFFFC000  }
0x35: {  	[tilespmem:s13], [sflag:$0x2] =	stream.indirect.gather [hbm4b:s7+s11], $0x80, s31, s11, $0xb8;
	[tilespmem:$0x1CC00] =	vst v63  }
0x36: {  	_ =	swait.ge [sflag:s14], $0x4000  }
0x37: {  	[sflag:s14] =	ssyncset.done $0x0  }
0x38: {  	s22 =	sor.u32 $0x900, s20;
	[sflag:s14] =	ssyncadd.s32 $0xFFFFC000  }
0x39: {  	[spmem:s2] =	stream.indirect.scatter.add.f32 [tilespmem:s12], [sflag:$0x3], $0x80, s22, s11, $0xb8;
	[tilespmem:$0x1CC00] =	vst v63  }
0x3a: {  	_ =	swait.ge [sflag:s15], $0x4000  }
0x3b: {  	[sflag:s15] =	ssyncset.done $0x0  }
0x3c: {  	s23 =	sor.u32 $0x200, s20;
	[sflag:s15] =	ssyncadd.s32 $0xFFFFC000  }
0x3d: {  	[tilespmem:s12], [sflag:$0x1] =	stream.indirect.gather [hbm4b:s7+s11], $0x80, s23, s11, $0xb8;
	[tilespmem:$0x1CC00] =	vst v63  }
0x3e: {  	_ =	swait.ge [sflag:s16], $0x4000  }
0x3f: {  	[sflag:s16] =	ssyncset.done $0x0  }
0x40: {  	s24 =	sor.u32 $0x980, s20;
	[sflag:s16] =	ssyncadd.s32 $0xFFFFC000  }
0x41: {  	[spmem:s2] =	stream.indirect.scatter.add.f32 [tilespmem:s13], [sflag:$0x4], $0x80, s24, s11, $0xb8;
	[tilespmem:$0x1CC00] =	vst v63  }
0x42: {  	_ =	swait.ge [sflag:s17], $0x4000  }
0x43: {  	[sflag:s17] =	ssyncset.done $0x0  }
0x44: {  	s25 =	sor.u32 $0x280, s20;
	[sflag:s17] =	ssyncadd.s32 $0xFFFFC000  }
0x45: {  	[tilespmem:s13], [sflag:$0x2] =	stream.indirect.gather [hbm4b:s7+s11], $0x80, s25, s11, $0xb8;
	[tilespmem:$0x1CC00] =	vst v63  }
0x46: {  	_ =	swait.ge [sflag:s14], $0x4000  }
0x47: {  	[sflag:s14] =	ssyncset.done $0x0  }
0x48: {  	s26 =	sor.u32 $0xA00, s20;
	[sflag:s14] =	ssyncadd.s32 $0xFFFFC000  }
0x49: {  	[spmem:s2] =	stream.indirect.scatter.add.f32 [tilespmem:s12], [sflag:$0x3], $0x80, s26, s11, $0xb8;
	[tilespmem:$0x1CC00] =	vst v63  }
0x4a: {  	_ =	swait.ge [sflag:s15], $0x4000  }
0x4b: {  	[sflag:s15] =	ssyncset.done $0x0  }
0x4c: {  	s28 =	sor.u32 $0x300, s20;
	[sflag:s15] =	ssyncadd.s32 $0xFFFFC000  }
0x4d: {  	[tilespmem:s12], [sflag:$0x1] =	stream.indirect.gather [hbm4b:s7+s11], $0x80, s28, s11, $0xb8;
	[tilespmem:$0x1CC00] =	vst v63  }
0x4e: {  	_ =	swait.ge [sflag:s16], $0x4000  }
0x4f: {  	[sflag:s16] =	ssyncset.done $0x0  }
0x50: {  	s29 =	sor.u32 $0xA80, s20;
	[sflag:s16] =	ssyncadd.s32 $0xFFFFC000  }
0x51: {  	[spmem:s2] =	stream.indirect.scatter.add.f32 [tilespmem:s13], [sflag:$0x4], $0x80, s29, s11, $0xb8;
	[tilespmem:$0x1CC00] =	vst v63  }
0x52: {  	_ =	swait.ge [sflag:s17], $0x4000  }
0x53: {  	[sflag:s17] =	ssyncset.done $0x0  }
0x54: {  	s30 =	sor.u32 $0x380, s20;
	[sflag:s17] =	ssyncadd.s32 $0xFFFFC000  }
0x55: {  	[tilespmem:s13], [sflag:$0x2] =	stream.indirect.gather [hbm4b:s7+s11], $0x80, s30, s11, $0xb8;
	[tilespmem:$0x1CC00] =	vst v63  }
0x56: {  	_ =	swait.ge [sflag:s14], $0x4000  }
0x57: {  	[sflag:s14] =	ssyncset.done $0x0  }
0x58: {  	s31 =	sor.u32 $0xB00, s20;
	[sflag:s14] =	ssyncadd.s32 $0xFFFFC000  }
0x59: {  	[spmem:s2] =	stream.indirect.scatter.add.f32 [tilespmem:s12], [sflag:$0x3], $0x80, s31, s11, $0xb8;
	[tilespmem:$0x1CC00] =	vst v63  }
0x5a: {  	_ =	swait.ge [sflag:s16], $0x4000  }
0x5b: {  	[sflag:s16] =	ssyncset.done $0x0  }
0x5c: {  	s10 =	sadd.s32 $0x400, s10;
	s20 =	sor.u32 $0xB80, s20;
	[sflag:s16] =	ssyncadd.s32 $0xFFFFC000  }
0x5d: {  	[spmem:s2] =	stream.indirect.scatter.add.f32 [tilespmem:s13], [sflag:$0x4], $0x80, s20, s11, $0xb8;
	[tilespmem:$0x1CC00] =	vst v63  }
0x5e: {  	p0 =	sne.s32 s10, $0x5800;
	_ =	swait.ge [sflag:s15], $0x4000  }
.Ltmp0:
0x5f: {  	[sflag:s15] =	ssyncset.done $0x0;
	(pc) =	sbr.rel @p0 .LBB2_1-.Ltmp0, $4  }
0x60: {  	[sflag:s15] =	ssyncadd.s32 $0xFFFFC000  }
0x61: {  	_ =	swait.ge [sflag:s17], $0x4000  }
0x62: {  	[sflag:s17] =	ssyncset.done $0x0  }
0x63: {  	s9 =	sadd.s32 $0x80, s9;
	s8 =	sadd.s32 $0x80, s8;
	[sflag:s17] =	ssyncadd.s32 $0xFFFFC000  }
0x64: {  	s2 =	sadd.s32 s6, s3;
	[bflag:$0x0] =	sbarrier.arrive $0xFFFF;
	s31 =	simm.s32 $0x7  }
0x65: {  	[hbm:s2], [sflag:s4] =	dma.local [spmem:s5], $0x2780  }
0x66: {  	_ =	swait.ge [sflag:s31], $0x2780  }
0x67: {  	[sflag:s31] =	ssyncset.done $0x0  }
0x68: {  	[sflag:s31] =	ssyncadd.s32 $0xFFFFD880  }
0x69: {  	_ =	sfence.sel $0x180000  }
0x6a: {  	[bflag:$0x0] =	sbarrier.arrive $0xFFFF  }
0x6b: {  	p0 =	sne.s32 s1, $0x0;
	_ =	strace $0x90000053  }
0x6c: {  	s0 =	sadd.s32 @!p0 $0x100000, s0;
	[bflag:$0x2] =	sbarrier.arrive $0xFFFF  }
0x6d: {  	[sflag:s0] =	ssyncadd.tile.s32 @!p0 $0x1;
	_ =	shalt  }
.Lfunc_end2:
_tile_overlayer_lowered:
.L_overlay_start_2:
0x6e: {  	(tag) =	ssettag $0x2  }
0x6f: {  	s0 =	rddreg [dreg:$0x0];
	s2 =	stileid.u32  }
0x70: {  	s1 =	rddreg [dreg:$0x1];
	p0 =	sne.s32 s2, $0x0  }
0x71: {  	s3 =	rddreg [dreg:$0x2];
	[bflag:$0x3] =	sbarrier.arrive $0xFFFF;
	s2 =	simm.s32 @!p0 $0x1C07  }
0x72: {  	[timem:s3], [sflag:s2] =	dma.local @!p0 [hbm:s0], s1  }
0x73: {  	s0 =	simm.s32 @!p0 $0x7  }
0x74: {  	_ =	swait.ge @!p0 [sflag:s0], s1  }
0x75: {  	s1 =	ssub.s32 @!p0 $0x0, s1;
	[sflag:s0] =	ssyncset.done @!p0 $0x0  }
0x76: {  	[sflag:s0] =	ssyncadd.s32 @!p0 s1  }
0x77: {  	[bflag:$0x3] =	sbarrier.arrive $0xFFFF  }
0x78: {  	_ =	shalt  }

</sc_bundles>
